<compile_context>
chip_gen: v7x
topology: tpu7x:2x2x1
jax: 0.10.2.dev20260603
libtpu: 0.0.44.dev20260713+nightly
codegen_flags: <defaults>
</compile_context>

<pallas_src>
import functools

import jax
import jax.numpy as jnp
from jax import lax
from jax.experimental import pallas as pl
from jax.experimental.pallas import tpu as pltpu
from jax.experimental.pallas import tpu_sc as plsc

NSIDE = 128
NPIX = 12 * NSIDE * NSIDE
B = 16
N = 131072

NC = 2
NS = 16
WAVE = 2
HB = 8
NCALLS = B // HB
BPC = HB // NC
NWAVES = BPC // WAVE
COLS = N // NS
ROWS_PER_BATCH = COLS // 128
ROWS = WAVE * ROWS_PER_BATCH
SL = WAVE * NPIX // NS
ZB = 4096
CH = 16


def _ang2pix_block(theta_ref, phi_ref, pix_ref):
    theta = theta_ref[...]
    phi = phi_ref[...]
    nside = NSIDE
    z = jnp.cos(theta)
    tt = phi * (2.0 / jnp.pi)
    temp1 = nside * (0.5 + tt)
    temp2 = nside * (z * 0.75)
    jp = jnp.floor(temp1 - temp2).astype(jnp.int32)
    jm = jnp.floor(temp1 + temp2).astype(jnp.int32)
    ir = nside + 1 + jp - jm
    kshift = 1 - (ir & 1)
    ip_eq = (jp + jm - nside + kshift + 1) >> 1
    pix_eq = 2 * nside * (nside - 1) + (ir - 1) * 4 * nside + ip_eq
    tmp = nside * jnp.sqrt(3.0 * (1.0 - z))
    jpp = jnp.floor(tt * tmp).astype(jnp.int32)
    jmp = jnp.floor((1.0 - tt) * tmp).astype(jnp.int32)
    irp = jpp + jmp + 1
    ipp = jnp.floor(tt * irp.astype(jnp.float32)).astype(jnp.int32)
    pix_n = 2 * irp * (irp - 1) + ipp
    pix = jnp.clip(jnp.where(z <= 2.0 / 3.0, pix_eq, pix_n), 0, NPIX - 1)
    slot = jnp.mod(lax.broadcasted_iota(jnp.int32, pix.shape, 0), WAVE)
    pix_ref[...] = pix + slot * NPIX


def _compute_pix(theta, phi, part):
    blk = 8192
    return pl.pallas_call(
        _ang2pix_block,
        grid=(N // blk,),
        in_specs=[
            pl.BlockSpec((HB, blk), lambda i: (part, i)),
            pl.BlockSpec((HB, blk), lambda i: (part, i)),
        ],
        out_specs=pl.BlockSpec((HB, blk), lambda i: (0, i)),
        out_shape=jax.ShapeDtypeStruct((HB, N), jnp.int32),
    )(theta, phi)


def _sc_scatter_body(part, spix_hbm, rm_hbm, sum_hbm, cnt_hbm,
                     idx_v, val_v, ones_v, zero_v, sum_sh, cnt_sh,
                     sem_g, sem_s):
    cid = lax.axis_index("c")
    sid = lax.axis_index("s")

    @pl.loop(0, ZB // 16)
    def _fill_zero(i):
        zero_v[pl.ds(i * 16, 16)] = jnp.zeros((16,), jnp.float32)

    @pl.loop(0, 128 // 16)
    def _fill_ones(i):
        ones_v[pl.ds(i * 16, 16)] = jnp.ones((16,), jnp.float32)

    for wave in range(NWAVES):
        @pl.loop(0, SL // ZB)
        def _zero(j):
            off = sid * SL + j * ZB
            pltpu.sync_copy(zero_v, sum_sh.at[pl.ds(off, ZB)])
            pltpu.sync_copy(zero_v, cnt_sh.at[pl.ds(off, ZB)])

        plsc.subcore_barrier()

        copies = []
        for w in range(WAVE):
            b_loc = cid * BPC + wave * WAVE + w
            b_glob = part * HB + b_loc
            r0 = w * ROWS_PER_BATCH
            copies.append(pltpu.async_copy(
                spix_hbm.at[b_loc,
                            pl.ds(sid * ROWS_PER_BATCH, ROWS_PER_BATCH)],
                idx_v.at[pl.ds(r0, ROWS_PER_BATCH)], sem_g))
            copies.append(pltpu.async_copy(
                rm_hbm.at[b_glob,
                          pl.ds(sid * ROWS_PER_BATCH, ROWS_PER_BATCH)],
                val_v.at[pl.ds(r0, ROWS_PER_BATCH)], sem_g))
        for c in copies:
            c.wait()

        def _fire(c):
            @pl.loop(0, CH)
            def _f(r):
                j = c * CH + r
                pltpu.async_copy(val_v.at[j], sum_sh.at[idx_v.at[j]],
                                 sem_s, add=True)
                pltpu.async_copy(ones_v, cnt_sh.at[idx_v.at[j]],
                                 sem_s, add=True)

        def _drain(c):
            @pl.loop(0, CH)
            def _d(r):
                j = c * CH + r
                pltpu.make_async_copy(
                    val_v.at[j], sum_sh.at[idx_v.at[j]], sem_s).wait()
                pltpu.make_async_copy(
                    ones_v, cnt_sh.at[idx_v.at[j]], sem_s).wait()

        _fire(0)

        @pl.loop(0, ROWS // CH - 1)
        def _pipe(c):
            _fire(c + 1)
            _drain(c)

        _drain(ROWS // CH - 1)

        plsc.subcore_barrier()

        b_u = cid * BPC + wave * WAVE + sid // (NS // WAVE)
        qoff = (sid % (NS // WAVE)) * SL
        pltpu.sync_copy(sum_sh.at[pl.ds(sid * SL, SL)],
                        sum_hbm.at[b_u, pl.ds(qoff, SL)])
        pltpu.sync_copy(cnt_sh.at[pl.ds(sid * SL, SL)],
                        cnt_hbm.at[b_u, pl.ds(qoff, SL)])


def _sc_scatter(spix, rm3, part):
    spix = spix.reshape(HB, N // 128, 128)
    return pl.kernel(
        functools.partial(_sc_scatter_body, part),
        out_type=(jax.ShapeDtypeStruct((HB, NPIX), jnp.float32),
                  jax.ShapeDtypeStruct((HB, NPIX), jnp.float32)),
        mesh=plsc.VectorSubcoreMesh(core_axis_name="c", subcore_axis_name="s"),
        scratch_types=[
            pltpu.VMEM((ROWS, 128), jnp.int32),
            pltpu.VMEM((ROWS, 128), jnp.float32),
            pltpu.VMEM((128,), jnp.float32),
            pltpu.VMEM((ZB,), jnp.float32),
            pltpu.VMEM_SHARED((WAVE * NPIX,), jnp.float32),
            pltpu.VMEM_SHARED((WAVE * NPIX,), jnp.float32),
            pltpu.SemaphoreType.DMA,
            pltpu.SemaphoreType.DMA,
        ],
    )(spix, rm3)


def _mean_block(s0_ref, c0_ref, s1_ref, c1_ref, m_ref):
    m_ref[0:HB, :] = s0_ref[...] / jnp.maximum(c0_ref[...], 1.0)
    m_ref[HB:B, :] = s1_ref[...] / jnp.maximum(c1_ref[...], 1.0)


def _mean(s0, c0, s1, c1):
    blk = 8192
    half_spec = pl.BlockSpec((HB, blk), lambda i: (0, i))
    return pl.pallas_call(
        _mean_block,
        grid=(NPIX // blk,),
        in_specs=[half_spec, half_spec, half_spec, half_spec],
        out_specs=pl.BlockSpec((B, blk), lambda i: (0, i)),
        out_shape=jax.ShapeDtypeStruct((B, NPIX), jnp.float32),
    )(s0, c0, s1, c1)


def kernel(theta, phi, rm, theta_healpy, phi_healpy):
    rm3 = rm.reshape(B, N // 128, 128)
    spix0 = _compute_pix(theta, phi, 0)
    s0, c0 = _sc_scatter(spix0, rm3, 0)
    spix1 = _compute_pix(theta, phi, 1)
    s1, c1 = _sc_scatter(spix1, rm3, 1)
    mean = _mean(s0, c0, s1, c1)
    return theta_healpy, phi_healpy, mean

# --- scband reference (transcript-rebuilt; emitter-appended) ---
"""Pipeline reference for scband-sampler1-2920577761854 (READ-ONLY COPY).

The authoritative reference and input builder live on the scoring server;
editing this copy changes nothing except your own understanding.
"""

import jax, jax.numpy as jnp
import numpy as np

NSIDE = 128
NPIX = 12 * NSIDE * NSIDE
B = 16
N = 131072


def _isqrt(x):
    x = x.astype(np.int64)
    s = np.floor(np.sqrt(x.astype(np.float64))).astype(np.int64)
    s = np.where((s + 1) * (s + 1) <= x, s + 1, s)
    s = np.where(s * s > x, s - 1, s)
    return s


def _pix2ang_ring(nside, pix):
    npix = 12 * nside * nside
    ncap = 2 * nside * (nside - 1)
    pix = pix.astype(np.int64)
    # north polar cap
    ir_n = (1 + _isqrt(1 + 2 * pix)) // 2
    ir_n = np.maximum(ir_n, 1)
    iphi_n = pix - 2 * ir_n * (ir_n - 1)
    z_n = 1.0 - ir_n.astype(np.float64) ** 2 / (3.0 * nside * nside)
    phi_n = (iphi_n + 0.5) * np.pi / (2.0 * ir_n)
    # equatorial belt
    ipe = pix - ncap
    ir_e = ipe // (4 * nside) + nside
    iphi_e = ipe % (4 * nside) + 1
    fodd = 0.5 * (1 + ((ir_e + nside) % 2))
    z_e = (2.0 * nside - ir_e) * 2.0 / (3.0 * nside)
    phi_e = (iphi_e - fodd) * np.pi / (2.0 * nside)
    # south polar cap
    ips = np.maximum(npix - pix, 1)
    ir_s = (1 + _isqrt(2 * ips - 1)) // 2
    ir_s = np.maximum(ir_s, 1)
    iphi_s = 4 * ir_s + 1 - (ips - 2 * ir_s * (ir_s - 1))
    z_s = -1.0 + ir_s.astype(np.float64) ** 2 / (3.0 * nside * nside)
    phi_s = (iphi_s - 0.5) * np.pi / (2.0 * ir_s)
    z = np.where(pix < ncap, z_n, np.where(pix < npix - ncap, z_e, z_s))
    phi = np.where(pix < ncap, phi_n, np.where(pix < npix - ncap, phi_e, phi_s))
    theta = np.arccos(np.clip(z, -1.0, 1.0))
    return theta.astype(np.float32), phi.astype(np.float32)


def _ang2pix_ring(nside, theta, phi):
    z = jnp.cos(theta)
    za = jnp.abs(z)
    tt = jnp.mod(phi, 2.0 * jnp.pi) * (2.0 / jnp.pi)
    # equatorial region
    temp1 = nside * (0.5 + tt)
    temp2 = nside * (z * 0.75)
    jp = jnp.floor(temp1 - temp2).astype(jnp.int64)
    jm = jnp.floor(temp1 + temp2).astype(jnp.int64)
    ir = nside + 1 + jp - jm
    kshift = 1 - (ir & 1)
    ip_eq = jnp.mod((jp + jm - nside + kshift + 1) // 2, 4 * nside)
    pix_eq = 2 * nside * (nside - 1) + (ir - 1) * 4 * nside + ip_eq
    # polar caps
    tp = tt - jnp.floor(tt)
    tmp = nside * jnp.sqrt(jnp.maximum(3.0 * (1.0 - za), 0.0))
    jpp = jnp.floor(tp * tmp).astype(jnp.int64)
    jmp = jnp.floor((1.0 - tp) * tmp).astype(jnp.int64)
    irp = jpp + jmp + 1
    ipp = jnp.mod(jnp.floor(tt * irp).astype(jnp.int64), 4 * irp)
    npix = 12 * nside * nside
    pix_n = 2 * irp * (irp - 1) + ipp
    pix_s = npix - 2 * irp * (irp + 1) + ipp
    pix_pol = jnp.where(z > 0, pix_n, pix_s)
    pix = jnp.where(za <= 2.0 / 3.0, pix_eq, pix_pol)
    return jnp.clip(pix, 0, npix - 1)


def setup_inputs(seed: int = 0) -> dict:
    key = jax.random.key(seed)
    k1, k2, k3 = jax.random.split(key, 3)
    theta = jax.random.uniform(k1, (B, N), dtype=jnp.float32)
    phi = jax.random.uniform(k2, (B, N), dtype=jnp.float32)
    rm = jax.random.normal(k3, (B, N), dtype=jnp.float32)
    th_hp, ph_hp = _pix2ang_ring(NSIDE, np.arange(NPIX, dtype=np.int64))
    return {"theta": theta, "phi": phi, "rm": rm,
            "theta_healpy": jnp.asarray(th_hp), "phi_healpy": jnp.asarray(ph_hp)}


def reference(theta, phi, rm, theta_healpy, phi_healpy):
    Bb, Nn = rm.shape
    pix = _ang2pix_ring(NSIDE, theta, phi)
    batch_offsets = jnp.arange(Bb, dtype=jnp.int64)[:, None] * NPIX
    flat_idx = (pix + batch_offsets).reshape(-1)
    vals = rm.reshape(-1)
    sum_flat = jnp.zeros(Bb * NPIX, dtype=rm.dtype).at[flat_idx].add(vals)
    count_flat = jnp.zeros(Bb * NPIX, dtype=rm.dtype).at[flat_idx].add(jnp.ones_like(vals))
    mean_flat = sum_flat / jnp.clip(count_flat, 1.0, None)
    mean = mean_flat.reshape(Bb, NPIX)
    # fill_value == 0.0 so no masked_fill branch taken
    return theta_healpy, phi_healpy, mean

if __name__ == "__main__":
    import jax
    _d = setup_inputs()
    print(jax.jit(kernel)(*tuple(_d.values())))

</pallas_src>

<mosaic_0001>
#map = affine_map<(d0, d1) -> (0, 0, 0)>
#map1 = affine_map<(d0, d1) -> (0, 0)>
module attributes {stable_mosaic.version = 14 : i64} {
  func.func @_sc_scatter_body(%arg0: i32, %arg1: i32, %arg2: memref<8x1024x128xi32, #tpu.memory_space<hbm>>, %arg3: memref<16x1024x128xf32, #tpu.memory_space<hbm>>, %arg4: memref<8x196608xf32, #tpu.memory_space<hbm>>, %arg5: memref<8x196608xf32, #tpu.memory_space<hbm>>, %arg6: memref<128x128xi32, #tpu.memory_space<vmem>>, %arg7: memref<128x128xf32, #tpu.memory_space<vmem>>, %arg8: memref<128xf32, #tpu.memory_space<vmem>>, %arg9: memref<4096xf32, #tpu.memory_space<vmem>>, %arg10: memref<393216xf32, #tpu.memory_space<vmem_shared>>, %arg11: memref<393216xf32, #tpu.memory_space<vmem_shared>>, %arg12: memref<!tpu.dma_semaphore, #tpu.memory_space<semaphore_mem>>, %arg13: memref<!tpu.dma_semaphore, #tpu.memory_space<semaphore_mem>>) attributes {dimension_semantics = [#tpu.dimension_semantics<core_parallel>, #tpu.dimension_semantics<subcore_parallel>], iteration_bounds = array<i64: 2, 16>, scalar_prefetch = 0 : i64, scratch_operands = 8 : i64, tpu.core_type = #tpu.core_type<sc_vector_subcore>, window_params = [{transform_indices = #map}, {transform_indices = #map}, {transform_indices = #map1}, {transform_indices = #map1}]} {
    %scan3A = arith.constant 0 : i32
    %scan3A_0 = arith.constant 256 : i32
    %scan3A_1 = arith.addi %scan3A, %scan3A_0 : i32
    %scan3A_2 = arith.constant 1 : i32
    scf.for %scan3A_380 = %scan3A to %scan3A_1 step %scan3A_2  : i32 {
      %mul3A_381 = arith.constant 1 : i32
      %mul3A_382 = arith.muli %scan3A_380, %mul3A_381 : i32
      %add3A_383 = arith.constant 0 : i32
      %add3A_384 = arith.addi %add3A_383, %mul3A_382 : i32
      %broadcast_in_dim3A = arith.constant 0.000000e+00 : f32
      %broadcast_in_dim3A_385 = vector.broadcast %broadcast_in_dim3A : f32 to vector<16xf32>
      %mul3A_386 = arith.constant 16 : i32
      %mul3A_387 = arith.muli %add3A_384, %mul3A_386 : i32
      %swap3A = arith.index_cast %mul3A_387 : i32 to index
      %swap3A_388 = tpu.vector_load %arg9[%swap3A] {strides = array<i32>} : memref<4096xf32, #tpu.memory_space<vmem>>, vector<16xf32>,
      %swap3A_389 = vector.shape_cast %swap3A_388 : vector<16xf32> to vector<16xf32>
      %swap3A_390 = vector.shape_cast %broadcast_in_dim3A_385 : vector<16xf32> to vector<16xf32>
      tpu.vector_store %arg9[%swap3A], %swap3A_390 {strides = array<i32>} : memref<4096xf32, #tpu.memory_space<vmem>>, vector<16xf32>,
    }
    %scan3A_3 = arith.constant 256 : i32
    %scan3A_4 = arith.constant 0 : i32
    %scan3A_5 = arith.constant 8 : i32
    %scan3A_6 = arith.addi %scan3A_4, %scan3A_5 : i32
    %scan3A_7 = arith.constant 1 : i32
    scf.for %scan3A_380 = %scan3A_4 to %scan3A_6 step %scan3A_7  : i32 {
      %mul3A_381 = arith.constant 1 : i32
      %mul3A_382 = arith.muli %scan3A_380, %mul3A_381 : i32
      %add3A_383 = arith.constant 0 : i32
      %add3A_384 = arith.addi %add3A_383, %mul3A_382 : i32
      %broadcast_in_dim3A = arith.constant 1.000000e+00 : f32
      %broadcast_in_dim3A_385 = vector.broadcast %broadcast_in_dim3A : f32 to vector<16xf32>
      %mul3A_386 = arith.constant 16 : i32
      %mul3A_387 = arith.muli %add3A_384, %mul3A_386 : i32
      %swap3A = arith.index_cast %mul3A_387 : i32 to index
      %swap3A_388 = tpu.vector_load %arg8[%swap3A] {strides = array<i32>} : memref<128xf32, #tpu.memory_space<vmem>>, vector<16xf32>,
      %swap3A_389 = vector.shape_cast %swap3A_388 : vector<16xf32> to vector<16xf32>
      %swap3A_390 = vector.shape_cast %broadcast_in_dim3A_385 : vector<16xf32> to vector<16xf32>
      tpu.vector_store %arg8[%swap3A], %swap3A_390 {strides = array<i32>} : memref<128xf32, #tpu.memory_space<vmem>>, vector<16xf32>,
    }
    %scan3A_8 = arith.constant 8 : i32
    %scan3A_9 = arith.constant 0 : i32
    %scan3A_10 = arith.constant 6 : i32
    %scan3A_11 = arith.addi %scan3A_9, %scan3A_10 : i32
    %scan3A_12 = arith.constant 1 : i32
    scf.for %scan3A_380 = %scan3A_9 to %scan3A_11 step %scan3A_12  : i32 {
      %mul3A_381 = arith.constant 1 : i32
      %mul3A_382 = arith.muli %scan3A_380, %mul3A_381 : i32
      %add3A_383 = arith.constant 0 : i32
      %add3A_384 = arith.addi %add3A_383, %mul3A_382 : i32
      %mul3A_385 = arith.constant 24576 : i32
      %mul3A_386 = arith.muli %arg1, %mul3A_385 : i32
      %mul3A_387 = arith.constant 4096 : i32
      %mul3A_388 = arith.muli %add3A_384, %mul3A_387 : i32
      %add3A_389 = arith.addi %mul3A_386, %mul3A_388 : i32
      "tpu.region"() ({
        %run_scoped3A = tpu.sem_alloc : memref<!tpu.dma_semaphore, #tpu.memory_space<semaphore_mem>>
        %dma_start3A_390 = tpu.memref_slice %arg10[%add3A_389] : memref<393216xf32, #tpu.memory_space<vmem_shared>> -> memref<4096xf32, #tpu.memory_space<vmem_shared>>
        %dma_start3A_391 = tpu.memref_slice %arg10[%add3A_389] : memref<393216xf32, #tpu.memory_space<vmem_shared>> -> memref<4096xf32, #tpu.memory_space<vmem_shared>>
        tpu.enqueue_dma source(%arg9 : memref<4096xf32, #tpu.memory_space<vmem>>) target(%dma_start3A_391 : memref<4096xf32, #tpu.memory_space<vmem_shared>>) target_semaphore(%run_scoped3A : memref<!tpu.dma_semaphore, #tpu.memory_space<semaphore_mem>>)
        %dma_wait3A_392 = tpu.memref_slice %arg10[%add3A_389] : memref<393216xf32, #tpu.memory_space<vmem_shared>> -> memref<4096xf32, #tpu.memory_space<vmem_shared>>
        %dma_wait3A_393 = tpu.memref_slice %arg10[%add3A_389] : memref<393216xf32, #tpu.memory_space<vmem_shared>> -> memref<4096xf32, #tpu.memory_space<vmem_shared>>
        tpu.wait_dma2 semaphore(%run_scoped3A : memref<!tpu.dma_semaphore, #tpu.memory_space<semaphore_mem>>) src(%arg9 : memref<4096xf32, #tpu.memory_space<vmem>>) dst(%dma_wait3A_393 : memref<4096xf32, #tpu.memory_space<vmem_shared>>)
        tpu.yield
      }) : () -> ()
      "tpu.region"() ({
        %run_scoped3A = tpu.sem_alloc : memref<!tpu.dma_semaphore, #tpu.memory_space<semaphore_mem>>
        %dma_start3A_390 = tpu.memref_slice %arg11[%add3A_389] : memref<393216xf32, #tpu.memory_space<vmem_shared>> -> memref<4096xf32, #tpu.memory_space<vmem_shared>>
        %dma_start3A_391 = tpu.memref_slice %arg11[%add3A_389] : memref<393216xf32, #tpu.memory_space<vmem_shared>> -> memref<4096xf32, #tpu.memory_space<vmem_shared>>
        tpu.enqueue_dma source(%arg9 : memref<4096xf32, #tpu.memory_space<vmem>>) target(%dma_start3A_391 : memref<4096xf32, #tpu.memory_space<vmem_shared>>) target_semaphore(%run_scoped3A : memref<!tpu.dma_semaphore, #tpu.memory_space<semaphore_mem>>)
        %dma_wait3A_392 = tpu.memref_slice %arg11[%add3A_389] : memref<393216xf32, #tpu.memory_space<vmem_shared>> -> memref<4096xf32, #tpu.memory_space<vmem_shared>>
        %dma_wait3A_393 = tpu.memref_slice %arg11[%add3A_389] : memref<393216xf32, #tpu.memory_space<vmem_shared>> -> memref<4096xf32, #tpu.memory_space<vmem_shared>>
        tpu.wait_dma2 semaphore(%run_scoped3A : memref<!tpu.dma_semaphore, #tpu.memory_space<semaphore_mem>>) src(%arg9 : memref<4096xf32, #tpu.memory_space<vmem>>) dst(%dma_wait3A_393 : memref<4096xf32, #tpu.memory_space<vmem_shared>>)
        tpu.yield
      }) : () -> ()
    }
    %scan3A_13 = arith.constant 6 : i32
    %barrier3A = arith.constant 0 : index
    tpu.barrier barrier_id(%barrier3A)
    %mul3A = arith.constant 4 : i32
    %mul3A_14 = arith.muli %arg0, %mul3A : i32
    %add3A = arith.constant 0 : i32
    %add3A_15 = arith.addi %mul3A_14, %add3A : i32
    %add3A_16 = arith.constant 0 : i32
    %add3A_17 = arith.addi %add3A_15, %add3A_16 : i32
    %add3A_18 = arith.constant 0 : i32
    %add3A_19 = arith.addi %add3A_18, %add3A_17 : i32
    %mul3A_20 = arith.constant 64 : i32
    %mul3A_21 = arith.muli %arg1, %mul3A_20 : i32
    %dma_start3A = arith.constant 0 : i32
    %dma_start3A_22 = arith.constant 0 : i32
    %dma_start3A_23 = tpu.memref_slice %arg6[%dma_start3A, %dma_start3A_22] : memref<128x128xi32, #tpu.memory_space<vmem>> -> memref<64x128xi32, #tpu.memory_space<vmem>>
    %dma_start3A_24 = arith.constant 0 : i32
    %dma_start3A_25 = tpu.memref_slice %arg2[%add3A_17, %mul3A_21, %dma_start3A_24] : memref<8x1024x128xi32, #tpu.memory_space<hbm>> -> memref<1x64x128xi32, #tpu.memory_space<hbm>>
    %dma_start3A_26 = tpu.memref_squeeze %dma_start3A_25 : memref<1x64x128xi32, #tpu.memory_space<hbm>> -> memref<64x128xi32, #tpu.memory_space<hbm>>
    %dma_start3A_27 = arith.constant 0 : i32
    %dma_start3A_28 = arith.constant 0 : i32
    %dma_start3A_29 = tpu.memref_slice %arg6[%dma_start3A_27, %dma_start3A_28] : memref<128x128xi32, #tpu.memory_space<vmem>> -> memref<64x128xi32, #tpu.memory_space<vmem>>
    %dma_start3A_30 = arith.constant 0 : i32
    %dma_start3A_31 = tpu.memref_slice %arg2[%add3A_17, %mul3A_21, %dma_start3A_30] : memref<8x1024x128xi32, #tpu.memory_space<hbm>> -> memref<1x64x128xi32, #tpu.memory_space<hbm>>
    %dma_start3A_32 = tpu.memref_squeeze %dma_start3A_31 : memref<1x64x128xi32, #tpu.memory_space<hbm>> -> memref<64x128xi32, #tpu.memory_space<hbm>>
    tpu.enqueue_dma source(%dma_start3A_32 : memref<64x128xi32, #tpu.memory_space<hbm>>) target(%dma_start3A_29 : memref<64x128xi32, #tpu.memory_space<vmem>>) target_semaphore(%arg12 : memref<!tpu.dma_semaphore, #tpu.memory_space<semaphore_mem>>)
    %mul3A_33 = arith.constant 64 : i32
    %mul3A_34 = arith.muli %arg1, %mul3A_33 : i32
    %dma_start3A_35 = arith.constant 0 : i32
    %dma_start3A_36 = arith.constant 0 : i32
    %dma_start3A_37 = tpu.memref_slice %arg7[%dma_start3A_35, %dma_start3A_36] : memref<128x128xf32, #tpu.memory_space<vmem>> -> memref<64x128xf32, #tpu.memory_space<vmem>>
    %dma_start3A_38 = arith.constant 0 : i32
    %dma_start3A_39 = tpu.memref_slice %arg3[%add3A_19, %mul3A_34, %dma_start3A_38] : memref<16x1024x128xf32, #tpu.memory_space<hbm>> -> memref<1x64x128xf32, #tpu.memory_space<hbm>>
    %dma_start3A_40 = tpu.memref_squeeze %dma_start3A_39 : memref<1x64x128xf32, #tpu.memory_space<hbm>> -> memref<64x128xf32, #tpu.memory_space<hbm>>
    %dma_start3A_41 = arith.constant 0 : i32
    %dma_start3A_42 = arith.constant 0 : i32
    %dma_start3A_43 = tpu.memref_slice %arg7[%dma_start3A_41, %dma_start3A_42] : memref<128x128xf32, #tpu.memory_space<vmem>> -> memref<64x128xf32, #tpu.memory_space<vmem>>
    %dma_start3A_44 = arith.constant 0 : i32
    %dma_start3A_45 = tpu.memref_slice %arg3[%add3A_19, %mul3A_34, %dma_start3A_44] : memref<16x1024x128xf32, #tpu.memory_space<hbm>> -> memref<1x64x128xf32, #tpu.memory_space<hbm>>
    %dma_start3A_46 = tpu.memref_squeeze %dma_start3A_45 : memref<1x64x128xf32, #tpu.memory_space<hbm>> -> memref<64x128xf32, #tpu.memory_space<hbm>>
    tpu.enqueue_dma source(%dma_start3A_46 : memref<64x128xf32, #tpu.memory_space<hbm>>) target(%dma_start3A_43 : memref<64x128xf32, #tpu.memory_space<vmem>>) target_semaphore(%arg12 : memref<!tpu.dma_semaphore, #tpu.memory_space<semaphore_mem>>)
    %mul3A_47 = arith.constant 4 : i32
    %mul3A_48 = arith.muli %arg0, %mul3A_47 : i32
    %add3A_49 = arith.constant 0 : i32
    %add3A_50 = arith.addi %mul3A_48, %add3A_49 : i32
    %add3A_51 = arith.constant 1 : i32
    %add3A_52 = arith.addi %add3A_50, %add3A_51 : i32
    %add3A_53 = arith.constant 0 : i32
    %add3A_54 = arith.addi %add3A_53, %add3A_52 : i32
    %mul3A_55 = arith.constant 64 : i32
    %mul3A_56 = arith.muli %arg1, %mul3A_55 : i32
    %dma_start3A_57 = arith.constant 64 : i32
    %dma_start3A_58 = arith.constant 0 : i32
    %dma_start3A_59 = tpu.memref_slice %arg6[%dma_start3A_57, %dma_start3A_58] : memref<128x128xi32, #tpu.memory_space<vmem>> -> memref<64x128xi32, #tpu.memory_space<vmem>>
    %dma_start3A_60 = arith.constant 0 : i32
    %dma_start3A_61 = tpu.memref_slice %arg2[%add3A_52, %mul3A_56, %dma_start3A_60] : memref<8x1024x128xi32, #tpu.memory_space<hbm>> -> memref<1x64x128xi32, #tpu.memory_space<hbm>>
    %dma_start3A_62 = tpu.memref_squeeze %dma_start3A_61 : memref<1x64x128xi32, #tpu.memory_space<hbm>> -> memref<64x128xi32, #tpu.memory_space<hbm>>
    %dma_start3A_63 = arith.constant 64 : i32
    %dma_start3A_64 = arith.constant 0 : i32
    %dma_start3A_65 = tpu.memref_slice %arg6[%dma_start3A_63, %dma_start3A_64] : memref<128x128xi32, #tpu.memory_space<vmem>> -> memref<64x128xi32, #tpu.memory_space<vmem>>
    %dma_start3A_66 = arith.constant 0 : i32
    %dma_start3A_67 = tpu.memref_slice %arg2[%add3A_52, %mul3A_56, %dma_start3A_66] : memref<8x1024x128xi32, #tpu.memory_space<hbm>> -> memref<1x64x128xi32, #tpu.memory_space<hbm>>
    %dma_start3A_68 = tpu.memref_squeeze %dma_start3A_67 : memref<1x64x128xi32, #tpu.memory_space<hbm>> -> memref<64x128xi32, #tpu.memory_space<hbm>>
    tpu.enqueue_dma source(%dma_start3A_68 : memref<64x128xi32, #tpu.memory_space<hbm>>) target(%dma_start3A_65 : memref<64x128xi32, #tpu.memory_space<vmem>>) target_semaphore(%arg12 : memref<!tpu.dma_semaphore, #tpu.memory_space<semaphore_mem>>)
    %mul3A_69 = arith.constant 64 : i32
    %mul3A_70 = arith.muli %arg1, %mul3A_69 : i32
    %dma_start3A_71 = arith.constant 64 : i32
    %dma_start3A_72 = arith.constant 0 : i32
    %dma_start3A_73 = tpu.memref_slice %arg7[%dma_start3A_71, %dma_start3A_72] : memref<128x128xf32, #tpu.memory_space<vmem>> -> memref<64x128xf32, #tpu.memory_space<vmem>>
    %dma_start3A_74 = arith.constant 0 : i32
    %dma_start3A_75 = tpu.memref_slice %arg3[%add3A_54, %mul3A_70, %dma_start3A_74] : memref<16x1024x128xf32, #tpu.memory_space<hbm>> -> memref<1x64x128xf32, #tpu.memory_space<hbm>>
    %dma_start3A_76 = tpu.memref_squeeze %dma_start3A_75 : memref<1x64x128xf32, #tpu.memory_space<hbm>> -> memref<64x128xf32, #tpu.memory_space<hbm>>
    %dma_start3A_77 = arith.constant 64 : i32
    %dma_start3A_78 = arith.constant 0 : i32
    %dma_start3A_79 = tpu.memref_slice %arg7[%dma_start3A_77, %dma_start3A_78] : memref<128x128xf32, #tpu.memory_space<vmem>> -> memref<64x128xf32, #tpu.memory_space<vmem>>
    %dma_start3A_80 = arith.constant 0 : i32
    %dma_start3A_81 = tpu.memref_slice %arg3[%add3A_54, %mul3A_70, %dma_start3A_80] : memref<16x1024x128xf32, #tpu.memory_space<hbm>> -> memref<1x64x128xf32, #tpu.memory_space<hbm>>
    %dma_start3A_82 = tpu.memref_squeeze %dma_start3A_81 : memref<1x64x128xf32, #tpu.memory_space<hbm>> -> memref<64x128xf32, #tpu.memory_space<hbm>>
    tpu.enqueue_dma source(%dma_start3A_82 : memref<64x128xf32, #tpu.memory_space<hbm>>) target(%dma_start3A_79 : memref<64x128xf32, #tpu.memory_space<vmem>>) target_semaphore(%arg12 : memref<!tpu.dma_semaphore, #tpu.memory_space<semaphore_mem>>)
    %dma_wait3A = arith.constant 0 : i32
    %dma_wait3A_83 = arith.constant 0 : i32
    %dma_wait3A_84 = tpu.memref_slice %arg6[%dma_wait3A, %dma_wait3A_83] : memref<128x128xi32, #tpu.memory_space<vmem>> -> memref<64x128xi32, #tpu.memory_space<vmem>>
    %dma_wait3A_85 = arith.constant 0 : i32
    %dma_wait3A_86 = tpu.memref_slice %arg2[%add3A_17, %mul3A_21, %dma_wait3A_85] : memref<8x1024x128xi32, #tpu.memory_space<hbm>> -> memref<1x64x128xi32, #tpu.memory_space<hbm>>
    %dma_wait3A_87 = tpu.memref_squeeze %dma_wait3A_86 : memref<1x64x128xi32, #tpu.memory_space<hbm>> -> memref<64x128xi32, #tpu.memory_space<hbm>>
    %dma_wait3A_88 = arith.constant 0 : i32
    %dma_wait3A_89 = arith.constant 0 : i32
    %dma_wait3A_90 = tpu.memref_slice %arg6[%dma_wait3A_88, %dma_wait3A_89] : memref<128x128xi32, #tpu.memory_space<vmem>> -> memref<64x128xi32, #tpu.memory_space<vmem>>
    %dma_wait3A_91 = arith.constant 0 : i32
    %dma_wait3A_92 = tpu.memref_slice %arg2[%add3A_17, %mul3A_21, %dma_wait3A_91] : memref<8x1024x128xi32, #tpu.memory_space<hbm>> -> memref<1x64x128xi32, #tpu.memory_space<hbm>>
    %dma_wait3A_93 = tpu.memref_squeeze %dma_wait3A_92 : memref<1x64x128xi32, #tpu.memory_space<hbm>> -> memref<64x128xi32, #tpu.memory_space<hbm>>
    tpu.wait_dma2 semaphore(%arg12 : memref<!tpu.dma_semaphore, #tpu.memory_space<semaphore_mem>>) src(%dma_wait3A_93 : memref<64x128xi32, #tpu.memory_space<hbm>>) dst(%dma_wait3A_90 : memref<64x128xi32, #tpu.memory_space<vmem>>)
    %dma_wait3A_94 = arith.constant 0 : i32
    %dma_wait3A_95 = arith.constant 0 : i32
    %dma_wait3A_96 = tpu.memref_slice %arg7[%dma_wait3A_94, %dma_wait3A_95] : memref<128x128xf32, #tpu.memory_space<vmem>> -> memref<64x128xf32, #tpu.memory_space<vmem>>
    %dma_wait3A_97 = arith.constant 0 : i32
    %dma_wait3A_98 = tpu.memref_slice %arg3[%add3A_19, %mul3A_34, %dma_wait3A_97] : memref<16x1024x128xf32, #tpu.memory_space<hbm>> -> memref<1x64x128xf32, #tpu.memory_space<hbm>>
    %dma_wait3A_99 = tpu.memref_squeeze %dma_wait3A_98 : memref<1x64x128xf32, #tpu.memory_space<hbm>> -> memref<64x128xf32, #tpu.memory_space<hbm>>
    %dma_wait3A_100 = arith.constant 0 : i32
    %dma_wait3A_101 = arith.constant 0 : i32
    %dma_wait3A_102 = tpu.memref_slice %arg7[%dma_wait3A_100, %dma_wait3A_101] : memref<128x128xf32, #tpu.memory_space<vmem>> -> memref<64x128xf32, #tpu.memory_space<vmem>>
    %dma_wait3A_103 = arith.constant 0 : i32
    %dma_wait3A_104 = tpu.memref_slice %arg3[%add3A_19, %mul3A_34, %dma_wait3A_103] : memref<16x1024x128xf32, #tpu.memory_space<hbm>> -> memref<1x64x128xf32, #tpu.memory_space<hbm>>
    %dma_wait3A_105 = tpu.memref_squeeze %dma_wait3A_104 : memref<1x64x128xf32, #tpu.memory_space<hbm>> -> memref<64x128xf32, #tpu.memory_space<hbm>>
    tpu.wait_dma2 semaphore(%arg12 : memref<!tpu.dma_semaphore, #tpu.memory_space<semaphore_mem>>) src(%dma_wait3A_105 : memref<64x128xf32, #tpu.memory_space<hbm>>) dst(%dma_wait3A_102 : memref<64x128xf32, #tpu.memory_space<vmem>>)
    %dma_wait3A_106 = arith.constant 64 : i32
    %dma_wait3A_107 = arith.constant 0 : i32
    %dma_wait3A_108 = tpu.memref_slice %arg6[%dma_wait3A_106, %dma_wait3A_107] : memref<128x128xi32, #tpu.memory_space<vmem>> -> memref<64x128xi32, #tpu.memory_space<vmem>>
    %dma_wait3A_109 = arith.constant 0 : i32
    %dma_wait3A_110 = tpu.memref_slice %arg2[%add3A_52, %mul3A_56, %dma_wait3A_109] : memref<8x1024x128xi32, #tpu.memory_space<hbm>> -> memref<1x64x128xi32, #tpu.memory_space<hbm>>
    %dma_wait3A_111 = tpu.memref_squeeze %dma_wait3A_110 : memref<1x64x128xi32, #tpu.memory_space<hbm>> -> memref<64x128xi32, #tpu.memory_space<hbm>>
    %dma_wait3A_112 = arith.constant 64 : i32
    %dma_wait3A_113 = arith.constant 0 : i32
    %dma_wait3A_114 = tpu.memref_slice %arg6[%dma_wait3A_112, %dma_wait3A_113] : memref<128x128xi32, #tpu.memory_space<vmem>> -> memref<64x128xi32, #tpu.memory_space<vmem>>
    %dma_wait3A_115 = arith.constant 0 : i32
    %dma_wait3A_116 = tpu.memref_slice %arg2[%add3A_52, %mul3A_56, %dma_wait3A_115] : memref<8x1024x128xi32, #tpu.memory_space<hbm>> -> memref<1x64x128xi32, #tpu.memory_space<hbm>>
    %dma_wait3A_117 = tpu.memref_squeeze %dma_wait3A_116 : memref<1x64x128xi32, #tpu.memory_space<hbm>> -> memref<64x128xi32, #tpu.memory_space<hbm>>
    tpu.wait_dma2 semaphore(%arg12 : memref<!tpu.dma_semaphore, #tpu.memory_space<semaphore_mem>>) src(%dma_wait3A_117 : memref<64x128xi32, #tpu.memory_space<hbm>>) dst(%dma_wait3A_114 : memref<64x128xi32, #tpu.memory_space<vmem>>)
    %dma_wait3A_118 = arith.constant 64 : i32
    %dma_wait3A_119 = arith.constant 0 : i32
    %dma_wait3A_120 = tpu.memref_slice %arg7[%dma_wait3A_118, %dma_wait3A_119] : memref<128x128xf32, #tpu.memory_space<vmem>> -> memref<64x128xf32, #tpu.memory_space<vmem>>
    %dma_wait3A_121 = arith.constant 0 : i32
    %dma_wait3A_122 = tpu.memref_slice %arg3[%add3A_54, %mul3A_70, %dma_wait3A_121] : memref<16x1024x128xf32, #tpu.memory_space<hbm>> -> memref<1x64x128xf32, #tpu.memory_space<hbm>>
    %dma_wait3A_123 = tpu.memref_squeeze %dma_wait3A_122 : memref<1x64x128xf32, #tpu.memory_space<hbm>> -> memref<64x128xf32, #tpu.memory_space<hbm>>
    %dma_wait3A_124 = arith.constant 64 : i32
    %dma_wait3A_125 = arith.constant 0 : i32
    %dma_wait3A_126 = tpu.memref_slice %arg7[%dma_wait3A_124, %dma_wait3A_125] : memref<128x128xf32, #tpu.memory_space<vmem>> -> memref<64x128xf32, #tpu.memory_space<vmem>>
    %dma_wait3A_127 = arith.constant 0 : i32
    %dma_wait3A_128 = tpu.memref_slice %arg3[%add3A_54, %mul3A_70, %dma_wait3A_127] : memref<16x1024x128xf32, #tpu.memory_space<hbm>> -> memref<1x64x128xf32, #tpu.memory_space<hbm>>
    %dma_wait3A_129 = tpu.memref_squeeze %dma_wait3A_128 : memref<1x64x128xf32, #tpu.memory_space<hbm>> -> memref<64x128xf32, #tpu.memory_space<hbm>>
    tpu.wait_dma2 semaphore(%arg12 : memref<!tpu.dma_semaphore, #tpu.memory_space<semaphore_mem>>) src(%dma_wait3A_129 : memref<64x128xf32, #tpu.memory_space<hbm>>) dst(%dma_wait3A_126 : memref<64x128xf32, #tpu.memory_space<vmem>>)
    %scan3A_130 = arith.constant 0 : i32
    %scan3A_131 = arith.constant 16 : i32
    %scan3A_132 = arith.addi %scan3A_130, %scan3A_131 : i32
    %scan3A_133 = arith.constant 1 : i32
    scf.for %scan3A_380 = %scan3A_130 to %scan3A_132 step %scan3A_133  : i32 {
      %mul3A_381 = arith.constant 1 : i32
      %mul3A_382 = arith.muli %scan3A_380, %mul3A_381 : i32
      %add3A_383 = arith.constant 0 : i32
      %add3A_384 = arith.addi %add3A_383, %mul3A_382 : i32
      %add3A_385 = arith.constant 0 : i32
      %add3A_386 = arith.addi %add3A_385, %add3A_384 : i32
      %dma_start3A_387 = arith.constant 0 : i32
      %dma_start3A_388 = tpu.memref_slice %arg7[%add3A_386, %dma_start3A_387] : memref<128x128xf32, #tpu.memory_space<vmem>> -> memref<1x128xf32, #tpu.memory_space<vmem>>
      %dma_start3A_389 = tpu.memref_squeeze %dma_start3A_388 : memref<1x128xf32, #tpu.memory_space<vmem>> -> memref<128xf32, #tpu.memory_space<vmem>>
      %dma_start3A_390 = arith.constant 0 : i32
      %dma_start3A_391 = tpu.memref_slice %arg6[%add3A_386, %dma_start3A_390] : memref<128x128xi32, #tpu.memory_space<vmem>> -> memref<1x128xi32, #tpu.memory_space<vmem>>
      %dma_start3A_392 = tpu.memref_squeeze %dma_start3A_391 : memref<1x128xi32, #tpu.memory_space<vmem>> -> memref<128xi32, #tpu.memory_space<vmem>>
      %dma_start3A_393 = arith.constant 0 : i32
      %dma_start3A_394 = tpu.memref_slice %arg10[%dma_start3A_393] : memref<393216xf32, #tpu.memory_space<vmem_shared>> -> memref<393216xf32, #tpu.memory_space<vmem_shared>>
      tpu.enqueue_indirect_dma source(%dma_start3A_389 : memref<128xf32, #tpu.memory_space<vmem>>) target(%dma_start3A_394 : memref<393216xf32, #tpu.memory_space<vmem_shared>>) offsets(%dma_start3A_392 : memref<128xi32, #tpu.memory_space<vmem>>) semaphore(%arg13 : memref<!tpu.dma_semaphore, #tpu.memory_space<semaphore_mem>>) {add = true}
      %dma_start3A_395 = arith.constant 0 : i32
      %dma_start3A_396 = tpu.memref_slice %arg6[%add3A_386, %dma_start3A_395] : memref<128x128xi32, #tpu.memory_space<vmem>> -> memref<1x128xi32, #tpu.memory_space<vmem>>
      %dma_start3A_397 = tpu.memref_squeeze %dma_start3A_396 : memref<1x128xi32, #tpu.memory_space<vmem>> -> memref<128xi32, #tpu.memory_space<vmem>>
      %dma_start3A_398 = arith.constant 0 : i32
      %dma_start3A_399 = tpu.memref_slice %arg11[%dma_start3A_398] : memref<393216xf32, #tpu.memory_space<vmem_shared>> -> memref<393216xf32, #tpu.memory_space<vmem_shared>>
      tpu.enqueue_indirect_dma source(%arg8 : memref<128xf32, #tpu.memory_space<vmem>>) target(%dma_start3A_399 : memref<393216xf32, #tpu.memory_space<vmem_shared>>) offsets(%dma_start3A_397 : memref<128xi32, #tpu.memory_space<vmem>>) semaphore(%arg13 : memref<!tpu.dma_semaphore, #tpu.memory_space<semaphore_mem>>) {add = true}
    }
    %scan3A_134 = arith.constant 16 : i32
    %scan3A_135 = arith.constant 0 : i32
    %scan3A_136 = arith.constant 7 : i32
    %scan3A_137 = arith.addi %scan3A_135, %scan3A_136 : i32
    %scan3A_138 = arith.constant 1 : i32
    scf.for %scan3A_380 = %scan3A_135 to %scan3A_137 step %scan3A_138  : i32 {
      %mul3A_381 = arith.constant 1 : i32
      %mul3A_382 = arith.muli %scan3A_380, %mul3A_381 : i32
      %add3A_383 = arith.constant 0 : i32
      %add3A_384 = arith.addi %add3A_383, %mul3A_382 : i32
      %add3A_385 = arith.constant 1 : i32
      %add3A_386 = arith.addi %add3A_384, %add3A_385 : i32
      %scan3A_387 = arith.constant 0 : i32
      %scan3A_388 = arith.constant 16 : i32
      %scan3A_389 = arith.addi %scan3A_387, %scan3A_388 : i32
      %scan3A_390 = arith.constant 1 : i32
      scf.for %scan3A_397 = %scan3A_387 to %scan3A_389 step %scan3A_390  : i32 {
        %mul3A_398 = arith.constant 1 : i32
        %mul3A_399 = arith.muli %scan3A_397, %mul3A_398 : i32
        %add3A_400 = arith.constant 0 : i32
        %add3A_401 = arith.addi %add3A_400, %mul3A_399 : i32
        %mul3A_402 = arith.constant 16 : i32
        %mul3A_403 = arith.muli %add3A_386, %mul3A_402 : i32
        %add3A_404 = arith.addi %mul3A_403, %add3A_401 : i32
        %dma_start3A_405 = arith.constant 0 : i32
        %dma_start3A_406 = tpu.memref_slice %arg7[%add3A_404, %dma_start3A_405] : memref<128x128xf32, #tpu.memory_space<vmem>> -> memref<1x128xf32, #tpu.memory_space<vmem>>
        %dma_start3A_407 = tpu.memref_squeeze %dma_start3A_406 : memref<1x128xf32, #tpu.memory_space<vmem>> -> memref<128xf32, #tpu.memory_space<vmem>>
        %dma_start3A_408 = arith.constant 0 : i32
        %dma_start3A_409 = tpu.memref_slice %arg6[%add3A_404, %dma_start3A_408] : memref<128x128xi32, #tpu.memory_space<vmem>> -> memref<1x128xi32, #tpu.memory_space<vmem>>
        %dma_start3A_410 = tpu.memref_squeeze %dma_start3A_409 : memref<1x128xi32, #tpu.memory_space<vmem>> -> memref<128xi32, #tpu.memory_space<vmem>>
        %dma_start3A_411 = arith.constant 0 : i32
        %dma_start3A_412 = tpu.memref_slice %arg10[%dma_start3A_411] : memref<393216xf32, #tpu.memory_space<vmem_shared>> -> memref<393216xf32, #tpu.memory_space<vmem_shared>>
        tpu.enqueue_indirect_dma source(%dma_start3A_407 : memref<128xf32, #tpu.memory_space<vmem>>) target(%dma_start3A_412 : memref<393216xf32, #tpu.memory_space<vmem_shared>>) offsets(%dma_start3A_410 : memref<128xi32, #tpu.memory_space<vmem>>) semaphore(%arg13 : memref<!tpu.dma_semaphore, #tpu.memory_space<semaphore_mem>>) {add = true}
        %dma_start3A_413 = arith.constant 0 : i32
        %dma_start3A_414 = tpu.memref_slice %arg6[%add3A_404, %dma_start3A_413] : memref<128x128xi32, #tpu.memory_space<vmem>> -> memref<1x128xi32, #tpu.memory_space<vmem>>
        %dma_start3A_415 = tpu.memref_squeeze %dma_start3A_414 : memref<1x128xi32, #tpu.memory_space<vmem>> -> memref<128xi32, #tpu.memory_space<vmem>>
        %dma_start3A_416 = arith.constant 0 : i32
        %dma_start3A_417 = tpu.memref_slice %arg11[%dma_start3A_416] : memref<393216xf32, #tpu.memory_space<vmem_shared>> -> memref<393216xf32, #tpu.memory_space<vmem_shared>>
        tpu.enqueue_indirect_dma source(%arg8 : memref<128xf32, #tpu.memory_space<vmem>>) target(%dma_start3A_417 : memref<393216xf32, #tpu.memory_space<vmem_shared>>) offsets(%dma_start3A_415 : memref<128xi32, #tpu.memory_space<vmem>>) semaphore(%arg13 : memref<!tpu.dma_semaphore, #tpu.memory_space<semaphore_mem>>) {add = true}
      }
      %scan3A_391 = arith.constant 16 : i32
      %scan3A_392 = arith.constant 0 : i32
      %scan3A_393 = arith.constant 16 : i32
      %scan3A_394 = arith.addi %scan3A_392, %scan3A_393 : i32
      %scan3A_395 = arith.constant 1 : i32
      scf.for %scan3A_397 = %scan3A_392 to %scan3A_394 step %scan3A_395  : i32 {
        %mul3A_398 = arith.constant 1 : i32
        %mul3A_399 = arith.muli %scan3A_397, %mul3A_398 : i32
        %add3A_400 = arith.constant 0 : i32
        %add3A_401 = arith.addi %add3A_400, %mul3A_399 : i32
        %mul3A_402 = arith.constant 16 : i32
        %mul3A_403 = arith.muli %add3A_384, %mul3A_402 : i32
        %add3A_404 = arith.addi %mul3A_403, %add3A_401 : i32
        %dma_wait3A_405 = arith.constant 0 : i32
        %dma_wait3A_406 = tpu.memref_slice %arg7[%add3A_404, %dma_wait3A_405] : memref<128x128xf32, #tpu.memory_space<vmem>> -> memref<1x128xf32, #tpu.memory_space<vmem>>
        %dma_wait3A_407 = tpu.memref_squeeze %dma_wait3A_406 : memref<1x128xf32, #tpu.memory_space<vmem>> -> memref<128xf32, #tpu.memory_space<vmem>>
        %dma_wait3A_408 = arith.constant 0 : i32
        %dma_wait3A_409 = tpu.memref_slice %arg6[%add3A_404, %dma_wait3A_408] : memref<128x128xi32, #tpu.memory_space<vmem>> -> memref<1x128xi32, #tpu.memory_space<vmem>>
        %dma_wait3A_410 = tpu.memref_squeeze %dma_wait3A_409 : memref<1x128xi32, #tpu.memory_space<vmem>> -> memref<128xi32, #tpu.memory_space<vmem>>
        %dma_wait3A_411 = arith.constant 0 : i32
        %dma_wait3A_412 = tpu.memref_slice %arg10[%dma_wait3A_411] : memref<393216xf32, #tpu.memory_space<vmem_shared>> -> memref<393216xf32, #tpu.memory_space<vmem_shared>>
        tpu.wait_indirect_dma semaphore(%arg13 : memref<!tpu.dma_semaphore, #tpu.memory_space<semaphore_mem>>) src(%dma_wait3A_407 : memref<128xf32, #tpu.memory_space<vmem>>) dst(%dma_wait3A_412 : memref<393216xf32, #tpu.memory_space<vmem_shared>>)
        %dma_wait3A_413 = arith.constant 0 : i32
        %dma_wait3A_414 = tpu.memref_slice %arg6[%add3A_404, %dma_wait3A_413] : memref<128x128xi32, #tpu.memory_space<vmem>> -> memref<1x128xi32, #tpu.memory_space<vmem>>
        %dma_wait3A_415 = tpu.memref_squeeze %dma_wait3A_414 : memref<1x128xi32, #tpu.memory_space<vmem>> -> memref<128xi32, #tpu.memory_space<vmem>>
        %dma_wait3A_416 = arith.constant 0 : i32
        %dma_wait3A_417 = tpu.memref_slice %arg11[%dma_wait3A_416] : memref<393216xf32, #tpu.memory_space<vmem_shared>> -> memref<393216xf32, #tpu.memory_space<vmem_shared>>
        tpu.wait_indirect_dma semaphore(%arg13 : memref<!tpu.dma_semaphore, #tpu.memory_space<semaphore_mem>>) src(%arg8 : memref<128xf32, #tpu.memory_space<vmem>>) dst(%dma_wait3A_417 : memref<393216xf32, #tpu.memory_space<vmem_shared>>)
      }
      %scan3A_396 = arith.constant 16 : i32
    }
    %scan3A_139 = arith.constant 7 : i32
    %scan3A_140 = arith.constant 0 : i32
    %scan3A_141 = arith.constant 16 : i32
    %scan3A_142 = arith.addi %scan3A_140, %scan3A_141 : i32
    %scan3A_143 = arith.constant 1 : i32
    scf.for %scan3A_380 = %scan3A_140 to %scan3A_142 step %scan3A_143  : i32 {
      %mul3A_381 = arith.constant 1 : i32
      %mul3A_382 = arith.muli %scan3A_380, %mul3A_381 : i32
      %add3A_383 = arith.constant 0 : i32
      %add3A_384 = arith.addi %add3A_383, %mul3A_382 : i32
      %add3A_385 = arith.constant 112 : i32
      %add3A_386 = arith.addi %add3A_385, %add3A_384 : i32
      %dma_wait3A_387 = arith.constant 0 : i32
      %dma_wait3A_388 = tpu.memref_slice %arg7[%add3A_386, %dma_wait3A_387] : memref<128x128xf32, #tpu.memory_space<vmem>> -> memref<1x128xf32, #tpu.memory_space<vmem>>
      %dma_wait3A_389 = tpu.memref_squeeze %dma_wait3A_388 : memref<1x128xf32, #tpu.memory_space<vmem>> -> memref<128xf32, #tpu.memory_space<vmem>>
      %dma_wait3A_390 = arith.constant 0 : i32
      %dma_wait3A_391 = tpu.memref_slice %arg6[%add3A_386, %dma_wait3A_390] : memref<128x128xi32, #tpu.memory_space<vmem>> -> memref<1x128xi32, #tpu.memory_space<vmem>>
      %dma_wait3A_392 = tpu.memref_squeeze %dma_wait3A_391 : memref<1x128xi32, #tpu.memory_space<vmem>> -> memref<128xi32, #tpu.memory_space<vmem>>
      %dma_wait3A_393 = arith.constant 0 : i32
      %dma_wait3A_394 = tpu.memref_slice %arg10[%dma_wait3A_393] : memref<393216xf32, #tpu.memory_space<vmem_shared>> -> memref<393216xf32, #tpu.memory_space<vmem_shared>>
      tpu.wait_indirect_dma semaphore(%arg13 : memref<!tpu.dma_semaphore, #tpu.memory_space<semaphore_mem>>) src(%dma_wait3A_389 : memref<128xf32, #tpu.memory_space<vmem>>) dst(%dma_wait3A_394 : memref<393216xf32, #tpu.memory_space<vmem_shared>>)
      %dma_wait3A_395 = arith.constant 0 : i32
      %dma_wait3A_396 = tpu.memref_slice %arg6[%add3A_386, %dma_wait3A_395] : memref<128x128xi32, #tpu.memory_space<vmem>> -> memref<1x128xi32, #tpu.memory_space<vmem>>
      %dma_wait3A_397 = tpu.memref_squeeze %dma_wait3A_396 : memref<1x128xi32, #tpu.memory_space<vmem>> -> memref<128xi32, #tpu.memory_space<vmem>>
      %dma_wait3A_398 = arith.constant 0 : i32
      %dma_wait3A_399 = tpu.memref_slice %arg11[%dma_wait3A_398] : memref<393216xf32, #tpu.memory_space<vmem_shared>> -> memref<393216xf32, #tpu.memory_space<vmem_shared>>
      tpu.wait_indirect_dma semaphore(%arg13 : memref<!tpu.dma_semaphore, #tpu.memory_space<semaphore_mem>>) src(%arg8 : memref<128xf32, #tpu.memory_space<vmem>>) dst(%dma_wait3A_399 : memref<393216xf32, #tpu.memory_space<vmem_shared>>)
    }
    %scan3A_144 = arith.constant 16 : i32
    %barrier3A_145 = arith.constant 0 : index
    tpu.barrier barrier_id(%barrier3A_145)
    %mul3A_146 = arith.constant 4 : i32
    %mul3A_147 = arith.muli %arg0, %mul3A_146 : i32
    %add3A_148 = arith.constant 0 : i32
    %add3A_149 = arith.addi %mul3A_147, %add3A_148 : i32
    %jit3A = arith.constant 8 : i32
    %div3A = arith.divsi %arg1, %jit3A : i32
    %sign3A = arith.constant 0 : i32
    %sign3A_150 = arith.cmpi sgt, %arg1, %sign3A : i32
    %sign3A_151 = arith.extui %sign3A_150 : i1 to i32
    %sign3A_152 = arith.constant 0 : i32
    %sign3A_153 = arith.cmpi slt, %arg1, %sign3A_152 : i32
    %sign3A_154 = arith.extui %sign3A_153 : i1 to i32
    %sign3A_155 = arith.subi %sign3A_151, %sign3A_154 : i32
    %sign3A_156 = arith.constant 0 : i32
    %sign3A_157 = arith.cmpi sgt, %jit3A, %sign3A_156 : i32
    %sign3A_158 = arith.extui %sign3A_157 : i1 to i32
    %sign3A_159 = arith.constant 0 : i32
    %sign3A_160 = arith.cmpi slt, %jit3A, %sign3A_159 : i32
    %sign3A_161 = arith.extui %sign3A_160 : i1 to i32
    %sign3A_162 = arith.subi %sign3A_158, %sign3A_161 : i32
    %ne3A = arith.cmpi ne, %sign3A_155, %sign3A_162 : i32
    %rem3A = arith.remsi %arg1, %jit3A : i32
    %ne3A_163 = arith.constant 0 : i32
    %ne3A_164 = arith.cmpi ne, %rem3A, %ne3A_163 : i32
    %and3A = arith.andi %ne3A, %ne3A_164 : i1
    %sub3A = arith.constant 1 : i32
    %sub3A_165 = arith.subi %div3A, %sub3A : i32
    %select_n3A = arith.select %and3A, %sub3A_165, %div3A : i32
    %add3A_166 = arith.addi %add3A_149, %select_n3A : i32
    %jit3A_167 = arith.constant 8 : i32
    %eq3A = arith.constant 0 : i32
    %eq3A_168 = arith.cmpi eq, %jit3A_167, %eq3A : i32
    %jit3A_169 = arith.constant 1 : i32
    %select_n3A_170 = arith.select %eq3A_168, %jit3A_169, %jit3A_167 : i32
    %rem3A_171 = arith.remsi %arg1, %select_n3A_170 : i32
    %ne3A_172 = arith.constant 0 : i32
    %ne3A_173 = arith.cmpi ne, %rem3A_171, %ne3A_172 : i32
    %lt3A = arith.constant 0 : i32
    %lt3A_174 = arith.cmpi slt, %rem3A_171, %lt3A : i32
    %lt3A_175 = arith.constant 0 : i32
    %lt3A_176 = arith.cmpi slt, %select_n3A_170, %lt3A_175 : i32
    %ne3A_177 = arith.xori %lt3A_174, %lt3A_176 : i1
    %and3A_178 = arith.andi %ne3A_177, %ne3A_173 : i1
    %add3A_179 = arith.addi %rem3A_171, %select_n3A_170 : i32
    %select_n3A_180 = arith.select %and3A_178, %add3A_179, %rem3A_171 : i32
    %mul3A_181 = arith.constant 24576 : i32
    %mul3A_182 = arith.muli %select_n3A_180, %mul3A_181 : i32
    %mul3A_183 = arith.constant 24576 : i32
    %mul3A_184 = arith.muli %arg1, %mul3A_183 : i32
    "tpu.region"() ({
      %run_scoped3A = tpu.sem_alloc : memref<!tpu.dma_semaphore, #tpu.memory_space<semaphore_mem>>
      %dma_start3A_380 = tpu.memref_slice %arg4[%add3A_166, %mul3A_182] : memref<8x196608xf32, #tpu.memory_space<hbm>> -> memref<1x24576xf32, #tpu.memory_space<hbm>>
      %dma_start3A_381 = tpu.memref_squeeze %dma_start3A_380 : memref<1x24576xf32, #tpu.memory_space<hbm>> -> memref<24576xf32, #tpu.memory_space<hbm>>
      %dma_start3A_382 = tpu.memref_slice %arg10[%mul3A_184] : memref<393216xf32, #tpu.memory_space<vmem_shared>> -> memref<24576xf32, #tpu.memory_space<vmem_shared>>
      tpu.enqueue_dma source(%dma_start3A_382 : memref<24576xf32, #tpu.memory_space<vmem_shared>>) target(%dma_start3A_381 : memref<24576xf32, #tpu.memory_space<hbm>>) target_semaphore(%run_scoped3A : memref<!tpu.dma_semaphore, #tpu.memory_space<semaphore_mem>>)
      %dma_wait3A_383 = tpu.memref_slice %arg4[%add3A_166, %mul3A_182] : memref<8x196608xf32, #tpu.memory_space<hbm>> -> memref<1x24576xf32, #tpu.memory_space<hbm>>
      %dma_wait3A_384 = tpu.memref_squeeze %dma_wait3A_383 : memref<1x24576xf32, #tpu.memory_space<hbm>> -> memref<24576xf32, #tpu.memory_space<hbm>>
      %dma_wait3A_385 = tpu.memref_slice %arg10[%mul3A_184] : memref<393216xf32, #tpu.memory_space<vmem_shared>> -> memref<24576xf32, #tpu.memory_space<vmem_shared>>
      tpu.wait_dma2 semaphore(%run_scoped3A : memref<!tpu.dma_semaphore, #tpu.memory_space<semaphore_mem>>) src(%dma_wait3A_385 : memref<24576xf32, #tpu.memory_space<vmem_shared>>) dst(%dma_wait3A_384 : memref<24576xf32, #tpu.memory_space<hbm>>)
      tpu.yield
    }) : () -> ()
    %mul3A_185 = arith.constant 24576 : i32
    %mul3A_186 = arith.muli %arg1, %mul3A_185 : i32
    "tpu.region"() ({
      %run_scoped3A = tpu.sem_alloc : memref<!tpu.dma_semaphore, #tpu.memory_space<semaphore_mem>>
      %dma_start3A_380 = tpu.memref_slice %arg5[%add3A_166, %mul3A_182] : memref<8x196608xf32, #tpu.memory_space<hbm>> -> memref<1x24576xf32, #tpu.memory_space<hbm>>
      %dma_start3A_381 = tpu.memref_squeeze %dma_start3A_380 : memref<1x24576xf32, #tpu.memory_space<hbm>> -> memref<24576xf32, #tpu.memory_space<hbm>>
      %dma_start3A_382 = tpu.memref_slice %arg11[%mul3A_186] : memref<393216xf32, #tpu.memory_space<vmem_shared>> -> memref<24576xf32, #tpu.memory_space<vmem_shared>>
      tpu.enqueue_dma source(%dma_start3A_382 : memref<24576xf32, #tpu.memory_space<vmem_shared>>) target(%dma_start3A_381 : memref<24576xf32, #tpu.memory_space<hbm>>) target_semaphore(%run_scoped3A : memref<!tpu.dma_semaphore, #tpu.memory_space<semaphore_mem>>)
      %dma_wait3A_383 = tpu.memref_slice %arg5[%add3A_166, %mul3A_182] : memref<8x196608xf32, #tpu.memory_space<hbm>> -> memref<1x24576xf32, #tpu.memory_space<hbm>>
      %dma_wait3A_384 = tpu.memref_squeeze %dma_wait3A_383 : memref<1x24576xf32, #tpu.memory_space<hbm>> -> memref<24576xf32, #tpu.memory_space<hbm>>
      %dma_wait3A_385 = tpu.memref_slice %arg11[%mul3A_186] : memref<393216xf32, #tpu.memory_space<vmem_shared>> -> memref<24576xf32, #tpu.memory_space<vmem_shared>>
      tpu.wait_dma2 semaphore(%run_scoped3A : memref<!tpu.dma_semaphore, #tpu.memory_space<semaphore_mem>>) src(%dma_wait3A_385 : memref<24576xf32, #tpu.memory_space<vmem_shared>>) dst(%dma_wait3A_384 : memref<24576xf32, #tpu.memory_space<hbm>>)
      tpu.yield
    }) : () -> ()
    %scan3A_187 = arith.constant 0 : i32
    %scan3A_188 = arith.constant 6 : i32
    %scan3A_189 = arith.addi %scan3A_187, %scan3A_188 : i32
    %scan3A_190 = arith.constant 1 : i32
    scf.for %scan3A_380 = %scan3A_187 to %scan3A_189 step %scan3A_190  : i32 {
      %mul3A_381 = arith.constant 1 : i32
      %mul3A_382 = arith.muli %scan3A_380, %mul3A_381 : i32
      %add3A_383 = arith.constant 0 : i32
      %add3A_384 = arith.addi %add3A_383, %mul3A_382 : i32
      %mul3A_385 = arith.constant 24576 : i32
      %mul3A_386 = arith.muli %arg1, %mul3A_385 : i32
      %mul3A_387 = arith.constant 4096 : i32
      %mul3A_388 = arith.muli %add3A_384, %mul3A_387 : i32
      %add3A_389 = arith.addi %mul3A_386, %mul3A_388 : i32
      "tpu.region"() ({
        %run_scoped3A = tpu.sem_alloc : memref<!tpu.dma_semaphore, #tpu.memory_space<semaphore_mem>>
        %dma_start3A_390 = tpu.memref_slice %arg10[%add3A_389] : memref<393216xf32, #tpu.memory_space<vmem_shared>> -> memref<4096xf32, #tpu.memory_space<vmem_shared>>
        %dma_start3A_391 = tpu.memref_slice %arg10[%add3A_389] : memref<393216xf32, #tpu.memory_space<vmem_shared>> -> memref<4096xf32, #tpu.memory_space<vmem_shared>>
        tpu.enqueue_dma source(%arg9 : memref<4096xf32, #tpu.memory_space<vmem>>) target(%dma_start3A_391 : memref<4096xf32, #tpu.memory_space<vmem_shared>>) target_semaphore(%run_scoped3A : memref<!tpu.dma_semaphore, #tpu.memory_space<semaphore_mem>>)
        %dma_wait3A_392 = tpu.memref_slice %arg10[%add3A_389] : memref<393216xf32, #tpu.memory_space<vmem_shared>> -> memref<4096xf32, #tpu.memory_space<vmem_shared>>
        %dma_wait3A_393 = tpu.memref_slice %arg10[%add3A_389] : memref<393216xf32, #tpu.memory_space<vmem_shared>> -> memref<4096xf32, #tpu.memory_space<vmem_shared>>
        tpu.wait_dma2 semaphore(%run_scoped3A : memref<!tpu.dma_semaphore, #tpu.memory_space<semaphore_mem>>) src(%arg9 : memref<4096xf32, #tpu.memory_space<vmem>>) dst(%dma_wait3A_393 : memref<4096xf32, #tpu.memory_space<vmem_shared>>)
        tpu.yield
      }) : () -> ()
      "tpu.region"() ({
        %run_scoped3A = tpu.sem_alloc : memref<!tpu.dma_semaphore, #tpu.memory_space<semaphore_mem>>
        %dma_start3A_390 = tpu.memref_slice %arg11[%add3A_389] : memref<393216xf32, #tpu.memory_space<vmem_shared>> -> memref<4096xf32, #tpu.memory_space<vmem_shared>>
        %dma_start3A_391 = tpu.memref_slice %arg11[%add3A_389] : memref<393216xf32, #tpu.memory_space<vmem_shared>> -> memref<4096xf32, #tpu.memory_space<vmem_shared>>
        tpu.enqueue_dma source(%arg9 : memref<4096xf32, #tpu.memory_space<vmem>>) target(%dma_start3A_391 : memref<4096xf32, #tpu.memory_space<vmem_shared>>) target_semaphore(%run_scoped3A : memref<!tpu.dma_semaphore, #tpu.memory_space<semaphore_mem>>)
        %dma_wait3A_392 = tpu.memref_slice %arg11[%add3A_389] : memref<393216xf32, #tpu.memory_space<vmem_shared>> -> memref<4096xf32, #tpu.memory_space<vmem_shared>>
        %dma_wait3A_393 = tpu.memref_slice %arg11[%add3A_389] : memref<393216xf32, #tpu.memory_space<vmem_shared>> -> memref<4096xf32, #tpu.memory_space<vmem_shared>>
        tpu.wait_dma2 semaphore(%run_scoped3A : memref<!tpu.dma_semaphore, #tpu.memory_space<semaphore_mem>>) src(%arg9 : memref<4096xf32, #tpu.memory_space<vmem>>) dst(%dma_wait3A_393 : memref<4096xf32, #tpu.memory_space<vmem_shared>>)
        tpu.yield
      }) : () -> ()
    }
    %scan3A_191 = arith.constant 6 : i32
    %barrier3A_192 = arith.constant 0 : index
    tpu.barrier barrier_id(%barrier3A_192)
    %mul3A_193 = arith.constant 4 : i32
    %mul3A_194 = arith.muli %arg0, %mul3A_193 : i32
    %add3A_195 = arith.constant 2 : i32
    %add3A_196 = arith.addi %mul3A_194, %add3A_195 : i32
    %add3A_197 = arith.constant 0 : i32
    %add3A_198 = arith.addi %add3A_196, %add3A_197 : i32
    %add3A_199 = arith.constant 0 : i32
    %add3A_200 = arith.addi %add3A_199, %add3A_198 : i32
    %mul3A_201 = arith.constant 64 : i32
    %mul3A_202 = arith.muli %arg1, %mul3A_201 : i32
    %dma_start3A_203 = arith.constant 0 : i32
    %dma_start3A_204 = arith.constant 0 : i32
    %dma_start3A_205 = tpu.memref_slice %arg6[%dma_start3A_203, %dma_start3A_204] : memref<128x128xi32, #tpu.memory_space<vmem>> -> memref<64x128xi32, #tpu.memory_space<vmem>>
    %dma_start3A_206 = arith.constant 0 : i32
    %dma_start3A_207 = tpu.memref_slice %arg2[%add3A_198, %mul3A_202, %dma_start3A_206] : memref<8x1024x128xi32, #tpu.memory_space<hbm>> -> memref<1x64x128xi32, #tpu.memory_space<hbm>>
    %dma_start3A_208 = tpu.memref_squeeze %dma_start3A_207 : memref<1x64x128xi32, #tpu.memory_space<hbm>> -> memref<64x128xi32, #tpu.memory_space<hbm>>
    %dma_start3A_209 = arith.constant 0 : i32
    %dma_start3A_210 = arith.constant 0 : i32
    %dma_start3A_211 = tpu.memref_slice %arg6[%dma_start3A_209, %dma_start3A_210] : memref<128x128xi32, #tpu.memory_space<vmem>> -> memref<64x128xi32, #tpu.memory_space<vmem>>
    %dma_start3A_212 = arith.constant 0 : i32
    %dma_start3A_213 = tpu.memref_slice %arg2[%add3A_198, %mul3A_202, %dma_start3A_212] : memref<8x1024x128xi32, #tpu.memory_space<hbm>> -> memref<1x64x128xi32, #tpu.memory_space<hbm>>
    %dma_start3A_214 = tpu.memref_squeeze %dma_start3A_213 : memref<1x64x128xi32, #tpu.memory_space<hbm>> -> memref<64x128xi32, #tpu.memory_space<hbm>>
    tpu.enqueue_dma source(%dma_start3A_214 : memref<64x128xi32, #tpu.memory_space<hbm>>) target(%dma_start3A_211 : memref<64x128xi32, #tpu.memory_space<vmem>>) target_semaphore(%arg12 : memref<!tpu.dma_semaphore, #tpu.memory_space<semaphore_mem>>)
    %mul3A_215 = arith.constant 64 : i32
    %mul3A_216 = arith.muli %arg1, %mul3A_215 : i32
    %dma_start3A_217 = arith.constant 0 : i32
    %dma_start3A_218 = arith.constant 0 : i32
    %dma_start3A_219 = tpu.memref_slice %arg7[%dma_start3A_217, %dma_start3A_218] : memref<128x128xf32, #tpu.memory_space<vmem>> -> memref<64x128xf32, #tpu.memory_space<vmem>>
    %dma_start3A_220 = arith.constant 0 : i32
    %dma_start3A_221 = tpu.memref_slice %arg3[%add3A_200, %mul3A_216, %dma_start3A_220] : memref<16x1024x128xf32, #tpu.memory_space<hbm>> -> memref<1x64x128xf32, #tpu.memory_space<hbm>>
    %dma_start3A_222 = tpu.memref_squeeze %dma_start3A_221 : memref<1x64x128xf32, #tpu.memory_space<hbm>> -> memref<64x128xf32, #tpu.memory_space<hbm>>
    %dma_start3A_223 = arith.constant 0 : i32
    %dma_start3A_224 = arith.constant 0 : i32
    %dma_start3A_225 = tpu.memref_slice %arg7[%dma_start3A_223, %dma_start3A_224] : memref<128x128xf32, #tpu.memory_space<vmem>> -> memref<64x128xf32, #tpu.memory_space<vmem>>
    %dma_start3A_226 = arith.constant 0 : i32
    %dma_start3A_227 = tpu.memref_slice %arg3[%add3A_200, %mul3A_216, %dma_start3A_226] : memref<16x1024x128xf32, #tpu.memory_space<hbm>> -> memref<1x64x128xf32, #tpu.memory_space<hbm>>
    %dma_start3A_228 = tpu.memref_squeeze %dma_start3A_227 : memref<1x64x128xf32, #tpu.memory_space<hbm>> -> memref<64x128xf32, #tpu.memory_space<hbm>>
    tpu.enqueue_dma source(%dma_start3A_228 : memref<64x128xf32, #tpu.memory_space<hbm>>) target(%dma_start3A_225 : memref<64x128xf32, #tpu.memory_space<vmem>>) target_semaphore(%arg12 : memref<!tpu.dma_semaphore, #tpu.memory_space<semaphore_mem>>)
    %mul3A_229 = arith.constant 4 : i32
    %mul3A_230 = arith.muli %arg0, %mul3A_229 : i32
    %add3A_231 = arith.constant 2 : i32
    %add3A_232 = arith.addi %mul3A_230, %add3A_231 : i32
    %add3A_233 = arith.constant 1 : i32
    %add3A_234 = arith.addi %add3A_232, %add3A_233 : i32
    %add3A_235 = arith.constant 0 : i32
    %add3A_236 = arith.addi %add3A_235, %add3A_234 : i32
    %mul3A_237 = arith.constant 64 : i32
    %mul3A_238 = arith.muli %arg1, %mul3A_237 : i32
    %dma_start3A_239 = arith.constant 64 : i32
    %dma_start3A_240 = arith.constant 0 : i32
    %dma_start3A_241 = tpu.memref_slice %arg6[%dma_start3A_239, %dma_start3A_240] : memref<128x128xi32, #tpu.memory_space<vmem>> -> memref<64x128xi32, #tpu.memory_space<vmem>>
    %dma_start3A_242 = arith.constant 0 : i32
    %dma_start3A_243 = tpu.memref_slice %arg2[%add3A_234, %mul3A_238, %dma_start3A_242] : memref<8x1024x128xi32, #tpu.memory_space<hbm>> -> memref<1x64x128xi32, #tpu.memory_space<hbm>>
    %dma_start3A_244 = tpu.memref_squeeze %dma_start3A_243 : memref<1x64x128xi32, #tpu.memory_space<hbm>> -> memref<64x128xi32, #tpu.memory_space<hbm>>
    %dma_start3A_245 = arith.constant 64 : i32
    %dma_start3A_246 = arith.constant 0 : i32
    %dma_start3A_247 = tpu.memref_slice %arg6[%dma_start3A_245, %dma_start3A_246] : memref<128x128xi32, #tpu.memory_space<vmem>> -> memref<64x128xi32, #tpu.memory_space<vmem>>
    %dma_start3A_248 = arith.constant 0 : i32
    %dma_start3A_249 = tpu.memref_slice %arg2[%add3A_234, %mul3A_238, %dma_start3A_248] : memref<8x1024x128xi32, #tpu.memory_space<hbm>> -> memref<1x64x128xi32, #tpu.memory_space<hbm>>
    %dma_start3A_250 = tpu.memref_squeeze %dma_start3A_249 : memref<1x64x128xi32, #tpu.memory_space<hbm>> -> memref<64x128xi32, #tpu.memory_space<hbm>>
    tpu.enqueue_dma source(%dma_start3A_250 : memref<64x128xi32, #tpu.memory_space<hbm>>) target(%dma_start3A_247 : memref<64x128xi32, #tpu.memory_space<vmem>>) target_semaphore(%arg12 : memref<!tpu.dma_semaphore, #tpu.memory_space<semaphore_mem>>)
    %mul3A_251 = arith.constant 64 : i32
    %mul3A_252 = arith.muli %arg1, %mul3A_251 : i32
    %dma_start3A_253 = arith.constant 64 : i32
    %dma_start3A_254 = arith.constant 0 : i32
    %dma_start3A_255 = tpu.memref_slice %arg7[%dma_start3A_253, %dma_start3A_254] : memref<128x128xf32, #tpu.memory_space<vmem>> -> memref<64x128xf32, #tpu.memory_space<vmem>>
    %dma_start3A_256 = arith.constant 0 : i32
    %dma_start3A_257 = tpu.memref_slice %arg3[%add3A_236, %mul3A_252, %dma_start3A_256] : memref<16x1024x128xf32, #tpu.memory_space<hbm>> -> memref<1x64x128xf32, #tpu.memory_space<hbm>>
    %dma_start3A_258 = tpu.memref_squeeze %dma_start3A_257 : memref<1x64x128xf32, #tpu.memory_space<hbm>> -> memref<64x128xf32, #tpu.memory_space<hbm>>
    %dma_start3A_259 = arith.constant 64 : i32
    %dma_start3A_260 = arith.constant 0 : i32
    %dma_start3A_261 = tpu.memref_slice %arg7[%dma_start3A_259, %dma_start3A_260] : memref<128x128xf32, #tpu.memory_space<vmem>> -> memref<64x128xf32, #tpu.memory_space<vmem>>
    %dma_start3A_262 = arith.constant 0 : i32
    %dma_start3A_263 = tpu.memref_slice %arg3[%add3A_236, %mul3A_252, %dma_start3A_262] : memref<16x1024x128xf32, #tpu.memory_space<hbm>> -> memref<1x64x128xf32, #tpu.memory_space<hbm>>
    %dma_start3A_264 = tpu.memref_squeeze %dma_start3A_263 : memref<1x64x128xf32, #tpu.memory_space<hbm>> -> memref<64x128xf32, #tpu.memory_space<hbm>>
    tpu.enqueue_dma source(%dma_start3A_264 : memref<64x128xf32, #tpu.memory_space<hbm>>) target(%dma_start3A_261 : memref<64x128xf32, #tpu.memory_space<vmem>>) target_semaphore(%arg12 : memref<!tpu.dma_semaphore, #tpu.memory_space<semaphore_mem>>)
    %dma_wait3A_265 = arith.constant 0 : i32
    %dma_wait3A_266 = arith.constant 0 : i32
    %dma_wait3A_267 = tpu.memref_slice %arg6[%dma_wait3A_265, %dma_wait3A_266] : memref<128x128xi32, #tpu.memory_space<vmem>> -> memref<64x128xi32, #tpu.memory_space<vmem>>
    %dma_wait3A_268 = arith.constant 0 : i32
    %dma_wait3A_269 = tpu.memref_slice %arg2[%add3A_198, %mul3A_202, %dma_wait3A_268] : memref<8x1024x128xi32, #tpu.memory_space<hbm>> -> memref<1x64x128xi32, #tpu.memory_space<hbm>>
    %dma_wait3A_270 = tpu.memref_squeeze %dma_wait3A_269 : memref<1x64x128xi32, #tpu.memory_space<hbm>> -> memref<64x128xi32, #tpu.memory_space<hbm>>
    %dma_wait3A_271 = arith.constant 0 : i32
    %dma_wait3A_272 = arith.constant 0 : i32
    %dma_wait3A_273 = tpu.memref_slice %arg6[%dma_wait3A_271, %dma_wait3A_272] : memref<128x128xi32, #tpu.memory_space<vmem>> -> memref<64x128xi32, #tpu.memory_space<vmem>>
    %dma_wait3A_274 = arith.constant 0 : i32
    %dma_wait3A_275 = tpu.memref_slice %arg2[%add3A_198, %mul3A_202, %dma_wait3A_274] : memref<8x1024x128xi32, #tpu.memory_space<hbm>> -> memref<1x64x128xi32, #tpu.memory_space<hbm>>
    %dma_wait3A_276 = tpu.memref_squeeze %dma_wait3A_275 : memref<1x64x128xi32, #tpu.memory_space<hbm>> -> memref<64x128xi32, #tpu.memory_space<hbm>>
    tpu.wait_dma2 semaphore(%arg12 : memref<!tpu.dma_semaphore, #tpu.memory_space<semaphore_mem>>) src(%dma_wait3A_276 : memref<64x128xi32, #tpu.memory_space<hbm>>) dst(%dma_wait3A_273 : memref<64x128xi32, #tpu.memory_space<vmem>>)
    %dma_wait3A_277 = arith.constant 0 : i32
    %dma_wait3A_278 = arith.constant 0 : i32
    %dma_wait3A_279 = tpu.memref_slice %arg7[%dma_wait3A_277, %dma_wait3A_278] : memref<128x128xf32, #tpu.memory_space<vmem>> -> memref<64x128xf32, #tpu.memory_space<vmem>>
    %dma_wait3A_280 = arith.constant 0 : i32
    %dma_wait3A_281 = tpu.memref_slice %arg3[%add3A_200, %mul3A_216, %dma_wait3A_280] : memref<16x1024x128xf32, #tpu.memory_space<hbm>> -> memref<1x64x128xf32, #tpu.memory_space<hbm>>
    %dma_wait3A_282 = tpu.memref_squeeze %dma_wait3A_281 : memref<1x64x128xf32, #tpu.memory_space<hbm>> -> memref<64x128xf32, #tpu.memory_space<hbm>>
    %dma_wait3A_283 = arith.constant 0 : i32
    %dma_wait3A_284 = arith.constant 0 : i32
    %dma_wait3A_285 = tpu.memref_slice %arg7[%dma_wait3A_283, %dma_wait3A_284] : memref<128x128xf32, #tpu.memory_space<vmem>> -> memref<64x128xf32, #tpu.memory_space<vmem>>
    %dma_wait3A_286 = arith.constant 0 : i32
    %dma_wait3A_287 = tpu.memref_slice %arg3[%add3A_200, %mul3A_216, %dma_wait3A_286] : memref<16x1024x128xf32, #tpu.memory_space<hbm>> -> memref<1x64x128xf32, #tpu.memory_space<hbm>>
    %dma_wait3A_288 = tpu.memref_squeeze %dma_wait3A_287 : memref<1x64x128xf32, #tpu.memory_space<hbm>> -> memref<64x128xf32, #tpu.memory_space<hbm>>
    tpu.wait_dma2 semaphore(%arg12 : memref<!tpu.dma_semaphore, #tpu.memory_space<semaphore_mem>>) src(%dma_wait3A_288 : memref<64x128xf32, #tpu.memory_space<hbm>>) dst(%dma_wait3A_285 : memref<64x128xf32, #tpu.memory_space<vmem>>)
    %dma_wait3A_289 = arith.constant 64 : i32
    %dma_wait3A_290 = arith.constant 0 : i32
    %dma_wait3A_291 = tpu.memref_slice %arg6[%dma_wait3A_289, %dma_wait3A_290] : memref<128x128xi32, #tpu.memory_space<vmem>> -> memref<64x128xi32, #tpu.memory_space<vmem>>
    %dma_wait3A_292 = arith.constant 0 : i32
    %dma_wait3A_293 = tpu.memref_slice %arg2[%add3A_234, %mul3A_238, %dma_wait3A_292] : memref<8x1024x128xi32, #tpu.memory_space<hbm>> -> memref<1x64x128xi32, #tpu.memory_space<hbm>>
    %dma_wait3A_294 = tpu.memref_squeeze %dma_wait3A_293 : memref<1x64x128xi32, #tpu.memory_space<hbm>> -> memref<64x128xi32, #tpu.memory_space<hbm>>
    %dma_wait3A_295 = arith.constant 64 : i32
    %dma_wait3A_296 = arith.constant 0 : i32
    %dma_wait3A_297 = tpu.memref_slice %arg6[%dma_wait3A_295, %dma_wait3A_296] : memref<128x128xi32, #tpu.memory_space<vmem>> -> memref<64x128xi32, #tpu.memory_space<vmem>>
    %dma_wait3A_298 = arith.constant 0 : i32
    %dma_wait3A_299 = tpu.memref_slice %arg2[%add3A_234, %mul3A_238, %dma_wait3A_298] : memref<8x1024x128xi32, #tpu.memory_space<hbm>> -> memref<1x64x128xi32, #tpu.memory_space<hbm>>
    %dma_wait3A_300 = tpu.memref_squeeze %dma_wait3A_299 : memref<1x64x128xi32, #tpu.memory_space<hbm>> -> memref<64x128xi32, #tpu.memory_space<hbm>>
    tpu.wait_dma2 semaphore(%arg12 : memref<!tpu.dma_semaphore, #tpu.memory_space<semaphore_mem>>) src(%dma_wait3A_300 : memref<64x128xi32, #tpu.memory_space<hbm>>) dst(%dma_wait3A_297 : memref<64x128xi32, #tpu.memory_space<vmem>>)
    %dma_wait3A_301 = arith.constant 64 : i32
    %dma_wait3A_302 = arith.constant 0 : i32
    %dma_wait3A_303 = tpu.memref_slice %arg7[%dma_wait3A_301, %dma_wait3A_302] : memref<128x128xf32, #tpu.memory_space<vmem>> -> memref<64x128xf32, #tpu.memory_space<vmem>>
    %dma_wait3A_304 = arith.constant 0 : i32
    %dma_wait3A_305 = tpu.memref_slice %arg3[%add3A_236, %mul3A_252, %dma_wait3A_304] : memref<16x1024x128xf32, #tpu.memory_space<hbm>> -> memref<1x64x128xf32, #tpu.memory_space<hbm>>
    %dma_wait3A_306 = tpu.memref_squeeze %dma_wait3A_305 : memref<1x64x128xf32, #tpu.memory_space<hbm>> -> memref<64x128xf32, #tpu.memory_space<hbm>>
    %dma_wait3A_307 = arith.constant 64 : i32
    %dma_wait3A_308 = arith.constant 0 : i32
    %dma_wait3A_309 = tpu.memref_slice %arg7[%dma_wait3A_307, %dma_wait3A_308] : memref<128x128xf32, #tpu.memory_space<vmem>> -> memref<64x128xf32, #tpu.memory_space<vmem>>
    %dma_wait3A_310 = arith.constant 0 : i32
    %dma_wait3A_311 = tpu.memref_slice %arg3[%add3A_236, %mul3A_252, %dma_wait3A_310] : memref<16x1024x128xf32, #tpu.memory_space<hbm>> -> memref<1x64x128xf32, #tpu.memory_space<hbm>>
    %dma_wait3A_312 = tpu.memref_squeeze %dma_wait3A_311 : memref<1x64x128xf32, #tpu.memory_space<hbm>> -> memref<64x128xf32, #tpu.memory_space<hbm>>
    tpu.wait_dma2 semaphore(%arg12 : memref<!tpu.dma_semaphore, #tpu.memory_space<semaphore_mem>>) src(%dma_wait3A_312 : memref<64x128xf32, #tpu.memory_space<hbm>>) dst(%dma_wait3A_309 : memref<64x128xf32, #tpu.memory_space<vmem>>)
    %scan3A_313 = arith.constant 0 : i32
    %scan3A_314 = arith.constant 16 : i32
    %scan3A_315 = arith.addi %scan3A_313, %scan3A_314 : i32
    %scan3A_316 = arith.constant 1 : i32
    scf.for %scan3A_380 = %scan3A_313 to %scan3A_315 step %scan3A_316  : i32 {
      %mul3A_381 = arith.constant 1 : i32
      %mul3A_382 = arith.muli %scan3A_380, %mul3A_381 : i32
      %add3A_383 = arith.constant 0 : i32
      %add3A_384 = arith.addi %add3A_383, %mul3A_382 : i32
      %add3A_385 = arith.constant 0 : i32
      %add3A_386 = arith.addi %add3A_385, %add3A_384 : i32
      %dma_start3A_387 = arith.constant 0 : i32
      %dma_start3A_388 = tpu.memref_slice %arg7[%add3A_386, %dma_start3A_387] : memref<128x128xf32, #tpu.memory_space<vmem>> -> memref<1x128xf32, #tpu.memory_space<vmem>>
      %dma_start3A_389 = tpu.memref_squeeze %dma_start3A_388 : memref<1x128xf32, #tpu.memory_space<vmem>> -> memref<128xf32, #tpu.memory_space<vmem>>
      %dma_start3A_390 = arith.constant 0 : i32
      %dma_start3A_391 = tpu.memref_slice %arg6[%add3A_386, %dma_start3A_390] : memref<128x128xi32, #tpu.memory_space<vmem>> -> memref<1x128xi32, #tpu.memory_space<vmem>>
      %dma_start3A_392 = tpu.memref_squeeze %dma_start3A_391 : memref<1x128xi32, #tpu.memory_space<vmem>> -> memref<128xi32, #tpu.memory_space<vmem>>
      %dma_start3A_393 = arith.constant 0 : i32
      %dma_start3A_394 = tpu.memref_slice %arg10[%dma_start3A_393] : memref<393216xf32, #tpu.memory_space<vmem_shared>> -> memref<393216xf32, #tpu.memory_space<vmem_shared>>
      tpu.enqueue_indirect_dma source(%dma_start3A_389 : memref<128xf32, #tpu.memory_space<vmem>>) target(%dma_start3A_394 : memref<393216xf32, #tpu.memory_space<vmem_shared>>) offsets(%dma_start3A_392 : memref<128xi32, #tpu.memory_space<vmem>>) semaphore(%arg13 : memref<!tpu.dma_semaphore, #tpu.memory_space<semaphore_mem>>) {add = true}
      %dma_start3A_395 = arith.constant 0 : i32
      %dma_start3A_396 = tpu.memref_slice %arg6[%add3A_386, %dma_start3A_395] : memref<128x128xi32, #tpu.memory_space<vmem>> -> memref<1x128xi32, #tpu.memory_space<vmem>>
      %dma_start3A_397 = tpu.memref_squeeze %dma_start3A_396 : memref<1x128xi32, #tpu.memory_space<vmem>> -> memref<128xi32, #tpu.memory_space<vmem>>
      %dma_start3A_398 = arith.constant 0 : i32
      %dma_start3A_399 = tpu.memref_slice %arg11[%dma_start3A_398] : memref<393216xf32, #tpu.memory_space<vmem_shared>> -> memref<393216xf32, #tpu.memory_space<vmem_shared>>
      tpu.enqueue_indirect_dma source(%arg8 : memref<128xf32, #tpu.memory_space<vmem>>) target(%dma_start3A_399 : memref<393216xf32, #tpu.memory_space<vmem_shared>>) offsets(%dma_start3A_397 : memref<128xi32, #tpu.memory_space<vmem>>) semaphore(%arg13 : memref<!tpu.dma_semaphore, #tpu.memory_space<semaphore_mem>>) {add = true}
    }
    %scan3A_317 = arith.constant 16 : i32
    %scan3A_318 = arith.constant 0 : i32
    %scan3A_319 = arith.constant 7 : i32
    %scan3A_320 = arith.addi %scan3A_318, %scan3A_319 : i32
    %scan3A_321 = arith.constant 1 : i32
    scf.for %scan3A_380 = %scan3A_318 to %scan3A_320 step %scan3A_321  : i32 {
      %mul3A_381 = arith.constant 1 : i32
      %mul3A_382 = arith.muli %scan3A_380, %mul3A_381 : i32
      %add3A_383 = arith.constant 0 : i32
      %add3A_384 = arith.addi %add3A_383, %mul3A_382 : i32
      %add3A_385 = arith.constant 1 : i32
      %add3A_386 = arith.addi %add3A_384, %add3A_385 : i32
      %scan3A_387 = arith.constant 0 : i32
      %scan3A_388 = arith.constant 16 : i32
      %scan3A_389 = arith.addi %scan3A_387, %scan3A_388 : i32
      %scan3A_390 = arith.constant 1 : i32
      scf.for %scan3A_397 = %scan3A_387 to %scan3A_389 step %scan3A_390  : i32 {
        %mul3A_398 = arith.constant 1 : i32
        %mul3A_399 = arith.muli %scan3A_397, %mul3A_398 : i32
        %add3A_400 = arith.constant 0 : i32
        %add3A_401 = arith.addi %add3A_400, %mul3A_399 : i32
        %mul3A_402 = arith.constant 16 : i32
        %mul3A_403 = arith.muli %add3A_386, %mul3A_402 : i32
        %add3A_404 = arith.addi %mul3A_403, %add3A_401 : i32
        %dma_start3A_405 = arith.constant 0 : i32
        %dma_start3A_406 = tpu.memref_slice %arg7[%add3A_404, %dma_start3A_405] : memref<128x128xf32, #tpu.memory_space<vmem>> -> memref<1x128xf32, #tpu.memory_space<vmem>>
        %dma_start3A_407 = tpu.memref_squeeze %dma_start3A_406 : memref<1x128xf32, #tpu.memory_space<vmem>> -> memref<128xf32, #tpu.memory_space<vmem>>
        %dma_start3A_408 = arith.constant 0 : i32
        %dma_start3A_409 = tpu.memref_slice %arg6[%add3A_404, %dma_start3A_408] : memref<128x128xi32, #tpu.memory_space<vmem>> -> memref<1x128xi32, #tpu.memory_space<vmem>>
        %dma_start3A_410 = tpu.memref_squeeze %dma_start3A_409 : memref<1x128xi32, #tpu.memory_space<vmem>> -> memref<128xi32, #tpu.memory_space<vmem>>
        %dma_start3A_411 = arith.constant 0 : i32
        %dma_start3A_412 = tpu.memref_slice %arg10[%dma_start3A_411] : memref<393216xf32, #tpu.memory_space<vmem_shared>> -> memref<393216xf32, #tpu.memory_space<vmem_shared>>
        tpu.enqueue_indirect_dma source(%dma_start3A_407 : memref<128xf32, #tpu.memory_space<vmem>>) target(%dma_start3A_412 : memref<393216xf32, #tpu.memory_space<vmem_shared>>) offsets(%dma_start3A_410 : memref<128xi32, #tpu.memory_space<vmem>>) semaphore(%arg13 : memref<!tpu.dma_semaphore, #tpu.memory_space<semaphore_mem>>) {add = true}
        %dma_start3A_413 = arith.constant 0 : i32
        %dma_start3A_414 = tpu.memref_slice %arg6[%add3A_404, %dma_start3A_413] : memref<128x128xi32, #tpu.memory_space<vmem>> -> memref<1x128xi32, #tpu.memory_space<vmem>>
        %dma_start3A_415 = tpu.memref_squeeze %dma_start3A_414 : memref<1x128xi32, #tpu.memory_space<vmem>> -> memref<128xi32, #tpu.memory_space<vmem>>
        %dma_start3A_416 = arith.constant 0 : i32
        %dma_start3A_417 = tpu.memref_slice %arg11[%dma_start3A_416] : memref<393216xf32, #tpu.memory_space<vmem_shared>> -> memref<393216xf32, #tpu.memory_space<vmem_shared>>
        tpu.enqueue_indirect_dma source(%arg8 : memref<128xf32, #tpu.memory_space<vmem>>) target(%dma_start3A_417 : memref<393216xf32, #tpu.memory_space<vmem_shared>>) offsets(%dma_start3A_415 : memref<128xi32, #tpu.memory_space<vmem>>) semaphore(%arg13 : memref<!tpu.dma_semaphore, #tpu.memory_space<semaphore_mem>>) {add = true}
      }
      %scan3A_391 = arith.constant 16 : i32
      %scan3A_392 = arith.constant 0 : i32
      %scan3A_393 = arith.constant 16 : i32
      %scan3A_394 = arith.addi %scan3A_392, %scan3A_393 : i32
      %scan3A_395 = arith.constant 1 : i32
      scf.for %scan3A_397 = %scan3A_392 to %scan3A_394 step %scan3A_395  : i32 {
        %mul3A_398 = arith.constant 1 : i32
        %mul3A_399 = arith.muli %scan3A_397, %mul3A_398 : i32
        %add3A_400 = arith.constant 0 : i32
        %add3A_401 = arith.addi %add3A_400, %mul3A_399 : i32
        %mul3A_402 = arith.constant 16 : i32
        %mul3A_403 = arith.muli %add3A_384, %mul3A_402 : i32
        %add3A_404 = arith.addi %mul3A_403, %add3A_401 : i32
        %dma_wait3A_405 = arith.constant 0 : i32
        %dma_wait3A_406 = tpu.memref_slice %arg7[%add3A_404, %dma_wait3A_405] : memref<128x128xf32, #tpu.memory_space<vmem>> -> memref<1x128xf32, #tpu.memory_space<vmem>>
        %dma_wait3A_407 = tpu.memref_squeeze %dma_wait3A_406 : memref<1x128xf32, #tpu.memory_space<vmem>> -> memref<128xf32, #tpu.memory_space<vmem>>
        %dma_wait3A_408 = arith.constant 0 : i32
        %dma_wait3A_409 = tpu.memref_slice %arg6[%add3A_404, %dma_wait3A_408] : memref<128x128xi32, #tpu.memory_space<vmem>> -> memref<1x128xi32, #tpu.memory_space<vmem>>
        %dma_wait3A_410 = tpu.memref_squeeze %dma_wait3A_409 : memref<1x128xi32, #tpu.memory_space<vmem>> -> memref<128xi32, #tpu.memory_space<vmem>>
        %dma_wait3A_411 = arith.constant 0 : i32
        %dma_wait3A_412 = tpu.memref_slice %arg10[%dma_wait3A_411] : memref<393216xf32, #tpu.memory_space<vmem_shared>> -> memref<393216xf32, #tpu.memory_space<vmem_shared>>
        tpu.wait_indirect_dma semaphore(%arg13 : memref<!tpu.dma_semaphore, #tpu.memory_space<semaphore_mem>>) src(%dma_wait3A_407 : memref<128xf32, #tpu.memory_space<vmem>>) dst(%dma_wait3A_412 : memref<393216xf32, #tpu.memory_space<vmem_shared>>)
        %dma_wait3A_413 = arith.constant 0 : i32
        %dma_wait3A_414 = tpu.memref_slice %arg6[%add3A_404, %dma_wait3A_413] : memref<128x128xi32, #tpu.memory_space<vmem>> -> memref<1x128xi32, #tpu.memory_space<vmem>>
        %dma_wait3A_415 = tpu.memref_squeeze %dma_wait3A_414 : memref<1x128xi32, #tpu.memory_space<vmem>> -> memref<128xi32, #tpu.memory_space<vmem>>
        %dma_wait3A_416 = arith.constant 0 : i32
        %dma_wait3A_417 = tpu.memref_slice %arg11[%dma_wait3A_416] : memref<393216xf32, #tpu.memory_space<vmem_shared>> -> memref<393216xf32, #tpu.memory_space<vmem_shared>>
        tpu.wait_indirect_dma semaphore(%arg13 : memref<!tpu.dma_semaphore, #tpu.memory_space<semaphore_mem>>) src(%arg8 : memref<128xf32, #tpu.memory_space<vmem>>) dst(%dma_wait3A_417 : memref<393216xf32, #tpu.memory_space<vmem_shared>>)
      }
      %scan3A_396 = arith.constant 16 : i32
    }
    %scan3A_322 = arith.constant 7 : i32
    %scan3A_323 = arith.constant 0 : i32
    %scan3A_324 = arith.constant 16 : i32
    %scan3A_325 = arith.addi %scan3A_323, %scan3A_324 : i32
    %scan3A_326 = arith.constant 1 : i32
    scf.for %scan3A_380 = %scan3A_323 to %scan3A_325 step %scan3A_326  : i32 {
      %mul3A_381 = arith.constant 1 : i32
      %mul3A_382 = arith.muli %scan3A_380, %mul3A_381 : i32
      %add3A_383 = arith.constant 0 : i32
      %add3A_384 = arith.addi %add3A_383, %mul3A_382 : i32
      %add3A_385 = arith.constant 112 : i32
      %add3A_386 = arith.addi %add3A_385, %add3A_384 : i32
      %dma_wait3A_387 = arith.constant 0 : i32
      %dma_wait3A_388 = tpu.memref_slice %arg7[%add3A_386, %dma_wait3A_387] : memref<128x128xf32, #tpu.memory_space<vmem>> -> memref<1x128xf32, #tpu.memory_space<vmem>>
      %dma_wait3A_389 = tpu.memref_squeeze %dma_wait3A_388 : memref<1x128xf32, #tpu.memory_space<vmem>> -> memref<128xf32, #tpu.memory_space<vmem>>
      %dma_wait3A_390 = arith.constant 0 : i32
      %dma_wait3A_391 = tpu.memref_slice %arg6[%add3A_386, %dma_wait3A_390] : memref<128x128xi32, #tpu.memory_space<vmem>> -> memref<1x128xi32, #tpu.memory_space<vmem>>
      %dma_wait3A_392 = tpu.memref_squeeze %dma_wait3A_391 : memref<1x128xi32, #tpu.memory_space<vmem>> -> memref<128xi32, #tpu.memory_space<vmem>>
      %dma_wait3A_393 = arith.constant 0 : i32
      %dma_wait3A_394 = tpu.memref_slice %arg10[%dma_wait3A_393] : memref<393216xf32, #tpu.memory_space<vmem_shared>> -> memref<393216xf32, #tpu.memory_space<vmem_shared>>
      tpu.wait_indirect_dma semaphore(%arg13 : memref<!tpu.dma_semaphore, #tpu.memory_space<semaphore_mem>>) src(%dma_wait3A_389 : memref<128xf32, #tpu.memory_space<vmem>>) dst(%dma_wait3A_394 : memref<393216xf32, #tpu.memory_space<vmem_shared>>)
      %dma_wait3A_395 = arith.constant 0 : i32
      %dma_wait3A_396 = tpu.memref_slice %arg6[%add3A_386, %dma_wait3A_395] : memref<128x128xi32, #tpu.memory_space<vmem>> -> memref<1x128xi32, #tpu.memory_space<vmem>>
      %dma_wait3A_397 = tpu.memref_squeeze %dma_wait3A_396 : memref<1x128xi32, #tpu.memory_space<vmem>> -> memref<128xi32, #tpu.memory_space<vmem>>
      %dma_wait3A_398 = arith.constant 0 : i32
      %dma_wait3A_399 = tpu.memref_slice %arg11[%dma_wait3A_398] : memref<393216xf32, #tpu.memory_space<vmem_shared>> -> memref<393216xf32, #tpu.memory_space<vmem_shared>>
      tpu.wait_indirect_dma semaphore(%arg13 : memref<!tpu.dma_semaphore, #tpu.memory_space<semaphore_mem>>) src(%arg8 : memref<128xf32, #tpu.memory_space<vmem>>) dst(%dma_wait3A_399 : memref<393216xf32, #tpu.memory_space<vmem_shared>>)
    }
    %scan3A_327 = arith.constant 16 : i32
    %barrier3A_328 = arith.constant 0 : index
    tpu.barrier barrier_id(%barrier3A_328)
    %mul3A_329 = arith.constant 4 : i32
    %mul3A_330 = arith.muli %arg0, %mul3A_329 : i32
    %add3A_331 = arith.constant 2 : i32
    %add3A_332 = arith.addi %mul3A_330, %add3A_331 : i32
    %jit3A_333 = arith.constant 8 : i32
    %div3A_334 = arith.divsi %arg1, %jit3A_333 : i32
    %sign3A_335 = arith.constant 0 : i32
    %sign3A_336 = arith.cmpi sgt, %arg1, %sign3A_335 : i32
    %sign3A_337 = arith.extui %sign3A_336 : i1 to i32
    %sign3A_338 = arith.constant 0 : i32
    %sign3A_339 = arith.cmpi slt, %arg1, %sign3A_338 : i32
    %sign3A_340 = arith.extui %sign3A_339 : i1 to i32
    %sign3A_341 = arith.subi %sign3A_337, %sign3A_340 : i32
    %sign3A_342 = arith.constant 0 : i32
    %sign3A_343 = arith.cmpi sgt, %jit3A_333, %sign3A_342 : i32
    %sign3A_344 = arith.extui %sign3A_343 : i1 to i32
    %sign3A_345 = arith.constant 0 : i32
    %sign3A_346 = arith.cmpi slt, %jit3A_333, %sign3A_345 : i32
    %sign3A_347 = arith.extui %sign3A_346 : i1 to i32
    %sign3A_348 = arith.subi %sign3A_344, %sign3A_347 : i32
    %ne3A_349 = arith.cmpi ne, %sign3A_341, %sign3A_348 : i32
    %rem3A_350 = arith.remsi %arg1, %jit3A_333 : i32
    %ne3A_351 = arith.constant 0 : i32
    %ne3A_352 = arith.cmpi ne, %rem3A_350, %ne3A_351 : i32
    %and3A_353 = arith.andi %ne3A_349, %ne3A_352 : i1
    %sub3A_354 = arith.constant 1 : i32
    %sub3A_355 = arith.subi %div3A_334, %sub3A_354 : i32
    %select_n3A_356 = arith.select %and3A_353, %sub3A_355, %div3A_334 : i32
    %add3A_357 = arith.addi %add3A_332, %select_n3A_356 : i32
    %jit3A_358 = arith.constant 8 : i32
    %eq3A_359 = arith.constant 0 : i32
    %eq3A_360 = arith.cmpi eq, %jit3A_358, %eq3A_359 : i32
    %jit3A_361 = arith.constant 1 : i32
    %select_n3A_362 = arith.select %eq3A_360, %jit3A_361, %jit3A_358 : i32
    %rem3A_363 = arith.remsi %arg1, %select_n3A_362 : i32
    %ne3A_364 = arith.constant 0 : i32
    %ne3A_365 = arith.cmpi ne, %rem3A_363, %ne3A_364 : i32
    %lt3A_366 = arith.constant 0 : i32
    %lt3A_367 = arith.cmpi slt, %rem3A_363, %lt3A_366 : i32
    %lt3A_368 = arith.constant 0 : i32
    %lt3A_369 = arith.cmpi slt, %select_n3A_362, %lt3A_368 : i32
    %ne3A_370 = arith.xori %lt3A_367, %lt3A_369 : i1
    %and3A_371 = arith.andi %ne3A_370, %ne3A_365 : i1
    %add3A_372 = arith.addi %rem3A_363, %select_n3A_362 : i32
    %select_n3A_373 = arith.select %and3A_371, %add3A_372, %rem3A_363 : i32
    %mul3A_374 = arith.constant 24576 : i32
    %mul3A_375 = arith.muli %select_n3A_373, %mul3A_374 : i32
    %mul3A_376 = arith.constant 24576 : i32
    %mul3A_377 = arith.muli %arg1, %mul3A_376 : i32
    "tpu.region"() ({
      %run_scoped3A = tpu.sem_alloc : memref<!tpu.dma_semaphore, #tpu.memory_space<semaphore_mem>>
      %dma_start3A_380 = tpu.memref_slice %arg4[%add3A_357, %mul3A_375] : memref<8x196608xf32, #tpu.memory_space<hbm>> -> memref<1x24576xf32, #tpu.memory_space<hbm>>
      %dma_start3A_381 = tpu.memref_squeeze %dma_start3A_380 : memref<1x24576xf32, #tpu.memory_space<hbm>> -> memref<24576xf32, #tpu.memory_space<hbm>>
      %dma_start3A_382 = tpu.memref_slice %arg10[%mul3A_377] : memref<393216xf32, #tpu.memory_space<vmem_shared>> -> memref<24576xf32, #tpu.memory_space<vmem_shared>>
      tpu.enqueue_dma source(%dma_start3A_382 : memref<24576xf32, #tpu.memory_space<vmem_shared>>) target(%dma_start3A_381 : memref<24576xf32, #tpu.memory_space<hbm>>) target_semaphore(%run_scoped3A : memref<!tpu.dma_semaphore, #tpu.memory_space<semaphore_mem>>)
      %dma_wait3A_383 = tpu.memref_slice %arg4[%add3A_357, %mul3A_375] : memref<8x196608xf32, #tpu.memory_space<hbm>> -> memref<1x24576xf32, #tpu.memory_space<hbm>>
      %dma_wait3A_384 = tpu.memref_squeeze %dma_wait3A_383 : memref<1x24576xf32, #tpu.memory_space<hbm>> -> memref<24576xf32, #tpu.memory_space<hbm>>
      %dma_wait3A_385 = tpu.memref_slice %arg10[%mul3A_377] : memref<393216xf32, #tpu.memory_space<vmem_shared>> -> memref<24576xf32, #tpu.memory_space<vmem_shared>>
      tpu.wait_dma2 semaphore(%run_scoped3A : memref<!tpu.dma_semaphore, #tpu.memory_space<semaphore_mem>>) src(%dma_wait3A_385 : memref<24576xf32, #tpu.memory_space<vmem_shared>>) dst(%dma_wait3A_384 : memref<24576xf32, #tpu.memory_space<hbm>>)
      tpu.yield
    }) : () -> ()
    %mul3A_378 = arith.constant 24576 : i32
    %mul3A_379 = arith.muli %arg1, %mul3A_378 : i32
    "tpu.region"() ({
      %run_scoped3A = tpu.sem_alloc : memref<!tpu.dma_semaphore, #tpu.memory_space<semaphore_mem>>
      %dma_start3A_380 = tpu.memref_slice %arg5[%add3A_357, %mul3A_375] : memref<8x196608xf32, #tpu.memory_space<hbm>> -> memref<1x24576xf32, #tpu.memory_space<hbm>>
      %dma_start3A_381 = tpu.memref_squeeze %dma_start3A_380 : memref<1x24576xf32, #tpu.memory_space<hbm>> -> memref<24576xf32, #tpu.memory_space<hbm>>
      %dma_start3A_382 = tpu.memref_slice %arg11[%mul3A_379] : memref<393216xf32, #tpu.memory_space<vmem_shared>> -> memref<24576xf32, #tpu.memory_space<vmem_shared>>
      tpu.enqueue_dma source(%dma_start3A_382 : memref<24576xf32, #tpu.memory_space<vmem_shared>>) target(%dma_start3A_381 : memref<24576xf32, #tpu.memory_space<hbm>>) target_semaphore(%run_scoped3A : memref<!tpu.dma_semaphore, #tpu.memory_space<semaphore_mem>>)
      %dma_wait3A_383 = tpu.memref_slice %arg5[%add3A_357, %mul3A_375] : memref<8x196608xf32, #tpu.memory_space<hbm>> -> memref<1x24576xf32, #tpu.memory_space<hbm>>
      %dma_wait3A_384 = tpu.memref_squeeze %dma_wait3A_383 : memref<1x24576xf32, #tpu.memory_space<hbm>> -> memref<24576xf32, #tpu.memory_space<hbm>>
      %dma_wait3A_385 = tpu.memref_slice %arg11[%mul3A_379] : memref<393216xf32, #tpu.memory_space<vmem_shared>> -> memref<24576xf32, #tpu.memory_space<vmem_shared>>
      tpu.wait_dma2 semaphore(%run_scoped3A : memref<!tpu.dma_semaphore, #tpu.memory_space<semaphore_mem>>) src(%dma_wait3A_385 : memref<24576xf32, #tpu.memory_space<vmem_shared>>) dst(%dma_wait3A_384 : memref<24576xf32, #tpu.memory_space<hbm>>)
      tpu.yield
    }) : () -> ()
    return
  }
}

#map = affine_map<(d0, d1) -> (0, 0, 0)>
#map1 = affine_map<(d0, d1) -> (0, 0)>
module attributes {stable_mosaic.version = 14 : i64} {
  func.func @_sc_scatter_body(%arg0: i32, %arg1: i32, %arg2: memref<8x1024x128xi32, #tpu.memory_space<hbm>>, %arg3: memref<16x1024x128xf32, #tpu.memory_space<hbm>>, %arg4: memref<8x196608xf32, #tpu.memory_space<hbm>>, %arg5: memref<8x196608xf32, #tpu.memory_space<hbm>>, %arg6: memref<128x128xi32, #tpu.memory_space<vmem>>, %arg7: memref<128x128xf32, #tpu.memory_space<vmem>>, %arg8: memref<128xf32, #tpu.memory_space<vmem>>, %arg9: memref<4096xf32, #tpu.memory_space<vmem>>, %arg10: memref<393216xf32, #tpu.memory_space<vmem_shared>>, %arg11: memref<393216xf32, #tpu.memory_space<vmem_shared>>, %arg12: memref<!tpu.dma_semaphore, #tpu.memory_space<semaphore_mem>>, %arg13: memref<!tpu.dma_semaphore, #tpu.memory_space<semaphore_mem>>) attributes {dimension_semantics = [#tpu.dimension_semantics<core_parallel>, #tpu.dimension_semantics<subcore_parallel>], iteration_bounds = array<i64: 2, 16>, scalar_prefetch = 0 : i64, scratch_operands = 8 : i64, tpu.core_type = #tpu.core_type<sc_vector_subcore>, window_params = [{transform_indices = #map}, {transform_indices = #map}, {transform_indices = #map1}, {transform_indices = #map1}]} {
    %scan3A = arith.constant 0 : i32
    %scan3A_0 = arith.constant 256 : i32
    %scan3A_1 = arith.addi %scan3A, %scan3A_0 : i32
    %scan3A_2 = arith.constant 1 : i32
    scf.for %scan3A_380 = %scan3A to %scan3A_1 step %scan3A_2  : i32 {
      %mul3A_381 = arith.constant 1 : i32
      %mul3A_382 = arith.muli %scan3A_380, %mul3A_381 : i32
      %add3A_383 = arith.constant 0 : i32
      %add3A_384 = arith.addi %add3A_383, %mul3A_382 : i32
      %broadcast_in_dim3A = arith.constant 0.000000e+00 : f32
      %broadcast_in_dim3A_385 = vector.broadcast %broadcast_in_dim3A : f32 to vector<16xf32>
      %mul3A_386 = arith.constant 16 : i32
      %mul3A_387 = arith.muli %add3A_384, %mul3A_386 : i32
      %swap3A = arith.index_cast %mul3A_387 : i32 to index
      %swap3A_388 = tpu.vector_load %arg9[%swap3A] {strides = array<i32>} : memref<4096xf32, #tpu.memory_space<vmem>>, vector<16xf32>,
      %swap3A_389 = vector.shape_cast %swap3A_388 : vector<16xf32> to vector<16xf32>
      %swap3A_390 = vector.shape_cast %broadcast_in_dim3A_385 : vector<16xf32> to vector<16xf32>
      tpu.vector_store %arg9[%swap3A], %swap3A_390 {strides = array<i32>} : memref<4096xf32, #tpu.memory_space<vmem>>, vector<16xf32>,
    }
    %scan3A_3 = arith.constant 256 : i32
    %scan3A_4 = arith.constant 0 : i32
    %scan3A_5 = arith.constant 8 : i32
    %scan3A_6 = arith.addi %scan3A_4, %scan3A_5 : i32
    %scan3A_7 = arith.constant 1 : i32
    scf.for %scan3A_380 = %scan3A_4 to %scan3A_6 step %scan3A_7  : i32 {
      %mul3A_381 = arith.constant 1 : i32
      %mul3A_382 = arith.muli %scan3A_380, %mul3A_381 : i32
      %add3A_383 = arith.constant 0 : i32
      %add3A_384 = arith.addi %add3A_383, %mul3A_382 : i32
      %broadcast_in_dim3A = arith.constant 1.000000e+00 : f32
      %broadcast_in_dim3A_385 = vector.broadcast %broadcast_in_dim3A : f32 to vector<16xf32>
      %mul3A_386 = arith.constant 16 : i32
      %mul3A_387 = arith.muli %add3A_384, %mul3A_386 : i32
      %swap3A = arith.index_cast %mul3A_387 : i32 to index
      %swap3A_388 = tpu.vector_load %arg8[%swap3A] {strides = array<i32>} : memref<128xf32, #tpu.memory_space<vmem>>, vector<16xf32>,
      %swap3A_389 = vector.shape_cast %swap3A_388 : vector<16xf32> to vector<16xf32>
      %swap3A_390 = vector.shape_cast %broadcast_in_dim3A_385 : vector<16xf32> to vector<16xf32>
      tpu.vector_store %arg8[%swap3A], %swap3A_390 {strides = array<i32>} : memref<128xf32, #tpu.memory_space<vmem>>, vector<16xf32>,
    }
    %scan3A_8 = arith.constant 8 : i32
    %scan3A_9 = arith.constant 0 : i32
    %scan3A_10 = arith.constant 6 : i32
    %scan3A_11 = arith.addi %scan3A_9, %scan3A_10 : i32
    %scan3A_12 = arith.constant 1 : i32
    scf.for %scan3A_380 = %scan3A_9 to %scan3A_11 step %scan3A_12  : i32 {
      %mul3A_381 = arith.constant 1 : i32
      %mul3A_382 = arith.muli %scan3A_380, %mul3A_381 : i32
      %add3A_383 = arith.constant 0 : i32
      %add3A_384 = arith.addi %add3A_383, %mul3A_382 : i32
      %mul3A_385 = arith.constant 24576 : i32
      %mul3A_386 = arith.muli %arg1, %mul3A_385 : i32
      %mul3A_387 = arith.constant 4096 : i32
      %mul3A_388 = arith.muli %add3A_384, %mul3A_387 : i32
      %add3A_389 = arith.addi %mul3A_386, %mul3A_388 : i32
      "tpu.region"() ({
        %run_scoped3A = tpu.sem_alloc : memref<!tpu.dma_semaphore, #tpu.memory_space<semaphore_mem>>
        %dma_start3A_390 = tpu.memref_slice %arg10[%add3A_389] : memref<393216xf32, #tpu.memory_space<vmem_shared>> -> memref<4096xf32, #tpu.memory_space<vmem_shared>>
        %dma_start3A_391 = tpu.memref_slice %arg10[%add3A_389] : memref<393216xf32, #tpu.memory_space<vmem_shared>> -> memref<4096xf32, #tpu.memory_space<vmem_shared>>
        tpu.enqueue_dma source(%arg9 : memref<4096xf32, #tpu.memory_space<vmem>>) target(%dma_start3A_391 : memref<4096xf32, #tpu.memory_space<vmem_shared>>) target_semaphore(%run_scoped3A : memref<!tpu.dma_semaphore, #tpu.memory_space<semaphore_mem>>)
        %dma_wait3A_392 = tpu.memref_slice %arg10[%add3A_389] : memref<393216xf32, #tpu.memory_space<vmem_shared>> -> memref<4096xf32, #tpu.memory_space<vmem_shared>>
        %dma_wait3A_393 = tpu.memref_slice %arg10[%add3A_389] : memref<393216xf32, #tpu.memory_space<vmem_shared>> -> memref<4096xf32, #tpu.memory_space<vmem_shared>>
        tpu.wait_dma2 semaphore(%run_scoped3A : memref<!tpu.dma_semaphore, #tpu.memory_space<semaphore_mem>>) src(%arg9 : memref<4096xf32, #tpu.memory_space<vmem>>) dst(%dma_wait3A_393 : memref<4096xf32, #tpu.memory_space<vmem_shared>>)
        tpu.yield
      }) : () -> ()
      "tpu.region"() ({
        %run_scoped3A = tpu.sem_alloc : memref<!tpu.dma_semaphore, #tpu.memory_space<semaphore_mem>>
        %dma_start3A_390 = tpu.memref_slice %arg11[%add3A_389] : memref<393216xf32, #tpu.memory_space<vmem_shared>> -> memref<4096xf32, #tpu.memory_space<vmem_shared>>
        %dma_start3A_391 = tpu.memref_slice %arg11[%add3A_389] : memref<393216xf32, #tpu.memory_space<vmem_shared>> -> memref<4096xf32, #tpu.memory_space<vmem_shared>>
        tpu.enqueue_dma source(%arg9 : memref<4096xf32, #tpu.memory_space<vmem>>) target(%dma_start3A_391 : memref<4096xf32, #tpu.memory_space<vmem_shared>>) target_semaphore(%run_scoped3A : memref<!tpu.dma_semaphore, #tpu.memory_space<semaphore_mem>>)
        %dma_wait3A_392 = tpu.memref_slice %arg11[%add3A_389] : memref<393216xf32, #tpu.memory_space<vmem_shared>> -> memref<4096xf32, #tpu.memory_space<vmem_shared>>
        %dma_wait3A_393 = tpu.memref_slice %arg11[%add3A_389] : memref<393216xf32, #tpu.memory_space<vmem_shared>> -> memref<4096xf32, #tpu.memory_space<vmem_shared>>
        tpu.wait_dma2 semaphore(%run_scoped3A : memref<!tpu.dma_semaphore, #tpu.memory_space<semaphore_mem>>) src(%arg9 : memref<4096xf32, #tpu.memory_space<vmem>>) dst(%dma_wait3A_393 : memref<4096xf32, #tpu.memory_space<vmem_shared>>)
        tpu.yield
      }) : () -> ()
    }
    %scan3A_13 = arith.constant 6 : i32
    %barrier3A = arith.constant 0 : index
    tpu.barrier barrier_id(%barrier3A)
    %mul3A = arith.constant 4 : i32
    %mul3A_14 = arith.muli %arg0, %mul3A : i32
    %add3A = arith.constant 0 : i32
    %add3A_15 = arith.addi %mul3A_14, %add3A : i32
    %add3A_16 = arith.constant 0 : i32
    %add3A_17 = arith.addi %add3A_15, %add3A_16 : i32
    %add3A_18 = arith.constant 8 : i32
    %add3A_19 = arith.addi %add3A_18, %add3A_17 : i32
    %mul3A_20 = arith.constant 64 : i32
    %mul3A_21 = arith.muli %arg1, %mul3A_20 : i32
    %dma_start3A = arith.constant 0 : i32
    %dma_start3A_22 = arith.constant 0 : i32
    %dma_start3A_23 = tpu.memref_slice %arg6[%dma_start3A, %dma_start3A_22] : memref<128x128xi32, #tpu.memory_space<vmem>> -> memref<64x128xi32, #tpu.memory_space<vmem>>
    %dma_start3A_24 = arith.constant 0 : i32
    %dma_start3A_25 = tpu.memref_slice %arg2[%add3A_17, %mul3A_21, %dma_start3A_24] : memref<8x1024x128xi32, #tpu.memory_space<hbm>> -> memref<1x64x128xi32, #tpu.memory_space<hbm>>
    %dma_start3A_26 = tpu.memref_squeeze %dma_start3A_25 : memref<1x64x128xi32, #tpu.memory_space<hbm>> -> memref<64x128xi32, #tpu.memory_space<hbm>>
    %dma_start3A_27 = arith.constant 0 : i32
    %dma_start3A_28 = arith.constant 0 : i32
    %dma_start3A_29 = tpu.memref_slice %arg6[%dma_start3A_27, %dma_start3A_28] : memref<128x128xi32, #tpu.memory_space<vmem>> -> memref<64x128xi32, #tpu.memory_space<vmem>>
    %dma_start3A_30 = arith.constant 0 : i32
    %dma_start3A_31 = tpu.memref_slice %arg2[%add3A_17, %mul3A_21, %dma_start3A_30] : memref<8x1024x128xi32, #tpu.memory_space<hbm>> -> memref<1x64x128xi32, #tpu.memory_space<hbm>>
    %dma_start3A_32 = tpu.memref_squeeze %dma_start3A_31 : memref<1x64x128xi32, #tpu.memory_space<hbm>> -> memref<64x128xi32, #tpu.memory_space<hbm>>
    tpu.enqueue_dma source(%dma_start3A_32 : memref<64x128xi32, #tpu.memory_space<hbm>>) target(%dma_start3A_29 : memref<64x128xi32, #tpu.memory_space<vmem>>) target_semaphore(%arg12 : memref<!tpu.dma_semaphore, #tpu.memory_space<semaphore_mem>>)
    %mul3A_33 = arith.constant 64 : i32
    %mul3A_34 = arith.muli %arg1, %mul3A_33 : i32
    %dma_start3A_35 = arith.constant 0 : i32
    %dma_start3A_36 = arith.constant 0 : i32
    %dma_start3A_37 = tpu.memref_slice %arg7[%dma_start3A_35, %dma_start3A_36] : memref<128x128xf32, #tpu.memory_space<vmem>> -> memref<64x128xf32, #tpu.memory_space<vmem>>
    %dma_start3A_38 = arith.constant 0 : i32
    %dma_start3A_39 = tpu.memref_slice %arg3[%add3A_19, %mul3A_34, %dma_start3A_38] : memref<16x1024x128xf32, #tpu.memory_space<hbm>> -> memref<1x64x128xf32, #tpu.memory_space<hbm>>
    %dma_start3A_40 = tpu.memref_squeeze %dma_start3A_39 : memref<1x64x128xf32, #tpu.memory_space<hbm>> -> memref<64x128xf32, #tpu.memory_space<hbm>>
    %dma_start3A_41 = arith.constant 0 : i32
    %dma_start3A_42 = arith.constant 0 : i32
    %dma_start3A_43 = tpu.memref_slice %arg7[%dma_start3A_41, %dma_start3A_42] : memref<128x128xf32, #tpu.memory_space<vmem>> -> memref<64x128xf32, #tpu.memory_space<vmem>>
    %dma_start3A_44 = arith.constant 0 : i32
    %dma_start3A_45 = tpu.memref_slice %arg3[%add3A_19, %mul3A_34, %dma_start3A_44] : memref<16x1024x128xf32, #tpu.memory_space<hbm>> -> memref<1x64x128xf32, #tpu.memory_space<hbm>>
    %dma_start3A_46 = tpu.memref_squeeze %dma_start3A_45 : memref<1x64x128xf32, #tpu.memory_space<hbm>> -> memref<64x128xf32, #tpu.memory_space<hbm>>
    tpu.enqueue_dma source(%dma_start3A_46 : memref<64x128xf32, #tpu.memory_space<hbm>>) target(%dma_start3A_43 : memref<64x128xf32, #tpu.memory_space<vmem>>) target_semaphore(%arg12 : memref<!tpu.dma_semaphore, #tpu.memory_space<semaphore_mem>>)
    %mul3A_47 = arith.constant 4 : i32
    %mul3A_48 = arith.muli %arg0, %mul3A_47 : i32
    %add3A_49 = arith.constant 0 : i32
    %add3A_50 = arith.addi %mul3A_48, %add3A_49 : i32
    %add3A_51 = arith.constant 1 : i32
    %add3A_52 = arith.addi %add3A_50, %add3A_51 : i32
    %add3A_53 = arith.constant 8 : i32
    %add3A_54 = arith.addi %add3A_53, %add3A_52 : i32
    %mul3A_55 = arith.constant 64 : i32
    %mul3A_56 = arith.muli %arg1, %mul3A_55 : i32
    %dma_start3A_57 = arith.constant 64 : i32
    %dma_start3A_58 = arith.constant 0 : i32
    %dma_start3A_59 = tpu.memref_slice %arg6[%dma_start3A_57, %dma_start3A_58] : memref<128x128xi32, #tpu.memory_space<vmem>> -> memref<64x128xi32, #tpu.memory_space<vmem>>
    %dma_start3A_60 = arith.constant 0 : i32
    %dma_start3A_61 = tpu.memref_slice %arg2[%add3A_52, %mul3A_56, %dma_start3A_60] : memref<8x1024x128xi32, #tpu.memory_space<hbm>> -> memref<1x64x128xi32, #tpu.memory_space<hbm>>
    %dma_start3A_62 = tpu.memref_squeeze %dma_start3A_61 : memref<1x64x128xi32, #tpu.memory_space<hbm>> -> memref<64x128xi32, #tpu.memory_space<hbm>>
    %dma_start3A_63 = arith.constant 64 : i32
    %dma_start3A_64 = arith.constant 0 : i32
    %dma_start3A_65 = tpu.memref_slice %arg6[%dma_start3A_63, %dma_start3A_64] : memref<128x128xi32, #tpu.memory_space<vmem>> -> memref<64x128xi32, #tpu.memory_space<vmem>>
    %dma_start3A_66 = arith.constant 0 : i32
    %dma_start3A_67 = tpu.memref_slice %arg2[%add3A_52, %mul3A_56, %dma_start3A_66] : memref<8x1024x128xi32, #tpu.memory_space<hbm>> -> memref<1x64x128xi32, #tpu.memory_space<hbm>>
    %dma_start3A_68 = tpu.memref_squeeze %dma_start3A_67 : memref<1x64x128xi32, #tpu.memory_space<hbm>> -> memref<64x128xi32, #tpu.memory_space<hbm>>
    tpu.enqueue_dma source(%dma_start3A_68 : memref<64x128xi32, #tpu.memory_space<hbm>>) target(%dma_start3A_65 : memref<64x128xi32, #tpu.memory_space<vmem>>) target_semaphore(%arg12 : memref<!tpu.dma_semaphore, #tpu.memory_space<semaphore_mem>>)
    %mul3A_69 = arith.constant 64 : i32
    %mul3A_70 = arith.muli %arg1, %mul3A_69 : i32
    %dma_start3A_71 = arith.constant 64 : i32
    %dma_start3A_72 = arith.constant 0 : i32
    %dma_start3A_73 = tpu.memref_slice %arg7[%dma_start3A_71, %dma_start3A_72] : memref<128x128xf32, #tpu.memory_space<vmem>> -> memref<64x128xf32, #tpu.memory_space<vmem>>
    %dma_start3A_74 = arith.constant 0 : i32
    %dma_start3A_75 = tpu.memref_slice %arg3[%add3A_54, %mul3A_70, %dma_start3A_74] : memref<16x1024x128xf32, #tpu.memory_space<hbm>> -> memref<1x64x128xf32, #tpu.memory_space<hbm>>
    %dma_start3A_76 = tpu.memref_squeeze %dma_start3A_75 : memref<1x64x128xf32, #tpu.memory_space<hbm>> -> memref<64x128xf32, #tpu.memory_space<hbm>>
    %dma_start3A_77 = arith.constant 64 : i32
    %dma_start3A_78 = arith.constant 0 : i32
    %dma_start3A_79 = tpu.memref_slice %arg7[%dma_start3A_77, %dma_start3A_78] : memref<128x128xf32, #tpu.memory_space<vmem>> -> memref<64x128xf32, #tpu.memory_space<vmem>>
    %dma_start3A_80 = arith.constant 0 : i32
    %dma_start3A_81 = tpu.memref_slice %arg3[%add3A_54, %mul3A_70, %dma_start3A_80] : memref<16x1024x128xf32, #tpu.memory_space<hbm>> -> memref<1x64x128xf32, #tpu.memory_space<hbm>>
    %dma_start3A_82 = tpu.memref_squeeze %dma_start3A_81 : memref<1x64x128xf32, #tpu.memory_space<hbm>> -> memref<64x128xf32, #tpu.memory_space<hbm>>
    tpu.enqueue_dma source(%dma_start3A_82 : memref<64x128xf32, #tpu.memory_space<hbm>>) target(%dma_start3A_79 : memref<64x128xf32, #tpu.memory_space<vmem>>) target_semaphore(%arg12 : memref<!tpu.dma_semaphore, #tpu.memory_space<semaphore_mem>>)
    %dma_wait3A = arith.constant 0 : i32
    %dma_wait3A_83 = arith.constant 0 : i32
    %dma_wait3A_84 = tpu.memref_slice %arg6[%dma_wait3A, %dma_wait3A_83] : memref<128x128xi32, #tpu.memory_space<vmem>> -> memref<64x128xi32, #tpu.memory_space<vmem>>
    %dma_wait3A_85 = arith.constant 0 : i32
    %dma_wait3A_86 = tpu.memref_slice %arg2[%add3A_17, %mul3A_21, %dma_wait3A_85] : memref<8x1024x128xi32, #tpu.memory_space<hbm>> -> memref<1x64x128xi32, #tpu.memory_space<hbm>>
    %dma_wait3A_87 = tpu.memref_squeeze %dma_wait3A_86 : memref<1x64x128xi32, #tpu.memory_space<hbm>> -> memref<64x128xi32, #tpu.memory_space<hbm>>
    %dma_wait3A_88 = arith.constant 0 : i32
    %dma_wait3A_89 = arith.constant 0 : i32
    %dma_wait3A_90 = tpu.memref_slice %arg6[%dma_wait3A_88, %dma_wait3A_89] : memref<128x128xi32, #tpu.memory_space<vmem>> -> memref<64x128xi32, #tpu.memory_space<vmem>>
    %dma_wait3A_91 = arith.constant 0 : i32
    %dma_wait3A_92 = tpu.memref_slice %arg2[%add3A_17, %mul3A_21, %dma_wait3A_91] : memref<8x1024x128xi32, #tpu.memory_space<hbm>> -> memref<1x64x128xi32, #tpu.memory_space<hbm>>
    %dma_wait3A_93 = tpu.memref_squeeze %dma_wait3A_92 : memref<1x64x128xi32, #tpu.memory_space<hbm>> -> memref<64x128xi32, #tpu.memory_space<hbm>>
    tpu.wait_dma2 semaphore(%arg12 : memref<!tpu.dma_semaphore, #tpu.memory_space<semaphore_mem>>) src(%dma_wait3A_93 : memref<64x128xi32, #tpu.memory_space<hbm>>) dst(%dma_wait3A_90 : memref<64x128xi32, #tpu.memory_space<vmem>>)
    %dma_wait3A_94 = arith.constant 0 : i32
    %dma_wait3A_95 = arith.constant 0 : i32
    %dma_wait3A_96 = tpu.memref_slice %arg7[%dma_wait3A_94, %dma_wait3A_95] : memref<128x128xf32, #tpu.memory_space<vmem>> -> memref<64x128xf32, #tpu.memory_space<vmem>>
    %dma_wait3A_97 = arith.constant 0 : i32
    %dma_wait3A_98 = tpu.memref_slice %arg3[%add3A_19, %mul3A_34, %dma_wait3A_97] : memref<16x1024x128xf32, #tpu.memory_space<hbm>> -> memref<1x64x128xf32, #tpu.memory_space<hbm>>
    %dma_wait3A_99 = tpu.memref_squeeze %dma_wait3A_98 : memref<1x64x128xf32, #tpu.memory_space<hbm>> -> memref<64x128xf32, #tpu.memory_space<hbm>>
    %dma_wait3A_100 = arith.constant 0 : i32
    %dma_wait3A_101 = arith.constant 0 : i32
    %dma_wait3A_102 = tpu.memref_slice %arg7[%dma_wait3A_100, %dma_wait3A_101] : memref<128x128xf32, #tpu.memory_space<vmem>> -> memref<64x128xf32, #tpu.memory_space<vmem>>
    %dma_wait3A_103 = arith.constant 0 : i32
    %dma_wait3A_104 = tpu.memref_slice %arg3[%add3A_19, %mul3A_34, %dma_wait3A_103] : memref<16x1024x128xf32, #tpu.memory_space<hbm>> -> memref<1x64x128xf32, #tpu.memory_space<hbm>>
    %dma_wait3A_105 = tpu.memref_squeeze %dma_wait3A_104 : memref<1x64x128xf32, #tpu.memory_space<hbm>> -> memref<64x128xf32, #tpu.memory_space<hbm>>
    tpu.wait_dma2 semaphore(%arg12 : memref<!tpu.dma_semaphore, #tpu.memory_space<semaphore_mem>>) src(%dma_wait3A_105 : memref<64x128xf32, #tpu.memory_space<hbm>>) dst(%dma_wait3A_102 : memref<64x128xf32, #tpu.memory_space<vmem>>)
    %dma_wait3A_106 = arith.constant 64 : i32
    %dma_wait3A_107 = arith.constant 0 : i32
    %dma_wait3A_108 = tpu.memref_slice %arg6[%dma_wait3A_106, %dma_wait3A_107] : memref<128x128xi32, #tpu.memory_space<vmem>> -> memref<64x128xi32, #tpu.memory_space<vmem>>
    %dma_wait3A_109 = arith.constant 0 : i32
    %dma_wait3A_110 = tpu.memref_slice %arg2[%add3A_52, %mul3A_56, %dma_wait3A_109] : memref<8x1024x128xi32, #tpu.memory_space<hbm>> -> memref<1x64x128xi32, #tpu.memory_space<hbm>>
    %dma_wait3A_111 = tpu.memref_squeeze %dma_wait3A_110 : memref<1x64x128xi32, #tpu.memory_space<hbm>> -> memref<64x128xi32, #tpu.memory_space<hbm>>
    %dma_wait3A_112 = arith.constant 64 : i32
    %dma_wait3A_113 = arith.constant 0 : i32
    %dma_wait3A_114 = tpu.memref_slice %arg6[%dma_wait3A_112, %dma_wait3A_113] : memref<128x128xi32, #tpu.memory_space<vmem>> -> memref<64x128xi32, #tpu.memory_space<vmem>>
    %dma_wait3A_115 = arith.constant 0 : i32
    %dma_wait3A_116 = tpu.memref_slice %arg2[%add3A_52, %mul3A_56, %dma_wait3A_115] : memref<8x1024x128xi32, #tpu.memory_space<hbm>> -> memref<1x64x128xi32, #tpu.memory_space<hbm>>
    %dma_wait3A_117 = tpu.memref_squeeze %dma_wait3A_116 : memref<1x64x128xi32, #tpu.memory_space<hbm>> -> memref<64x128xi32, #tpu.memory_space<hbm>>
    tpu.wait_dma2 semaphore(%arg12 : memref<!tpu.dma_semaphore, #tpu.memory_space<semaphore_mem>>) src(%dma_wait3A_117 : memref<64x128xi32, #tpu.memory_space<hbm>>) dst(%dma_wait3A_114 : memref<64x128xi32, #tpu.memory_space<vmem>>)
    %dma_wait3A_118 = arith.constant 64 : i32
    %dma_wait3A_119 = arith.constant 0 : i32
    %dma_wait3A_120 = tpu.memref_slice %arg7[%dma_wait3A_118, %dma_wait3A_119] : memref<128x128xf32, #tpu.memory_space<vmem>> -> memref<64x128xf32, #tpu.memory_space<vmem>>
    %dma_wait3A_121 = arith.constant 0 : i32
    %dma_wait3A_122 = tpu.memref_slice %arg3[%add3A_54, %mul3A_70, %dma_wait3A_121] : memref<16x1024x128xf32, #tpu.memory_space<hbm>> -> memref<1x64x128xf32, #tpu.memory_space<hbm>>
    %dma_wait3A_123 = tpu.memref_squeeze %dma_wait3A_122 : memref<1x64x128xf32, #tpu.memory_space<hbm>> -> memref<64x128xf32, #tpu.memory_space<hbm>>
    %dma_wait3A_124 = arith.constant 64 : i32
    %dma_wait3A_125 = arith.constant 0 : i32
    %dma_wait3A_126 = tpu.memref_slice %arg7[%dma_wait3A_124, %dma_wait3A_125] : memref<128x128xf32, #tpu.memory_space<vmem>> -> memref<64x128xf32, #tpu.memory_space<vmem>>
    %dma_wait3A_127 = arith.constant 0 : i32
    %dma_wait3A_128 = tpu.memref_slice %arg3[%add3A_54, %mul3A_70, %dma_wait3A_127] : memref<16x1024x128xf32, #tpu.memory_space<hbm>> -> memref<1x64x128xf32, #tpu.memory_space<hbm>>
    %dma_wait3A_129 = tpu.memref_squeeze %dma_wait3A_128 : memref<1x64x128xf32, #tpu.memory_space<hbm>> -> memref<64x128xf32, #tpu.memory_space<hbm>>
    tpu.wait_dma2 semaphore(%arg12 : memref<!tpu.dma_semaphore, #tpu.memory_space<semaphore_mem>>) src(%dma_wait3A_129 : memref<64x128xf32, #tpu.memory_space<hbm>>) dst(%dma_wait3A_126 : memref<64x128xf32, #tpu.memory_space<vmem>>)
    %scan3A_130 = arith.constant 0 : i32
    %scan3A_131 = arith.constant 16 : i32
    %scan3A_132 = arith.addi %scan3A_130, %scan3A_131 : i32
    %scan3A_133 = arith.constant 1 : i32
    scf.for %scan3A_380 = %scan3A_130 to %scan3A_132 step %scan3A_133  : i32 {
      %mul3A_381 = arith.constant 1 : i32
      %mul3A_382 = arith.muli %scan3A_380, %mul3A_381 : i32
      %add3A_383 = arith.constant 0 : i32
      %add3A_384 = arith.addi %add3A_383, %mul3A_382 : i32
      %add3A_385 = arith.constant 0 : i32
      %add3A_386 = arith.addi %add3A_385, %add3A_384 : i32
      %dma_start3A_387 = arith.constant 0 : i32
      %dma_start3A_388 = tpu.memref_slice %arg7[%add3A_386, %dma_start3A_387] : memref<128x128xf32, #tpu.memory_space<vmem>> -> memref<1x128xf32, #tpu.memory_space<vmem>>
      %dma_start3A_389 = tpu.memref_squeeze %dma_start3A_388 : memref<1x128xf32, #tpu.memory_space<vmem>> -> memref<128xf32, #tpu.memory_space<vmem>>
      %dma_start3A_390 = arith.constant 0 : i32
      %dma_start3A_391 = tpu.memref_slice %arg6[%add3A_386, %dma_start3A_390] : memref<128x128xi32, #tpu.memory_space<vmem>> -> memref<1x128xi32, #tpu.memory_space<vmem>>
      %dma_start3A_392 = tpu.memref_squeeze %dma_start3A_391 : memref<1x128xi32, #tpu.memory_space<vmem>> -> memref<128xi32, #tpu.memory_space<vmem>>
      %dma_start3A_393 = arith.constant 0 : i32
      %dma_start3A_394 = tpu.memref_slice %arg10[%dma_start3A_393] : memref<393216xf32, #tpu.memory_space<vmem_shared>> -> memref<393216xf32, #tpu.memory_space<vmem_shared>>
      tpu.enqueue_indirect_dma source(%dma_start3A_389 : memref<128xf32, #tpu.memory_space<vmem>>) target(%dma_start3A_394 : memref<393216xf32, #tpu.memory_space<vmem_shared>>) offsets(%dma_start3A_392 : memref<128xi32, #tpu.memory_space<vmem>>) semaphore(%arg13 : memref<!tpu.dma_semaphore, #tpu.memory_space<semaphore_mem>>) {add = true}
      %dma_start3A_395 = arith.constant 0 : i32
      %dma_start3A_396 = tpu.memref_slice %arg6[%add3A_386, %dma_start3A_395] : memref<128x128xi32, #tpu.memory_space<vmem>> -> memref<1x128xi32, #tpu.memory_space<vmem>>
      %dma_start3A_397 = tpu.memref_squeeze %dma_start3A_396 : memref<1x128xi32, #tpu.memory_space<vmem>> -> memref<128xi32, #tpu.memory_space<vmem>>
      %dma_start3A_398 = arith.constant 0 : i32
      %dma_start3A_399 = tpu.memref_slice %arg11[%dma_start3A_398] : memref<393216xf32, #tpu.memory_space<vmem_shared>> -> memref<393216xf32, #tpu.memory_space<vmem_shared>>
      tpu.enqueue_indirect_dma source(%arg8 : memref<128xf32, #tpu.memory_space<vmem>>) target(%dma_start3A_399 : memref<393216xf32, #tpu.memory_space<vmem_shared>>) offsets(%dma_start3A_397 : memref<128xi32, #tpu.memory_space<vmem>>) semaphore(%arg13 : memref<!tpu.dma_semaphore, #tpu.memory_space<semaphore_mem>>) {add = true}
    }
    %scan3A_134 = arith.constant 16 : i32
    %scan3A_135 = arith.constant 0 : i32
    %scan3A_136 = arith.constant 7 : i32
    %scan3A_137 = arith.addi %scan3A_135, %scan3A_136 : i32
    %scan3A_138 = arith.constant 1 : i32
    scf.for %scan3A_380 = %scan3A_135 to %scan3A_137 step %scan3A_138  : i32 {
      %mul3A_381 = arith.constant 1 : i32
      %mul3A_382 = arith.muli %scan3A_380, %mul3A_381 : i32
      %add3A_383 = arith.constant 0 : i32
      %add3A_384 = arith.addi %add3A_383, %mul3A_382 : i32
      %add3A_385 = arith.constant 1 : i32
      %add3A_386 = arith.addi %add3A_384, %add3A_385 : i32
      %scan3A_387 = arith.constant 0 : i32
      %scan3A_388 = arith.constant 16 : i32
      %scan3A_389 = arith.addi %scan3A_387, %scan3A_388 : i32
      %scan3A_390 = arith.constant 1 : i32
      scf.for %scan3A_397 = %scan3A_387 to %scan3A_389 step %scan3A_390  : i32 {
        %mul3A_398 = arith.constant 1 : i32
        %mul3A_399 = arith.muli %scan3A_397, %mul3A_398 : i32
        %add3A_400 = arith.constant 0 : i32
        %add3A_401 = arith.addi %add3A_400, %mul3A_399 : i32
        %mul3A_402 = arith.constant 16 : i32
        %mul3A_403 = arith.muli %add3A_386, %mul3A_402 : i32
        %add3A_404 = arith.addi %mul3A_403, %add3A_401 : i32
        %dma_start3A_405 = arith.constant 0 : i32
        %dma_start3A_406 = tpu.memref_slice %arg7[%add3A_404, %dma_start3A_405] : memref<128x128xf32, #tpu.memory_space<vmem>> -> memref<1x128xf32, #tpu.memory_space<vmem>>
        %dma_start3A_407 = tpu.memref_squeeze %dma_start3A_406 : memref<1x128xf32, #tpu.memory_space<vmem>> -> memref<128xf32, #tpu.memory_space<vmem>>
        %dma_start3A_408 = arith.constant 0 : i32
        %dma_start3A_409 = tpu.memref_slice %arg6[%add3A_404, %dma_start3A_408] : memref<128x128xi32, #tpu.memory_space<vmem>> -> memref<1x128xi32, #tpu.memory_space<vmem>>
        %dma_start3A_410 = tpu.memref_squeeze %dma_start3A_409 : memref<1x128xi32, #tpu.memory_space<vmem>> -> memref<128xi32, #tpu.memory_space<vmem>>
        %dma_start3A_411 = arith.constant 0 : i32
        %dma_start3A_412 = tpu.memref_slice %arg10[%dma_start3A_411] : memref<393216xf32, #tpu.memory_space<vmem_shared>> -> memref<393216xf32, #tpu.memory_space<vmem_shared>>
        tpu.enqueue_indirect_dma source(%dma_start3A_407 : memref<128xf32, #tpu.memory_space<vmem>>) target(%dma_start3A_412 : memref<393216xf32, #tpu.memory_space<vmem_shared>>) offsets(%dma_start3A_410 : memref<128xi32, #tpu.memory_space<vmem>>) semaphore(%arg13 : memref<!tpu.dma_semaphore, #tpu.memory_space<semaphore_mem>>) {add = true}
        %dma_start3A_413 = arith.constant 0 : i32
        %dma_start3A_414 = tpu.memref_slice %arg6[%add3A_404, %dma_start3A_413] : memref<128x128xi32, #tpu.memory_space<vmem>> -> memref<1x128xi32, #tpu.memory_space<vmem>>
        %dma_start3A_415 = tpu.memref_squeeze %dma_start3A_414 : memref<1x128xi32, #tpu.memory_space<vmem>> -> memref<128xi32, #tpu.memory_space<vmem>>
        %dma_start3A_416 = arith.constant 0 : i32
        %dma_start3A_417 = tpu.memref_slice %arg11[%dma_start3A_416] : memref<393216xf32, #tpu.memory_space<vmem_shared>> -> memref<393216xf32, #tpu.memory_space<vmem_shared>>
        tpu.enqueue_indirect_dma source(%arg8 : memref<128xf32, #tpu.memory_space<vmem>>) target(%dma_start3A_417 : memref<393216xf32, #tpu.memory_space<vmem_shared>>) offsets(%dma_start3A_415 : memref<128xi32, #tpu.memory_space<vmem>>) semaphore(%arg13 : memref<!tpu.dma_semaphore, #tpu.memory_space<semaphore_mem>>) {add = true}
      }
      %scan3A_391 = arith.constant 16 : i32
      %scan3A_392 = arith.constant 0 : i32
      %scan3A_393 = arith.constant 16 : i32
      %scan3A_394 = arith.addi %scan3A_392, %scan3A_393 : i32
      %scan3A_395 = arith.constant 1 : i32
      scf.for %scan3A_397 = %scan3A_392 to %scan3A_394 step %scan3A_395  : i32 {
        %mul3A_398 = arith.constant 1 : i32
        %mul3A_399 = arith.muli %scan3A_397, %mul3A_398 : i32
        %add3A_400 = arith.constant 0 : i32
        %add3A_401 = arith.addi %add3A_400, %mul3A_399 : i32
        %mul3A_402 = arith.constant 16 : i32
        %mul3A_403 = arith.muli %add3A_384, %mul3A_402 : i32
        %add3A_404 = arith.addi %mul3A_403, %add3A_401 : i32
        %dma_wait3A_405 = arith.constant 0 : i32
        %dma_wait3A_406 = tpu.memref_slice %arg7[%add3A_404, %dma_wait3A_405] : memref<128x128xf32, #tpu.memory_space<vmem>> -> memref<1x128xf32, #tpu.memory_space<vmem>>
        %dma_wait3A_407 = tpu.memref_squeeze %dma_wait3A_406 : memref<1x128xf32, #tpu.memory_space<vmem>> -> memref<128xf32, #tpu.memory_space<vmem>>
        %dma_wait3A_408 = arith.constant 0 : i32
        %dma_wait3A_409 = tpu.memref_slice %arg6[%add3A_404, %dma_wait3A_408] : memref<128x128xi32, #tpu.memory_space<vmem>> -> memref<1x128xi32, #tpu.memory_space<vmem>>
        %dma_wait3A_410 = tpu.memref_squeeze %dma_wait3A_409 : memref<1x128xi32, #tpu.memory_space<vmem>> -> memref<128xi32, #tpu.memory_space<vmem>>
        %dma_wait3A_411 = arith.constant 0 : i32
        %dma_wait3A_412 = tpu.memref_slice %arg10[%dma_wait3A_411] : memref<393216xf32, #tpu.memory_space<vmem_shared>> -> memref<393216xf32, #tpu.memory_space<vmem_shared>>
        tpu.wait_indirect_dma semaphore(%arg13 : memref<!tpu.dma_semaphore, #tpu.memory_space<semaphore_mem>>) src(%dma_wait3A_407 : memref<128xf32, #tpu.memory_space<vmem>>) dst(%dma_wait3A_412 : memref<393216xf32, #tpu.memory_space<vmem_shared>>)
        %dma_wait3A_413 = arith.constant 0 : i32
        %dma_wait3A_414 = tpu.memref_slice %arg6[%add3A_404, %dma_wait3A_413] : memref<128x128xi32, #tpu.memory_space<vmem>> -> memref<1x128xi32, #tpu.memory_space<vmem>>
        %dma_wait3A_415 = tpu.memref_squeeze %dma_wait3A_414 : memref<1x128xi32, #tpu.memory_space<vmem>> -> memref<128xi32, #tpu.memory_space<vmem>>
        %dma_wait3A_416 = arith.constant 0 : i32
        %dma_wait3A_417 = tpu.memref_slice %arg11[%dma_wait3A_416] : memref<393216xf32, #tpu.memory_space<vmem_shared>> -> memref<393216xf32, #tpu.memory_space<vmem_shared>>
        tpu.wait_indirect_dma semaphore(%arg13 : memref<!tpu.dma_semaphore, #tpu.memory_space<semaphore_mem>>) src(%arg8 : memref<128xf32, #tpu.memory_space<vmem>>) dst(%dma_wait3A_417 : memref<393216xf32, #tpu.memory_space<vmem_shared>>)
      }
      %scan3A_396 = arith.constant 16 : i32
    }
    %scan3A_139 = arith.constant 7 : i32
    %scan3A_140 = arith.constant 0 : i32
    %scan3A_141 = arith.constant 16 : i32
    %scan3A_142 = arith.addi %scan3A_140, %scan3A_141 : i32
    %scan3A_143 = arith.constant 1 : i32
    scf.for %scan3A_380 = %scan3A_140 to %scan3A_142 step %scan3A_143  : i32 {
      %mul3A_381 = arith.constant 1 : i32
      %mul3A_382 = arith.muli %scan3A_380, %mul3A_381 : i32
      %add3A_383 = arith.constant 0 : i32
      %add3A_384 = arith.addi %add3A_383, %mul3A_382 : i32
      %add3A_385 = arith.constant 112 : i32
      %add3A_386 = arith.addi %add3A_385, %add3A_384 : i32
      %dma_wait3A_387 = arith.constant 0 : i32
      %dma_wait3A_388 = tpu.memref_slice %arg7[%add3A_386, %dma_wait3A_387] : memref<128x128xf32, #tpu.memory_space<vmem>> -> memref<1x128xf32, #tpu.memory_space<vmem>>
      %dma_wait3A_389 = tpu.memref_squeeze %dma_wait3A_388 : memref<1x128xf32, #tpu.memory_space<vmem>> -> memref<128xf32, #tpu.memory_space<vmem>>
      %dma_wait3A_390 = arith.constant 0 : i32
      %dma_wait3A_391 = tpu.memref_slice %arg6[%add3A_386, %dma_wait3A_390] : memref<128x128xi32, #tpu.memory_space<vmem>> -> memref<1x128xi32, #tpu.memory_space<vmem>>
      %dma_wait3A_392 = tpu.memref_squeeze %dma_wait3A_391 : memref<1x128xi32, #tpu.memory_space<vmem>> -> memref<128xi32, #tpu.memory_space<vmem>>
      %dma_wait3A_393 = arith.constant 0 : i32
      %dma_wait3A_394 = tpu.memref_slice %arg10[%dma_wait3A_393] : memref<393216xf32, #tpu.memory_space<vmem_shared>> -> memref<393216xf32, #tpu.memory_space<vmem_shared>>
      tpu.wait_indirect_dma semaphore(%arg13 : memref<!tpu.dma_semaphore, #tpu.memory_space<semaphore_mem>>) src(%dma_wait3A_389 : memref<128xf32, #tpu.memory_space<vmem>>) dst(%dma_wait3A_394 : memref<393216xf32, #tpu.memory_space<vmem_shared>>)
      %dma_wait3A_395 = arith.constant 0 : i32
      %dma_wait3A_396 = tpu.memref_slice %arg6[%add3A_386, %dma_wait3A_395] : memref<128x128xi32, #tpu.memory_space<vmem>> -> memref<1x128xi32, #tpu.memory_space<vmem>>
      %dma_wait3A_397 = tpu.memref_squeeze %dma_wait3A_396 : memref<1x128xi32, #tpu.memory_space<vmem>> -> memref<128xi32, #tpu.memory_space<vmem>>
      %dma_wait3A_398 = arith.constant 0 : i32
      %dma_wait3A_399 = tpu.memref_slice %arg11[%dma_wait3A_398] : memref<393216xf32, #tpu.memory_space<vmem_shared>> -> memref<393216xf32, #tpu.memory_space<vmem_shared>>
      tpu.wait_indirect_dma semaphore(%arg13 : memref<!tpu.dma_semaphore, #tpu.memory_space<semaphore_mem>>) src(%arg8 : memref<128xf32, #tpu.memory_space<vmem>>) dst(%dma_wait3A_399 : memref<393216xf32, #tpu.memory_space<vmem_shared>>)
    }
    %scan3A_144 = arith.constant 16 : i32
    %barrier3A_145 = arith.constant 0 : index
    tpu.barrier barrier_id(%barrier3A_145)
    %mul3A_146 = arith.constant 4 : i32
    %mul3A_147 = arith.muli %arg0, %mul3A_146 : i32
    %add3A_148 = arith.constant 0 : i32
    %add3A_149 = arith.addi %mul3A_147, %add3A_148 : i32
    %jit3A = arith.constant 8 : i32
    %div3A = arith.divsi %arg1, %jit3A : i32
    %sign3A = arith.constant 0 : i32
    %sign3A_150 = arith.cmpi sgt, %arg1, %sign3A : i32
    %sign3A_151 = arith.extui %sign3A_150 : i1 to i32
    %sign3A_152 = arith.constant 0 : i32
    %sign3A_153 = arith.cmpi slt, %arg1, %sign3A_152 : i32
    %sign3A_154 = arith.extui %sign3A_153 : i1 to i32
    %sign3A_155 = arith.subi %sign3A_151, %sign3A_154 : i32
    %sign3A_156 = arith.constant 0 : i32
    %sign3A_157 = arith.cmpi sgt, %jit3A, %sign3A_156 : i32
    %sign3A_158 = arith.extui %sign3A_157 : i1 to i32
    %sign3A_159 = arith.constant 0 : i32
    %sign3A_160 = arith.cmpi slt, %jit3A, %sign3A_159 : i32
    %sign3A_161 = arith.extui %sign3A_160 : i1 to i32
    %sign3A_162 = arith.subi %sign3A_158, %sign3A_161 : i32
    %ne3A = arith.cmpi ne, %sign3A_155, %sign3A_162 : i32
    %rem3A = arith.remsi %arg1, %jit3A : i32
    %ne3A_163 = arith.constant 0 : i32
    %ne3A_164 = arith.cmpi ne, %rem3A, %ne3A_163 : i32
    %and3A = arith.andi %ne3A, %ne3A_164 : i1
    %sub3A = arith.constant 1 : i32
    %sub3A_165 = arith.subi %div3A, %sub3A : i32
    %select_n3A = arith.select %and3A, %sub3A_165, %div3A : i32
    %add3A_166 = arith.addi %add3A_149, %select_n3A : i32
    %jit3A_167 = arith.constant 8 : i32
    %eq3A = arith.constant 0 : i32
    %eq3A_168 = arith.cmpi eq, %jit3A_167, %eq3A : i32
    %jit3A_169 = arith.constant 1 : i32
    %select_n3A_170 = arith.select %eq3A_168, %jit3A_169, %jit3A_167 : i32
    %rem3A_171 = arith.remsi %arg1, %select_n3A_170 : i32
    %ne3A_172 = arith.constant 0 : i32
    %ne3A_173 = arith.cmpi ne, %rem3A_171, %ne3A_172 : i32
    %lt3A = arith.constant 0 : i32
    %lt3A_174 = arith.cmpi slt, %rem3A_171, %lt3A : i32
    %lt3A_175 = arith.constant 0 : i32
    %lt3A_176 = arith.cmpi slt, %select_n3A_170, %lt3A_175 : i32
    %ne3A_177 = arith.xori %lt3A_174, %lt3A_176 : i1
    %and3A_178 = arith.andi %ne3A_177, %ne3A_173 : i1
    %add3A_179 = arith.addi %rem3A_171, %select_n3A_170 : i32
    %select_n3A_180 = arith.select %and3A_178, %add3A_179, %rem3A_171 : i32
    %mul3A_181 = arith.constant 24576 : i32
    %mul3A_182 = arith.muli %select_n3A_180, %mul3A_181 : i32
    %mul3A_183 = arith.constant 24576 : i32
    %mul3A_184 = arith.muli %arg1, %mul3A_183 : i32
    "tpu.region"() ({
      %run_scoped3A = tpu.sem_alloc : memref<!tpu.dma_semaphore, #tpu.memory_space<semaphore_mem>>
      %dma_start3A_380 = tpu.memref_slice %arg4[%add3A_166, %mul3A_182] : memref<8x196608xf32, #tpu.memory_space<hbm>> -> memref<1x24576xf32, #tpu.memory_space<hbm>>
      %dma_start3A_381 = tpu.memref_squeeze %dma_start3A_380 : memref<1x24576xf32, #tpu.memory_space<hbm>> -> memref<24576xf32, #tpu.memory_space<hbm>>
      %dma_start3A_382 = tpu.memref_slice %arg10[%mul3A_184] : memref<393216xf32, #tpu.memory_space<vmem_shared>> -> memref<24576xf32, #tpu.memory_space<vmem_shared>>
      tpu.enqueue_dma source(%dma_start3A_382 : memref<24576xf32, #tpu.memory_space<vmem_shared>>) target(%dma_start3A_381 : memref<24576xf32, #tpu.memory_space<hbm>>) target_semaphore(%run_scoped3A : memref<!tpu.dma_semaphore, #tpu.memory_space<semaphore_mem>>)
      %dma_wait3A_383 = tpu.memref_slice %arg4[%add3A_166, %mul3A_182] : memref<8x196608xf32, #tpu.memory_space<hbm>> -> memref<1x24576xf32, #tpu.memory_space<hbm>>
      %dma_wait3A_384 = tpu.memref_squeeze %dma_wait3A_383 : memref<1x24576xf32, #tpu.memory_space<hbm>> -> memref<24576xf32, #tpu.memory_space<hbm>>
      %dma_wait3A_385 = tpu.memref_slice %arg10[%mul3A_184] : memref<393216xf32, #tpu.memory_space<vmem_shared>> -> memref<24576xf32, #tpu.memory_space<vmem_shared>>
      tpu.wait_dma2 semaphore(%run_scoped3A : memref<!tpu.dma_semaphore, #tpu.memory_space<semaphore_mem>>) src(%dma_wait3A_385 : memref<24576xf32, #tpu.memory_space<vmem_shared>>) dst(%dma_wait3A_384 : memref<24576xf32, #tpu.memory_space<hbm>>)
      tpu.yield
    }) : () -> ()
    %mul3A_185 = arith.constant 24576 : i32
    %mul3A_186 = arith.muli %arg1, %mul3A_185 : i32
    "tpu.region"() ({
      %run_scoped3A = tpu.sem_alloc : memref<!tpu.dma_semaphore, #tpu.memory_space<semaphore_mem>>
      %dma_start3A_380 = tpu.memref_slice %arg5[%add3A_166, %mul3A_182] : memref<8x196608xf32, #tpu.memory_space<hbm>> -> memref<1x24576xf32, #tpu.memory_space<hbm>>
      %dma_start3A_381 = tpu.memref_squeeze %dma_start3A_380 : memref<1x24576xf32, #tpu.memory_space<hbm>> -> memref<24576xf32, #tpu.memory_space<hbm>>
      %dma_start3A_382 = tpu.memref_slice %arg11[%mul3A_186] : memref<393216xf32, #tpu.memory_space<vmem_shared>> -> memref<24576xf32, #tpu.memory_space<vmem_shared>>
      tpu.enqueue_dma source(%dma_start3A_382 : memref<24576xf32, #tpu.memory_space<vmem_shared>>) target(%dma_start3A_381 : memref<24576xf32, #tpu.memory_space<hbm>>) target_semaphore(%run_scoped3A : memref<!tpu.dma_semaphore, #tpu.memory_space<semaphore_mem>>)
      %dma_wait3A_383 = tpu.memref_slice %arg5[%add3A_166, %mul3A_182] : memref<8x196608xf32, #tpu.memory_space<hbm>> -> memref<1x24576xf32, #tpu.memory_space<hbm>>
      %dma_wait3A_384 = tpu.memref_squeeze %dma_wait3A_383 : memref<1x24576xf32, #tpu.memory_space<hbm>> -> memref<24576xf32, #tpu.memory_space<hbm>>
      %dma_wait3A_385 = tpu.memref_slice %arg11[%mul3A_186] : memref<393216xf32, #tpu.memory_space<vmem_shared>> -> memref<24576xf32, #tpu.memory_space<vmem_shared>>
      tpu.wait_dma2 semaphore(%run_scoped3A : memref<!tpu.dma_semaphore, #tpu.memory_space<semaphore_mem>>) src(%dma_wait3A_385 : memref<24576xf32, #tpu.memory_space<vmem_shared>>) dst(%dma_wait3A_384 : memref<24576xf32, #tpu.memory_space<hbm>>)
      tpu.yield
    }) : () -> ()
    %scan3A_187 = arith.constant 0 : i32
    %scan3A_188 = arith.constant 6 : i32
    %scan3A_189 = arith.addi %scan3A_187, %scan3A_188 : i32
    %scan3A_190 = arith.constant 1 : i32
    scf.for %scan3A_380 = %scan3A_187 to %scan3A_189 step %scan3A_190  : i32 {
      %mul3A_381 = arith.constant 1 : i32
      %mul3A_382 = arith.muli %scan3A_380, %mul3A_381 : i32
      %add3A_383 = arith.constant 0 : i32
      %add3A_384 = arith.addi %add3A_383, %mul3A_382 : i32
      %mul3A_385 = arith.constant 24576 : i32
      %mul3A_386 = arith.muli %arg1, %mul3A_385 : i32
      %mul3A_387 = arith.constant 4096 : i32
      %mul3A_388 = arith.muli %add3A_384, %mul3A_387 : i32
      %add3A_389 = arith.addi %mul3A_386, %mul3A_388 : i32
      "tpu.region"() ({
        %run_scoped3A = tpu.sem_alloc : memref<!tpu.dma_semaphore, #tpu.memory_space<semaphore_mem>>
        %dma_start3A_390 = tpu.memref_slice %arg10[%add3A_389] : memref<393216xf32, #tpu.memory_space<vmem_shared>> -> memref<4096xf32, #tpu.memory_space<vmem_shared>>
        %dma_start3A_391 = tpu.memref_slice %arg10[%add3A_389] : memref<393216xf32, #tpu.memory_space<vmem_shared>> -> memref<4096xf32, #tpu.memory_space<vmem_shared>>
        tpu.enqueue_dma source(%arg9 : memref<4096xf32, #tpu.memory_space<vmem>>) target(%dma_start3A_391 : memref<4096xf32, #tpu.memory_space<vmem_shared>>) target_semaphore(%run_scoped3A : memref<!tpu.dma_semaphore, #tpu.memory_space<semaphore_mem>>)
        %dma_wait3A_392 = tpu.memref_slice %arg10[%add3A_389] : memref<393216xf32, #tpu.memory_space<vmem_shared>> -> memref<4096xf32, #tpu.memory_space<vmem_shared>>
        %dma_wait3A_393 = tpu.memref_slice %arg10[%add3A_389] : memref<393216xf32, #tpu.memory_space<vmem_shared>> -> memref<4096xf32, #tpu.memory_space<vmem_shared>>
        tpu.wait_dma2 semaphore(%run_scoped3A : memref<!tpu.dma_semaphore, #tpu.memory_space<semaphore_mem>>) src(%arg9 : memref<4096xf32, #tpu.memory_space<vmem>>) dst(%dma_wait3A_393 : memref<4096xf32, #tpu.memory_space<vmem_shared>>)
        tpu.yield
      }) : () -> ()
      "tpu.region"() ({
        %run_scoped3A = tpu.sem_alloc : memref<!tpu.dma_semaphore, #tpu.memory_space<semaphore_mem>>
        %dma_start3A_390 = tpu.memref_slice %arg11[%add3A_389] : memref<393216xf32, #tpu.memory_space<vmem_shared>> -> memref<4096xf32, #tpu.memory_space<vmem_shared>>
        %dma_start3A_391 = tpu.memref_slice %arg11[%add3A_389] : memref<393216xf32, #tpu.memory_space<vmem_shared>> -> memref<4096xf32, #tpu.memory_space<vmem_shared>>
        tpu.enqueue_dma source(%arg9 : memref<4096xf32, #tpu.memory_space<vmem>>) target(%dma_start3A_391 : memref<4096xf32, #tpu.memory_space<vmem_shared>>) target_semaphore(%run_scoped3A : memref<!tpu.dma_semaphore, #tpu.memory_space<semaphore_mem>>)
        %dma_wait3A_392 = tpu.memref_slice %arg11[%add3A_389] : memref<393216xf32, #tpu.memory_space<vmem_shared>> -> memref<4096xf32, #tpu.memory_space<vmem_shared>>
        %dma_wait3A_393 = tpu.memref_slice %arg11[%add3A_389] : memref<393216xf32, #tpu.memory_space<vmem_shared>> -> memref<4096xf32, #tpu.memory_space<vmem_shared>>
        tpu.wait_dma2 semaphore(%run_scoped3A : memref<!tpu.dma_semaphore, #tpu.memory_space<semaphore_mem>>) src(%arg9 : memref<4096xf32, #tpu.memory_space<vmem>>) dst(%dma_wait3A_393 : memref<4096xf32, #tpu.memory_space<vmem_shared>>)
        tpu.yield
      }) : () -> ()
    }
    %scan3A_191 = arith.constant 6 : i32
    %barrier3A_192 = arith.constant 0 : index
    tpu.barrier barrier_id(%barrier3A_192)
    %mul3A_193 = arith.constant 4 : i32
    %mul3A_194 = arith.muli %arg0, %mul3A_193 : i32
    %add3A_195 = arith.constant 2 : i32
    %add3A_196 = arith.addi %mul3A_194, %add3A_195 : i32
    %add3A_197 = arith.constant 0 : i32
    %add3A_198 = arith.addi %add3A_196, %add3A_197 : i32
    %add3A_199 = arith.constant 8 : i32
    %add3A_200 = arith.addi %add3A_199, %add3A_198 : i32
    %mul3A_201 = arith.constant 64 : i32
    %mul3A_202 = arith.muli %arg1, %mul3A_201 : i32
    %dma_start3A_203 = arith.constant 0 : i32
    %dma_start3A_204 = arith.constant 0 : i32
    %dma_start3A_205 = tpu.memref_slice %arg6[%dma_start3A_203, %dma_start3A_204] : memref<128x128xi32, #tpu.memory_space<vmem>> -> memref<64x128xi32, #tpu.memory_space<vmem>>
    %dma_start3A_206 = arith.constant 0 : i32
    %dma_start3A_207 = tpu.memref_slice %arg2[%add3A_198, %mul3A_202, %dma_start3A_206] : memref<8x1024x128xi32, #tpu.memory_space<hbm>> -> memref<1x64x128xi32, #tpu.memory_space<hbm>>
    %dma_start3A_208 = tpu.memref_squeeze %dma_start3A_207 : memref<1x64x128xi32, #tpu.memory_space<hbm>> -> memref<64x128xi32, #tpu.memory_space<hbm>>
    %dma_start3A_209 = arith.constant 0 : i32
    %dma_start3A_210 = arith.constant 0 : i32
    %dma_start3A_211 = tpu.memref_slice %arg6[%dma_start3A_209, %dma_start3A_210] : memref<128x128xi32, #tpu.memory_space<vmem>> -> memref<64x128xi32, #tpu.memory_space<vmem>>
    %dma_start3A_212 = arith.constant 0 : i32
    %dma_start3A_213 = tpu.memref_slice %arg2[%add3A_198, %mul3A_202, %dma_start3A_212] : memref<8x1024x128xi32, #tpu.memory_space<hbm>> -> memref<1x64x128xi32, #tpu.memory_space<hbm>>
    %dma_start3A_214 = tpu.memref_squeeze %dma_start3A_213 : memref<1x64x128xi32, #tpu.memory_space<hbm>> -> memref<64x128xi32, #tpu.memory_space<hbm>>
    tpu.enqueue_dma source(%dma_start3A_214 : memref<64x128xi32, #tpu.memory_space<hbm>>) target(%dma_start3A_211 : memref<64x128xi32, #tpu.memory_space<vmem>>) target_semaphore(%arg12 : memref<!tpu.dma_semaphore, #tpu.memory_space<semaphore_mem>>)
    %mul3A_215 = arith.constant 64 : i32
    %mul3A_216 = arith.muli %arg1, %mul3A_215 : i32
    %dma_start3A_217 = arith.constant 0 : i32
    %dma_start3A_218 = arith.constant 0 : i32
    %dma_start3A_219 = tpu.memref_slice %arg7[%dma_start3A_217, %dma_start3A_218] : memref<128x128xf32, #tpu.memory_space<vmem>> -> memref<64x128xf32, #tpu.memory_space<vmem>>
    %dma_start3A_220 = arith.constant 0 : i32
    %dma_start3A_221 = tpu.memref_slice %arg3[%add3A_200, %mul3A_216, %dma_start3A_220] : memref<16x1024x128xf32, #tpu.memory_space<hbm>> -> memref<1x64x128xf32, #tpu.memory_space<hbm>>
    %dma_start3A_222 = tpu.memref_squeeze %dma_start3A_221 : memref<1x64x128xf32, #tpu.memory_space<hbm>> -> memref<64x128xf32, #tpu.memory_space<hbm>>
    %dma_start3A_223 = arith.constant 0 : i32
    %dma_start3A_224 = arith.constant 0 : i32
    %dma_start3A_225 = tpu.memref_slice %arg7[%dma_start3A_223, %dma_start3A_224] : memref<128x128xf32, #tpu.memory_space<vmem>> -> memref<64x128xf32, #tpu.memory_space<vmem>>
    %dma_start3A_226 = arith.constant 0 : i32
    %dma_start3A_227 = tpu.memref_slice %arg3[%add3A_200, %mul3A_216, %dma_start3A_226] : memref<16x1024x128xf32, #tpu.memory_space<hbm>> -> memref<1x64x128xf32, #tpu.memory_space<hbm>>
    %dma_start3A_228 = tpu.memref_squeeze %dma_start3A_227 : memref<1x64x128xf32, #tpu.memory_space<hbm>> -> memref<64x128xf32, #tpu.memory_space<hbm>>
    tpu.enqueue_dma source(%dma_start3A_228 : memref<64x128xf32, #tpu.memory_space<hbm>>) target(%dma_start3A_225 : memref<64x128xf32, #tpu.memory_space<vmem>>) target_semaphore(%arg12 : memref<!tpu.dma_semaphore, #tpu.memory_space<semaphore_mem>>)
    %mul3A_229 = arith.constant 4 : i32
    %mul3A_230 = arith.muli %arg0, %mul3A_229 : i32
    %add3A_231 = arith.constant 2 : i32
    %add3A_232 = arith.addi %mul3A_230, %add3A_231 : i32
    %add3A_233 = arith.constant 1 : i32
    %add3A_234 = arith.addi %add3A_232, %add3A_233 : i32
    %add3A_235 = arith.constant 8 : i32
    %add3A_236 = arith.addi %add3A_235, %add3A_234 : i32
    %mul3A_237 = arith.constant 64 : i32
    %mul3A_238 = arith.muli %arg1, %mul3A_237 : i32
    %dma_start3A_239 = arith.constant 64 : i32
    %dma_start3A_240 = arith.constant 0 : i32
    %dma_start3A_241 = tpu.memref_slice %arg6[%dma_start3A_239, %dma_start3A_240] : memref<128x128xi32, #tpu.memory_space<vmem>> -> memref<64x128xi32, #tpu.memory_space<vmem>>
    %dma_start3A_242 = arith.constant 0 : i32
    %dma_start3A_243 = tpu.memref_slice %arg2[%add3A_234, %mul3A_238, %dma_start3A_242] : memref<8x1024x128xi32, #tpu.memory_space<hbm>> -> memref<1x64x128xi32, #tpu.memory_space<hbm>>
    %dma_start3A_244 = tpu.memref_squeeze %dma_start3A_243 : memref<1x64x128xi32, #tpu.memory_space<hbm>> -> memref<64x128xi32, #tpu.memory_space<hbm>>
    %dma_start3A_245 = arith.constant 64 : i32
    %dma_start3A_246 = arith.constant 0 : i32
    %dma_start3A_247 = tpu.memref_slice %arg6[%dma_start3A_245, %dma_start3A_246] : memref<128x128xi32, #tpu.memory_space<vmem>> -> memref<64x128xi32, #tpu.memory_space<vmem>>
    %dma_start3A_248 = arith.constant 0 : i32
    %dma_start3A_249 = tpu.memref_slice %arg2[%add3A_234, %mul3A_238, %dma_start3A_248] : memref<8x1024x128xi32, #tpu.memory_space<hbm>> -> memref<1x64x128xi32, #tpu.memory_space<hbm>>
    %dma_start3A_250 = tpu.memref_squeeze %dma_start3A_249 : memref<1x64x128xi32, #tpu.memory_space<hbm>> -> memref<64x128xi32, #tpu.memory_space<hbm>>
    tpu.enqueue_dma source(%dma_start3A_250 : memref<64x128xi32, #tpu.memory_space<hbm>>) target(%dma_start3A_247 : memref<64x128xi32, #tpu.memory_space<vmem>>) target_semaphore(%arg12 : memref<!tpu.dma_semaphore, #tpu.memory_space<semaphore_mem>>)
    %mul3A_251 = arith.constant 64 : i32
    %mul3A_252 = arith.muli %arg1, %mul3A_251 : i32
    %dma_start3A_253 = arith.constant 64 : i32
    %dma_start3A_254 = arith.constant 0 : i32
    %dma_start3A_255 = tpu.memref_slice %arg7[%dma_start3A_253, %dma_start3A_254] : memref<128x128xf32, #tpu.memory_space<vmem>> -> memref<64x128xf32, #tpu.memory_space<vmem>>
    %dma_start3A_256 = arith.constant 0 : i32
    %dma_start3A_257 = tpu.memref_slice %arg3[%add3A_236, %mul3A_252, %dma_start3A_256] : memref<16x1024x128xf32, #tpu.memory_space<hbm>> -> memref<1x64x128xf32, #tpu.memory_space<hbm>>
    %dma_start3A_258 = tpu.memref_squeeze %dma_start3A_257 : memref<1x64x128xf32, #tpu.memory_space<hbm>> -> memref<64x128xf32, #tpu.memory_space<hbm>>
    %dma_start3A_259 = arith.constant 64 : i32
    %dma_start3A_260 = arith.constant 0 : i32
    %dma_start3A_261 = tpu.memref_slice %arg7[%dma_start3A_259, %dma_start3A_260] : memref<128x128xf32, #tpu.memory_space<vmem>> -> memref<64x128xf32, #tpu.memory_space<vmem>>
    %dma_start3A_262 = arith.constant 0 : i32
    %dma_start3A_263 = tpu.memref_slice %arg3[%add3A_236, %mul3A_252, %dma_start3A_262] : memref<16x1024x128xf32, #tpu.memory_space<hbm>> -> memref<1x64x128xf32, #tpu.memory_space<hbm>>
    %dma_start3A_264 = tpu.memref_squeeze %dma_start3A_263 : memref<1x64x128xf32, #tpu.memory_space<hbm>> -> memref<64x128xf32, #tpu.memory_space<hbm>>
    tpu.enqueue_dma source(%dma_start3A_264 : memref<64x128xf32, #tpu.memory_space<hbm>>) target(%dma_start3A_261 : memref<64x128xf32, #tpu.memory_space<vmem>>) target_semaphore(%arg12 : memref<!tpu.dma_semaphore, #tpu.memory_space<semaphore_mem>>)
    %dma_wait3A_265 = arith.constant 0 : i32
    %dma_wait3A_266 = arith.constant 0 : i32
    %dma_wait3A_267 = tpu.memref_slice %arg6[%dma_wait3A_265, %dma_wait3A_266] : memref<128x128xi32, #tpu.memory_space<vmem>> -> memref<64x128xi32, #tpu.memory_space<vmem>>
    %dma_wait3A_268 = arith.constant 0 : i32
    %dma_wait3A_269 = tpu.memref_slice %arg2[%add3A_198, %mul3A_202, %dma_wait3A_268] : memref<8x1024x128xi32, #tpu.memory_space<hbm>> -> memref<1x64x128xi32, #tpu.memory_space<hbm>>
    %dma_wait3A_270 = tpu.memref_squeeze %dma_wait3A_269 : memref<1x64x128xi32, #tpu.memory_space<hbm>> -> memref<64x128xi32, #tpu.memory_space<hbm>>
    %dma_wait3A_271 = arith.constant 0 : i32
    %dma_wait3A_272 = arith.constant 0 : i32
    %dma_wait3A_273 = tpu.memref_slice %arg6[%dma_wait3A_271, %dma_wait3A_272] : memref<128x128xi32, #tpu.memory_space<vmem>> -> memref<64x128xi32, #tpu.memory_space<vmem>>
    %dma_wait3A_274 = arith.constant 0 : i32
    %dma_wait3A_275 = tpu.memref_slice %arg2[%add3A_198, %mul3A_202, %dma_wait3A_274] : memref<8x1024x128xi32, #tpu.memory_space<hbm>> -> memref<1x64x128xi32, #tpu.memory_space<hbm>>
    %dma_wait3A_276 = tpu.memref_squeeze %dma_wait3A_275 : memref<1x64x128xi32, #tpu.memory_space<hbm>> -> memref<64x128xi32, #tpu.memory_space<hbm>>
    tpu.wait_dma2 semaphore(%arg12 : memref<!tpu.dma_semaphore, #tpu.memory_space<semaphore_mem>>) src(%dma_wait3A_276 : memref<64x128xi32, #tpu.memory_space<hbm>>) dst(%dma_wait3A_273 : memref<64x128xi32, #tpu.memory_space<vmem>>)
    %dma_wait3A_277 = arith.constant 0 : i32
    %dma_wait3A_278 = arith.constant 0 : i32
    %dma_wait3A_279 = tpu.memref_slice %arg7[%dma_wait3A_277, %dma_wait3A_278] : memref<128x128xf32, #tpu.memory_space<vmem>> -> memref<64x128xf32, #tpu.memory_space<vmem>>
    %dma_wait3A_280 = arith.constant 0 : i32
    %dma_wait3A_281 = tpu.memref_slice %arg3[%add3A_200, %mul3A_216, %dma_wait3A_280] : memref<16x1024x128xf32, #tpu.memory_space<hbm>> -> memref<1x64x128xf32, #tpu.memory_space<hbm>>
    %dma_wait3A_282 = tpu.memref_squeeze %dma_wait3A_281 : memref<1x64x128xf32, #tpu.memory_space<hbm>> -> memref<64x128xf32, #tpu.memory_space<hbm>>
    %dma_wait3A_283 = arith.constant 0 : i32
    %dma_wait3A_284 = arith.constant 0 : i32
    %dma_wait3A_285 = tpu.memref_slice %arg7[%dma_wait3A_283, %dma_wait3A_284] : memref<128x128xf32, #tpu.memory_space<vmem>> -> memref<64x128xf32, #tpu.memory_space<vmem>>
    %dma_wait3A_286 = arith.constant 0 : i32
    %dma_wait3A_287 = tpu.memref_slice %arg3[%add3A_200, %mul3A_216, %dma_wait3A_286] : memref<16x1024x128xf32, #tpu.memory_space<hbm>> -> memref<1x64x128xf32, #tpu.memory_space<hbm>>
    %dma_wait3A_288 = tpu.memref_squeeze %dma_wait3A_287 : memref<1x64x128xf32, #tpu.memory_space<hbm>> -> memref<64x128xf32, #tpu.memory_space<hbm>>
    tpu.wait_dma2 semaphore(%arg12 : memref<!tpu.dma_semaphore, #tpu.memory_space<semaphore_mem>>) src(%dma_wait3A_288 : memref<64x128xf32, #tpu.memory_space<hbm>>) dst(%dma_wait3A_285 : memref<64x128xf32, #tpu.memory_space<vmem>>)
    %dma_wait3A_289 = arith.constant 64 : i32
    %dma_wait3A_290 = arith.constant 0 : i32
    %dma_wait3A_291 = tpu.memref_slice %arg6[%dma_wait3A_289, %dma_wait3A_290] : memref<128x128xi32, #tpu.memory_space<vmem>> -> memref<64x128xi32, #tpu.memory_space<vmem>>
    %dma_wait3A_292 = arith.constant 0 : i32
    %dma_wait3A_293 = tpu.memref_slice %arg2[%add3A_234, %mul3A_238, %dma_wait3A_292] : memref<8x1024x128xi32, #tpu.memory_space<hbm>> -> memref<1x64x128xi32, #tpu.memory_space<hbm>>
    %dma_wait3A_294 = tpu.memref_squeeze %dma_wait3A_293 : memref<1x64x128xi32, #tpu.memory_space<hbm>> -> memref<64x128xi32, #tpu.memory_space<hbm>>
    %dma_wait3A_295 = arith.constant 64 : i32
    %dma_wait3A_296 = arith.constant 0 : i32
    %dma_wait3A_297 = tpu.memref_slice %arg6[%dma_wait3A_295, %dma_wait3A_296] : memref<128x128xi32, #tpu.memory_space<vmem>> -> memref<64x128xi32, #tpu.memory_space<vmem>>
    %dma_wait3A_298 = arith.constant 0 : i32
    %dma_wait3A_299 = tpu.memref_slice %arg2[%add3A_234, %mul3A_238, %dma_wait3A_298] : memref<8x1024x128xi32, #tpu.memory_space<hbm>> -> memref<1x64x128xi32, #tpu.memory_space<hbm>>
    %dma_wait3A_300 = tpu.memref_squeeze %dma_wait3A_299 : memref<1x64x128xi32, #tpu.memory_space<hbm>> -> memref<64x128xi32, #tpu.memory_space<hbm>>
    tpu.wait_dma2 semaphore(%arg12 : memref<!tpu.dma_semaphore, #tpu.memory_space<semaphore_mem>>) src(%dma_wait3A_300 : memref<64x128xi32, #tpu.memory_space<hbm>>) dst(%dma_wait3A_297 : memref<64x128xi32, #tpu.memory_space<vmem>>)
    %dma_wait3A_301 = arith.constant 64 : i32
    %dma_wait3A_302 = arith.constant 0 : i32
    %dma_wait3A_303 = tpu.memref_slice %arg7[%dma_wait3A_301, %dma_wait3A_302] : memref<128x128xf32, #tpu.memory_space<vmem>> -> memref<64x128xf32, #tpu.memory_space<vmem>>
    %dma_wait3A_304 = arith.constant 0 : i32
    %dma_wait3A_305 = tpu.memref_slice %arg3[%add3A_236, %mul3A_252, %dma_wait3A_304] : memref<16x1024x128xf32, #tpu.memory_space<hbm>> -> memref<1x64x128xf32, #tpu.memory_space<hbm>>
    %dma_wait3A_306 = tpu.memref_squeeze %dma_wait3A_305 : memref<1x64x128xf32, #tpu.memory_space<hbm>> -> memref<64x128xf32, #tpu.memory_space<hbm>>
    %dma_wait3A_307 = arith.constant 64 : i32
    %dma_wait3A_308 = arith.constant 0 : i32
    %dma_wait3A_309 = tpu.memref_slice %arg7[%dma_wait3A_307, %dma_wait3A_308] : memref<128x128xf32, #tpu.memory_space<vmem>> -> memref<64x128xf32, #tpu.memory_space<vmem>>
    %dma_wait3A_310 = arith.constant 0 : i32
    %dma_wait3A_311 = tpu.memref_slice %arg3[%add3A_236, %mul3A_252, %dma_wait3A_310] : memref<16x1024x128xf32, #tpu.memory_space<hbm>> -> memref<1x64x128xf32, #tpu.memory_space<hbm>>
    %dma_wait3A_312 = tpu.memref_squeeze %dma_wait3A_311 : memref<1x64x128xf32, #tpu.memory_space<hbm>> -> memref<64x128xf32, #tpu.memory_space<hbm>>
    tpu.wait_dma2 semaphore(%arg12 : memref<!tpu.dma_semaphore, #tpu.memory_space<semaphore_mem>>) src(%dma_wait3A_312 : memref<64x128xf32, #tpu.memory_space<hbm>>) dst(%dma_wait3A_309 : memref<64x128xf32, #tpu.memory_space<vmem>>)
    %scan3A_313 = arith.constant 0 : i32
    %scan3A_314 = arith.constant 16 : i32
    %scan3A_315 = arith.addi %scan3A_313, %scan3A_314 : i32
    %scan3A_316 = arith.constant 1 : i32
    scf.for %scan3A_380 = %scan3A_313 to %scan3A_315 step %scan3A_316  : i32 {
      %mul3A_381 = arith.constant 1 : i32
      %mul3A_382 = arith.muli %scan3A_380, %mul3A_381 : i32
      %add3A_383 = arith.constant 0 : i32
      %add3A_384 = arith.addi %add3A_383, %mul3A_382 : i32
      %add3A_385 = arith.constant 0 : i32
      %add3A_386 = arith.addi %add3A_385, %add3A_384 : i32
      %dma_start3A_387 = arith.constant 0 : i32
      %dma_start3A_388 = tpu.memref_slice %arg7[%add3A_386, %dma_start3A_387] : memref<128x128xf32, #tpu.memory_space<vmem>> -> memref<1x128xf32, #tpu.memory_space<vmem>>
      %dma_start3A_389 = tpu.memref_squeeze %dma_start3A_388 : memref<1x128xf32, #tpu.memory_space<vmem>> -> memref<128xf32, #tpu.memory_space<vmem>>
      %dma_start3A_390 = arith.constant 0 : i32
      %dma_start3A_391 = tpu.memref_slice %arg6[%add3A_386, %dma_start3A_390] : memref<128x128xi32, #tpu.memory_space<vmem>> -> memref<1x128xi32, #tpu.memory_space<vmem>>
      %dma_start3A_392 = tpu.memref_squeeze %dma_start3A_391 : memref<1x128xi32, #tpu.memory_space<vmem>> -> memref<128xi32, #tpu.memory_space<vmem>>
      %dma_start3A_393 = arith.constant 0 : i32
      %dma_start3A_394 = tpu.memref_slice %arg10[%dma_start3A_393] : memref<393216xf32, #tpu.memory_space<vmem_shared>> -> memref<393216xf32, #tpu.memory_space<vmem_shared>>
      tpu.enqueue_indirect_dma source(%dma_start3A_389 : memref<128xf32, #tpu.memory_space<vmem>>) target(%dma_start3A_394 : memref<393216xf32, #tpu.memory_space<vmem_shared>>) offsets(%dma_start3A_392 : memref<128xi32, #tpu.memory_space<vmem>>) semaphore(%arg13 : memref<!tpu.dma_semaphore, #tpu.memory_space<semaphore_mem>>) {add = true}
      %dma_start3A_395 = arith.constant 0 : i32
      %dma_start3A_396 = tpu.memref_slice %arg6[%add3A_386, %dma_start3A_395] : memref<128x128xi32, #tpu.memory_space<vmem>> -> memref<1x128xi32, #tpu.memory_space<vmem>>
      %dma_start3A_397 = tpu.memref_squeeze %dma_start3A_396 : memref<1x128xi32, #tpu.memory_space<vmem>> -> memref<128xi32, #tpu.memory_space<vmem>>
      %dma_start3A_398 = arith.constant 0 : i32
      %dma_start3A_399 = tpu.memref_slice %arg11[%dma_start3A_398] : memref<393216xf32, #tpu.memory_space<vmem_shared>> -> memref<393216xf32, #tpu.memory_space<vmem_shared>>
      tpu.enqueue_indirect_dma source(%arg8 : memref<128xf32, #tpu.memory_space<vmem>>) target(%dma_start3A_399 : memref<393216xf32, #tpu.memory_space<vmem_shared>>) offsets(%dma_start3A_397 : memref<128xi32, #tpu.memory_space<vmem>>) semaphore(%arg13 : memref<!tpu.dma_semaphore, #tpu.memory_space<semaphore_mem>>) {add = true}
    }
    %scan3A_317 = arith.constant 16 : i32
    %scan3A_318 = arith.constant 0 : i32
    %scan3A_319 = arith.constant 7 : i32
    %scan3A_320 = arith.addi %scan3A_318, %scan3A_319 : i32
    %scan3A_321 = arith.constant 1 : i32
    scf.for %scan3A_380 = %scan3A_318 to %scan3A_320 step %scan3A_321  : i32 {
      %mul3A_381 = arith.constant 1 : i32
      %mul3A_382 = arith.muli %scan3A_380, %mul3A_381 : i32
      %add3A_383 = arith.constant 0 : i32
      %add3A_384 = arith.addi %add3A_383, %mul3A_382 : i32
      %add3A_385 = arith.constant 1 : i32
      %add3A_386 = arith.addi %add3A_384, %add3A_385 : i32
      %scan3A_387 = arith.constant 0 : i32
      %scan3A_388 = arith.constant 16 : i32
      %scan3A_389 = arith.addi %scan3A_387, %scan3A_388 : i32
      %scan3A_390 = arith.constant 1 : i32
      scf.for %scan3A_397 = %scan3A_387 to %scan3A_389 step %scan3A_390  : i32 {
        %mul3A_398 = arith.constant 1 : i32
        %mul3A_399 = arith.muli %scan3A_397, %mul3A_398 : i32
        %add3A_400 = arith.constant 0 : i32
        %add3A_401 = arith.addi %add3A_400, %mul3A_399 : i32
        %mul3A_402 = arith.constant 16 : i32
        %mul3A_403 = arith.muli %add3A_386, %mul3A_402 : i32
        %add3A_404 = arith.addi %mul3A_403, %add3A_401 : i32
        %dma_start3A_405 = arith.constant 0 : i32
        %dma_start3A_406 = tpu.memref_slice %arg7[%add3A_404, %dma_start3A_405] : memref<128x128xf32, #tpu.memory_space<vmem>> -> memref<1x128xf32, #tpu.memory_space<vmem>>
        %dma_start3A_407 = tpu.memref_squeeze %dma_start3A_406 : memref<1x128xf32, #tpu.memory_space<vmem>> -> memref<128xf32, #tpu.memory_space<vmem>>
        %dma_start3A_408 = arith.constant 0 : i32
        %dma_start3A_409 = tpu.memref_slice %arg6[%add3A_404, %dma_start3A_408] : memref<128x128xi32, #tpu.memory_space<vmem>> -> memref<1x128xi32, #tpu.memory_space<vmem>>
        %dma_start3A_410 = tpu.memref_squeeze %dma_start3A_409 : memref<1x128xi32, #tpu.memory_space<vmem>> -> memref<128xi32, #tpu.memory_space<vmem>>
        %dma_start3A_411 = arith.constant 0 : i32
        %dma_start3A_412 = tpu.memref_slice %arg10[%dma_start3A_411] : memref<393216xf32, #tpu.memory_space<vmem_shared>> -> memref<393216xf32, #tpu.memory_space<vmem_shared>>
        tpu.enqueue_indirect_dma source(%dma_start3A_407 : memref<128xf32, #tpu.memory_space<vmem>>) target(%dma_start3A_412 : memref<393216xf32, #tpu.memory_space<vmem_shared>>) offsets(%dma_start3A_410 : memref<128xi32, #tpu.memory_space<vmem>>) semaphore(%arg13 : memref<!tpu.dma_semaphore, #tpu.memory_space<semaphore_mem>>) {add = true}
        %dma_start3A_413 = arith.constant 0 : i32
        %dma_start3A_414 = tpu.memref_slice %arg6[%add3A_404, %dma_start3A_413] : memref<128x128xi32, #tpu.memory_space<vmem>> -> memref<1x128xi32, #tpu.memory_space<vmem>>
        %dma_start3A_415 = tpu.memref_squeeze %dma_start3A_414 : memref<1x128xi32, #tpu.memory_space<vmem>> -> memref<128xi32, #tpu.memory_space<vmem>>
        %dma_start3A_416 = arith.constant 0 : i32
        %dma_start3A_417 = tpu.memref_slice %arg11[%dma_start3A_416] : memref<393216xf32, #tpu.memory_space<vmem_shared>> -> memref<393216xf32, #tpu.memory_space<vmem_shared>>
        tpu.enqueue_indirect_dma source(%arg8 : memref<128xf32, #tpu.memory_space<vmem>>) target(%dma_start3A_417 : memref<393216xf32, #tpu.memory_space<vmem_shared>>) offsets(%dma_start3A_415 : memref<128xi32, #tpu.memory_space<vmem>>) semaphore(%arg13 : memref<!tpu.dma_semaphore, #tpu.memory_space<semaphore_mem>>) {add = true}
      }
      %scan3A_391 = arith.constant 16 : i32
      %scan3A_392 = arith.constant 0 : i32
      %scan3A_393 = arith.constant 16 : i32
      %scan3A_394 = arith.addi %scan3A_392, %scan3A_393 : i32
      %scan3A_395 = arith.constant 1 : i32
      scf.for %scan3A_397 = %scan3A_392 to %scan3A_394 step %scan3A_395  : i32 {
        %mul3A_398 = arith.constant 1 : i32
        %mul3A_399 = arith.muli %scan3A_397, %mul3A_398 : i32
        %add3A_400 = arith.constant 0 : i32
        %add3A_401 = arith.addi %add3A_400, %mul3A_399 : i32
        %mul3A_402 = arith.constant 16 : i32
        %mul3A_403 = arith.muli %add3A_384, %mul3A_402 : i32
        %add3A_404 = arith.addi %mul3A_403, %add3A_401 : i32
        %dma_wait3A_405 = arith.constant 0 : i32
        %dma_wait3A_406 = tpu.memref_slice %arg7[%add3A_404, %dma_wait3A_405] : memref<128x128xf32, #tpu.memory_space<vmem>> -> memref<1x128xf32, #tpu.memory_space<vmem>>
        %dma_wait3A_407 = tpu.memref_squeeze %dma_wait3A_406 : memref<1x128xf32, #tpu.memory_space<vmem>> -> memref<128xf32, #tpu.memory_space<vmem>>
        %dma_wait3A_408 = arith.constant 0 : i32
        %dma_wait3A_409 = tpu.memref_slice %arg6[%add3A_404, %dma_wait3A_408] : memref<128x128xi32, #tpu.memory_space<vmem>> -> memref<1x128xi32, #tpu.memory_space<vmem>>
        %dma_wait3A_410 = tpu.memref_squeeze %dma_wait3A_409 : memref<1x128xi32, #tpu.memory_space<vmem>> -> memref<128xi32, #tpu.memory_space<vmem>>
        %dma_wait3A_411 = arith.constant 0 : i32
        %dma_wait3A_412 = tpu.memref_slice %arg10[%dma_wait3A_411] : memref<393216xf32, #tpu.memory_space<vmem_shared>> -> memref<393216xf32, #tpu.memory_space<vmem_shared>>
        tpu.wait_indirect_dma semaphore(%arg13 : memref<!tpu.dma_semaphore, #tpu.memory_space<semaphore_mem>>) src(%dma_wait3A_407 : memref<128xf32, #tpu.memory_space<vmem>>) dst(%dma_wait3A_412 : memref<393216xf32, #tpu.memory_space<vmem_shared>>)
        %dma_wait3A_413 = arith.constant 0 : i32
        %dma_wait3A_414 = tpu.memref_slice %arg6[%add3A_404, %dma_wait3A_413] : memref<128x128xi32, #tpu.memory_space<vmem>> -> memref<1x128xi32, #tpu.memory_space<vmem>>
        %dma_wait3A_415 = tpu.memref_squeeze %dma_wait3A_414 : memref<1x128xi32, #tpu.memory_space<vmem>> -> memref<128xi32, #tpu.memory_space<vmem>>
        %dma_wait3A_416 = arith.constant 0 : i32
        %dma_wait3A_417 = tpu.memref_slice %arg11[%dma_wait3A_416] : memref<393216xf32, #tpu.memory_space<vmem_shared>> -> memref<393216xf32, #tpu.memory_space<vmem_shared>>
        tpu.wait_indirect_dma semaphore(%arg13 : memref<!tpu.dma_semaphore, #tpu.memory_space<semaphore_mem>>) src(%arg8 : memref<128xf32, #tpu.memory_space<vmem>>) dst(%dma_wait3A_417 : memref<393216xf32, #tpu.memory_space<vmem_shared>>)
      }
      %scan3A_396 = arith.constant 16 : i32
    }
    %scan3A_322 = arith.constant 7 : i32
    %scan3A_323 = arith.constant 0 : i32
    %scan3A_324 = arith.constant 16 : i32
    %scan3A_325 = arith.addi %scan3A_323, %scan3A_324 : i32
    %scan3A_326 = arith.constant 1 : i32
    scf.for %scan3A_380 = %scan3A_323 to %scan3A_325 step %scan3A_326  : i32 {
      %mul3A_381 = arith.constant 1 : i32
      %mul3A_382 = arith.muli %scan3A_380, %mul3A_381 : i32
      %add3A_383 = arith.constant 0 : i32
      %add3A_384 = arith.addi %add3A_383, %mul3A_382 : i32
      %add3A_385 = arith.constant 112 : i32
      %add3A_386 = arith.addi %add3A_385, %add3A_384 : i32
      %dma_wait3A_387 = arith.constant 0 : i32
      %dma_wait3A_388 = tpu.memref_slice %arg7[%add3A_386, %dma_wait3A_387] : memref<128x128xf32, #tpu.memory_space<vmem>> -> memref<1x128xf32, #tpu.memory_space<vmem>>
      %dma_wait3A_389 = tpu.memref_squeeze %dma_wait3A_388 : memref<1x128xf32, #tpu.memory_space<vmem>> -> memref<128xf32, #tpu.memory_space<vmem>>
      %dma_wait3A_390 = arith.constant 0 : i32
      %dma_wait3A_391 = tpu.memref_slice %arg6[%add3A_386, %dma_wait3A_390] : memref<128x128xi32, #tpu.memory_space<vmem>> -> memref<1x128xi32, #tpu.memory_space<vmem>>
      %dma_wait3A_392 = tpu.memref_squeeze %dma_wait3A_391 : memref<1x128xi32, #tpu.memory_space<vmem>> -> memref<128xi32, #tpu.memory_space<vmem>>
      %dma_wait3A_393 = arith.constant 0 : i32
      %dma_wait3A_394 = tpu.memref_slice %arg10[%dma_wait3A_393] : memref<393216xf32, #tpu.memory_space<vmem_shared>> -> memref<393216xf32, #tpu.memory_space<vmem_shared>>
      tpu.wait_indirect_dma semaphore(%arg13 : memref<!tpu.dma_semaphore, #tpu.memory_space<semaphore_mem>>) src(%dma_wait3A_389 : memref<128xf32, #tpu.memory_space<vmem>>) dst(%dma_wait3A_394 : memref<393216xf32, #tpu.memory_space<vmem_shared>>)
      %dma_wait3A_395 = arith.constant 0 : i32
      %dma_wait3A_396 = tpu.memref_slice %arg6[%add3A_386, %dma_wait3A_395] : memref<128x128xi32, #tpu.memory_space<vmem>> -> memref<1x128xi32, #tpu.memory_space<vmem>>
      %dma_wait3A_397 = tpu.memref_squeeze %dma_wait3A_396 : memref<1x128xi32, #tpu.memory_space<vmem>> -> memref<128xi32, #tpu.memory_space<vmem>>
      %dma_wait3A_398 = arith.constant 0 : i32
      %dma_wait3A_399 = tpu.memref_slice %arg11[%dma_wait3A_398] : memref<393216xf32, #tpu.memory_space<vmem_shared>> -> memref<393216xf32, #tpu.memory_space<vmem_shared>>
      tpu.wait_indirect_dma semaphore(%arg13 : memref<!tpu.dma_semaphore, #tpu.memory_space<semaphore_mem>>) src(%arg8 : memref<128xf32, #tpu.memory_space<vmem>>) dst(%dma_wait3A_399 : memref<393216xf32, #tpu.memory_space<vmem_shared>>)
    }
    %scan3A_327 = arith.constant 16 : i32
    %barrier3A_328 = arith.constant 0 : index
    tpu.barrier barrier_id(%barrier3A_328)
    %mul3A_329 = arith.constant 4 : i32
    %mul3A_330 = arith.muli %arg0, %mul3A_329 : i32
    %add3A_331 = arith.constant 2 : i32
    %add3A_332 = arith.addi %mul3A_330, %add3A_331 : i32
    %jit3A_333 = arith.constant 8 : i32
    %div3A_334 = arith.divsi %arg1, %jit3A_333 : i32
    %sign3A_335 = arith.constant 0 : i32
    %sign3A_336 = arith.cmpi sgt, %arg1, %sign3A_335 : i32
    %sign3A_337 = arith.extui %sign3A_336 : i1 to i32
    %sign3A_338 = arith.constant 0 : i32
    %sign3A_339 = arith.cmpi slt, %arg1, %sign3A_338 : i32
    %sign3A_340 = arith.extui %sign3A_339 : i1 to i32
    %sign3A_341 = arith.subi %sign3A_337, %sign3A_340 : i32
    %sign3A_342 = arith.constant 0 : i32
    %sign3A_343 = arith.cmpi sgt, %jit3A_333, %sign3A_342 : i32
    %sign3A_344 = arith.extui %sign3A_343 : i1 to i32
    %sign3A_345 = arith.constant 0 : i32
    %sign3A_346 = arith.cmpi slt, %jit3A_333, %sign3A_345 : i32
    %sign3A_347 = arith.extui %sign3A_346 : i1 to i32
    %sign3A_348 = arith.subi %sign3A_344, %sign3A_347 : i32
    %ne3A_349 = arith.cmpi ne, %sign3A_341, %sign3A_348 : i32
    %rem3A_350 = arith.remsi %arg1, %jit3A_333 : i32
    %ne3A_351 = arith.constant 0 : i32
    %ne3A_352 = arith.cmpi ne, %rem3A_350, %ne3A_351 : i32
    %and3A_353 = arith.andi %ne3A_349, %ne3A_352 : i1
    %sub3A_354 = arith.constant 1 : i32
    %sub3A_355 = arith.subi %div3A_334, %sub3A_354 : i32
    %select_n3A_356 = arith.select %and3A_353, %sub3A_355, %div3A_334 : i32
    %add3A_357 = arith.addi %add3A_332, %select_n3A_356 : i32
    %jit3A_358 = arith.constant 8 : i32
    %eq3A_359 = arith.constant 0 : i32
    %eq3A_360 = arith.cmpi eq, %jit3A_358, %eq3A_359 : i32
    %jit3A_361 = arith.constant 1 : i32
    %select_n3A_362 = arith.select %eq3A_360, %jit3A_361, %jit3A_358 : i32
    %rem3A_363 = arith.remsi %arg1, %select_n3A_362 : i32
    %ne3A_364 = arith.constant 0 : i32
    %ne3A_365 = arith.cmpi ne, %rem3A_363, %ne3A_364 : i32
    %lt3A_366 = arith.constant 0 : i32
    %lt3A_367 = arith.cmpi slt, %rem3A_363, %lt3A_366 : i32
    %lt3A_368 = arith.constant 0 : i32
    %lt3A_369 = arith.cmpi slt, %select_n3A_362, %lt3A_368 : i32
    %ne3A_370 = arith.xori %lt3A_367, %lt3A_369 : i1
    %and3A_371 = arith.andi %ne3A_370, %ne3A_365 : i1
    %add3A_372 = arith.addi %rem3A_363, %select_n3A_362 : i32
    %select_n3A_373 = arith.select %and3A_371, %add3A_372, %rem3A_363 : i32
    %mul3A_374 = arith.constant 24576 : i32
    %mul3A_375 = arith.muli %select_n3A_373, %mul3A_374 : i32
    %mul3A_376 = arith.constant 24576 : i32
    %mul3A_377 = arith.muli %arg1, %mul3A_376 : i32
    "tpu.region"() ({
      %run_scoped3A = tpu.sem_alloc : memref<!tpu.dma_semaphore, #tpu.memory_space<semaphore_mem>>
      %dma_start3A_380 = tpu.memref_slice %arg4[%add3A_357, %mul3A_375] : memref<8x196608xf32, #tpu.memory_space<hbm>> -> memref<1x24576xf32, #tpu.memory_space<hbm>>
      %dma_start3A_381 = tpu.memref_squeeze %dma_start3A_380 : memref<1x24576xf32, #tpu.memory_space<hbm>> -> memref<24576xf32, #tpu.memory_space<hbm>>
      %dma_start3A_382 = tpu.memref_slice %arg10[%mul3A_377] : memref<393216xf32, #tpu.memory_space<vmem_shared>> -> memref<24576xf32, #tpu.memory_space<vmem_shared>>
      tpu.enqueue_dma source(%dma_start3A_382 : memref<24576xf32, #tpu.memory_space<vmem_shared>>) target(%dma_start3A_381 : memref<24576xf32, #tpu.memory_space<hbm>>) target_semaphore(%run_scoped3A : memref<!tpu.dma_semaphore, #tpu.memory_space<semaphore_mem>>)
      %dma_wait3A_383 = tpu.memref_slice %arg4[%add3A_357, %mul3A_375] : memref<8x196608xf32, #tpu.memory_space<hbm>> -> memref<1x24576xf32, #tpu.memory_space<hbm>>
      %dma_wait3A_384 = tpu.memref_squeeze %dma_wait3A_383 : memref<1x24576xf32, #tpu.memory_space<hbm>> -> memref<24576xf32, #tpu.memory_space<hbm>>
      %dma_wait3A_385 = tpu.memref_slice %arg10[%mul3A_377] : memref<393216xf32, #tpu.memory_space<vmem_shared>> -> memref<24576xf32, #tpu.memory_space<vmem_shared>>
      tpu.wait_dma2 semaphore(%run_scoped3A : memref<!tpu.dma_semaphore, #tpu.memory_space<semaphore_mem>>) src(%dma_wait3A_385 : memref<24576xf32, #tpu.memory_space<vmem_shared>>) dst(%dma_wait3A_384 : memref<24576xf32, #tpu.memory_space<hbm>>)
      tpu.yield
    }) : () -> ()
    %mul3A_378 = arith.constant 24576 : i32
    %mul3A_379 = arith.muli %arg1, %mul3A_378 : i32
    "tpu.region"() ({
      %run_scoped3A = tpu.sem_alloc : memref<!tpu.dma_semaphore, #tpu.memory_space<semaphore_mem>>
      %dma_start3A_380 = tpu.memref_slice %arg5[%add3A_357, %mul3A_375] : memref<8x196608xf32, #tpu.memory_space<hbm>> -> memref<1x24576xf32, #tpu.memory_space<hbm>>
      %dma_start3A_381 = tpu.memref_squeeze %dma_start3A_380 : memref<1x24576xf32, #tpu.memory_space<hbm>> -> memref<24576xf32, #tpu.memory_space<hbm>>
      %dma_start3A_382 = tpu.memref_slice %arg11[%mul3A_379] : memref<393216xf32, #tpu.memory_space<vmem_shared>> -> memref<24576xf32, #tpu.memory_space<vmem_shared>>
      tpu.enqueue_dma source(%dma_start3A_382 : memref<24576xf32, #tpu.memory_space<vmem_shared>>) target(%dma_start3A_381 : memref<24576xf32, #tpu.memory_space<hbm>>) target_semaphore(%run_scoped3A : memref<!tpu.dma_semaphore, #tpu.memory_space<semaphore_mem>>)
      %dma_wait3A_383 = tpu.memref_slice %arg5[%add3A_357, %mul3A_375] : memref<8x196608xf32, #tpu.memory_space<hbm>> -> memref<1x24576xf32, #tpu.memory_space<hbm>>
      %dma_wait3A_384 = tpu.memref_squeeze %dma_wait3A_383 : memref<1x24576xf32, #tpu.memory_space<hbm>> -> memref<24576xf32, #tpu.memory_space<hbm>>
      %dma_wait3A_385 = tpu.memref_slice %arg11[%mul3A_379] : memref<393216xf32, #tpu.memory_space<vmem_shared>> -> memref<24576xf32, #tpu.memory_space<vmem_shared>>
      tpu.wait_dma2 semaphore(%run_scoped3A : memref<!tpu.dma_semaphore, #tpu.memory_space<semaphore_mem>>) src(%dma_wait3A_385 : memref<24576xf32, #tpu.memory_space<vmem_shared>>) dst(%dma_wait3A_384 : memref<24576xf32, #tpu.memory_space<hbm>>)
      tpu.yield
    }) : () -> ()
    return
  }
}

module attributes {stable_mosaic.version = 14 : i64} {
  func.func @_ang2pix_block(%arg0: i32, %arg1: memref<8x8192xf32, #tpu.memory_space<vmem>>, %arg2: memref<8x8192xf32, #tpu.memory_space<vmem>>, %arg3: memref<8x8192xi32, #tpu.memory_space<vmem>>) attributes {dimension_semantics = [#tpu.dimension_semantics<arbitrary>], iteration_bounds = array<i64: 16>, scalar_prefetch = 0 : i64, scratch_operands = 0 : i64, tpu.core_type = #tpu.core_type<tc>, window_params = [{transform_indices = @transform_0, window_bounds = array<i64: 8, 8192>}, {transform_indices = @transform_1, window_bounds = array<i64: 8, 8192>}, {transform_indices = @transform_2, window_bounds = array<i64: 8, 8192>}]} {
    %get3A = arith.constant 0 : index
    %get3A_0 = arith.constant 0 : index
    %get3A_1 = vector.load %arg1[%get3A, %get3A_0] : memref<8x8192xf32, #tpu.memory_space<vmem>>, vector<8x8192xf32>
    %get3A_2 = arith.constant 0 : index
    %get3A_3 = arith.constant 0 : index
    %get3A_4 = vector.load %arg2[%get3A_2, %get3A_3] : memref<8x8192xf32, #tpu.memory_space<vmem>>, vector<8x8192xf32>
    %cos3A = math.cos %get3A_1 : vector<8x8192xf32>
    %mul3A = arith.constant 0.636619746 : f32
    %mul3A_5 = vector.broadcast %mul3A : f32 to vector<8x8192xf32>
    %mul3A_6 = arith.mulf %get3A_4, %mul3A_5 : vector<8x8192xf32>
    %add3A = arith.constant 5.000000e-01 : f32
    %add3A_7 = vector.broadcast %add3A : f32 to vector<8x8192xf32>
    %add3A_8 = arith.addf %add3A_7, %mul3A_6 : vector<8x8192xf32>
    %mul3A_9 = arith.constant 1.280000e+02 : f32
    %mul3A_10 = vector.broadcast %mul3A_9 : f32 to vector<8x8192xf32>
    %mul3A_11 = arith.mulf %mul3A_10, %add3A_8 : vector<8x8192xf32>
    %mul3A_12 = arith.constant 7.500000e-01 : f32
    %mul3A_13 = vector.broadcast %mul3A_12 : f32 to vector<8x8192xf32>
    %mul3A_14 = arith.mulf %cos3A, %mul3A_13 : vector<8x8192xf32>
    %mul3A_15 = arith.constant 1.280000e+02 : f32
    %mul3A_16 = vector.broadcast %mul3A_15 : f32 to vector<8x8192xf32>
    %mul3A_17 = arith.mulf %mul3A_16, %mul3A_14 : vector<8x8192xf32>
    %sub3A = arith.subf %mul3A_11, %mul3A_17 : vector<8x8192xf32>
    %floor3A = math.floor %sub3A : vector<8x8192xf32>
    %convert_element_type3A = arith.fptosi %floor3A : vector<8x8192xf32> to vector<8x8192xi32>
    %add3A_18 = arith.addf %mul3A_11, %mul3A_17 : vector<8x8192xf32>
    %floor3A_19 = math.floor %add3A_18 : vector<8x8192xf32>
    %convert_element_type3A_20 = arith.fptosi %floor3A_19 : vector<8x8192xf32> to vector<8x8192xi32>
    %add3A_21 = arith.constant 129 : i32
    %add3A_22 = vector.broadcast %add3A_21 : i32 to vector<8x8192xi32>
    %add3A_23 = arith.addi %add3A_22, %convert_element_type3A : vector<8x8192xi32>
    %sub3A_24 = arith.subi %add3A_23, %convert_element_type3A_20 : vector<8x8192xi32>
    %and3A = arith.constant 1 : i32
    %and3A_25 = vector.broadcast %and3A : i32 to vector<8x8192xi32>
    %and3A_26 = arith.andi %sub3A_24, %and3A_25 : vector<8x8192xi32>
    %sub3A_27 = arith.constant 1 : i32
    %sub3A_28 = vector.broadcast %sub3A_27 : i32 to vector<8x8192xi32>
    %sub3A_29 = arith.subi %sub3A_28, %and3A_26 : vector<8x8192xi32>
    %add3A_30 = arith.addi %convert_element_type3A, %convert_element_type3A_20 : vector<8x8192xi32>
    %sub3A_31 = arith.constant 128 : i32
    %sub3A_32 = vector.broadcast %sub3A_31 : i32 to vector<8x8192xi32>
    %sub3A_33 = arith.subi %add3A_30, %sub3A_32 : vector<8x8192xi32>
    %add3A_34 = arith.addi %sub3A_33, %sub3A_29 : vector<8x8192xi32>
    %add3A_35 = arith.constant 1 : i32
    %add3A_36 = vector.broadcast %add3A_35 : i32 to vector<8x8192xi32>
    %add3A_37 = arith.addi %add3A_34, %add3A_36 : vector<8x8192xi32>
    %shift_right_arithmetic3A = arith.constant 1 : i32
    %shift_right_arithmetic3A_38 = vector.broadcast %shift_right_arithmetic3A : i32 to vector<8x8192xi32>
    %shift_right_arithmetic3A_39 = arith.shrsi %add3A_37, %shift_right_arithmetic3A_38 : vector<8x8192xi32>
    %sub3A_40 = arith.constant 1 : i32
    %sub3A_41 = vector.broadcast %sub3A_40 : i32 to vector<8x8192xi32>
    %sub3A_42 = arith.subi %sub3A_24, %sub3A_41 : vector<8x8192xi32>
    %mul3A_43 = arith.constant 4 : i32
    %mul3A_44 = vector.broadcast %mul3A_43 : i32 to vector<8x8192xi32>
    %mul3A_45 = arith.muli %sub3A_42, %mul3A_44 : vector<8x8192xi32>
    %mul3A_46 = arith.constant 128 : i32
    %mul3A_47 = vector.broadcast %mul3A_46 : i32 to vector<8x8192xi32>
    %mul3A_48 = arith.muli %mul3A_45, %mul3A_47 : vector<8x8192xi32>
    %add3A_49 = arith.constant 32512 : i32
    %add3A_50 = vector.broadcast %add3A_49 : i32 to vector<8x8192xi32>
    %add3A_51 = arith.addi %add3A_50, %mul3A_48 : vector<8x8192xi32>
    %add3A_52 = arith.addi %add3A_51, %shift_right_arithmetic3A_39 : vector<8x8192xi32>
    %sub3A_53 = arith.constant 1.000000e+00 : f32
    %sub3A_54 = vector.broadcast %sub3A_53 : f32 to vector<8x8192xf32>
    %sub3A_55 = arith.subf %sub3A_54, %cos3A : vector<8x8192xf32>
    %mul3A_56 = arith.constant 3.000000e+00 : f32
    %mul3A_57 = vector.broadcast %mul3A_56 : f32 to vector<8x8192xf32>
    %mul3A_58 = arith.mulf %mul3A_57, %sub3A_55 : vector<8x8192xf32>
    %sqrt3A = math.sqrt %mul3A_58 : vector<8x8192xf32>
    %mul3A_59 = arith.constant 1.280000e+02 : f32
    %mul3A_60 = vector.broadcast %mul3A_59 : f32 to vector<8x8192xf32>
    %mul3A_61 = arith.mulf %mul3A_60, %sqrt3A : vector<8x8192xf32>
    %mul3A_62 = arith.mulf %mul3A_6, %mul3A_61 : vector<8x8192xf32>
    %floor3A_63 = math.floor %mul3A_62 : vector<8x8192xf32>
    %convert_element_type3A_64 = arith.fptosi %floor3A_63 : vector<8x8192xf32> to vector<8x8192xi32>
    %sub3A_65 = arith.constant 1.000000e+00 : f32
    %sub3A_66 = vector.broadcast %sub3A_65 : f32 to vector<8x8192xf32>
    %sub3A_67 = arith.subf %sub3A_66, %mul3A_6 : vector<8x8192xf32>
    %mul3A_68 = arith.mulf %sub3A_67, %mul3A_61 : vector<8x8192xf32>
    %floor3A_69 = math.floor %mul3A_68 : vector<8x8192xf32>
    %convert_element_type3A_70 = arith.fptosi %floor3A_69 : vector<8x8192xf32> to vector<8x8192xi32>
    %add3A_71 = arith.addi %convert_element_type3A_64, %convert_element_type3A_70 : vector<8x8192xi32>
    %add3A_72 = arith.constant 1 : i32
    %add3A_73 = vector.broadcast %add3A_72 : i32 to vector<8x8192xi32>
    %add3A_74 = arith.addi %add3A_71, %add3A_73 : vector<8x8192xi32>
    %convert_element_type3A_75 = arith.sitofp %add3A_74 : vector<8x8192xi32> to vector<8x8192xf32>
    %mul3A_76 = arith.mulf %mul3A_6, %convert_element_type3A_75 : vector<8x8192xf32>
    %floor3A_77 = math.floor %mul3A_76 : vector<8x8192xf32>
    %convert_element_type3A_78 = arith.fptosi %floor3A_77 : vector<8x8192xf32> to vector<8x8192xi32>
    %mul3A_79 = arith.constant 2 : i32
    %mul3A_80 = vector.broadcast %mul3A_79 : i32 to vector<8x8192xi32>
    %mul3A_81 = arith.muli %mul3A_80, %add3A_74 : vector<8x8192xi32>
    %sub3A_82 = arith.constant 1 : i32
    %sub3A_83 = vector.broadcast %sub3A_82 : i32 to vector<8x8192xi32>
    %sub3A_84 = arith.subi %add3A_74, %sub3A_83 : vector<8x8192xi32>
    %mul3A_85 = arith.muli %mul3A_81, %sub3A_84 : vector<8x8192xi32>
    %add3A_86 = arith.addi %mul3A_85, %convert_element_type3A_78 : vector<8x8192xi32>
    %le3A = arith.constant 0.666666686 : f32
    %le3A_87 = vector.broadcast %le3A : f32 to vector<8x8192xf32>
    %le3A_88 = arith.cmpf ole, %cos3A, %le3A_87 : vector<8x8192xf32>
    %select_n3A = arith.select %le3A_88, %add3A_52, %add3A_86 : vector<8x8192xi1>, vector<8x8192xi32>
    %jit3A = arith.constant 0 : i32
    %jit3A_89 = arith.constant 196607 : i32
    %max3A = vector.broadcast %jit3A : i32 to vector<8x8192xi32>
    %max3A_90 = arith.maxsi %max3A, %select_n3A : vector<8x8192xi32>
    %min3A = vector.broadcast %jit3A_89 : i32 to vector<8x8192xi32>
    %min3A_91 = arith.minsi %min3A, %max3A_90 : vector<8x8192xi32>
    %iota3A = tpu.iota {dimensions = array<i32: 0>} : vector<8x8192xi32>
    %jit3A_92 = arith.constant 2 : i32
    %eq3A = arith.constant 0 : i32
    %eq3A_93 = arith.cmpi eq, %jit3A_92, %eq3A : i32
    %jit3A_94 = arith.constant 1 : i32
    %select_n3A_95 = arith.select %eq3A_93, %jit3A_94, %jit3A_92 : i32
    %rem3A = vector.broadcast %select_n3A_95 : i32 to vector<8x8192xi32>
    %rem3A_96 = arith.remsi %iota3A, %rem3A : vector<8x8192xi32>
    %ne3A = arith.constant 0 : i32
    %ne3A_97 = vector.broadcast %ne3A : i32 to vector<8x8192xi32>
    %ne3A_98 = arith.cmpi ne, %rem3A_96, %ne3A_97 : vector<8x8192xi32>
    %lt3A = arith.constant 0 : i32
    %lt3A_99 = vector.broadcast %lt3A : i32 to vector<8x8192xi32>
    %lt3A_100 = arith.cmpi slt, %rem3A_96, %lt3A_99 : vector<8x8192xi32>
    %lt3A_101 = arith.constant 0 : i32
    %lt3A_102 = arith.cmpi slt, %select_n3A_95, %lt3A_101 : i32
    %ne3A_103 = vector.broadcast %lt3A_102 : i1 to vector<8x8192xi1>
    %ne3A_104 = vector.broadcast %ne3A_103 : vector<8x8192xi1> to vector<8x8192xi1>
    %ne3A_105 = arith.xori %lt3A_100, %ne3A_104 : vector<8x8192xi1>
    %and3A_106 = arith.andi %ne3A_105, %ne3A_98 : vector<8x8192xi1>
    %add3A_107 = vector.broadcast %select_n3A_95 : i32 to vector<8x8192xi32>
    %add3A_108 = arith.addi %rem3A_96, %add3A_107 : vector<8x8192xi32>
    %select_n3A_109 = arith.select %and3A_106, %add3A_108, %rem3A_96 : vector<8x8192xi1>, vector<8x8192xi32>
    %mul3A_110 = arith.constant 196608 : i32
    %mul3A_111 = vector.broadcast %mul3A_110 : i32 to vector<8x8192xi32>
    %mul3A_112 = arith.muli %select_n3A_109, %mul3A_111 : vector<8x8192xi32>
    %add3A_113 = arith.addi %min3A_91, %mul3A_112 : vector<8x8192xi32>
    %swap3A = arith.constant 0 : index
    %swap3A_114 = arith.constant 0 : index
    %swap3A_115 = vector.load %arg3[%swap3A, %swap3A_114] : memref<8x8192xi32, #tpu.memory_space<vmem>>, vector<8x8192xi32>
    tpu.vector_store %arg3[%swap3A, %swap3A_114], %add3A_113 {strides = array<i32>} : memref<8x8192xi32, #tpu.memory_space<vmem>>, vector<8x8192xi32>,
    return
  }
  func.func @transform_0(%arg0: i32) -> (i32, i32) {
    %c1_i32 = arith.constant 1 : i32
    %c0_i32 = arith.constant 0 : i32
    return %c1_i32, %arg0 : i32, i32
  }
  func.func @transform_1(%arg0: i32) -> (i32, i32) {
    %c1_i32 = arith.constant 1 : i32
    %c0_i32 = arith.constant 0 : i32
    return %c1_i32, %arg0 : i32, i32
  }
  func.func @transform_2(%arg0: i32) -> (i32, i32) {
    %c0_i32 = arith.constant 0 : i32
    %c0_i32_0 = arith.constant 0 : i32
    return %c0_i32, %arg0 : i32, i32
  }
}

module attributes {stable_mosaic.version = 14 : i64} {
  func.func @_ang2pix_block(%arg0: i32, %arg1: memref<8x8192xf32, #tpu.memory_space<vmem>>, %arg2: memref<8x8192xf32, #tpu.memory_space<vmem>>, %arg3: memref<8x8192xi32, #tpu.memory_space<vmem>>) attributes {dimension_semantics = [#tpu.dimension_semantics<arbitrary>], iteration_bounds = array<i64: 16>, scalar_prefetch = 0 : i64, scratch_operands = 0 : i64, tpu.core_type = #tpu.core_type<tc>, window_params = [{transform_indices = @transform_0, window_bounds = array<i64: 8, 8192>}, {transform_indices = @transform_1, window_bounds = array<i64: 8, 8192>}, {transform_indices = @transform_2, window_bounds = array<i64: 8, 8192>}]} {
    %get3A = arith.constant 0 : index
    %get3A_0 = arith.constant 0 : index
    %get3A_1 = vector.load %arg1[%get3A, %get3A_0] : memref<8x8192xf32, #tpu.memory_space<vmem>>, vector<8x8192xf32>
    %get3A_2 = arith.constant 0 : index
    %get3A_3 = arith.constant 0 : index
    %get3A_4 = vector.load %arg2[%get3A_2, %get3A_3] : memref<8x8192xf32, #tpu.memory_space<vmem>>, vector<8x8192xf32>
    %cos3A = math.cos %get3A_1 : vector<8x8192xf32>
    %mul3A = arith.constant 0.636619746 : f32
    %mul3A_5 = vector.broadcast %mul3A : f32 to vector<8x8192xf32>
    %mul3A_6 = arith.mulf %get3A_4, %mul3A_5 : vector<8x8192xf32>
    %add3A = arith.constant 5.000000e-01 : f32
    %add3A_7 = vector.broadcast %add3A : f32 to vector<8x8192xf32>
    %add3A_8 = arith.addf %add3A_7, %mul3A_6 : vector<8x8192xf32>
    %mul3A_9 = arith.constant 1.280000e+02 : f32
    %mul3A_10 = vector.broadcast %mul3A_9 : f32 to vector<8x8192xf32>
    %mul3A_11 = arith.mulf %mul3A_10, %add3A_8 : vector<8x8192xf32>
    %mul3A_12 = arith.constant 7.500000e-01 : f32
    %mul3A_13 = vector.broadcast %mul3A_12 : f32 to vector<8x8192xf32>
    %mul3A_14 = arith.mulf %cos3A, %mul3A_13 : vector<8x8192xf32>
    %mul3A_15 = arith.constant 1.280000e+02 : f32
    %mul3A_16 = vector.broadcast %mul3A_15 : f32 to vector<8x8192xf32>
    %mul3A_17 = arith.mulf %mul3A_16, %mul3A_14 : vector<8x8192xf32>
    %sub3A = arith.subf %mul3A_11, %mul3A_17 : vector<8x8192xf32>
    %floor3A = math.floor %sub3A : vector<8x8192xf32>
    %convert_element_type3A = arith.fptosi %floor3A : vector<8x8192xf32> to vector<8x8192xi32>
    %add3A_18 = arith.addf %mul3A_11, %mul3A_17 : vector<8x8192xf32>
    %floor3A_19 = math.floor %add3A_18 : vector<8x8192xf32>
    %convert_element_type3A_20 = arith.fptosi %floor3A_19 : vector<8x8192xf32> to vector<8x8192xi32>
    %add3A_21 = arith.constant 129 : i32
    %add3A_22 = vector.broadcast %add3A_21 : i32 to vector<8x8192xi32>
    %add3A_23 = arith.addi %add3A_22, %convert_element_type3A : vector<8x8192xi32>
    %sub3A_24 = arith.subi %add3A_23, %convert_element_type3A_20 : vector<8x8192xi32>
    %and3A = arith.constant 1 : i32
    %and3A_25 = vector.broadcast %and3A : i32 to vector<8x8192xi32>
    %and3A_26 = arith.andi %sub3A_24, %and3A_25 : vector<8x8192xi32>
    %sub3A_27 = arith.constant 1 : i32
    %sub3A_28 = vector.broadcast %sub3A_27 : i32 to vector<8x8192xi32>
    %sub3A_29 = arith.subi %sub3A_28, %and3A_26 : vector<8x8192xi32>
    %add3A_30 = arith.addi %convert_element_type3A, %convert_element_type3A_20 : vector<8x8192xi32>
    %sub3A_31 = arith.constant 128 : i32
    %sub3A_32 = vector.broadcast %sub3A_31 : i32 to vector<8x8192xi32>
    %sub3A_33 = arith.subi %add3A_30, %sub3A_32 : vector<8x8192xi32>
    %add3A_34 = arith.addi %sub3A_33, %sub3A_29 : vector<8x8192xi32>
    %add3A_35 = arith.constant 1 : i32
    %add3A_36 = vector.broadcast %add3A_35 : i32 to vector<8x8192xi32>
    %add3A_37 = arith.addi %add3A_34, %add3A_36 : vector<8x8192xi32>
    %shift_right_arithmetic3A = arith.constant 1 : i32
    %shift_right_arithmetic3A_38 = vector.broadcast %shift_right_arithmetic3A : i32 to vector<8x8192xi32>
    %shift_right_arithmetic3A_39 = arith.shrsi %add3A_37, %shift_right_arithmetic3A_38 : vector<8x8192xi32>
    %sub3A_40 = arith.constant 1 : i32
    %sub3A_41 = vector.broadcast %sub3A_40 : i32 to vector<8x8192xi32>
    %sub3A_42 = arith.subi %sub3A_24, %sub3A_41 : vector<8x8192xi32>
    %mul3A_43 = arith.constant 4 : i32
    %mul3A_44 = vector.broadcast %mul3A_43 : i32 to vector<8x8192xi32>
    %mul3A_45 = arith.muli %sub3A_42, %mul3A_44 : vector<8x8192xi32>
    %mul3A_46 = arith.constant 128 : i32
    %mul3A_47 = vector.broadcast %mul3A_46 : i32 to vector<8x8192xi32>
    %mul3A_48 = arith.muli %mul3A_45, %mul3A_47 : vector<8x8192xi32>
    %add3A_49 = arith.constant 32512 : i32
    %add3A_50 = vector.broadcast %add3A_49 : i32 to vector<8x8192xi32>
    %add3A_51 = arith.addi %add3A_50, %mul3A_48 : vector<8x8192xi32>
    %add3A_52 = arith.addi %add3A_51, %shift_right_arithmetic3A_39 : vector<8x8192xi32>
    %sub3A_53 = arith.constant 1.000000e+00 : f32
    %sub3A_54 = vector.broadcast %sub3A_53 : f32 to vector<8x8192xf32>
    %sub3A_55 = arith.subf %sub3A_54, %cos3A : vector<8x8192xf32>
    %mul3A_56 = arith.constant 3.000000e+00 : f32
    %mul3A_57 = vector.broadcast %mul3A_56 : f32 to vector<8x8192xf32>
    %mul3A_58 = arith.mulf %mul3A_57, %sub3A_55 : vector<8x8192xf32>
    %sqrt3A = math.sqrt %mul3A_58 : vector<8x8192xf32>
    %mul3A_59 = arith.constant 1.280000e+02 : f32
    %mul3A_60 = vector.broadcast %mul3A_59 : f32 to vector<8x8192xf32>
    %mul3A_61 = arith.mulf %mul3A_60, %sqrt3A : vector<8x8192xf32>
    %mul3A_62 = arith.mulf %mul3A_6, %mul3A_61 : vector<8x8192xf32>
    %floor3A_63 = math.floor %mul3A_62 : vector<8x8192xf32>
    %convert_element_type3A_64 = arith.fptosi %floor3A_63 : vector<8x8192xf32> to vector<8x8192xi32>
    %sub3A_65 = arith.constant 1.000000e+00 : f32
    %sub3A_66 = vector.broadcast %sub3A_65 : f32 to vector<8x8192xf32>
    %sub3A_67 = arith.subf %sub3A_66, %mul3A_6 : vector<8x8192xf32>
    %mul3A_68 = arith.mulf %sub3A_67, %mul3A_61 : vector<8x8192xf32>
    %floor3A_69 = math.floor %mul3A_68 : vector<8x8192xf32>
    %convert_element_type3A_70 = arith.fptosi %floor3A_69 : vector<8x8192xf32> to vector<8x8192xi32>
    %add3A_71 = arith.addi %convert_element_type3A_64, %convert_element_type3A_70 : vector<8x8192xi32>
    %add3A_72 = arith.constant 1 : i32
    %add3A_73 = vector.broadcast %add3A_72 : i32 to vector<8x8192xi32>
    %add3A_74 = arith.addi %add3A_71, %add3A_73 : vector<8x8192xi32>
    %convert_element_type3A_75 = arith.sitofp %add3A_74 : vector<8x8192xi32> to vector<8x8192xf32>
    %mul3A_76 = arith.mulf %mul3A_6, %convert_element_type3A_75 : vector<8x8192xf32>
    %floor3A_77 = math.floor %mul3A_76 : vector<8x8192xf32>
    %convert_element_type3A_78 = arith.fptosi %floor3A_77 : vector<8x8192xf32> to vector<8x8192xi32>
    %mul3A_79 = arith.constant 2 : i32
    %mul3A_80 = vector.broadcast %mul3A_79 : i32 to vector<8x8192xi32>
    %mul3A_81 = arith.muli %mul3A_80, %add3A_74 : vector<8x8192xi32>
    %sub3A_82 = arith.constant 1 : i32
    %sub3A_83 = vector.broadcast %sub3A_82 : i32 to vector<8x8192xi32>
    %sub3A_84 = arith.subi %add3A_74, %sub3A_83 : vector<8x8192xi32>
    %mul3A_85 = arith.muli %mul3A_81, %sub3A_84 : vector<8x8192xi32>
    %add3A_86 = arith.addi %mul3A_85, %convert_element_type3A_78 : vector<8x8192xi32>
    %le3A = arith.constant 0.666666686 : f32
    %le3A_87 = vector.broadcast %le3A : f32 to vector<8x8192xf32>
    %le3A_88 = arith.cmpf ole, %cos3A, %le3A_87 : vector<8x8192xf32>
    %select_n3A = arith.select %le3A_88, %add3A_52, %add3A_86 : vector<8x8192xi1>, vector<8x8192xi32>
    %jit3A = arith.constant 0 : i32
    %jit3A_89 = arith.constant 196607 : i32
    %max3A = vector.broadcast %jit3A : i32 to vector<8x8192xi32>
    %max3A_90 = arith.maxsi %max3A, %select_n3A : vector<8x8192xi32>
    %min3A = vector.broadcast %jit3A_89 : i32 to vector<8x8192xi32>
    %min3A_91 = arith.minsi %min3A, %max3A_90 : vector<8x8192xi32>
    %iota3A = tpu.iota {dimensions = array<i32: 0>} : vector<8x8192xi32>
    %jit3A_92 = arith.constant 2 : i32
    %eq3A = arith.constant 0 : i32
    %eq3A_93 = arith.cmpi eq, %jit3A_92, %eq3A : i32
    %jit3A_94 = arith.constant 1 : i32
    %select_n3A_95 = arith.select %eq3A_93, %jit3A_94, %jit3A_92 : i32
    %rem3A = vector.broadcast %select_n3A_95 : i32 to vector<8x8192xi32>
    %rem3A_96 = arith.remsi %iota3A, %rem3A : vector<8x8192xi32>
    %ne3A = arith.constant 0 : i32
    %ne3A_97 = vector.broadcast %ne3A : i32 to vector<8x8192xi32>
    %ne3A_98 = arith.cmpi ne, %rem3A_96, %ne3A_97 : vector<8x8192xi32>
    %lt3A = arith.constant 0 : i32
    %lt3A_99 = vector.broadcast %lt3A : i32 to vector<8x8192xi32>
    %lt3A_100 = arith.cmpi slt, %rem3A_96, %lt3A_99 : vector<8x8192xi32>
    %lt3A_101 = arith.constant 0 : i32
    %lt3A_102 = arith.cmpi slt, %select_n3A_95, %lt3A_101 : i32
    %ne3A_103 = vector.broadcast %lt3A_102 : i1 to vector<8x8192xi1>
    %ne3A_104 = vector.broadcast %ne3A_103 : vector<8x8192xi1> to vector<8x8192xi1>
    %ne3A_105 = arith.xori %lt3A_100, %ne3A_104 : vector<8x8192xi1>
    %and3A_106 = arith.andi %ne3A_105, %ne3A_98 : vector<8x8192xi1>
    %add3A_107 = vector.broadcast %select_n3A_95 : i32 to vector<8x8192xi32>
    %add3A_108 = arith.addi %rem3A_96, %add3A_107 : vector<8x8192xi32>
    %select_n3A_109 = arith.select %and3A_106, %add3A_108, %rem3A_96 : vector<8x8192xi1>, vector<8x8192xi32>
    %mul3A_110 = arith.constant 196608 : i32
    %mul3A_111 = vector.broadcast %mul3A_110 : i32 to vector<8x8192xi32>
    %mul3A_112 = arith.muli %select_n3A_109, %mul3A_111 : vector<8x8192xi32>
    %add3A_113 = arith.addi %min3A_91, %mul3A_112 : vector<8x8192xi32>
    %swap3A = arith.constant 0 : index
    %swap3A_114 = arith.constant 0 : index
    %swap3A_115 = vector.load %arg3[%swap3A, %swap3A_114] : memref<8x8192xi32, #tpu.memory_space<vmem>>, vector<8x8192xi32>
    tpu.vector_store %arg3[%swap3A, %swap3A_114], %add3A_113 {strides = array<i32>} : memref<8x8192xi32, #tpu.memory_space<vmem>>, vector<8x8192xi32>,
    return
  }
  func.func @transform_0(%arg0: i32) -> (i32, i32) {
    %c0_i32 = arith.constant 0 : i32
    %c0_i32_0 = arith.constant 0 : i32
    return %c0_i32, %arg0 : i32, i32
  }
  func.func @transform_1(%arg0: i32) -> (i32, i32) {
    %c0_i32 = arith.constant 0 : i32
    %c0_i32_0 = arith.constant 0 : i32
    return %c0_i32, %arg0 : i32, i32
  }
  func.func @transform_2(%arg0: i32) -> (i32, i32) {
    %c0_i32 = arith.constant 0 : i32
    %c0_i32_0 = arith.constant 0 : i32
    return %c0_i32, %arg0 : i32, i32
  }
}

module attributes {stable_mosaic.version = 14 : i64} {
  func.func @_mean_block(%arg0: i32, %arg1: memref<8x8192xf32, #tpu.memory_space<vmem>>, %arg2: memref<8x8192xf32, #tpu.memory_space<vmem>>, %arg3: memref<8x8192xf32, #tpu.memory_space<vmem>>, %arg4: memref<8x8192xf32, #tpu.memory_space<vmem>>, %arg5: memref<16x8192xf32, #tpu.memory_space<vmem>>) attributes {dimension_semantics = [#tpu.dimension_semantics<arbitrary>], iteration_bounds = array<i64: 24>, scalar_prefetch = 0 : i64, scratch_operands = 0 : i64, tpu.core_type = #tpu.core_type<tc>, window_params = [{transform_indices = @transform_0, window_bounds = array<i64: 8, 8192>}, {transform_indices = @transform_1, window_bounds = array<i64: 8, 8192>}, {transform_indices = @transform_2, window_bounds = array<i64: 8, 8192>}, {transform_indices = @transform_3, window_bounds = array<i64: 8, 8192>}, {transform_indices = @transform_4, window_bounds = array<i64: 16, 8192>}]} {
    %get3A = arith.constant 0 : index
    %get3A_0 = arith.constant 0 : index
    %get3A_1 = vector.load %arg1[%get3A, %get3A_0] : memref<8x8192xf32, #tpu.memory_space<vmem>>, vector<8x8192xf32>
    %get3A_2 = arith.constant 0 : index
    %get3A_3 = arith.constant 0 : index
    %get3A_4 = vector.load %arg2[%get3A_2, %get3A_3] : memref<8x8192xf32, #tpu.memory_space<vmem>>, vector<8x8192xf32>
    %max3A = arith.constant 1.000000e+00 : f32
    %max3A_5 = vector.broadcast %max3A : f32 to vector<8x8192xf32>
    %max3A_6 = arith.maximumf %get3A_4, %max3A_5 : vector<8x8192xf32>
    %div3A = arith.divf %get3A_1, %max3A_6 : vector<8x8192xf32>
    %swap3A = arith.constant 0 : index
    %swap3A_7 = arith.constant 0 : index
    %swap3A_8 = vector.load %arg5[%swap3A, %swap3A_7] : memref<16x8192xf32, #tpu.memory_space<vmem>>, vector<8x8192xf32>
    tpu.vector_store %arg5[%swap3A, %swap3A_7], %div3A {strides = array<i32>} : memref<16x8192xf32, #tpu.memory_space<vmem>>, vector<8x8192xf32>,
    %get3A_9 = arith.constant 0 : index
    %get3A_10 = arith.constant 0 : index
    %get3A_11 = vector.load %arg3[%get3A_9, %get3A_10] : memref<8x8192xf32, #tpu.memory_space<vmem>>, vector<8x8192xf32>
    %get3A_12 = arith.constant 0 : index
    %get3A_13 = arith.constant 0 : index
    %get3A_14 = vector.load %arg4[%get3A_12, %get3A_13] : memref<8x8192xf32, #tpu.memory_space<vmem>>, vector<8x8192xf32>
    %max3A_15 = arith.constant 1.000000e+00 : f32
    %max3A_16 = vector.broadcast %max3A_15 : f32 to vector<8x8192xf32>
    %max3A_17 = arith.maximumf %get3A_14, %max3A_16 : vector<8x8192xf32>
    %div3A_18 = arith.divf %get3A_11, %max3A_17 : vector<8x8192xf32>
    %swap3A_19 = arith.constant 8 : index
    %swap3A_20 = arith.constant 0 : index
    %swap3A_21 = vector.load %arg5[%swap3A_19, %swap3A_20] : memref<16x8192xf32, #tpu.memory_space<vmem>>, vector<8x8192xf32>
    tpu.vector_store %arg5[%swap3A_19, %swap3A_20], %div3A_18 {strides = array<i32>} : memref<16x8192xf32, #tpu.memory_space<vmem>>, vector<8x8192xf32>,
    return
  }
  func.func @transform_0(%arg0: i32) -> (i32, i32) {
    %c0_i32 = arith.constant 0 : i32
    %c0_i32_0 = arith.constant 0 : i32
    return %c0_i32, %arg0 : i32, i32
  }
  func.func @transform_1(%arg0: i32) -> (i32, i32) {
    %c0_i32 = arith.constant 0 : i32
    %c0_i32_0 = arith.constant 0 : i32
    return %c0_i32, %arg0 : i32, i32
  }
  func.func @transform_2(%arg0: i32) -> (i32, i32) {
    %c0_i32 = arith.constant 0 : i32
    %c0_i32_0 = arith.constant 0 : i32
    return %c0_i32, %arg0 : i32, i32
  }
  func.func @transform_3(%arg0: i32) -> (i32, i32) {
    %c0_i32 = arith.constant 0 : i32
    %c0_i32_0 = arith.constant 0 : i32
    return %c0_i32, %arg0 : i32, i32
  }
  func.func @transform_4(%arg0: i32) -> (i32, i32) {
    %c0_i32 = arith.constant 0 : i32
    %c0_i32_0 = arith.constant 0 : i32
    return %c0_i32, %arg0 : i32, i32
  }
}

</mosaic_0001>

<sc_bundles>
// kernel: kernel.10.cloned.1.call-start
scs
__scs_entry_jumppad:
0x0: {  	(pc) =	sbr.rel $0x88, $3  }
0x1: {  	(tag) =	ssettag $0x0;
	lr =	simm.s32 $0x1  }
0x2: {  	[smem:$0x3F9C] =	sst lr;
	_ =	strace $0xD0000000  }
0x3: {  	_ = 	snop  }
0x4: {  	_ = 	snop  }
0x5: {  	_ = 	snop  }
0x6: {  	_ = 	snop  }
0x7: {  	_ = 	snop  }
__scs_overlays_trampoline_lowered:
0x8: {  	[smem:$0x3FAB] =	sst s0  }
0x9: {  	[smem:$0x3FAC] =	sst s1  }
0xa: {  	[smem:$0x3FAD] =	sst s2  }
0xb: {  	[smem:$0x3FAE] =	sst s3  }
0xc: {  	[smem:$0x3FAF] =	sst s4  }
0xd: {  	[smem:$0x3FB0] =	sst s5  }
0xe: {  	[smem:$0x3FB1] =	sst s6  }
0xf: {  	[smem:$0x3FB2] =	sst s7  }
0x10: {  	[smem:$0x3FB3] =	sst s8  }
0x11: {  	[smem:$0x3FB4] =	sst s9;
	s0 =	simm.s32 @!p0 $0x0  }
0x12: {  	s1 =	sld [smem:$0x3F9A];
	s0 =	simm.s32 @p0 $0x1  }
0x13: {  	[smem:$0x3FB5] =	sst s0;
	s0 =	simm.s32 @!p1 $0x0  }
0x14: {  	s2 =	sld [smem:$0x3F99];
	s0 =	simm.s32 @p1 $0x1  }
0x15: {  	[smem:$0x3FB6] =	sst s0;
	s0 =	simm.s32 @!p2 $0x0  }
0x16: {  	s3 =	sld [smem:$0x3FDB];
	s0 =	simm.s32 @p2 $0x1  }
0x17: {  	s4 =	simm.s32 $0x1BF5;
	[smem:$0x3FB8] =	sst s0  }
0x18: {  	s0 =	sld [smem:$0x3F9B];
	_ =	swait.ge [sflag:s4], $0x0  }
0x19: {  	s7 =	sld [smem:$0x3F9C]  }
0x1a: {  	s8 =	sadd.s32 $0xFFFFE003, lr  }
0x1b: {  	s9 =	sadd.s32 $0xFFFFFEF7, lr;
	s5 =	simm.s32 $0xFFFFFFFF;
	p2 =	slt.u32 s8, $0xFFFFF086  }
0x1c: {  	p1 =	slt.u32 s9, $0xF7A;
	s5 =	simm.s32 @!p2 $0x0  }
0x1d: {  	s5 =	simm.s32 @p1 $0x1;
	p0 =	seq.s32 s7, s2  }
0x1e: {  	s7 =	smul.u32 @!p0 $0xF7A, s2;
	p2 =	seq.s32 @!p0 s5, $0x0  }
0x1f: {  	s9 =	smul.u32 $0xF7A, s1;
	s8 =	simm.s32 @!p0 $0x1BF5;
	p2 =	por !p2, p0  }
0x20: {  	[sflag:s8] =	ssyncset.s32 @!p0 $0xFFFFF086;
	s6 =	sadd.s32 @!p0 s3, s7;
	s7 =	simm.s32 @!p0 $0x108  }
0x21: {  	s3 =	sadd.s32 s3, s9;
	s6 =	sadd.s32 @!p0 $0x88, s6;
	s7 =	simm.s32 @p2 $0x1082  }
0x22: {  	[simem:s7], [sflag:s8] =	dma.local @!p0 [hbm:s6], $0xF7A  }
0x23: {  	s9 =	sor.u32 $0xD0000000, s2;
	s6 =	simm.s32 $0x108;
	_ =	swait.ge @!p0 [sflag:s8], $0x0  }
0x24: {  	s3 =	sadd.s32 $0x88, s3;
	s6 =	simm.s32 @!p1 $0x1082;
	[sflag:s4] =	ssyncset.s32 $0xFFFFF086  }
0x25: {  	[simem:s6], [sflag:s4] =	dma.local [hbm:s3], $0xF7A  }
0x26: {  	[smem:$0x3F9C] =	sst s1;
	(tag) =	ssettag s2;
	_ =	strace s9  }
0x27: {  	s1 =	sld [smem:$0x3FAC]  }
0x28: {  	s2 =	sld [smem:$0x3FAD]  }
0x29: {  	s4 =	sld [smem:$0x3FAF]  }
0x2a: {  	p0 =	seq.s32 s5, $0x0;
	s5 =	sld [smem:$0x3FB0]  }
0x2b: {  	s6 =	sld [smem:$0x3FB1]  }
0x2c: {  	s7 =	sld [smem:$0x3FB2]  }
0x2d: {  	s3 =	simm.s32 $0x108;
	s8 =	sld [smem:$0x3FB3]  }
0x2e: {  	s3 =	simm.s32 @!p0 $0x1082;
	s9 =	sld [smem:$0x3FB4]  }
0x2f: {  	lr =	sadd.s32 s0, s3;
	s0 =	sld [smem:$0x3FAB]  }
0x30: {  	s3 =	sld [smem:$0x3FAE]  }
0x31: {  	[smem:$0x3FB7] =	sst s10  }
0x32: {  	s10 =	sld [smem:$0x3FB5];
	_ =	sdelay $0x3  }
0x33: {  	p0 =	seq.s32 s10, $0x1;
	s10 =	sld [smem:$0x3FB7];
	_ =	sdelay $0x3  }
0x34: {  	[smem:$0x3FB7] =	sst s10  }
0x35: {  	s10 =	sld [smem:$0x3FB6];
	_ =	sdelay $0x3  }
0x36: {  	p1 =	seq.s32 s10, $0x1;
	s10 =	sld [smem:$0x3FB7];
	_ =	sdelay $0x3  }
0x37: {  	[smem:$0x3FB7] =	sst s10  }
0x38: {  	s10 =	sld [smem:$0x3FB8]  }
0x39: {  	_ = 	snop;
	(pc) =	sbr.ind lr, $3  }
0x3a: {  	_ = 	snop  }
0x3b: {  	_ = 	snop  }
0x3c: {  	p2 =	seq.s32 s10, $0x1;
	s10 =	sld [smem:$0x3FB7]  }
0x3d: {  	_ =	shalt  }
0x3e: {  	_ =	shalt  }
0x3f: {  	_ =	shalt  }
0x40: {  	_ =	shalt  }
0x41: {  	_ =	shalt  }
0x42: {  	_ =	shalt  }
0x43: {  	_ =	shalt  }
0x44: {  	_ =	shalt  }
0x45: {  	_ =	shalt  }
0x46: {  	_ =	shalt  }
0x47: {  	_ =	shalt  }
0x48: {  	_ =	shalt  }
0x49: {  	_ =	shalt  }
0x4a: {  	_ =	shalt  }
0x4b: {  	_ =	shalt  }
0x4c: {  	_ =	shalt  }
0x4d: {  	_ =	shalt  }
0x4e: {  	_ =	shalt  }
0x4f: {  	_ =	shalt  }
0x50: {  	_ =	shalt  }
0x51: {  	_ =	shalt  }
0x52: {  	_ =	shalt  }
0x53: {  	_ =	shalt  }
0x54: {  	_ =	shalt  }
0x55: {  	_ =	shalt  }
0x56: {  	_ =	shalt  }
0x57: {  	_ =	shalt  }
0x58: {  	_ =	shalt  }
0x59: {  	_ =	shalt  }
0x5a: {  	_ =	shalt  }
0x5b: {  	_ =	shalt  }
0x5c: {  	_ =	shalt  }
0x5d: {  	_ =	shalt  }
0x5e: {  	_ =	shalt  }
0x5f: {  	_ =	shalt  }
0x60: {  	_ =	shalt  }
0x61: {  	_ =	shalt  }
0x62: {  	_ =	shalt  }
0x63: {  	_ =	shalt  }
0x64: {  	_ =	shalt  }
0x65: {  	_ =	shalt  }
0x66: {  	_ =	shalt  }
0x67: {  	_ =	shalt  }
0x68: {  	_ =	shalt  }
0x69: {  	_ =	shalt  }
0x6a: {  	_ =	shalt  }
0x6b: {  	_ =	shalt  }
0x6c: {  	_ =	shalt  }
0x6d: {  	_ =	shalt  }
0x6e: {  	_ =	shalt  }
0x6f: {  	_ =	shalt  }
0x70: {  	_ =	shalt  }
0x71: {  	_ =	shalt  }
0x72: {  	_ =	shalt  }
0x73: {  	_ =	shalt  }
0x74: {  	_ =	shalt  }
0x75: {  	_ =	shalt  }
0x76: {  	_ =	shalt  }
0x77: {  	_ =	shalt  }
0x78: {  	_ =	shalt  }
0x79: {  	_ =	shalt  }
0x7a: {  	_ =	shalt  }
0x7b: {  	_ =	shalt  }
0x7c: {  	_ =	shalt  }
0x7d: {  	_ =	shalt  }
0x7e: {  	_ =	shalt  }
0x7f: {  	_ =	shalt  }
0x80: {  	_ =	shalt  }
0x81: {  	_ =	shalt  }
0x82: {  	_ =	shalt  }
0x83: {  	_ =	shalt  }
0x84: {  	_ =	shalt  }
0x85: {  	_ =	shalt  }
0x86: {  	_ =	shalt  }
0x87: {  	_ =	shalt  }
.Lfunc_end0:
.L_simem_size_0:
called_computation.1_lowered:
.L_overlay_start_0:
0x88: {  	s2 =	sld [smem:$0x3FD9]  }
0x89: {  	s3 =	sld [smem:$0x3FFE];
	_ =	sdelay $0x1  }
0x8a: {  	s1 =	srdreg.scid  }
0x8b: {  	s0 =	sand.u32 $0x1, s1  }
0x8c: {  	s14 =	sshll.u32 s0, $0xA;
	s2 =	sadd.s32 s3, s2  }
0x8d: {  	s2 =	sadd.s32 s2, s14  }
0x8e: {  	[smem:$0x3FC3] =	sst s2  }
0x8f: {  	_ = 	snop  }
0x90: {  	s2 =	sld [smem:$0x3FD0];
	_ =	sdelay $0x2  }
0x91: {  	s15 =	simm.s32 $0xB;
	s4 =	simm.s32 $0x10  }
0x92: {  	[smem:s4], [sflag:s15] =	dma.local [hbm:s2], $0x1  }
0x93: {  	_ =	swait.eq [sflag:s15], $0x1  }
0x94: {  	[sflag:s15] =	ssyncset.done $0x0  }
0x95: {  	[sflag:s15] =	ssyncadd.s32 $0xFFFFFFFF  }
0x96: {  	s16 =	sld [smem:$0x12];
	(tm) =	ssettm $0x1  }
0x97: {  	s17 =	sld [smem:$0x3FFB];
	_ =	sdelay $0x3  }
0x98: {  	_ =	strace s17  }
0x99: {  	s3 =	sld [smem:$0x3FFC];
	_ =	sdelay $0x3  }
0x9a: {  	_ =	strace s3  }
0x9b: {  	s3 =	sld [smem:$0x3FFD];
	_ =	sdelay $0x3  }
0x9c: {  	_ =	strace s3  }
0x9d: {  	_ =	strace $0x8FFFFFFF  }
0x9e: {  	s18 =	sld [smem:$0x3FDB];
	_ =	sdelay $0x1  }
0x9f: {  	s19 =	simm.s32 $_scs_section_size  }
0xa0: {  	s5 =	simm.s32 $_size__tile_overlayer_lowered;
	s6 =	simm.s32 $_tile_overlayer_lowered  }
0xa1: {  	s22 =	simm.s32 $0x1BFF;
	s21 =	sshll.u32 s6, $0x1;
	s3 =	sadd.s32 s19, s18  }
0xa2: {  	s7 =	simm.s32 $0x0;
	s20 =	sshll.u32 s5, $0x1;
	s5 =	sadd.s32 s21, s3  }
0xa3: {  	[timem:s7], [sflag:s22] =	dma.local [hbm:s5], s20  }
0xa4: {  	_ =	swait.ge [sflag:s22], s20  }
0xa5: {  	s4 =	ssub.s32 $0x0, s20;
	[sflag:s22] =	ssyncset.done $0x0  }
0xa6: {  	[sflag:s22] =	ssyncadd.s32 s4;
	_ =	sdelay $0x1  }
0xa7: {  	s23 =	simm.s32 $0x1B8B  }
0xa8: {  	_ =	swait.ge [sflag:s23], $0x1  }
0xa9: {  	[sflag:s23] =	ssyncset.done $0x0  }
0xaa: {  	s25 =	simm.s32 $0x1B8E;
	s24 =	sld [smem:$0x3FFE];
	[sflag:s23] =	ssyncadd.s32 $0xFFFFFFFF  }
0xab: {  	s26 =	simm.s32 $execute0_lowered;
	[smem:$0x3FD2] =	sst s25  }
0xac: {  	s5 =	sshll.u32 s26, $0x1;
	_ =	strace $0x80000046;
	[dreg:$0x1] =	wrdreg $0xFFFFFFFF  }
0xad: {  	s28 =	simm.s32 $_size_execute0_lowered;
	s3 =	sadd.s32 s3, s5;
	[dreg:$0x0] =	wrdreg $0x0  }
0xae: {  	s5 =	sshll.u32 s28, $0x1;
	[dreg:$0x2] =	wrdreg s3  }
0xaf: {  	[dreg:$0x3] =	wrdreg s5  }
0xb0: {  	[dreg:$0x4] =	wrdreg $0xC0  }
0xb1: {  	_ =	task [dreg:s7], $0x5FFFF  }
0xb2: {  	[dreg:$0x1] =	wrdreg $0xFFFFFFFF  }
0xb3: {  	[dreg:$0x0] =	wrdreg $0x60  }
0xb4: {  	[dreg:$0x2] =	wrdreg s24  }
0xb5: {  	[dreg:$0x3] =	wrdreg s16  }
0xb6: {  	[dreg:$0x4] =	wrdreg $0x90800  }
0xb7: {  	[dreg:$0x5] =	wrdreg $0xF0800  }
0xb8: {  	[dreg:$0x6] =	wrdreg $0xA  }
0xb9: {  	_ =	task.clear_ibuf [dreg:s7], $0x7FFFF;
	_ =	strace $0x90000046  }
0xba: {  	s29 =	simm.s32 $0xA;
	_ =	strace $0x80000048  }
0xbb: {  	_ =	swait.ge [sflag:s29], $0x1  }
0xbc: {  	[sflag:s29] =	ssyncadd.s32 $0xFFFFFFFF  }
0xbd: {  	_ =	strace $0x90000048  }
0xbe: {  	_ =	sfence  }
0xbf: {  	s30 =	sld [smem:$0x0];
	_ =	sdelay $0x2  }
0xc0: {  	s31 =	sshll.u32 s1, $0xD;
	s1 =	sshrl.u32 s1, $0x2  }
0xc1: {  	s3 =	sand.u32 $0x4000, s31;
	s1 =	sadd.s32 s1, s30  }
0xc2: {  	s0 =	sor.u32 s3, s0;
	s1 =	sshll.u32 s1, $0x11  }
0xc3: {  	s0 =	sor.u32 s1, s0  }
0xc4: {  	s0 =	sadd.s32 $0x8F2B, s0  }
0xc5: {  	[sflag:s0] =	ssyncadd.remote.s32 $0x1  }
0xc6: {  	_ =	sfence.sel $0xFFFF  }
0xc7: {  	[dreg:$0x0] =	wrdreg $0xFFFFFFFF;
	(pc) =	sbr.abs _section_cstart, $3  }
0xc8: {  	[dreg:$0x1] =	wrdreg $0xFFFFFFFF  }
0xc9: {  	_ =	task.clear_ibuf [dreg:s7], $0x2FFFF;
	_ =	strace $0x9FFFFFFF  }
0xca: {  	(tm) =	ssettm $0x7FFFFFFF  }
0xcb: {  	_ =	shalt  }
tec
execute0_lowered:
.L_overlay_start_1:
0x0: {  	(tag) =	ssettag $0x1  }
0x1: {  	s0 =	rddreg [dreg:$0x0]  }
0x2: {  	s4 =	rddreg [dreg:$0x1]  }
0x3: {  	s1 =	rddreg [dreg:$0x2]  }
0x4: {  	s2 =	rddreg [dreg:$0x3];
	s3 =	simm.s32 $0x0;
	s5 =	srdreg.scid  }
0x5: {  	s15 =	stileid.u32;
	s31 =	simm.s32 $0x8080;
	s29 =	simm.s32 $0x480  }
0x6: {  	s30 =	simm.s32 $0x500;
	[smem:$0x7FF] =	sst s3;
	s6 =	sadd.s32 $0x1E00, s0  }
0x7: {  	s7 =	sadd.s32 $0x21E00, s0;
	s5 =	sand.u32 $0x1, s5;
	s0 =	sadd.s32 $0x51E00, s0  }
0x8: {  	s11 =	sshll.u32 s15, $0xD;
	s12 =	sshrl.u32 s15, $0x3;
	s13 =	sand.u32 $0x7, s15  }
0x9: {  	_ =	strace $0x80000047;
	s8 =	ssub.s32 $0x2, s5;
	s10 =	sshll.u32 s5, $0x2  }
0xa: {  	s5 =	sshll.u32 s5, $0x13;
	s13 =	smul.u32 $0x30000, s13;
	s9 =	sshrl.u32 s8, $0x1  }
0xb: {  	s5 =	sor.u32 s11, s5;
	s14 =	sor.u32 s12, s10;
	s10 =	sor.u32 $0x2, s10  }
0xc: {  	s8 =	ssub.s32 s8, s9;
	s5 =	sshrl.u32 s5, $0x3;
	s19 =	sshll.u32 s14, $0x7  }
0xd: {  	s14 =	smul.u32 $0x6000, s15;
	s24 =	sshll.u32 s10, $0x11;
	s10 =	sor.u32 s12, s10  }
0xe: {  	s4 =	sadd.s32 s5, s4;
	s9 =	sor.u32 s13, s19;
	s16 =	sadd.s32 s6, s5  }
0xf: {  	s25 =	sor.u32 s11, s24;
	s10 =	sshll.u32 s10, $0x7;
	s12 =	smax.u32 s8, $0x1  }
0x10: {  	s8 =	simm.s32 $0x1;
	s20 =	sadd.s32 $0x20000, s4;
	[dreg:$0xf] =	wrdreg s12  }
0x11: {  	s21 =	sshrl.u32 s9, $0x3;
	s22 =	sadd.s32 $0x24000, s4;
	[dreg:$0x5] =	wrdreg s16  }
0x12: {  	s9 =	sadd.s32 s14, s1;
	s11 =	sadd.s32 s14, s2;
	[dreg:$0x6] =	wrdreg s20  }
0x13: {  	s10 =	sor.u32 s13, s10;
	s26 =	sadd.s32 $0x28000, s4;
	[dreg:$0x7] =	wrdreg s22  }
0x14: {  	s4 =	sadd.s32 $0x2C000, s4;
	s15 =	sadd.s32 $0x2000, s14;
	[dreg:$0xb] =	wrdreg s26  }
0x15: {  	s17 =	sadd.s32 $0x3000, s14;
	s23 =	sadd.s32 s7, s21;
	[dreg:$0xc] =	wrdreg s4  }
0x16: {  	s5 =	sadd.s32 s0, s21;
	s18 =	sadd.s32 s15, s1;
	[dreg:$0x8] =	wrdreg s23  }
0x17: {  	s19 =	sadd.s32 s17, s1;
	s20 =	sadd.s32 s17, s2;
	[dreg:$0x9] =	wrdreg s5  }
0x18: {  	s21 =	sadd.s32 $0x4000, s14;
	s22 =	sadd.s32 $0x5000, s14;
	[dreg:$0x11] =	wrdreg s18  }
0x19: {  	s26 =	sadd.s32 $0xC000, s16;
	s17 =	simm.s32 $0x380;
	[dreg:$0x13] =	wrdreg s19  }
0x1a: {  	s4 =	simm.s32 $0x700;
	s5 =	sshrl.u32 s25, $0x3;
	[dreg:$0x14] =	wrdreg s20  }
0x1b: {  	s23 =	sadd.s32 s22, s1;
	s24 =	sadd.s32 s22, s2;
	s25 =	sadd.s32 $0x4000, s16  }
0x1c: {  	[dreg:$0x19] =	wrdreg s26;
	s16 =	simm.s32 $0x400;
	s18 =	simm.s32 $0x600  }
0x1d: {  	s19 =	simm.s32 $0x680;
	s20 =	simm.s32 $0x780;
	[dreg:$0x16] =	wrdreg s23  }
0x1e: {  	s22 =	simm.s32 $0x10;
	s5 =	sadd.s32 s6, s5;
	[dreg:$0x17] =	wrdreg s24  }
0x1f: {  	s6 =	sshrl.u32 s10, $0x3;
	s10 =	sor.u32 $0x1000, s14;
	[dreg:$0x18] =	wrdreg s25  }
0x20: {  	s14 =	sadd.s32 s21, s1;
	[dreg:$0xa] =	wrdreg s5;
	s7 =	sadd.s32 s7, s6  }
0x21: {  	s0 =	sadd.s32 s0, s6;
	s28 =	sadd.s32 s10, s1;
	[dreg:$0xd] =	wrdreg s7  }
0x22: {  	s13 =	sadd.s32 s10, s2;
	s10 =	simm.s32 $0x80;
	[dreg:$0xe] =	wrdreg s0  }
0x23: {  	s6 =	simm.s32 $0x8000;
	[dreg:$0x10] =	wrdreg s13;
	s0 =	sadd.s32 s15, s2  }
0x24: {  	s5 =	simm.s32 $0x580;
	[dreg:$0x12] =	wrdreg s0;
	s0 =	sadd.s32 s21, s2  }
0x25: {  	v0 =	vimm.f32 $0.0e+00;
	v1 =	vimm.f32 $1.000000000e+00;
	s21 =	simm.s32 $0x2;
	[dreg:$0x15] =	wrdreg s0;
	s0 =	simm.s32 $0x3  }
.LBB2_1:
0x26: {  	s7 =	simm.s32 $0x40;
	s23 =	simm.s32 $0x0  }
.LBB2_2:
0x27: {  	p0 =	sne.s32 s7, $0x3FC0;
	[tilespmem:s23+$0x8080] =	vst v0;
	s23 =	smov.u32 s7;
	s7 =	sadd.s32 $0x40, s7  }
.Ltmp0:
0x28: {  	(pc) =	sbr.rel @p0 .LBB2_2-.Ltmp0, $2  }
0x29: {  	_ =	sdelay $0x2  }
0x2a: {  	s23 =	sshra.s32 s23, $0x2  }
0x2b: {  	[tilespmem:s23+$0x8080] =	vst v0  }
0x2c: {  	[tilespmem:$0x8000] =	vst v1  }
0x2d: {  	[tilespmem:$0x8010] =	vst v1  }
0x2e: {  	[tilespmem:$0x8020] =	vst v1  }
0x2f: {  	[tilespmem:$0x8030] =	vst v1  }
0x30: {  	[tilespmem:$0x8040] =	vst v1  }
0x31: {  	[tilespmem:$0x8050] =	vst v1  }
0x32: {  	[tilespmem:$0x8060] =	vst v1  }
0x33: {  	[tilespmem:$0x8070] =	vst v1  }
0x34: {  	[spmem:s9] =	stream.linear.scatter [tilespmem:s31], [sflag:$0x3], $0x1000, $0x38;
	[tilespmem:$0x15080] =	vst v63  }
0x35: {  	_ =	swait.ge [sflag:s0], $0x1000  }
0x36: {  	[sflag:s0] =	ssyncset.done $0x0  }
0x37: {  	[sflag:s0] =	ssyncadd.s32 $0xFFFFF000  }
0x38: {  	[spmem:s11] =	stream.linear.scatter [tilespmem:s31], [sflag:$0x3], $0x1000, $0x38;
	[tilespmem:$0x15080] =	vst v63  }
0x39: {  	_ =	swait.ge [sflag:s0], $0x1000  }
0x3a: {  	[sflag:s0] =	ssyncset.done $0x0  }
0x3b: {  	[sflag:s0] =	ssyncadd.s32 $0xFFFFF000  }
0x3c: {  	[spmem:s28] =	stream.linear.scatter [tilespmem:s31], [sflag:$0x3], $0x1000, $0x38;
	[tilespmem:$0x15080] =	vst v63  }
0x3d: {  	_ =	swait.ge [sflag:s0], $0x1000  }
0x3e: {  	[sflag:s0] =	ssyncset.done $0x0  }
0x3f: {  	s7 =	rddreg [dreg:$0x10];
	[sflag:s0] =	ssyncadd.s32 $0xFFFFF000  }
0x40: {  	[spmem:s7] =	stream.linear.scatter [tilespmem:s31], [sflag:$0x3], $0x1000, $0x38;
	[tilespmem:$0x15080] =	vst v63  }
0x41: {  	_ =	swait.ge [sflag:s0], $0x1000  }
0x42: {  	[sflag:s0] =	ssyncset.done $0x0  }
0x43: {  	s25 =	rddreg [dreg:$0x11];
	[sflag:s0] =	ssyncadd.s32 $0xFFFFF000  }
0x44: {  	[spmem:s25] =	stream.linear.scatter [tilespmem:s31], [sflag:$0x3], $0x1000, $0x38;
	[tilespmem:$0x15080] =	vst v63  }
0x45: {  	_ =	swait.ge [sflag:s0], $0x1000  }
0x46: {  	[sflag:s0] =	ssyncset.done $0x0  }
0x47: {  	s26 =	rddreg [dreg:$0x12];
	[sflag:s0] =	ssyncadd.s32 $0xFFFFF000  }
0x48: {  	[spmem:s26] =	stream.linear.scatter [tilespmem:s31], [sflag:$0x3], $0x1000, $0x38;
	[tilespmem:$0x15080] =	vst v63  }
0x49: {  	_ =	swait.ge [sflag:s0], $0x1000  }
0x4a: {  	[sflag:s0] =	ssyncset.done $0x0  }
0x4b: {  	s12 =	rddreg [dreg:$0x13];
	[sflag:s0] =	ssyncadd.s32 $0xFFFFF000  }
0x4c: {  	[spmem:s12] =	stream.linear.scatter [tilespmem:s31], [sflag:$0x3], $0x1000, $0x38;
	[tilespmem:$0x15080] =	vst v63  }
0x4d: {  	_ =	swait.ge [sflag:s0], $0x1000  }
0x4e: {  	[sflag:s0] =	ssyncset.done $0x0  }
0x4f: {  	s13 =	rddreg [dreg:$0x14];
	[sflag:s0] =	ssyncadd.s32 $0xFFFFF000  }
0x50: {  	[spmem:s13] =	stream.linear.scatter [tilespmem:s31], [sflag:$0x3], $0x1000, $0x38;
	[tilespmem:$0x15080] =	vst v63  }
0x51: {  	_ =	swait.ge [sflag:s0], $0x1000  }
0x52: {  	[sflag:s0] =	ssyncset.done $0x0  }
0x53: {  	[sflag:s0] =	ssyncadd.s32 $0xFFFFF000  }
0x54: {  	[spmem:s14] =	stream.linear.scatter [tilespmem:s31], [sflag:$0x3], $0x1000, $0x38;
	[tilespmem:$0x15080] =	vst v63  }
0x55: {  	_ =	swait.ge [sflag:s0], $0x1000  }
0x56: {  	[sflag:s0] =	ssyncset.done $0x0  }
0x57: {  	s15 =	rddreg [dreg:$0x15];
	[sflag:s0] =	ssyncadd.s32 $0xFFFFF000  }
0x58: {  	[spmem:s15] =	stream.linear.scatter [tilespmem:s31], [sflag:$0x3], $0x1000, $0x38;
	[tilespmem:$0x15080] =	vst v63  }
0x59: {  	_ =	swait.ge [sflag:s0], $0x1000  }
0x5a: {  	[sflag:s0] =	ssyncset.done $0x0  }
0x5b: {  	s23 =	rddreg [dreg:$0x16];
	[sflag:s0] =	ssyncadd.s32 $0xFFFFF000  }
0x5c: {  	[spmem:s23] =	stream.linear.scatter [tilespmem:s31], [sflag:$0x3], $0x1000, $0x38;
	[tilespmem:$0x15080] =	vst v63  }
0x5d: {  	_ =	swait.ge [sflag:s0], $0x1000  }
0x5e: {  	[sflag:s0] =	ssyncset.done $0x0  }
0x5f: {  	s24 =	rddreg [dreg:$0x17];
	[sflag:s0] =	ssyncadd.s32 $0xFFFFF000  }
0x60: {  	[spmem:s24] =	stream.linear.scatter [tilespmem:s31], [sflag:$0x3], $0x1000, $0x38;
	[tilespmem:$0x15080] =	vst v63  }
0x61: {  	_ =	swait.ge [sflag:s0], $0x1000  }
0x62: {  	[sflag:s0] =	ssyncset.done $0x0  }
0x63: {  	[sflag:s0] =	ssyncadd.s32 $0xFFFFF000  }
0x64: {  	[bflag:$0x0] =	sbarrier.arrive $0xFFFF  }
0x65: {  	s7 =	simm.s32 $0x0;
	s12 =	rddreg [dreg:$0x5]  }
0x66: {  	[tilespmem:s7], [sflag:$0x1] =	stream.linear.gather [hbm4b:s12+s7], $0x2000, $0x38;
	[tilespmem:$0x15080] =	vst v63  }
0x67: {  	s13 =	simm.s32 $0x4000;
	s25 =	rddreg [dreg:$0x6]  }
0x68: {  	[tilespmem:s13], [sflag:$0x1] =	stream.linear.gather [hbm4b:s25+s7], $0x2000, $0x38;
	[tilespmem:$0x15080] =	vst v63  }
0x69: {  	s15 =	simm.s32 $0x2000;
	s26 =	rddreg [dreg:$0x18]  }
0x6a: {  	[tilespmem:s15], [sflag:$0x1] =	stream.linear.gather [hbm4b:s26+s7], $0x2000, $0x38;
	[tilespmem:$0x15080] =	vst v63  }
0x6b: {  	s24 =	simm.s32 $0x6000;
	s23 =	rddreg [dreg:$0x7]  }
0x6c: {  	[tilespmem:s24], [sflag:$0x1] =	stream.linear.gather [hbm4b:s23+s7], $0x2000, $0x38;
	[tilespmem:$0x15080] =	vst v63  }
0x6d: {  	_ =	swait.ge [sflag:s8], $0x2000  }
0x6e: {  	[sflag:s8] =	ssyncset.done $0x0  }
0x6f: {  	[sflag:s8] =	ssyncadd.s32 $0xFFFFE000  }
0x70: {  	_ =	swait.ge [sflag:s8], $0x2000  }
0x71: {  	[sflag:s8] =	ssyncset.done $0x0  }
0x72: {  	[sflag:s8] =	ssyncadd.s32 $0xFFFFE000  }
0x73: {  	_ =	swait.ge [sflag:s8], $0x2000  }
0x74: {  	[sflag:s8] =	ssyncset.done $0x0  }
0x75: {  	[sflag:s8] =	ssyncadd.s32 $0xFFFFE000  }
0x76: {  	_ =	swait.ge [sflag:s8], $0x2000  }
0x77: {  	[sflag:s8] =	ssyncset.done $0x0  }
0x78: {  	[sflag:s8] =	ssyncadd.s32 $0xFFFFE000  }
0x79: {  	[spmem:s1] =	stream.indirect.scatter.add.f32 [tilespmem:s13], [sflag:$0x2], $0x1, s7, s10, $0xb8;
	[tilespmem:$0x15080] =	vst v63  }
0x7a: {  	_ = 	snop  }
0x7b: {  	[spmem:s2] =	stream.indirect.scatter.add.f32 [tilespmem:s6], [sflag:$0x2], $0x1, s7, s10, $0xb8;
	[tilespmem:$0x15080] =	vst v63  }
0x7c: {  	s25 =	simm.s32 $0x4080  }
0x7d: {  	[spmem:s1] =	stream.indirect.scatter.add.f32 [tilespmem:s25], [sflag:$0x2], $0x1, s10, s10, $0xb8;
	[tilespmem:$0x15080] =	vst v63  }
0x7e: {  	_ = 	snop  }
0x7f: {  	[spmem:s2] =	stream.indirect.scatter.add.f32 [tilespmem:s6], [sflag:$0x2], $0x1, s10, s10, $0xb8;
	[tilespmem:$0x15080] =	vst v63  }
0x80: {  	s26 =	simm.s32 $0x100;
	s13 =	simm.s32 $0x4100  }
0x81: {  	[spmem:s1] =	stream.indirect.scatter.add.f32 [tilespmem:s13], [sflag:$0x2], $0x1, s26, s10, $0xb8;
	[tilespmem:$0x15080] =	vst v63  }
0x82: {  	_ = 	snop  }
0x83: {  	[spmem:s2] =	stream.indirect.scatter.add.f32 [tilespmem:s6], [sflag:$0x2], $0x1, s26, s10, $0xb8;
	[tilespmem:$0x15080] =	vst v63  }
0x84: {  	s15 =	simm.s32 $0x180;
	s23 =	simm.s32 $0x4180  }
0x85: {  	[spmem:s1] =	stream.indirect.scatter.add.f32 [tilespmem:s23], [sflag:$0x2], $0x1, s15, s10, $0xb8;
	[tilespmem:$0x15080] =	vst v63  }
0x86: {  	_ = 	snop  }
0x87: {  	[spmem:s2] =	stream.indirect.scatter.add.f32 [tilespmem:s6], [sflag:$0x2], $0x1, s15, s10, $0xb8;
	[tilespmem:$0x15080] =	vst v63  }
0x88: {  	s24 =	simm.s32 $0x200;
	s25 =	simm.s32 $0x4200  }
0x89: {  	[spmem:s1] =	stream.indirect.scatter.add.f32 [tilespmem:s25], [sflag:$0x2], $0x1, s24, s10, $0xb8;
	[tilespmem:$0x15080] =	vst v63  }
0x8a: {  	_ = 	snop  }
0x8b: {  	[spmem:s2] =	stream.indirect.scatter.add.f32 [tilespmem:s6], [sflag:$0x2], $0x1, s24, s10, $0xb8;
	[tilespmem:$0x15080] =	vst v63  }
0x8c: {  	s13 =	simm.s32 $0x4280;
	s26 =	simm.s32 $0x280  }
0x8d: {  	[spmem:s1] =	stream.indirect.scatter.add.f32 [tilespmem:s13], [sflag:$0x2], $0x1, s26, s10, $0xb8;
	[tilespmem:$0x15080] =	vst v63  }
0x8e: {  	_ = 	snop  }
0x8f: {  	[spmem:s2] =	stream.indirect.scatter.add.f32 [tilespmem:s6], [sflag:$0x2], $0x1, s26, s10, $0xb8;
	[tilespmem:$0x15080] =	vst v63  }
0x90: {  	s23 =	simm.s32 $0x4300;
	s15 =	simm.s32 $0x300  }
0x91: {  	[spmem:s1] =	stream.indirect.scatter.add.f32 [tilespmem:s23], [sflag:$0x2], $0x1, s15, s10, $0xb8;
	[tilespmem:$0x15080] =	vst v63  }
0x92: {  	_ = 	snop  }
0x93: {  	[spmem:s2] =	stream.indirect.scatter.add.f32 [tilespmem:s6], [sflag:$0x2], $0x1, s15, s10, $0xb8;
	[tilespmem:$0x15080] =	vst v63  }
0x94: {  	s24 =	simm.s32 $0x4380  }
0x95: {  	[spmem:s1] =	stream.indirect.scatter.add.f32 [tilespmem:s24], [sflag:$0x2], $0x1, s17, s10, $0xb8;
	[tilespmem:$0x15080] =	vst v63  }
0x96: {  	_ = 	snop  }
0x97: {  	[spmem:s2] =	stream.indirect.scatter.add.f32 [tilespmem:s6], [sflag:$0x2], $0x1, s17, s10, $0xb8;
	[tilespmem:$0x15080] =	vst v63  }
0x98: {  	s25 =	simm.s32 $0x4400  }
0x99: {  	[spmem:s1] =	stream.indirect.scatter.add.f32 [tilespmem:s25], [sflag:$0x2], $0x1, s16, s10, $0xb8;
	[tilespmem:$0x15080] =	vst v63  }
0x9a: {  	_ = 	snop  }
0x9b: {  	[spmem:s2] =	stream.indirect.scatter.add.f32 [tilespmem:s6], [sflag:$0x2], $0x1, s16, s10, $0xb8;
	[tilespmem:$0x15080] =	vst v63  }
0x9c: {  	s26 =	simm.s32 $0x4480  }
0x9d: {  	[spmem:s1] =	stream.indirect.scatter.add.f32 [tilespmem:s26], [sflag:$0x2], $0x1, s29, s10, $0xb8;
	[tilespmem:$0x15080] =	vst v63  }
0x9e: {  	_ = 	snop  }
0x9f: {  	[spmem:s2] =	stream.indirect.scatter.add.f32 [tilespmem:s6], [sflag:$0x2], $0x1, s29, s10, $0xb8;
	[tilespmem:$0x15080] =	vst v63  }
0xa0: {  	s12 =	simm.s32 $0x4500  }
0xa1: {  	[spmem:s1] =	stream.indirect.scatter.add.f32 [tilespmem:s12], [sflag:$0x2], $0x1, s30, s10, $0xb8;
	[tilespmem:$0x15080] =	vst v63  }
0xa2: {  	_ = 	snop  }
0xa3: {  	[spmem:s2] =	stream.indirect.scatter.add.f32 [tilespmem:s6], [sflag:$0x2], $0x1, s30, s10, $0xb8;
	[tilespmem:$0x15080] =	vst v63  }
0xa4: {  	s13 =	simm.s32 $0x4580  }
0xa5: {  	[spmem:s1] =	stream.indirect.scatter.add.f32 [tilespmem:s13], [sflag:$0x2], $0x1, s5, s10, $0xb8;
	[tilespmem:$0x15080] =	vst v63  }
0xa6: {  	_ = 	snop  }
0xa7: {  	[spmem:s2] =	stream.indirect.scatter.add.f32 [tilespmem:s6], [sflag:$0x2], $0x1, s5, s10, $0xb8;
	[tilespmem:$0x15080] =	vst v63  }
0xa8: {  	s15 =	simm.s32 $0x4600  }
0xa9: {  	[spmem:s1] =	stream.indirect.scatter.add.f32 [tilespmem:s15], [sflag:$0x2], $0x1, s18, s10, $0xb8;
	[tilespmem:$0x15080] =	vst v63  }
0xaa: {  	_ = 	snop  }
0xab: {  	[spmem:s2] =	stream.indirect.scatter.add.f32 [tilespmem:s6], [sflag:$0x2], $0x1, s18, s10, $0xb8;
	[tilespmem:$0x15080] =	vst v63  }
0xac: {  	s23 =	simm.s32 $0x4680  }
0xad: {  	[spmem:s1] =	stream.indirect.scatter.add.f32 [tilespmem:s23], [sflag:$0x2], $0x1, s19, s10, $0xb8;
	[tilespmem:$0x15080] =	vst v63  }
0xae: {  	_ = 	snop  }
0xaf: {  	[spmem:s2] =	stream.indirect.scatter.add.f32 [tilespmem:s6], [sflag:$0x2], $0x1, s19, s10, $0xb8;
	[tilespmem:$0x15080] =	vst v63  }
0xb0: {  	s24 =	simm.s32 $0x4700  }
0xb1: {  	[spmem:s1] =	stream.indirect.scatter.add.f32 [tilespmem:s24], [sflag:$0x2], $0x1, s4, s10, $0xb8;
	[tilespmem:$0x15080] =	vst v63  }
0xb2: {  	_ = 	snop  }
0xb3: {  	[spmem:s2] =	stream.indirect.scatter.add.f32 [tilespmem:s6], [sflag:$0x2], $0x1, s4, s10, $0xb8;
	[tilespmem:$0x15080] =	vst v63  }
0xb4: {  	s25 =	simm.s32 $0x4780  }
0xb5: {  	[spmem:s1] =	stream.indirect.scatter.add.f32 [tilespmem:s25], [sflag:$0x2], $0x1, s20, s10, $0xb8;
	[tilespmem:$0x15080] =	vst v63  }
0xb6: {  	_ = 	snop  }
0xb7: {  	[spmem:s2] =	stream.indirect.scatter.add.f32 [tilespmem:s6], [sflag:$0x2], $0x1, s20, s10, $0xb8;
	[tilespmem:$0x15080] =	vst v63  }
0xb8: {  	s26 =	simm.s32 $0x4800;
	s12 =	simm.s32 $0x800  }
0xb9: {  	[spmem:s1] =	stream.indirect.scatter.add.f32 [tilespmem:s26], [sflag:$0x2], $0x1, s12, s10, $0xb8;
	[tilespmem:$0x15080] =	vst v63  }
0xba: {  	_ = 	snop  }
0xbb: {  	[spmem:s2] =	stream.indirect.scatter.add.f32 [tilespmem:s6], [sflag:$0x2], $0x1, s12, s10, $0xb8;
	[tilespmem:$0x15080] =	vst v63  }
0xbc: {  	s13 =	simm.s32 $0x4880;
	s15 =	simm.s32 $0x880  }
0xbd: {  	[spmem:s1] =	stream.indirect.scatter.add.f32 [tilespmem:s13], [sflag:$0x2], $0x1, s15, s10, $0xb8;
	[tilespmem:$0x15080] =	vst v63  }
0xbe: {  	_ = 	snop  }
0xbf: {  	[spmem:s2] =	stream.indirect.scatter.add.f32 [tilespmem:s6], [sflag:$0x2], $0x1, s15, s10, $0xb8;
	[tilespmem:$0x15080] =	vst v63  }
0xc0: {  	s24 =	simm.s32 $0x4900;
	s25 =	simm.s32 $0x900  }
0xc1: {  	[spmem:s1] =	stream.indirect.scatter.add.f32 [tilespmem:s24], [sflag:$0x2], $0x1, s25, s10, $0xb8;
	[tilespmem:$0x15080] =	vst v63  }
0xc2: {  	_ = 	snop  }
0xc3: {  	[spmem:s2] =	stream.indirect.scatter.add.f32 [tilespmem:s6], [sflag:$0x2], $0x1, s25, s10, $0xb8;
	[tilespmem:$0x15080] =	vst v63  }
0xc4: {  	s26 =	simm.s32 $0x4980;
	s12 =	simm.s32 $0x980  }
0xc5: {  	[spmem:s1] =	stream.indirect.scatter.add.f32 [tilespmem:s26], [sflag:$0x2], $0x1, s12, s10, $0xb8;
	[tilespmem:$0x15080] =	vst v63  }
0xc6: {  	_ = 	snop  }
0xc7: {  	[spmem:s2] =	stream.indirect.scatter.add.f32 [tilespmem:s6], [sflag:$0x2], $0x1, s12, s10, $0xb8;
	[tilespmem:$0x15080] =	vst v63  }
0xc8: {  	s13 =	simm.s32 $0x4A00;
	s15 =	simm.s32 $0xA00  }
0xc9: {  	[spmem:s1] =	stream.indirect.scatter.add.f32 [tilespmem:s13], [sflag:$0x2], $0x1, s15, s10, $0xb8;
	[tilespmem:$0x15080] =	vst v63  }
0xca: {  	_ = 	snop  }
0xcb: {  	[spmem:s2] =	stream.indirect.scatter.add.f32 [tilespmem:s6], [sflag:$0x2], $0x1, s15, s10, $0xb8;
	[tilespmem:$0x15080] =	vst v63  }
0xcc: {  	s24 =	simm.s32 $0x4A80;
	s25 =	simm.s32 $0xA80  }
0xcd: {  	[spmem:s1] =	stream.indirect.scatter.add.f32 [tilespmem:s24], [sflag:$0x2], $0x1, s25, s10, $0xb8;
	[tilespmem:$0x15080] =	vst v63  }
0xce: {  	_ = 	snop  }
0xcf: {  	[spmem:s2] =	stream.indirect.scatter.add.f32 [tilespmem:s6], [sflag:$0x2], $0x1, s25, s10, $0xb8;
	[tilespmem:$0x15080] =	vst v63  }
0xd0: {  	s26 =	simm.s32 $0x4B00;
	s12 =	simm.s32 $0xB00  }
0xd1: {  	[spmem:s1] =	stream.indirect.scatter.add.f32 [tilespmem:s26], [sflag:$0x2], $0x1, s12, s10, $0xb8;
	[tilespmem:$0x15080] =	vst v63  }
0xd2: {  	_ = 	snop  }
0xd3: {  	[spmem:s2] =	stream.indirect.scatter.add.f32 [tilespmem:s6], [sflag:$0x2], $0x1, s12, s10, $0xb8;
	[tilespmem:$0x15080] =	vst v63  }
0xd4: {  	s13 =	simm.s32 $0x4B80;
	s15 =	simm.s32 $0xB80  }
0xd5: {  	[spmem:s1] =	stream.indirect.scatter.add.f32 [tilespmem:s13], [sflag:$0x2], $0x1, s15, s10, $0xb8;
	[tilespmem:$0x15080] =	vst v63  }
0xd6: {  	_ = 	snop  }
0xd7: {  	[spmem:s2] =	stream.indirect.scatter.add.f32 [tilespmem:s6], [sflag:$0x2], $0x1, s15, s10, $0xb8;
	[tilespmem:$0x15080] =	vst v63  }
0xd8: {  	s24 =	simm.s32 $0x4C00;
	s25 =	simm.s32 $0xC00  }
0xd9: {  	[spmem:s1] =	stream.indirect.scatter.add.f32 [tilespmem:s24], [sflag:$0x2], $0x1, s25, s10, $0xb8;
	[tilespmem:$0x15080] =	vst v63  }
0xda: {  	_ = 	snop  }
0xdb: {  	[spmem:s2] =	stream.indirect.scatter.add.f32 [tilespmem:s6], [sflag:$0x2], $0x1, s25, s10, $0xb8;
	[tilespmem:$0x15080] =	vst v63  }
0xdc: {  	s26 =	simm.s32 $0x4C80;
	s12 =	simm.s32 $0xC80  }
0xdd: {  	[spmem:s1] =	stream.indirect.scatter.add.f32 [tilespmem:s26], [sflag:$0x2], $0x1, s12, s10, $0xb8;
	[tilespmem:$0x15080] =	vst v63  }
0xde: {  	_ = 	snop  }
0xdf: {  	[spmem:s2] =	stream.indirect.scatter.add.f32 [tilespmem:s6], [sflag:$0x2], $0x1, s12, s10, $0xb8;
	[tilespmem:$0x15080] =	vst v63  }
0xe0: {  	s13 =	simm.s32 $0x4D00;
	s15 =	simm.s32 $0xD00  }
0xe1: {  	[spmem:s1] =	stream.indirect.scatter.add.f32 [tilespmem:s13], [sflag:$0x2], $0x1, s15, s10, $0xb8;
	[tilespmem:$0x15080] =	vst v63  }
0xe2: {  	_ = 	snop  }
0xe3: {  	[spmem:s2] =	stream.indirect.scatter.add.f32 [tilespmem:s6], [sflag:$0x2], $0x1, s15, s10, $0xb8;
	[tilespmem:$0x15080] =	vst v63  }
0xe4: {  	s24 =	simm.s32 $0x4D80;
	s25 =	simm.s32 $0xD80  }
0xe5: {  	[spmem:s1] =	stream.indirect.scatter.add.f32 [tilespmem:s24], [sflag:$0x2], $0x1, s25, s10, $0xb8;
	[tilespmem:$0x15080] =	vst v63  }
0xe6: {  	_ = 	snop  }
0xe7: {  	[spmem:s2] =	stream.indirect.scatter.add.f32 [tilespmem:s6], [sflag:$0x2], $0x1, s25, s10, $0xb8;
	[tilespmem:$0x15080] =	vst v63  }
0xe8: {  	s26 =	simm.s32 $0x4E00;
	s12 =	simm.s32 $0xE00  }
0xe9: {  	[spmem:s1] =	stream.indirect.scatter.add.f32 [tilespmem:s26], [sflag:$0x2], $0x1, s12, s10, $0xb8;
	[tilespmem:$0x15080] =	vst v63  }
0xea: {  	_ = 	snop  }
0xeb: {  	[spmem:s2] =	stream.indirect.scatter.add.f32 [tilespmem:s6], [sflag:$0x2], $0x1, s12, s10, $0xb8;
	[tilespmem:$0x15080] =	vst v63  }
0xec: {  	s13 =	simm.s32 $0x4E80;
	s15 =	simm.s32 $0xE80  }
0xed: {  	[spmem:s1] =	stream.indirect.scatter.add.f32 [tilespmem:s13], [sflag:$0x2], $0x1, s15, s10, $0xb8;
	[tilespmem:$0x15080] =	vst v63  }
0xee: {  	_ = 	snop  }
0xef: {  	[spmem:s2] =	stream.indirect.scatter.add.f32 [tilespmem:s6], [sflag:$0x2], $0x1, s15, s10, $0xb8;
	[tilespmem:$0x15080] =	vst v63  }
0xf0: {  	s23 =	simm.s32 $0x4F00;
	s24 =	simm.s32 $0xF00  }
0xf1: {  	[spmem:s1] =	stream.indirect.scatter.add.f32 [tilespmem:s23], [sflag:$0x2], $0x1, s24, s10, $0xb8;
	[tilespmem:$0x15080] =	vst v63  }
0xf2: {  	_ = 	snop  }
0xf3: {  	[spmem:s2] =	stream.indirect.scatter.add.f32 [tilespmem:s6], [sflag:$0x2], $0x1, s24, s10, $0xb8;
	[tilespmem:$0x15080] =	vst v63  }
0xf4: {  	s25 =	simm.s32 $0x4F80;
	s26 =	simm.s32 $0xF80  }
0xf5: {  	[spmem:s1] =	stream.indirect.scatter.add.f32 [tilespmem:s25], [sflag:$0x2], $0x1, s26, s10, $0xb8;
	[tilespmem:$0x15080] =	vst v63  }
0xf6: {  	_ = 	snop  }
0xf7: {  	[spmem:s2] =	stream.indirect.scatter.add.f32 [tilespmem:s6], [sflag:$0x2], $0x1, s26, s10, $0xb8;
	[tilespmem:$0x15080] =	vst v63  }
0xf8: {  	_ =	swait.ge [sflag:s21], $0x80  }
0xf9: {  	[sflag:s21] =	ssyncset.done $0x0  }
0xfa: {  	[sflag:s21] =	ssyncadd.s32 $0xFFFFFF80  }
0xfb: {  	_ =	swait.ge [sflag:s21], $0x80  }
0xfc: {  	[sflag:s21] =	ssyncset.done $0x0  }
0xfd: {  	[sflag:s21] =	ssyncadd.s32 $0xFFFFFF80  }
0xfe: {  	_ =	swait.ge [sflag:s21], $0x80  }
0xff: {  	[sflag:s21] =	ssyncset.done $0x0  }
0x100: {  	[sflag:s21] =	ssyncadd.s32 $0xFFFFFF80  }
0x101: {  	_ =	swait.ge [sflag:s21], $0x80  }
0x102: {  	[sflag:s21] =	ssyncset.done $0x0  }
0x103: {  	[sflag:s21] =	ssyncadd.s32 $0xFFFFFF80  }
0x104: {  	_ =	swait.ge [sflag:s21], $0x80  }
0x105: {  	[sflag:s21] =	ssyncset.done $0x0  }
0x106: {  	[sflag:s21] =	ssyncadd.s32 $0xFFFFFF80  }
0x107: {  	_ =	swait.ge [sflag:s21], $0x80  }
0x108: {  	[sflag:s21] =	ssyncset.done $0x0  }
0x109: {  	[sflag:s21] =	ssyncadd.s32 $0xFFFFFF80  }
0x10a: {  	_ =	swait.ge [sflag:s21], $0x80  }
0x10b: {  	[sflag:s21] =	ssyncset.done $0x0  }
0x10c: {  	[sflag:s21] =	ssyncadd.s32 $0xFFFFFF80  }
0x10d: {  	_ =	swait.ge [sflag:s21], $0x80  }
0x10e: {  	[sflag:s21] =	ssyncset.done $0x0  }
0x10f: {  	[sflag:s21] =	ssyncadd.s32 $0xFFFFFF80  }
0x110: {  	_ =	swait.ge [sflag:s21], $0x80  }
0x111: {  	[sflag:s21] =	ssyncset.done $0x0  }
0x112: {  	[sflag:s21] =	ssyncadd.s32 $0xFFFFFF80  }
0x113: {  	_ =	swait.ge [sflag:s21], $0x80  }
0x114: {  	[sflag:s21] =	ssyncset.done $0x0  }
0x115: {  	[sflag:s21] =	ssyncadd.s32 $0xFFFFFF80  }
0x116: {  	_ =	swait.ge [sflag:s21], $0x80  }
0x117: {  	[sflag:s21] =	ssyncset.done $0x0  }
0x118: {  	[sflag:s21] =	ssyncadd.s32 $0xFFFFFF80  }
0x119: {  	_ =	swait.ge [sflag:s21], $0x80  }
0x11a: {  	[sflag:s21] =	ssyncset.done $0x0  }
0x11b: {  	[sflag:s21] =	ssyncadd.s32 $0xFFFFFF80  }
0x11c: {  	_ =	swait.ge [sflag:s21], $0x80  }
0x11d: {  	[sflag:s21] =	ssyncset.done $0x0  }
0x11e: {  	[sflag:s21] =	ssyncadd.s32 $0xFFFFFF80  }
0x11f: {  	_ =	swait.ge [sflag:s21], $0x80  }
0x120: {  	[sflag:s21] =	ssyncset.done $0x0  }
0x121: {  	[sflag:s21] =	ssyncadd.s32 $0xFFFFFF80  }
0x122: {  	_ =	swait.ge [sflag:s21], $0x80  }
0x123: {  	[sflag:s21] =	ssyncset.done $0x0  }
0x124: {  	[sflag:s21] =	ssyncadd.s32 $0xFFFFFF80  }
0x125: {  	_ =	swait.ge [sflag:s21], $0x80  }
0x126: {  	[sflag:s21] =	ssyncset.done $0x0  }
0x127: {  	[sflag:s21] =	ssyncadd.s32 $0xFFFFFF80  }
0x128: {  	_ =	swait.ge [sflag:s21], $0x80  }
0x129: {  	[sflag:s21] =	ssyncset.done $0x0  }
0x12a: {  	[sflag:s21] =	ssyncadd.s32 $0xFFFFFF80  }
0x12b: {  	_ =	swait.ge [sflag:s21], $0x80  }
0x12c: {  	[sflag:s21] =	ssyncset.done $0x0  }
0x12d: {  	[sflag:s21] =	ssyncadd.s32 $0xFFFFFF80  }
0x12e: {  	_ =	swait.ge [sflag:s21], $0x80  }
0x12f: {  	[sflag:s21] =	ssyncset.done $0x0  }
0x130: {  	[sflag:s21] =	ssyncadd.s32 $0xFFFFFF80  }
0x131: {  	_ =	swait.ge [sflag:s21], $0x80  }
0x132: {  	[sflag:s21] =	ssyncset.done $0x0  }
0x133: {  	[sflag:s21] =	ssyncadd.s32 $0xFFFFFF80  }
0x134: {  	_ =	swait.ge [sflag:s21], $0x80  }
0x135: {  	[sflag:s21] =	ssyncset.done $0x0  }
0x136: {  	[sflag:s21] =	ssyncadd.s32 $0xFFFFFF80  }
0x137: {  	_ =	swait.ge [sflag:s21], $0x80  }
0x138: {  	[sflag:s21] =	ssyncset.done $0x0  }
0x139: {  	[sflag:s21] =	ssyncadd.s32 $0xFFFFFF80  }
0x13a: {  	_ =	swait.ge [sflag:s21], $0x80  }
0x13b: {  	[sflag:s21] =	ssyncset.done $0x0  }
0x13c: {  	[sflag:s21] =	ssyncadd.s32 $0xFFFFFF80  }
0x13d: {  	_ =	swait.ge [sflag:s21], $0x80  }
0x13e: {  	[sflag:s21] =	ssyncset.done $0x0  }
0x13f: {  	[sflag:s21] =	ssyncadd.s32 $0xFFFFFF80  }
0x140: {  	_ =	swait.ge [sflag:s21], $0x80  }
0x141: {  	[sflag:s21] =	ssyncset.done $0x0  }
0x142: {  	[sflag:s21] =	ssyncadd.s32 $0xFFFFFF80  }
0x143: {  	_ =	swait.ge [sflag:s21], $0x80  }
0x144: {  	[sflag:s21] =	ssyncset.done $0x0  }
0x145: {  	[sflag:s21] =	ssyncadd.s32 $0xFFFFFF80  }
0x146: {  	_ =	swait.ge [sflag:s21], $0x80  }
0x147: {  	[sflag:s21] =	ssyncset.done $0x0  }
0x148: {  	[sflag:s21] =	ssyncadd.s32 $0xFFFFFF80  }
0x149: {  	_ =	swait.ge [sflag:s21], $0x80  }
0x14a: {  	[sflag:s21] =	ssyncset.done $0x0  }
0x14b: {  	[sflag:s21] =	ssyncadd.s32 $0xFFFFFF80  }
0x14c: {  	_ =	swait.ge [sflag:s21], $0x80  }
0x14d: {  	[sflag:s21] =	ssyncset.done $0x0  }
0x14e: {  	[sflag:s21] =	ssyncadd.s32 $0xFFFFFF80  }
0x14f: {  	_ =	swait.ge [sflag:s21], $0x80  }
0x150: {  	[sflag:s21] =	ssyncset.done $0x0  }
0x151: {  	[sflag:s21] =	ssyncadd.s32 $0xFFFFFF80  }
0x152: {  	_ =	swait.ge [sflag:s21], $0x80  }
0x153: {  	[sflag:s21] =	ssyncset.done $0x0  }
0x154: {  	[sflag:s21] =	ssyncadd.s32 $0xFFFFFF80  }
0x155: {  	_ =	swait.ge [sflag:s21], $0x80  }
0x156: {  	s23 =	simm.s32 $0x4000;
	s24 =	simm.s32 $0x800;
	[sflag:s21] =	ssyncset.done $0x0  }
.LBB2_4:
0x157: {  	s7 =	sadd.s32 $0x4800, s24;
	s25 =	sadd.s32 $0x800, s24;
	[sflag:s21] =	ssyncadd.s32 $0xFFFFFF80  }
0x158: {  	[spmem:s1] =	stream.indirect.scatter.add.f32 [tilespmem:s7], [sflag:$0x2], $0x1, s25, s10, $0xb8;
	[tilespmem:$0x15080] =	vst v63  }
0x159: {  	p0 =	seq.s32 s23, $0xC000;
	s7 =	smov.u32 s23;
	s23 =	sadd.s32 $0x2000, s23  }
0x15a: {  	[spmem:s2] =	stream.indirect.scatter.add.f32 [tilespmem:s6], [sflag:$0x2], $0x1, s25, s10, $0xb8;
	[tilespmem:$0x15080] =	vst v63  }
0x15b: {  	s26 =	sadd.s32 $0x880, s24;
	s25 =	sadd.s32 $0x4880, s24  }
0x15c: {  	[spmem:s1] =	stream.indirect.scatter.add.f32 [tilespmem:s25], [sflag:$0x2], $0x1, s26, s10, $0xb8;
	[tilespmem:$0x15080] =	vst v63  }
0x15d: {  	_ = 	snop  }
0x15e: {  	[spmem:s2] =	stream.indirect.scatter.add.f32 [tilespmem:s6], [sflag:$0x2], $0x1, s26, s10, $0xb8;
	[tilespmem:$0x15080] =	vst v63  }
0x15f: {  	s25 =	sadd.s32 $0x4900, s24;
	s26 =	sadd.s32 $0x900, s24  }
0x160: {  	[spmem:s1] =	stream.indirect.scatter.add.f32 [tilespmem:s25], [sflag:$0x2], $0x1, s26, s10, $0xb8;
	[tilespmem:$0x15080] =	vst v63  }
0x161: {  	_ = 	snop  }
0x162: {  	[spmem:s2] =	stream.indirect.scatter.add.f32 [tilespmem:s6], [sflag:$0x2], $0x1, s26, s10, $0xb8;
	[tilespmem:$0x15080] =	vst v63  }
0x163: {  	s25 =	sadd.s32 $0x4980, s24;
	s26 =	sadd.s32 $0x980, s24  }
0x164: {  	[spmem:s1] =	stream.indirect.scatter.add.f32 [tilespmem:s25], [sflag:$0x2], $0x1, s26, s10, $0xb8;
	[tilespmem:$0x15080] =	vst v63  }
0x165: {  	_ = 	snop  }
0x166: {  	[spmem:s2] =	stream.indirect.scatter.add.f32 [tilespmem:s6], [sflag:$0x2], $0x1, s26, s10, $0xb8;
	[tilespmem:$0x15080] =	vst v63  }
0x167: {  	s25 =	sadd.s32 $0x4A00, s24;
	s26 =	sadd.s32 $0xA00, s24  }
0x168: {  	[spmem:s1] =	stream.indirect.scatter.add.f32 [tilespmem:s25], [sflag:$0x2], $0x1, s26, s10, $0xb8;
	[tilespmem:$0x15080] =	vst v63  }
0x169: {  	_ = 	snop  }
0x16a: {  	[spmem:s2] =	stream.indirect.scatter.add.f32 [tilespmem:s6], [sflag:$0x2], $0x1, s26, s10, $0xb8;
	[tilespmem:$0x15080] =	vst v63  }
0x16b: {  	s25 =	sadd.s32 $0x4A80, s24;
	s26 =	sadd.s32 $0xA80, s24  }
0x16c: {  	[spmem:s1] =	stream.indirect.scatter.add.f32 [tilespmem:s25], [sflag:$0x2], $0x1, s26, s10, $0xb8;
	[tilespmem:$0x15080] =	vst v63  }
0x16d: {  	_ = 	snop  }
0x16e: {  	[spmem:s2] =	stream.indirect.scatter.add.f32 [tilespmem:s6], [sflag:$0x2], $0x1, s26, s10, $0xb8;
	[tilespmem:$0x15080] =	vst v63  }
0x16f: {  	s25 =	sadd.s32 $0x4B00, s24;
	s26 =	sadd.s32 $0xB00, s24  }
0x170: {  	[spmem:s1] =	stream.indirect.scatter.add.f32 [tilespmem:s25], [sflag:$0x2], $0x1, s26, s10, $0xb8;
	[tilespmem:$0x15080] =	vst v63  }
0x171: {  	_ = 	snop  }
0x172: {  	[spmem:s2] =	stream.indirect.scatter.add.f32 [tilespmem:s6], [sflag:$0x2], $0x1, s26, s10, $0xb8;
	[tilespmem:$0x15080] =	vst v63  }
0x173: {  	s25 =	sadd.s32 $0x4B80, s24;
	s26 =	sadd.s32 $0xB80, s24  }
0x174: {  	[spmem:s1] =	stream.indirect.scatter.add.f32 [tilespmem:s25], [sflag:$0x2], $0x1, s26, s10, $0xb8;
	[tilespmem:$0x15080] =	vst v63  }
0x175: {  	_ = 	snop  }
0x176: {  	[spmem:s2] =	stream.indirect.scatter.add.f32 [tilespmem:s6], [sflag:$0x2], $0x1, s26, s10, $0xb8;
	[tilespmem:$0x15080] =	vst v63  }
0x177: {  	s25 =	sadd.s32 $0x4C00, s24;
	s26 =	sadd.s32 $0xC00, s24  }
0x178: {  	[spmem:s1] =	stream.indirect.scatter.add.f32 [tilespmem:s25], [sflag:$0x2], $0x1, s26, s10, $0xb8;
	[tilespmem:$0x15080] =	vst v63  }
0x179: {  	_ = 	snop  }
0x17a: {  	[spmem:s2] =	stream.indirect.scatter.add.f32 [tilespmem:s6], [sflag:$0x2], $0x1, s26, s10, $0xb8;
	[tilespmem:$0x15080] =	vst v63  }
0x17b: {  	s25 =	sadd.s32 $0x4C80, s24;
	s26 =	sadd.s32 $0xC80, s24  }
0x17c: {  	[spmem:s1] =	stream.indirect.scatter.add.f32 [tilespmem:s25], [sflag:$0x2], $0x1, s26, s10, $0xb8;
	[tilespmem:$0x15080] =	vst v63  }
0x17d: {  	_ = 	snop  }
0x17e: {  	[spmem:s2] =	stream.indirect.scatter.add.f32 [tilespmem:s6], [sflag:$0x2], $0x1, s26, s10, $0xb8;
	[tilespmem:$0x15080] =	vst v63  }
0x17f: {  	s25 =	sadd.s32 $0x4D00, s24;
	s26 =	sadd.s32 $0xD00, s24  }
0x180: {  	[spmem:s1] =	stream.indirect.scatter.add.f32 [tilespmem:s25], [sflag:$0x2], $0x1, s26, s10, $0xb8;
	[tilespmem:$0x15080] =	vst v63  }
0x181: {  	_ = 	snop  }
0x182: {  	[spmem:s2] =	stream.indirect.scatter.add.f32 [tilespmem:s6], [sflag:$0x2], $0x1, s26, s10, $0xb8;
	[tilespmem:$0x15080] =	vst v63  }
0x183: {  	s25 =	sadd.s32 $0x4D80, s24;
	s26 =	sadd.s32 $0xD80, s24  }
0x184: {  	[spmem:s1] =	stream.indirect.scatter.add.f32 [tilespmem:s25], [sflag:$0x2], $0x1, s26, s10, $0xb8;
	[tilespmem:$0x15080] =	vst v63  }
0x185: {  	_ = 	snop  }
0x186: {  	[spmem:s2] =	stream.indirect.scatter.add.f32 [tilespmem:s6], [sflag:$0x2], $0x1, s26, s10, $0xb8;
	[tilespmem:$0x15080] =	vst v63  }
0x187: {  	s25 =	sadd.s32 $0x4E00, s24;
	s26 =	sadd.s32 $0xE00, s24  }
0x188: {  	[spmem:s1] =	stream.indirect.scatter.add.f32 [tilespmem:s25], [sflag:$0x2], $0x1, s26, s10, $0xb8;
	[tilespmem:$0x15080] =	vst v63  }
0x189: {  	_ = 	snop  }
0x18a: {  	[spmem:s2] =	stream.indirect.scatter.add.f32 [tilespmem:s6], [sflag:$0x2], $0x1, s26, s10, $0xb8;
	[tilespmem:$0x15080] =	vst v63  }
0x18b: {  	s25 =	sadd.s32 $0x4E80, s24;
	s26 =	sadd.s32 $0xE80, s24  }
0x18c: {  	[spmem:s1] =	stream.indirect.scatter.add.f32 [tilespmem:s25], [sflag:$0x2], $0x1, s26, s10, $0xb8;
	[tilespmem:$0x15080] =	vst v63  }
0x18d: {  	_ = 	snop  }
0x18e: {  	[spmem:s2] =	stream.indirect.scatter.add.f32 [tilespmem:s6], [sflag:$0x2], $0x1, s26, s10, $0xb8;
	[tilespmem:$0x15080] =	vst v63  }
0x18f: {  	s25 =	sadd.s32 $0x4F00, s24;
	s26 =	sadd.s32 $0xF00, s24  }
0x190: {  	[spmem:s1] =	stream.indirect.scatter.add.f32 [tilespmem:s25], [sflag:$0x2], $0x1, s26, s10, $0xb8;
	[tilespmem:$0x15080] =	vst v63  }
0x191: {  	_ = 	snop  }
0x192: {  	[spmem:s2] =	stream.indirect.scatter.add.f32 [tilespmem:s6], [sflag:$0x2], $0x1, s26, s10, $0xb8;
	[tilespmem:$0x15080] =	vst v63  }
0x193: {  	s25 =	sadd.s32 $0x4F80, s24;
	s24 =	sadd.s32 $0xF80, s24  }
0x194: {  	[spmem:s1] =	stream.indirect.scatter.add.f32 [tilespmem:s25], [sflag:$0x2], $0x1, s24, s10, $0xb8;
	[tilespmem:$0x15080] =	vst v63  }
0x195: {  	_ = 	snop  }
0x196: {  	[spmem:s2] =	stream.indirect.scatter.add.f32 [tilespmem:s6], [sflag:$0x2], $0x1, s24, s10, $0xb8;
	[tilespmem:$0x15080] =	vst v63  }
0x197: {  	_ =	swait.ge [sflag:s21], $0x80  }
0x198: {  	[sflag:s21] =	ssyncset.done $0x0  }
0x199: {  	[sflag:s21] =	ssyncadd.s32 $0xFFFFFF80  }
0x19a: {  	_ =	swait.ge [sflag:s21], $0x80  }
0x19b: {  	[sflag:s21] =	ssyncset.done $0x0  }
0x19c: {  	[sflag:s21] =	ssyncadd.s32 $0xFFFFFF80  }
0x19d: {  	_ =	swait.ge [sflag:s21], $0x80  }
0x19e: {  	[sflag:s21] =	ssyncset.done $0x0  }
0x19f: {  	[sflag:s21] =	ssyncadd.s32 $0xFFFFFF80  }
0x1a0: {  	_ =	swait.ge [sflag:s21], $0x80  }
0x1a1: {  	[sflag:s21] =	ssyncset.done $0x0  }
0x1a2: {  	[sflag:s21] =	ssyncadd.s32 $0xFFFFFF80  }
0x1a3: {  	_ =	swait.ge [sflag:s21], $0x80  }
0x1a4: {  	[sflag:s21] =	ssyncset.done $0x0  }
0x1a5: {  	[sflag:s21] =	ssyncadd.s32 $0xFFFFFF80  }
0x1a6: {  	_ =	swait.ge [sflag:s21], $0x80  }
0x1a7: {  	[sflag:s21] =	ssyncset.done $0x0  }
0x1a8: {  	[sflag:s21] =	ssyncadd.s32 $0xFFFFFF80  }
0x1a9: {  	_ =	swait.ge [sflag:s21], $0x80  }
0x1aa: {  	[sflag:s21] =	ssyncset.done $0x0  }
0x1ab: {  	[sflag:s21] =	ssyncadd.s32 $0xFFFFFF80  }
0x1ac: {  	_ =	swait.ge [sflag:s21], $0x80  }
0x1ad: {  	[sflag:s21] =	ssyncset.done $0x0  }
0x1ae: {  	[sflag:s21] =	ssyncadd.s32 $0xFFFFFF80  }
0x1af: {  	_ =	swait.ge [sflag:s21], $0x80  }
0x1b0: {  	[sflag:s21] =	ssyncset.done $0x0  }
0x1b1: {  	[sflag:s21] =	ssyncadd.s32 $0xFFFFFF80  }
0x1b2: {  	_ =	swait.ge [sflag:s21], $0x80  }
0x1b3: {  	[sflag:s21] =	ssyncset.done $0x0  }
0x1b4: {  	[sflag:s21] =	ssyncadd.s32 $0xFFFFFF80  }
0x1b5: {  	_ =	swait.ge [sflag:s21], $0x80  }
0x1b6: {  	[sflag:s21] =	ssyncset.done $0x0  }
0x1b7: {  	[sflag:s21] =	ssyncadd.s32 $0xFFFFFF80  }
0x1b8: {  	_ =	swait.ge [sflag:s21], $0x80  }
0x1b9: {  	[sflag:s21] =	ssyncset.done $0x0  }
0x1ba: {  	[sflag:s21] =	ssyncadd.s32 $0xFFFFFF80  }
0x1bb: {  	_ =	swait.ge [sflag:s21], $0x80  }
0x1bc: {  	[sflag:s21] =	ssyncset.done $0x0  }
0x1bd: {  	[sflag:s21] =	ssyncadd.s32 $0xFFFFFF80  }
0x1be: {  	_ =	swait.ge [sflag:s21], $0x80  }
0x1bf: {  	[sflag:s21] =	ssyncset.done $0x0  }
0x1c0: {  	[sflag:s21] =	ssyncadd.s32 $0xFFFFFF80  }
0x1c1: {  	_ =	swait.ge [sflag:s21], $0x80  }
0x1c2: {  	[sflag:s21] =	ssyncset.done $0x0  }
0x1c3: {  	[sflag:s21] =	ssyncadd.s32 $0xFFFFFF80  }
0x1c4: {  	_ =	swait.ge [sflag:s21], $0x80  }
0x1c5: {  	[sflag:s21] =	ssyncset.done $0x0  }
0x1c6: {  	[sflag:s21] =	ssyncadd.s32 $0xFFFFFF80  }
0x1c7: {  	_ =	swait.ge [sflag:s21], $0x80  }
0x1c8: {  	[sflag:s21] =	ssyncset.done $0x0  }
0x1c9: {  	[sflag:s21] =	ssyncadd.s32 $0xFFFFFF80  }
0x1ca: {  	_ =	swait.ge [sflag:s21], $0x80  }
0x1cb: {  	[sflag:s21] =	ssyncset.done $0x0  }
0x1cc: {  	[sflag:s21] =	ssyncadd.s32 $0xFFFFFF80  }
0x1cd: {  	_ =	swait.ge [sflag:s21], $0x80  }
0x1ce: {  	[sflag:s21] =	ssyncset.done $0x0  }
0x1cf: {  	[sflag:s21] =	ssyncadd.s32 $0xFFFFFF80  }
0x1d0: {  	_ =	swait.ge [sflag:s21], $0x80  }
0x1d1: {  	[sflag:s21] =	ssyncset.done $0x0  }
0x1d2: {  	[sflag:s21] =	ssyncadd.s32 $0xFFFFFF80  }
0x1d3: {  	_ =	swait.ge [sflag:s21], $0x80  }
0x1d4: {  	[sflag:s21] =	ssyncset.done $0x0  }
0x1d5: {  	[sflag:s21] =	ssyncadd.s32 $0xFFFFFF80  }
0x1d6: {  	_ =	swait.ge [sflag:s21], $0x80  }
0x1d7: {  	[sflag:s21] =	ssyncset.done $0x0  }
0x1d8: {  	[sflag:s21] =	ssyncadd.s32 $0xFFFFFF80  }
0x1d9: {  	_ =	swait.ge [sflag:s21], $0x80  }
0x1da: {  	[sflag:s21] =	ssyncset.done $0x0  }
0x1db: {  	[sflag:s21] =	ssyncadd.s32 $0xFFFFFF80  }
0x1dc: {  	_ =	swait.ge [sflag:s21], $0x80  }
0x1dd: {  	[sflag:s21] =	ssyncset.done $0x0  }
0x1de: {  	[sflag:s21] =	ssyncadd.s32 $0xFFFFFF80  }
0x1df: {  	_ =	swait.ge [sflag:s21], $0x80  }
0x1e0: {  	[sflag:s21] =	ssyncset.done $0x0  }
0x1e1: {  	[sflag:s21] =	ssyncadd.s32 $0xFFFFFF80  }
0x1e2: {  	_ =	swait.ge [sflag:s21], $0x80  }
0x1e3: {  	[sflag:s21] =	ssyncset.done $0x0  }
0x1e4: {  	[sflag:s21] =	ssyncadd.s32 $0xFFFFFF80  }
0x1e5: {  	_ =	swait.ge [sflag:s21], $0x80  }
0x1e6: {  	[sflag:s21] =	ssyncset.done $0x0  }
0x1e7: {  	[sflag:s21] =	ssyncadd.s32 $0xFFFFFF80  }
0x1e8: {  	_ =	swait.ge [sflag:s21], $0x80  }
0x1e9: {  	[sflag:s21] =	ssyncset.done $0x0  }
0x1ea: {  	[sflag:s21] =	ssyncadd.s32 $0xFFFFFF80  }
0x1eb: {  	_ =	swait.ge [sflag:s21], $0x80  }
0x1ec: {  	[sflag:s21] =	ssyncset.done $0x0  }
0x1ed: {  	[sflag:s21] =	ssyncadd.s32 $0xFFFFFF80  }
0x1ee: {  	_ =	swait.ge [sflag:s21], $0x80  }
0x1ef: {  	[sflag:s21] =	ssyncset.done $0x0  }
0x1f0: {  	[sflag:s21] =	ssyncadd.s32 $0xFFFFFF80  }
.Ltmp1:
0x1f1: {  	_ =	swait.ge [sflag:s21], $0x80;
	(pc) =	sbr.rel @!p0 .LBB2_4-.Ltmp1, $4  }
0x1f2: {  	[sflag:s21] =	ssyncset.done $0x0  }
0x1f3: {  	[sflag:s21] =	ssyncadd.s32 $0xFFFFFF80  }
0x1f4: {  	_ =	swait.ge [sflag:s21], $0x80  }
0x1f5: {  	s24 =	sshra.s32 s7, $0x2;
	[sflag:s21] =	ssyncset.done $0x0  }
0x1f6: {  	s7 =	sadd.s32 $0x4800, s24;
	s23 =	sadd.s32 $0x800, s24;
	[sflag:s21] =	ssyncadd.s32 $0xFFFFFF80  }
0x1f7: {  	[spmem:s1] =	stream.indirect.scatter.add.f32 [tilespmem:s7], [sflag:$0x2], $0x1, s23, s10, $0xb8;
	[tilespmem:$0x15080] =	vst v63  }
0x1f8: {  	_ = 	snop  }
0x1f9: {  	[spmem:s2] =	stream.indirect.scatter.add.f32 [tilespmem:s6], [sflag:$0x2], $0x1, s23, s10, $0xb8;
	[tilespmem:$0x15080] =	vst v63  }
0x1fa: {  	s26 =	sadd.s32 $0x4880, s24;
	s12 =	sadd.s32 $0x880, s24  }
0x1fb: {  	[spmem:s1] =	stream.indirect.scatter.add.f32 [tilespmem:s26], [sflag:$0x2], $0x1, s12, s10, $0xb8;
	[tilespmem:$0x15080] =	vst v63  }
0x1fc: {  	_ = 	snop  }
0x1fd: {  	[spmem:s2] =	stream.indirect.scatter.add.f32 [tilespmem:s6], [sflag:$0x2], $0x1, s12, s10, $0xb8;
	[tilespmem:$0x15080] =	vst v63  }
0x1fe: {  	s13 =	sadd.s32 $0x4900, s24;
	s15 =	sadd.s32 $0x900, s24  }
0x1ff: {  	[spmem:s1] =	stream.indirect.scatter.add.f32 [tilespmem:s13], [sflag:$0x2], $0x1, s15, s10, $0xb8;
	[tilespmem:$0x15080] =	vst v63  }
0x200: {  	_ = 	snop  }
0x201: {  	[spmem:s2] =	stream.indirect.scatter.add.f32 [tilespmem:s6], [sflag:$0x2], $0x1, s15, s10, $0xb8;
	[tilespmem:$0x15080] =	vst v63  }
0x202: {  	s25 =	sadd.s32 $0x980, s24;
	s23 =	sadd.s32 $0x4980, s24  }
0x203: {  	[spmem:s1] =	stream.indirect.scatter.add.f32 [tilespmem:s23], [sflag:$0x2], $0x1, s25, s10, $0xb8;
	[tilespmem:$0x15080] =	vst v63  }
0x204: {  	_ = 	snop  }
0x205: {  	[spmem:s2] =	stream.indirect.scatter.add.f32 [tilespmem:s6], [sflag:$0x2], $0x1, s25, s10, $0xb8;
	[tilespmem:$0x15080] =	vst v63  }
0x206: {  	s26 =	sadd.s32 $0x4A00, s24;
	s12 =	sadd.s32 $0xA00, s24  }
0x207: {  	[spmem:s1] =	stream.indirect.scatter.add.f32 [tilespmem:s26], [sflag:$0x2], $0x1, s12, s10, $0xb8;
	[tilespmem:$0x15080] =	vst v63  }
0x208: {  	_ = 	snop  }
0x209: {  	[spmem:s2] =	stream.indirect.scatter.add.f32 [tilespmem:s6], [sflag:$0x2], $0x1, s12, s10, $0xb8;
	[tilespmem:$0x15080] =	vst v63  }
0x20a: {  	s13 =	sadd.s32 $0x4A80, s24;
	s15 =	sadd.s32 $0xA80, s24  }
0x20b: {  	[spmem:s1] =	stream.indirect.scatter.add.f32 [tilespmem:s13], [sflag:$0x2], $0x1, s15, s10, $0xb8;
	[tilespmem:$0x15080] =	vst v63  }
0x20c: {  	_ = 	snop  }
0x20d: {  	[spmem:s2] =	stream.indirect.scatter.add.f32 [tilespmem:s6], [sflag:$0x2], $0x1, s15, s10, $0xb8;
	[tilespmem:$0x15080] =	vst v63  }
0x20e: {  	s23 =	sadd.s32 $0x4B00, s24;
	s25 =	sadd.s32 $0xB00, s24  }
0x20f: {  	[spmem:s1] =	stream.indirect.scatter.add.f32 [tilespmem:s23], [sflag:$0x2], $0x1, s25, s10, $0xb8;
	[tilespmem:$0x15080] =	vst v63  }
0x210: {  	_ = 	snop  }
0x211: {  	[spmem:s2] =	stream.indirect.scatter.add.f32 [tilespmem:s6], [sflag:$0x2], $0x1, s25, s10, $0xb8;
	[tilespmem:$0x15080] =	vst v63  }
0x212: {  	s26 =	sadd.s32 $0x4B80, s24;
	s12 =	sadd.s32 $0xB80, s24  }
0x213: {  	[spmem:s1] =	stream.indirect.scatter.add.f32 [tilespmem:s26], [sflag:$0x2], $0x1, s12, s10, $0xb8;
	[tilespmem:$0x15080] =	vst v63  }
0x214: {  	_ = 	snop  }
0x215: {  	[spmem:s2] =	stream.indirect.scatter.add.f32 [tilespmem:s6], [sflag:$0x2], $0x1, s12, s10, $0xb8;
	[tilespmem:$0x15080] =	vst v63  }
0x216: {  	s13 =	sadd.s32 $0x4C00, s24;
	s15 =	sadd.s32 $0xC00, s24  }
0x217: {  	[spmem:s1] =	stream.indirect.scatter.add.f32 [tilespmem:s13], [sflag:$0x2], $0x1, s15, s10, $0xb8;
	[tilespmem:$0x15080] =	vst v63  }
0x218: {  	_ = 	snop  }
0x219: {  	[spmem:s2] =	stream.indirect.scatter.add.f32 [tilespmem:s6], [sflag:$0x2], $0x1, s15, s10, $0xb8;
	[tilespmem:$0x15080] =	vst v63  }
0x21a: {  	s23 =	sadd.s32 $0x4C80, s24;
	s25 =	sadd.s32 $0xC80, s24  }
0x21b: {  	[spmem:s1] =	stream.indirect.scatter.add.f32 [tilespmem:s23], [sflag:$0x2], $0x1, s25, s10, $0xb8;
	[tilespmem:$0x15080] =	vst v63  }
0x21c: {  	_ = 	snop  }
0x21d: {  	[spmem:s2] =	stream.indirect.scatter.add.f32 [tilespmem:s6], [sflag:$0x2], $0x1, s25, s10, $0xb8;
	[tilespmem:$0x15080] =	vst v63  }
0x21e: {  	s26 =	sadd.s32 $0x4D00, s24;
	s12 =	sadd.s32 $0xD00, s24  }
0x21f: {  	[spmem:s1] =	stream.indirect.scatter.add.f32 [tilespmem:s26], [sflag:$0x2], $0x1, s12, s10, $0xb8;
	[tilespmem:$0x15080] =	vst v63  }
0x220: {  	_ = 	snop  }
0x221: {  	[spmem:s2] =	stream.indirect.scatter.add.f32 [tilespmem:s6], [sflag:$0x2], $0x1, s12, s10, $0xb8;
	[tilespmem:$0x15080] =	vst v63  }
0x222: {  	s13 =	sadd.s32 $0x4D80, s24;
	s15 =	sadd.s32 $0xD80, s24  }
0x223: {  	[spmem:s1] =	stream.indirect.scatter.add.f32 [tilespmem:s13], [sflag:$0x2], $0x1, s15, s10, $0xb8;
	[tilespmem:$0x15080] =	vst v63  }
0x224: {  	_ = 	snop  }
0x225: {  	[spmem:s2] =	stream.indirect.scatter.add.f32 [tilespmem:s6], [sflag:$0x2], $0x1, s15, s10, $0xb8;
	[tilespmem:$0x15080] =	vst v63  }
0x226: {  	s23 =	sadd.s32 $0x4E00, s24;
	s25 =	sadd.s32 $0xE00, s24  }
0x227: {  	[spmem:s1] =	stream.indirect.scatter.add.f32 [tilespmem:s23], [sflag:$0x2], $0x1, s25, s10, $0xb8;
	[tilespmem:$0x15080] =	vst v63  }
0x228: {  	_ = 	snop  }
0x229: {  	[spmem:s2] =	stream.indirect.scatter.add.f32 [tilespmem:s6], [sflag:$0x2], $0x1, s25, s10, $0xb8;
	[tilespmem:$0x15080] =	vst v63  }
0x22a: {  	s26 =	sadd.s32 $0x4E80, s24;
	s12 =	sadd.s32 $0xE80, s24  }
0x22b: {  	[spmem:s1] =	stream.indirect.scatter.add.f32 [tilespmem:s26], [sflag:$0x2], $0x1, s12, s10, $0xb8;
	[tilespmem:$0x15080] =	vst v63  }
0x22c: {  	_ = 	snop  }
0x22d: {  	[spmem:s2] =	stream.indirect.scatter.add.f32 [tilespmem:s6], [sflag:$0x2], $0x1, s12, s10, $0xb8;
	[tilespmem:$0x15080] =	vst v63  }
0x22e: {  	s13 =	sadd.s32 $0x4F00, s24;
	s15 =	sadd.s32 $0xF00, s24  }
0x22f: {  	[spmem:s1] =	stream.indirect.scatter.add.f32 [tilespmem:s13], [sflag:$0x2], $0x1, s15, s10, $0xb8;
	[tilespmem:$0x15080] =	vst v63  }
0x230: {  	_ = 	snop  }
0x231: {  	[spmem:s2] =	stream.indirect.scatter.add.f32 [tilespmem:s6], [sflag:$0x2], $0x1, s15, s10, $0xb8;
	[tilespmem:$0x15080] =	vst v63  }
0x232: {  	s25 =	sadd.s32 $0x4F80, s24;
	s26 =	sadd.s32 $0xF80, s24  }
0x233: {  	[spmem:s1] =	stream.indirect.scatter.add.f32 [tilespmem:s25], [sflag:$0x2], $0x1, s26, s10, $0xb8;
	[tilespmem:$0x15080] =	vst v63  }
0x234: {  	_ = 	snop  }
0x235: {  	[spmem:s2] =	stream.indirect.scatter.add.f32 [tilespmem:s6], [sflag:$0x2], $0x1, s26, s10, $0xb8;
	[tilespmem:$0x15080] =	vst v63  }
0x236: {  	_ =	swait.ge [sflag:s21], $0x80  }
0x237: {  	[sflag:s21] =	ssyncset.done $0x0  }
0x238: {  	[sflag:s21] =	ssyncadd.s32 $0xFFFFFF80  }
0x239: {  	_ =	swait.ge [sflag:s21], $0x80  }
0x23a: {  	[sflag:s21] =	ssyncset.done $0x0  }
0x23b: {  	[sflag:s21] =	ssyncadd.s32 $0xFFFFFF80  }
0x23c: {  	_ =	swait.ge [sflag:s21], $0x80  }
0x23d: {  	[sflag:s21] =	ssyncset.done $0x0  }
0x23e: {  	[sflag:s21] =	ssyncadd.s32 $0xFFFFFF80  }
0x23f: {  	_ =	swait.ge [sflag:s21], $0x80  }
0x240: {  	[sflag:s21] =	ssyncset.done $0x0  }
0x241: {  	[sflag:s21] =	ssyncadd.s32 $0xFFFFFF80  }
0x242: {  	_ =	swait.ge [sflag:s21], $0x80  }
0x243: {  	[sflag:s21] =	ssyncset.done $0x0  }
0x244: {  	[sflag:s21] =	ssyncadd.s32 $0xFFFFFF80  }
0x245: {  	_ =	swait.ge [sflag:s21], $0x80  }
0x246: {  	[sflag:s21] =	ssyncset.done $0x0  }
0x247: {  	[sflag:s21] =	ssyncadd.s32 $0xFFFFFF80  }
0x248: {  	_ =	swait.ge [sflag:s21], $0x80  }
0x249: {  	[sflag:s21] =	ssyncset.done $0x0  }
0x24a: {  	[sflag:s21] =	ssyncadd.s32 $0xFFFFFF80  }
0x24b: {  	_ =	swait.ge [sflag:s21], $0x80  }
0x24c: {  	[sflag:s21] =	ssyncset.done $0x0  }
0x24d: {  	[sflag:s21] =	ssyncadd.s32 $0xFFFFFF80  }
0x24e: {  	_ =	swait.ge [sflag:s21], $0x80  }
0x24f: {  	[sflag:s21] =	ssyncset.done $0x0  }
0x250: {  	[sflag:s21] =	ssyncadd.s32 $0xFFFFFF80  }
0x251: {  	_ =	swait.ge [sflag:s21], $0x80  }
0x252: {  	[sflag:s21] =	ssyncset.done $0x0  }
0x253: {  	[sflag:s21] =	ssyncadd.s32 $0xFFFFFF80  }
0x254: {  	_ =	swait.ge [sflag:s21], $0x80  }
0x255: {  	[sflag:s21] =	ssyncset.done $0x0  }
0x256: {  	[sflag:s21] =	ssyncadd.s32 $0xFFFFFF80  }
0x257: {  	_ =	swait.ge [sflag:s21], $0x80  }
0x258: {  	[sflag:s21] =	ssyncset.done $0x0  }
0x259: {  	[sflag:s21] =	ssyncadd.s32 $0xFFFFFF80  }
0x25a: {  	_ =	swait.ge [sflag:s21], $0x80  }
0x25b: {  	[sflag:s21] =	ssyncset.done $0x0  }
0x25c: {  	[sflag:s21] =	ssyncadd.s32 $0xFFFFFF80  }
0x25d: {  	_ =	swait.ge [sflag:s21], $0x80  }
0x25e: {  	[sflag:s21] =	ssyncset.done $0x0  }
0x25f: {  	[sflag:s21] =	ssyncadd.s32 $0xFFFFFF80  }
0x260: {  	_ =	swait.ge [sflag:s21], $0x80  }
0x261: {  	[sflag:s21] =	ssyncset.done $0x0  }
0x262: {  	[sflag:s21] =	ssyncadd.s32 $0xFFFFFF80  }
0x263: {  	_ =	swait.ge [sflag:s21], $0x80  }
0x264: {  	[sflag:s21] =	ssyncset.done $0x0  }
0x265: {  	[sflag:s21] =	ssyncadd.s32 $0xFFFFFF80  }
0x266: {  	_ =	swait.ge [sflag:s21], $0x80  }
0x267: {  	[sflag:s21] =	ssyncset.done $0x0  }
0x268: {  	[sflag:s21] =	ssyncadd.s32 $0xFFFFFF80  }
0x269: {  	_ =	swait.ge [sflag:s21], $0x80  }
0x26a: {  	[sflag:s21] =	ssyncset.done $0x0  }
0x26b: {  	[sflag:s21] =	ssyncadd.s32 $0xFFFFFF80  }
0x26c: {  	_ =	swait.ge [sflag:s21], $0x80  }
0x26d: {  	[sflag:s21] =	ssyncset.done $0x0  }
0x26e: {  	[sflag:s21] =	ssyncadd.s32 $0xFFFFFF80  }
0x26f: {  	_ =	swait.ge [sflag:s21], $0x80  }
0x270: {  	[sflag:s21] =	ssyncset.done $0x0  }
0x271: {  	[sflag:s21] =	ssyncadd.s32 $0xFFFFFF80  }
0x272: {  	_ =	swait.ge [sflag:s21], $0x80  }
0x273: {  	[sflag:s21] =	ssyncset.done $0x0  }
0x274: {  	[sflag:s21] =	ssyncadd.s32 $0xFFFFFF80  }
0x275: {  	_ =	swait.ge [sflag:s21], $0x80  }
0x276: {  	[sflag:s21] =	ssyncset.done $0x0  }
0x277: {  	[sflag:s21] =	ssyncadd.s32 $0xFFFFFF80  }
0x278: {  	_ =	swait.ge [sflag:s21], $0x80  }
0x279: {  	[sflag:s21] =	ssyncset.done $0x0  }
0x27a: {  	[sflag:s21] =	ssyncadd.s32 $0xFFFFFF80  }
0x27b: {  	_ =	swait.ge [sflag:s21], $0x80  }
0x27c: {  	[sflag:s21] =	ssyncset.done $0x0  }
0x27d: {  	[sflag:s21] =	ssyncadd.s32 $0xFFFFFF80  }
0x27e: {  	_ =	swait.ge [sflag:s21], $0x80  }
0x27f: {  	[sflag:s21] =	ssyncset.done $0x0  }
0x280: {  	[sflag:s21] =	ssyncadd.s32 $0xFFFFFF80  }
0x281: {  	_ =	swait.ge [sflag:s21], $0x80  }
0x282: {  	[sflag:s21] =	ssyncset.done $0x0  }
0x283: {  	[sflag:s21] =	ssyncadd.s32 $0xFFFFFF80  }
0x284: {  	_ =	swait.ge [sflag:s21], $0x80  }
0x285: {  	[sflag:s21] =	ssyncset.done $0x0  }
0x286: {  	[sflag:s21] =	ssyncadd.s32 $0xFFFFFF80  }
0x287: {  	_ =	swait.ge [sflag:s21], $0x80  }
0x288: {  	[sflag:s21] =	ssyncset.done $0x0  }
0x289: {  	[sflag:s21] =	ssyncadd.s32 $0xFFFFFF80  }
0x28a: {  	_ =	swait.ge [sflag:s21], $0x80  }
0x28b: {  	[sflag:s21] =	ssyncset.done $0x0  }
0x28c: {  	[sflag:s21] =	ssyncadd.s32 $0xFFFFFF80  }
0x28d: {  	_ =	swait.ge [sflag:s21], $0x80  }
0x28e: {  	[sflag:s21] =	ssyncset.done $0x0  }
0x28f: {  	[sflag:s21] =	ssyncadd.s32 $0xFFFFFF80  }
0x290: {  	_ =	swait.ge [sflag:s21], $0x80  }
0x291: {  	[sflag:s21] =	ssyncset.done $0x0  }
0x292: {  	[sflag:s21] =	ssyncadd.s32 $0xFFFFFF80  }
0x293: {  	_ =	swait.ge [sflag:s21], $0x80  }
0x294: {  	[sflag:s21] =	ssyncset.done $0x0  }
0x295: {  	[sflag:s21] =	ssyncadd.s32 $0xFFFFFF80  }
0x296: {  	_ =	swait.ge [sflag:s21], $0x80  }
0x297: {  	[sflag:s21] =	ssyncset.done $0x0  }
0x298: {  	[sflag:s21] =	ssyncadd.s32 $0xFFFFFF80  }
0x299: {  	_ =	swait.ge [sflag:s21], $0x80  }
0x29a: {  	[sflag:s21] =	ssyncset.done $0x0  }
0x29b: {  	[sflag:s21] =	ssyncadd.s32 $0xFFFFFF80  }
0x29c: {  	_ =	swait.ge [sflag:s21], $0x80  }
0x29d: {  	[sflag:s21] =	ssyncset.done $0x0  }
0x29e: {  	[sflag:s21] =	ssyncadd.s32 $0xFFFFFF80  }
0x29f: {  	_ =	swait.ge [sflag:s21], $0x80  }
0x2a0: {  	[sflag:s21] =	ssyncset.done $0x0  }
0x2a1: {  	[sflag:s21] =	ssyncadd.s32 $0xFFFFFF80  }
0x2a2: {  	_ =	swait.ge [sflag:s21], $0x80  }
0x2a3: {  	[sflag:s21] =	ssyncset.done $0x0  }
0x2a4: {  	[sflag:s21] =	ssyncadd.s32 $0xFFFFFF80  }
0x2a5: {  	_ =	swait.ge [sflag:s21], $0x80  }
0x2a6: {  	[sflag:s21] =	ssyncset.done $0x0  }
0x2a7: {  	[sflag:s21] =	ssyncadd.s32 $0xFFFFFF80  }
0x2a8: {  	_ =	swait.ge [sflag:s21], $0x80  }
0x2a9: {  	[sflag:s21] =	ssyncset.done $0x0  }
0x2aa: {  	[sflag:s21] =	ssyncadd.s32 $0xFFFFFF80  }
0x2ab: {  	_ =	swait.ge [sflag:s21], $0x80  }
0x2ac: {  	[sflag:s21] =	ssyncset.done $0x0  }
0x2ad: {  	[sflag:s21] =	ssyncadd.s32 $0xFFFFFF80  }
0x2ae: {  	_ =	swait.ge [sflag:s21], $0x80  }
0x2af: {  	[sflag:s21] =	ssyncset.done $0x0  }
0x2b0: {  	[sflag:s21] =	ssyncadd.s32 $0xFFFFFF80  }
0x2b1: {  	_ =	swait.ge [sflag:s21], $0x80  }
0x2b2: {  	[sflag:s21] =	ssyncset.done $0x0  }
0x2b3: {  	[sflag:s21] =	ssyncadd.s32 $0xFFFFFF80  }
0x2b4: {  	_ =	swait.ge [sflag:s21], $0x80  }
0x2b5: {  	[sflag:s21] =	ssyncset.done $0x0  }
0x2b6: {  	[sflag:s21] =	ssyncadd.s32 $0xFFFFFF80  }
0x2b7: {  	_ =	swait.ge [sflag:s21], $0x80  }
0x2b8: {  	[sflag:s21] =	ssyncset.done $0x0  }
0x2b9: {  	[sflag:s21] =	ssyncadd.s32 $0xFFFFFF80  }
0x2ba: {  	_ =	swait.ge [sflag:s21], $0x80  }
0x2bb: {  	[sflag:s21] =	ssyncset.done $0x0  }
0x2bc: {  	[sflag:s21] =	ssyncadd.s32 $0xFFFFFF80  }
0x2bd: {  	_ =	swait.ge [sflag:s21], $0x80  }
0x2be: {  	[sflag:s21] =	ssyncset.done $0x0  }
0x2bf: {  	[sflag:s21] =	ssyncadd.s32 $0xFFFFFF80  }
0x2c0: {  	_ =	swait.ge [sflag:s21], $0x80  }
0x2c1: {  	[sflag:s21] =	ssyncset.done $0x0  }
0x2c2: {  	[sflag:s21] =	ssyncadd.s32 $0xFFFFFF80  }
0x2c3: {  	_ =	swait.ge [sflag:s21], $0x80  }
0x2c4: {  	[sflag:s21] =	ssyncset.done $0x0  }
0x2c5: {  	[sflag:s21] =	ssyncadd.s32 $0xFFFFFF80  }
0x2c6: {  	_ =	swait.ge [sflag:s21], $0x80  }
0x2c7: {  	[sflag:s21] =	ssyncset.done $0x0  }
0x2c8: {  	[sflag:s21] =	ssyncadd.s32 $0xFFFFFF80  }
0x2c9: {  	_ =	swait.ge [sflag:s21], $0x80  }
0x2ca: {  	[sflag:s21] =	ssyncset.done $0x0  }
0x2cb: {  	[sflag:s21] =	ssyncadd.s32 $0xFFFFFF80  }
0x2cc: {  	_ =	swait.ge [sflag:s21], $0x80  }
0x2cd: {  	[sflag:s21] =	ssyncset.done $0x0  }
0x2ce: {  	[sflag:s21] =	ssyncadd.s32 $0xFFFFFF80  }
0x2cf: {  	_ =	swait.ge [sflag:s21], $0x80  }
0x2d0: {  	[sflag:s21] =	ssyncset.done $0x0  }
0x2d1: {  	[sflag:s21] =	ssyncadd.s32 $0xFFFFFF80  }
0x2d2: {  	_ =	swait.ge [sflag:s21], $0x80  }
0x2d3: {  	[sflag:s21] =	ssyncset.done $0x0  }
0x2d4: {  	[sflag:s21] =	ssyncadd.s32 $0xFFFFFF80  }
0x2d5: {  	_ =	swait.ge [sflag:s21], $0x80  }
0x2d6: {  	[sflag:s21] =	ssyncset.done $0x0  }
0x2d7: {  	[sflag:s21] =	ssyncadd.s32 $0xFFFFFF80  }
0x2d8: {  	_ =	swait.ge [sflag:s21], $0x80  }
0x2d9: {  	[sflag:s21] =	ssyncset.done $0x0  }
0x2da: {  	[sflag:s21] =	ssyncadd.s32 $0xFFFFFF80  }
0x2db: {  	_ =	swait.ge [sflag:s21], $0x80  }
0x2dc: {  	[sflag:s21] =	ssyncset.done $0x0  }
0x2dd: {  	[sflag:s21] =	ssyncadd.s32 $0xFFFFFF80  }
0x2de: {  	_ =	swait.ge [sflag:s21], $0x80  }
0x2df: {  	[sflag:s21] =	ssyncset.done $0x0  }
0x2e0: {  	[sflag:s21] =	ssyncadd.s32 $0xFFFFFF80  }
0x2e1: {  	_ =	swait.ge [sflag:s21], $0x80  }
0x2e2: {  	[sflag:s21] =	ssyncset.done $0x0  }
0x2e3: {  	[sflag:s21] =	ssyncadd.s32 $0xFFFFFF80  }
0x2e4: {  	_ =	swait.ge [sflag:s21], $0x80  }
0x2e5: {  	[sflag:s21] =	ssyncset.done $0x0  }
0x2e6: {  	[sflag:s21] =	ssyncadd.s32 $0xFFFFFF80  }
0x2e7: {  	_ =	swait.ge [sflag:s21], $0x80  }
0x2e8: {  	[sflag:s21] =	ssyncset.done $0x0  }
0x2e9: {  	[sflag:s21] =	ssyncadd.s32 $0xFFFFFF80  }
0x2ea: {  	_ =	swait.ge [sflag:s21], $0x80  }
0x2eb: {  	[sflag:s21] =	ssyncset.done $0x0  }
0x2ec: {  	[sflag:s21] =	ssyncadd.s32 $0xFFFFFF80  }
0x2ed: {  	_ =	swait.ge [sflag:s21], $0x80  }
0x2ee: {  	[sflag:s21] =	ssyncset.done $0x0  }
0x2ef: {  	[sflag:s21] =	ssyncadd.s32 $0xFFFFFF80  }
0x2f0: {  	_ =	swait.ge [sflag:s21], $0x80  }
0x2f1: {  	[sflag:s21] =	ssyncset.done $0x0  }
0x2f2: {  	[sflag:s21] =	ssyncadd.s32 $0xFFFFFF80  }
0x2f3: {  	_ =	swait.ge [sflag:s21], $0x80  }
0x2f4: {  	[sflag:s21] =	ssyncset.done $0x0  }
0x2f5: {  	s12 =	stileid.u32;
	[sflag:s21] =	ssyncadd.s32 $0xFFFFFF80  }
0x2f6: {  	s7 =	sshll.u32 s12, $0x6;
	[bflag:$0x0] =	sbarrier.arrive $0xFFFF  }
0x2f7: {  	s24 =	sshrl.u32 s9, $0x3;
	s23 =	sor.u32 $0x1C03, s7;
	s13 =	rddreg [dreg:$0x8]  }
0x2f8: {  	[hbm:s13@s10], [sflag:s23] =	dma.strided [spmem:s24@s22], $0xC00, s8, $0x10   }
0x2f9: {  	_ =	swait.ge [sflag:s0], $0xC00  }
0x2fa: {  	[sflag:s0] =	ssyncset.done $0x0  }
0x2fb: {  	s25 =	sshrl.u32 s11, $0x3;
	s15 =	rddreg [dreg:$0x9];
	[sflag:s0] =	ssyncadd.s32 $0xFFFFF400  }
0x2fc: {  	[hbm:s15@s10], [sflag:s23] =	dma.strided [spmem:s25@s22], $0xC00, s8, $0x10   }
0x2fd: {  	_ =	swait.ge [sflag:s0], $0xC00  }
0x2fe: {  	[sflag:s0] =	ssyncset.done $0x0  }
0x2ff: {  	[sflag:s0] =	ssyncadd.s32 $0xFFFFF400  }
0x300: {  	[spmem:s9] =	stream.linear.scatter [tilespmem:s31], [sflag:$0x3], $0x1000, $0x38;
	[tilespmem:$0x15080] =	vst v63  }
0x301: {  	_ =	swait.ge [sflag:s0], $0x1000  }
0x302: {  	[sflag:s0] =	ssyncset.done $0x0  }
0x303: {  	[sflag:s0] =	ssyncadd.s32 $0xFFFFF000  }
0x304: {  	[spmem:s11] =	stream.linear.scatter [tilespmem:s31], [sflag:$0x3], $0x1000, $0x38;
	[tilespmem:$0x15080] =	vst v63  }
0x305: {  	_ =	swait.ge [sflag:s0], $0x1000  }
0x306: {  	[sflag:s0] =	ssyncset.done $0x0  }
0x307: {  	[sflag:s0] =	ssyncadd.s32 $0xFFFFF000  }
0x308: {  	[spmem:s28] =	stream.linear.scatter [tilespmem:s31], [sflag:$0x3], $0x1000, $0x38;
	[tilespmem:$0x15080] =	vst v63  }
0x309: {  	_ =	swait.ge [sflag:s0], $0x1000  }
0x30a: {  	[sflag:s0] =	ssyncset.done $0x0  }
0x30b: {  	s26 =	rddreg [dreg:$0x10];
	[sflag:s0] =	ssyncadd.s32 $0xFFFFF000  }
0x30c: {  	[spmem:s26] =	stream.linear.scatter [tilespmem:s31], [sflag:$0x3], $0x1000, $0x38;
	[tilespmem:$0x15080] =	vst v63  }
0x30d: {  	_ =	swait.ge [sflag:s0], $0x1000  }
0x30e: {  	[sflag:s0] =	ssyncset.done $0x0  }
0x30f: {  	s12 =	rddreg [dreg:$0x11];
	[sflag:s0] =	ssyncadd.s32 $0xFFFFF000  }
0x310: {  	[spmem:s12] =	stream.linear.scatter [tilespmem:s31], [sflag:$0x3], $0x1000, $0x38;
	[tilespmem:$0x15080] =	vst v63  }
0x311: {  	_ =	swait.ge [sflag:s0], $0x1000  }
0x312: {  	[sflag:s0] =	ssyncset.done $0x0  }
0x313: {  	s13 =	rddreg [dreg:$0x12];
	[sflag:s0] =	ssyncadd.s32 $0xFFFFF000  }
0x314: {  	[spmem:s13] =	stream.linear.scatter [tilespmem:s31], [sflag:$0x3], $0x1000, $0x38;
	[tilespmem:$0x15080] =	vst v63  }
0x315: {  	_ =	swait.ge [sflag:s0], $0x1000  }
0x316: {  	[sflag:s0] =	ssyncset.done $0x0  }
0x317: {  	s15 =	rddreg [dreg:$0x13];
	[sflag:s0] =	ssyncadd.s32 $0xFFFFF000  }
0x318: {  	[spmem:s15] =	stream.linear.scatter [tilespmem:s31], [sflag:$0x3], $0x1000, $0x38;
	[tilespmem:$0x15080] =	vst v63  }
0x319: {  	_ =	swait.ge [sflag:s0], $0x1000  }
0x31a: {  	[sflag:s0] =	ssyncset.done $0x0  }
0x31b: {  	s26 =	rddreg [dreg:$0x14];
	[sflag:s0] =	ssyncadd.s32 $0xFFFFF000  }
0x31c: {  	[spmem:s26] =	stream.linear.scatter [tilespmem:s31], [sflag:$0x3], $0x1000, $0x38;
	[tilespmem:$0x15080] =	vst v63  }
0x31d: {  	_ =	swait.ge [sflag:s0], $0x1000  }
0x31e: {  	[sflag:s0] =	ssyncset.done $0x0  }
0x31f: {  	[sflag:s0] =	ssyncadd.s32 $0xFFFFF000  }
0x320: {  	[spmem:s14] =	stream.linear.scatter [tilespmem:s31], [sflag:$0x3], $0x1000, $0x38;
	[tilespmem:$0x15080] =	vst v63  }
0x321: {  	_ =	swait.ge [sflag:s0], $0x1000  }
0x322: {  	[sflag:s0] =	ssyncset.done $0x0  }
0x323: {  	s12 =	rddreg [dreg:$0x15];
	[sflag:s0] =	ssyncadd.s32 $0xFFFFF000  }
0x324: {  	[spmem:s12] =	stream.linear.scatter [tilespmem:s31], [sflag:$0x3], $0x1000, $0x38;
	[tilespmem:$0x15080] =	vst v63  }
0x325: {  	_ =	swait.ge [sflag:s0], $0x1000  }
0x326: {  	[sflag:s0] =	ssyncset.done $0x0  }
0x327: {  	s13 =	rddreg [dreg:$0x16];
	[sflag:s0] =	ssyncadd.s32 $0xFFFFF000  }
0x328: {  	[spmem:s13] =	stream.linear.scatter [tilespmem:s31], [sflag:$0x3], $0x1000, $0x38;
	[tilespmem:$0x15080] =	vst v63  }
0x329: {  	_ =	swait.ge [sflag:s0], $0x1000  }
0x32a: {  	[sflag:s0] =	ssyncset.done $0x0  }
0x32b: {  	s15 =	smov.u32 s14;
	s14 =	rddreg [dreg:$0x17];
	[sflag:s0] =	ssyncadd.s32 $0xFFFFF000  }
0x32c: {  	[spmem:s14] =	stream.linear.scatter [tilespmem:s31], [sflag:$0x3], $0x1000, $0x38;
	[tilespmem:$0x15080] =	vst v63  }
0x32d: {  	_ =	swait.ge [sflag:s0], $0x1000  }
0x32e: {  	[sflag:s0] =	ssyncset.done $0x0  }
0x32f: {  	[sflag:s0] =	ssyncadd.s32 $0xFFFFF000  }
0x330: {  	[bflag:$0x0] =	sbarrier.arrive $0xFFFF  }
0x331: {  	s7 =	simm.s32 $0x0;
	s12 =	rddreg [dreg:$0xa]  }
0x332: {  	[tilespmem:s7], [sflag:$0x1] =	stream.linear.gather [hbm4b:s12+s7], $0x2000, $0x38;
	[tilespmem:$0x15080] =	vst v63  }
0x333: {  	s14 =	simm.s32 $0x4000;
	s26 =	rddreg [dreg:$0xb]  }
0x334: {  	[tilespmem:s14], [sflag:$0x1] =	stream.linear.gather [hbm4b:s26+s7], $0x2000, $0x38;
	[tilespmem:$0x15080] =	vst v63  }
0x335: {  	s13 =	rddreg [dreg:$0x19];
	s26 =	simm.s32 $0x2000  }
0x336: {  	[tilespmem:s26], [sflag:$0x1] =	stream.linear.gather [hbm4b:s13+s7], $0x2000, $0x38;
	[tilespmem:$0x15080] =	vst v63  }
0x337: {  	s26 =	rddreg [dreg:$0xc];
	s13 =	simm.s32 $0x6000  }
0x338: {  	[tilespmem:s13], [sflag:$0x1] =	stream.linear.gather [hbm4b:s26+s7], $0x2000, $0x38;
	[tilespmem:$0x15080] =	vst v63  }
0x339: {  	_ =	swait.ge [sflag:s8], $0x2000  }
0x33a: {  	[sflag:s8] =	ssyncset.done $0x0  }
0x33b: {  	[sflag:s8] =	ssyncadd.s32 $0xFFFFE000  }
0x33c: {  	_ =	swait.ge [sflag:s8], $0x2000  }
0x33d: {  	[sflag:s8] =	ssyncset.done $0x0  }
0x33e: {  	[sflag:s8] =	ssyncadd.s32 $0xFFFFE000  }
0x33f: {  	_ =	swait.ge [sflag:s8], $0x2000  }
0x340: {  	[sflag:s8] =	ssyncset.done $0x0  }
0x341: {  	[sflag:s8] =	ssyncadd.s32 $0xFFFFE000  }
0x342: {  	_ =	swait.ge [sflag:s8], $0x2000  }
0x343: {  	[sflag:s8] =	ssyncset.done $0x0  }
0x344: {  	[sflag:s8] =	ssyncadd.s32 $0xFFFFE000  }
0x345: {  	[spmem:s1] =	stream.indirect.scatter.add.f32 [tilespmem:s14], [sflag:$0x2], $0x1, s7, s10, $0xb8;
	[tilespmem:$0x15080] =	vst v63  }
0x346: {  	_ = 	snop  }
0x347: {  	[spmem:s2] =	stream.indirect.scatter.add.f32 [tilespmem:s6], [sflag:$0x2], $0x1, s7, s10, $0xb8;
	[tilespmem:$0x15080] =	vst v63  }
0x348: {  	s13 =	simm.s32 $0x4080  }
0x349: {  	[spmem:s1] =	stream.indirect.scatter.add.f32 [tilespmem:s13], [sflag:$0x2], $0x1, s10, s10, $0xb8;
	[tilespmem:$0x15080] =	vst v63  }
0x34a: {  	_ = 	snop  }
0x34b: {  	[spmem:s2] =	stream.indirect.scatter.add.f32 [tilespmem:s6], [sflag:$0x2], $0x1, s10, s10, $0xb8;
	[tilespmem:$0x15080] =	vst v63  }
0x34c: {  	s26 =	simm.s32 $0x4100;
	s14 =	simm.s32 $0x100  }
0x34d: {  	[spmem:s1] =	stream.indirect.scatter.add.f32 [tilespmem:s26], [sflag:$0x2], $0x1, s14, s10, $0xb8;
	[tilespmem:$0x15080] =	vst v63  }
0x34e: {  	_ = 	snop  }
0x34f: {  	[spmem:s2] =	stream.indirect.scatter.add.f32 [tilespmem:s6], [sflag:$0x2], $0x1, s14, s10, $0xb8;
	[tilespmem:$0x15080] =	vst v63  }
0x350: {  	s13 =	simm.s32 $0x180;
	s14 =	simm.s32 $0x4180  }
0x351: {  	[spmem:s1] =	stream.indirect.scatter.add.f32 [tilespmem:s14], [sflag:$0x2], $0x1, s13, s10, $0xb8;
	[tilespmem:$0x15080] =	vst v63  }
0x352: {  	_ = 	snop  }
0x353: {  	[spmem:s2] =	stream.indirect.scatter.add.f32 [tilespmem:s6], [sflag:$0x2], $0x1, s13, s10, $0xb8;
	[tilespmem:$0x15080] =	vst v63  }
0x354: {  	s26 =	simm.s32 $0x200;
	s13 =	simm.s32 $0x4200  }
0x355: {  	[spmem:s1] =	stream.indirect.scatter.add.f32 [tilespmem:s13], [sflag:$0x2], $0x1, s26, s10, $0xb8;
	[tilespmem:$0x15080] =	vst v63  }
0x356: {  	_ = 	snop  }
0x357: {  	[spmem:s2] =	stream.indirect.scatter.add.f32 [tilespmem:s6], [sflag:$0x2], $0x1, s26, s10, $0xb8;
	[tilespmem:$0x15080] =	vst v63  }
0x358: {  	s14 =	simm.s32 $0x280;
	s26 =	simm.s32 $0x4280  }
0x359: {  	[spmem:s1] =	stream.indirect.scatter.add.f32 [tilespmem:s26], [sflag:$0x2], $0x1, s14, s10, $0xb8;
	[tilespmem:$0x15080] =	vst v63  }
0x35a: {  	_ = 	snop  }
0x35b: {  	[spmem:s2] =	stream.indirect.scatter.add.f32 [tilespmem:s6], [sflag:$0x2], $0x1, s14, s10, $0xb8;
	[tilespmem:$0x15080] =	vst v63  }
0x35c: {  	s13 =	simm.s32 $0x300;
	s14 =	simm.s32 $0x4300  }
0x35d: {  	[spmem:s1] =	stream.indirect.scatter.add.f32 [tilespmem:s14], [sflag:$0x2], $0x1, s13, s10, $0xb8;
	[tilespmem:$0x15080] =	vst v63  }
0x35e: {  	_ = 	snop  }
0x35f: {  	[spmem:s2] =	stream.indirect.scatter.add.f32 [tilespmem:s6], [sflag:$0x2], $0x1, s13, s10, $0xb8;
	[tilespmem:$0x15080] =	vst v63  }
0x360: {  	s26 =	simm.s32 $0x4380  }
0x361: {  	[spmem:s1] =	stream.indirect.scatter.add.f32 [tilespmem:s26], [sflag:$0x2], $0x1, s17, s10, $0xb8;
	[tilespmem:$0x15080] =	vst v63  }
0x362: {  	_ = 	snop  }
0x363: {  	[spmem:s2] =	stream.indirect.scatter.add.f32 [tilespmem:s6], [sflag:$0x2], $0x1, s17, s10, $0xb8;
	[tilespmem:$0x15080] =	vst v63  }
0x364: {  	s12 =	simm.s32 $0x4400  }
0x365: {  	[spmem:s1] =	stream.indirect.scatter.add.f32 [tilespmem:s12], [sflag:$0x2], $0x1, s16, s10, $0xb8;
	[tilespmem:$0x15080] =	vst v63  }
0x366: {  	_ = 	snop  }
0x367: {  	[spmem:s2] =	stream.indirect.scatter.add.f32 [tilespmem:s6], [sflag:$0x2], $0x1, s16, s10, $0xb8;
	[tilespmem:$0x15080] =	vst v63  }
0x368: {  	s13 =	simm.s32 $0x4480  }
0x369: {  	[spmem:s1] =	stream.indirect.scatter.add.f32 [tilespmem:s13], [sflag:$0x2], $0x1, s29, s10, $0xb8;
	[tilespmem:$0x15080] =	vst v63  }
0x36a: {  	_ = 	snop  }
0x36b: {  	[spmem:s2] =	stream.indirect.scatter.add.f32 [tilespmem:s6], [sflag:$0x2], $0x1, s29, s10, $0xb8;
	[tilespmem:$0x15080] =	vst v63  }
0x36c: {  	s14 =	simm.s32 $0x4500  }
0x36d: {  	[spmem:s1] =	stream.indirect.scatter.add.f32 [tilespmem:s14], [sflag:$0x2], $0x1, s30, s10, $0xb8;
	[tilespmem:$0x15080] =	vst v63  }
0x36e: {  	_ = 	snop  }
0x36f: {  	[spmem:s2] =	stream.indirect.scatter.add.f32 [tilespmem:s6], [sflag:$0x2], $0x1, s30, s10, $0xb8;
	[tilespmem:$0x15080] =	vst v63  }
0x370: {  	s26 =	simm.s32 $0x4580  }
0x371: {  	[spmem:s1] =	stream.indirect.scatter.add.f32 [tilespmem:s26], [sflag:$0x2], $0x1, s5, s10, $0xb8;
	[tilespmem:$0x15080] =	vst v63  }
0x372: {  	_ = 	snop  }
0x373: {  	[spmem:s2] =	stream.indirect.scatter.add.f32 [tilespmem:s6], [sflag:$0x2], $0x1, s5, s10, $0xb8;
	[tilespmem:$0x15080] =	vst v63  }
0x374: {  	s12 =	simm.s32 $0x4600  }
0x375: {  	[spmem:s1] =	stream.indirect.scatter.add.f32 [tilespmem:s12], [sflag:$0x2], $0x1, s18, s10, $0xb8;
	[tilespmem:$0x15080] =	vst v63  }
0x376: {  	_ = 	snop  }
0x377: {  	[spmem:s2] =	stream.indirect.scatter.add.f32 [tilespmem:s6], [sflag:$0x2], $0x1, s18, s10, $0xb8;
	[tilespmem:$0x15080] =	vst v63  }
0x378: {  	s13 =	simm.s32 $0x4680  }
0x379: {  	[spmem:s1] =	stream.indirect.scatter.add.f32 [tilespmem:s13], [sflag:$0x2], $0x1, s19, s10, $0xb8;
	[tilespmem:$0x15080] =	vst v63  }
0x37a: {  	_ = 	snop  }
0x37b: {  	[spmem:s2] =	stream.indirect.scatter.add.f32 [tilespmem:s6], [sflag:$0x2], $0x1, s19, s10, $0xb8;
	[tilespmem:$0x15080] =	vst v63  }
0x37c: {  	s14 =	simm.s32 $0x4700  }
0x37d: {  	[spmem:s1] =	stream.indirect.scatter.add.f32 [tilespmem:s14], [sflag:$0x2], $0x1, s4, s10, $0xb8;
	[tilespmem:$0x15080] =	vst v63  }
0x37e: {  	_ = 	snop  }
0x37f: {  	[spmem:s2] =	stream.indirect.scatter.add.f32 [tilespmem:s6], [sflag:$0x2], $0x1, s4, s10, $0xb8;
	[tilespmem:$0x15080] =	vst v63  }
0x380: {  	s26 =	simm.s32 $0x4780  }
0x381: {  	[spmem:s1] =	stream.indirect.scatter.add.f32 [tilespmem:s26], [sflag:$0x2], $0x1, s20, s10, $0xb8;
	[tilespmem:$0x15080] =	vst v63  }
0x382: {  	_ = 	snop  }
0x383: {  	[spmem:s2] =	stream.indirect.scatter.add.f32 [tilespmem:s6], [sflag:$0x2], $0x1, s20, s10, $0xb8;
	[tilespmem:$0x15080] =	vst v63  }
0x384: {  	s12 =	simm.s32 $0x4800;
	s14 =	simm.s32 $0x800  }
0x385: {  	[spmem:s1] =	stream.indirect.scatter.add.f32 [tilespmem:s12], [sflag:$0x2], $0x1, s14, s10, $0xb8;
	[tilespmem:$0x15080] =	vst v63  }
0x386: {  	_ = 	snop  }
0x387: {  	[spmem:s2] =	stream.indirect.scatter.add.f32 [tilespmem:s6], [sflag:$0x2], $0x1, s14, s10, $0xb8;
	[tilespmem:$0x15080] =	vst v63  }
0x388: {  	s12 =	simm.s32 $0x4880;
	s14 =	simm.s32 $0x880  }
0x389: {  	[spmem:s1] =	stream.indirect.scatter.add.f32 [tilespmem:s12], [sflag:$0x2], $0x1, s14, s10, $0xb8;
	[tilespmem:$0x15080] =	vst v63  }
0x38a: {  	_ = 	snop  }
0x38b: {  	[spmem:s2] =	stream.indirect.scatter.add.f32 [tilespmem:s6], [sflag:$0x2], $0x1, s14, s10, $0xb8;
	[tilespmem:$0x15080] =	vst v63  }
0x38c: {  	s12 =	simm.s32 $0x4900;
	s14 =	simm.s32 $0x900  }
0x38d: {  	[spmem:s1] =	stream.indirect.scatter.add.f32 [tilespmem:s12], [sflag:$0x2], $0x1, s14, s10, $0xb8;
	[tilespmem:$0x15080] =	vst v63  }
0x38e: {  	_ = 	snop  }
0x38f: {  	[spmem:s2] =	stream.indirect.scatter.add.f32 [tilespmem:s6], [sflag:$0x2], $0x1, s14, s10, $0xb8;
	[tilespmem:$0x15080] =	vst v63  }
0x390: {  	s12 =	simm.s32 $0x4980;
	s14 =	simm.s32 $0x980  }
0x391: {  	[spmem:s1] =	stream.indirect.scatter.add.f32 [tilespmem:s12], [sflag:$0x2], $0x1, s14, s10, $0xb8;
	[tilespmem:$0x15080] =	vst v63  }
0x392: {  	_ = 	snop  }
0x393: {  	[spmem:s2] =	stream.indirect.scatter.add.f32 [tilespmem:s6], [sflag:$0x2], $0x1, s14, s10, $0xb8;
	[tilespmem:$0x15080] =	vst v63  }
0x394: {  	s12 =	simm.s32 $0x4A00;
	s14 =	simm.s32 $0xA00  }
0x395: {  	[spmem:s1] =	stream.indirect.scatter.add.f32 [tilespmem:s12], [sflag:$0x2], $0x1, s14, s10, $0xb8;
	[tilespmem:$0x15080] =	vst v63  }
0x396: {  	_ = 	snop  }
0x397: {  	[spmem:s2] =	stream.indirect.scatter.add.f32 [tilespmem:s6], [sflag:$0x2], $0x1, s14, s10, $0xb8;
	[tilespmem:$0x15080] =	vst v63  }
0x398: {  	s12 =	simm.s32 $0x4A80;
	s14 =	simm.s32 $0xA80  }
0x399: {  	[spmem:s1] =	stream.indirect.scatter.add.f32 [tilespmem:s12], [sflag:$0x2], $0x1, s14, s10, $0xb8;
	[tilespmem:$0x15080] =	vst v63  }
0x39a: {  	_ = 	snop  }
0x39b: {  	[spmem:s2] =	stream.indirect.scatter.add.f32 [tilespmem:s6], [sflag:$0x2], $0x1, s14, s10, $0xb8;
	[tilespmem:$0x15080] =	vst v63  }
0x39c: {  	s12 =	simm.s32 $0x4B00;
	s14 =	simm.s32 $0xB00  }
0x39d: {  	[spmem:s1] =	stream.indirect.scatter.add.f32 [tilespmem:s12], [sflag:$0x2], $0x1, s14, s10, $0xb8;
	[tilespmem:$0x15080] =	vst v63  }
0x39e: {  	_ = 	snop  }
0x39f: {  	[spmem:s2] =	stream.indirect.scatter.add.f32 [tilespmem:s6], [sflag:$0x2], $0x1, s14, s10, $0xb8;
	[tilespmem:$0x15080] =	vst v63  }
0x3a0: {  	s12 =	simm.s32 $0x4B80;
	s14 =	simm.s32 $0xB80  }
0x3a1: {  	[spmem:s1] =	stream.indirect.scatter.add.f32 [tilespmem:s12], [sflag:$0x2], $0x1, s14, s10, $0xb8;
	[tilespmem:$0x15080] =	vst v63  }
0x3a2: {  	_ = 	snop  }
0x3a3: {  	[spmem:s2] =	stream.indirect.scatter.add.f32 [tilespmem:s6], [sflag:$0x2], $0x1, s14, s10, $0xb8;
	[tilespmem:$0x15080] =	vst v63  }
0x3a4: {  	s12 =	simm.s32 $0x4C00;
	s14 =	simm.s32 $0xC00  }
0x3a5: {  	[spmem:s1] =	stream.indirect.scatter.add.f32 [tilespmem:s12], [sflag:$0x2], $0x1, s14, s10, $0xb8;
	[tilespmem:$0x15080] =	vst v63  }
0x3a6: {  	_ = 	snop  }
0x3a7: {  	[spmem:s2] =	stream.indirect.scatter.add.f32 [tilespmem:s6], [sflag:$0x2], $0x1, s14, s10, $0xb8;
	[tilespmem:$0x15080] =	vst v63  }
0x3a8: {  	s12 =	simm.s32 $0x4C80;
	s14 =	simm.s32 $0xC80  }
0x3a9: {  	[spmem:s1] =	stream.indirect.scatter.add.f32 [tilespmem:s12], [sflag:$0x2], $0x1, s14, s10, $0xb8;
	[tilespmem:$0x15080] =	vst v63  }
0x3aa: {  	_ = 	snop  }
0x3ab: {  	[spmem:s2] =	stream.indirect.scatter.add.f32 [tilespmem:s6], [sflag:$0x2], $0x1, s14, s10, $0xb8;
	[tilespmem:$0x15080] =	vst v63  }
0x3ac: {  	s12 =	simm.s32 $0x4D00;
	s14 =	simm.s32 $0xD00  }
0x3ad: {  	[spmem:s1] =	stream.indirect.scatter.add.f32 [tilespmem:s12], [sflag:$0x2], $0x1, s14, s10, $0xb8;
	[tilespmem:$0x15080] =	vst v63  }
0x3ae: {  	_ = 	snop  }
0x3af: {  	[spmem:s2] =	stream.indirect.scatter.add.f32 [tilespmem:s6], [sflag:$0x2], $0x1, s14, s10, $0xb8;
	[tilespmem:$0x15080] =	vst v63  }
0x3b0: {  	s12 =	simm.s32 $0x4D80;
	s14 =	simm.s32 $0xD80  }
0x3b1: {  	[spmem:s1] =	stream.indirect.scatter.add.f32 [tilespmem:s12], [sflag:$0x2], $0x1, s14, s10, $0xb8;
	[tilespmem:$0x15080] =	vst v63  }
0x3b2: {  	_ = 	snop  }
0x3b3: {  	[spmem:s2] =	stream.indirect.scatter.add.f32 [tilespmem:s6], [sflag:$0x2], $0x1, s14, s10, $0xb8;
	[tilespmem:$0x15080] =	vst v63  }
0x3b4: {  	s12 =	simm.s32 $0x4E00;
	s14 =	simm.s32 $0xE00  }
0x3b5: {  	[spmem:s1] =	stream.indirect.scatter.add.f32 [tilespmem:s12], [sflag:$0x2], $0x1, s14, s10, $0xb8;
	[tilespmem:$0x15080] =	vst v63  }
0x3b6: {  	_ = 	snop  }
0x3b7: {  	[spmem:s2] =	stream.indirect.scatter.add.f32 [tilespmem:s6], [sflag:$0x2], $0x1, s14, s10, $0xb8;
	[tilespmem:$0x15080] =	vst v63  }
0x3b8: {  	s12 =	simm.s32 $0x4E80;
	s14 =	simm.s32 $0xE80  }
0x3b9: {  	[spmem:s1] =	stream.indirect.scatter.add.f32 [tilespmem:s12], [sflag:$0x2], $0x1, s14, s10, $0xb8;
	[tilespmem:$0x15080] =	vst v63  }
0x3ba: {  	_ = 	snop  }
0x3bb: {  	[spmem:s2] =	stream.indirect.scatter.add.f32 [tilespmem:s6], [sflag:$0x2], $0x1, s14, s10, $0xb8;
	[tilespmem:$0x15080] =	vst v63  }
0x3bc: {  	s12 =	simm.s32 $0x4F00;
	s14 =	simm.s32 $0xF00  }
0x3bd: {  	[spmem:s1] =	stream.indirect.scatter.add.f32 [tilespmem:s12], [sflag:$0x2], $0x1, s14, s10, $0xb8;
	[tilespmem:$0x15080] =	vst v63  }
0x3be: {  	_ = 	snop  }
0x3bf: {  	[spmem:s2] =	stream.indirect.scatter.add.f32 [tilespmem:s6], [sflag:$0x2], $0x1, s14, s10, $0xb8;
	[tilespmem:$0x15080] =	vst v63  }
0x3c0: {  	s12 =	simm.s32 $0x4F80;
	s14 =	simm.s32 $0xF80  }
0x3c1: {  	[spmem:s1] =	stream.indirect.scatter.add.f32 [tilespmem:s12], [sflag:$0x2], $0x1, s14, s10, $0xb8;
	[tilespmem:$0x15080] =	vst v63  }
0x3c2: {  	_ = 	snop  }
0x3c3: {  	[spmem:s2] =	stream.indirect.scatter.add.f32 [tilespmem:s6], [sflag:$0x2], $0x1, s14, s10, $0xb8;
	[tilespmem:$0x15080] =	vst v63  }
0x3c4: {  	_ =	swait.ge [sflag:s21], $0x80  }
0x3c5: {  	[sflag:s21] =	ssyncset.done $0x0  }
0x3c6: {  	[sflag:s21] =	ssyncadd.s32 $0xFFFFFF80  }
0x3c7: {  	_ =	swait.ge [sflag:s21], $0x80  }
0x3c8: {  	[sflag:s21] =	ssyncset.done $0x0  }
0x3c9: {  	[sflag:s21] =	ssyncadd.s32 $0xFFFFFF80  }
0x3ca: {  	_ =	swait.ge [sflag:s21], $0x80  }
0x3cb: {  	[sflag:s21] =	ssyncset.done $0x0  }
0x3cc: {  	[sflag:s21] =	ssyncadd.s32 $0xFFFFFF80  }
0x3cd: {  	_ =	swait.ge [sflag:s21], $0x80  }
0x3ce: {  	[sflag:s21] =	ssyncset.done $0x0  }
0x3cf: {  	[sflag:s21] =	ssyncadd.s32 $0xFFFFFF80  }
0x3d0: {  	_ =	swait.ge [sflag:s21], $0x80  }
0x3d1: {  	[sflag:s21] =	ssyncset.done $0x0  }
0x3d2: {  	[sflag:s21] =	ssyncadd.s32 $0xFFFFFF80  }
0x3d3: {  	_ =	swait.ge [sflag:s21], $0x80  }
0x3d4: {  	[sflag:s21] =	ssyncset.done $0x0  }
0x3d5: {  	[sflag:s21] =	ssyncadd.s32 $0xFFFFFF80  }
0x3d6: {  	_ =	swait.ge [sflag:s21], $0x80  }
0x3d7: {  	[sflag:s21] =	ssyncset.done $0x0  }
0x3d8: {  	[sflag:s21] =	ssyncadd.s32 $0xFFFFFF80  }
0x3d9: {  	_ =	swait.ge [sflag:s21], $0x80  }
0x3da: {  	[sflag:s21] =	ssyncset.done $0x0  }
0x3db: {  	[sflag:s21] =	ssyncadd.s32 $0xFFFFFF80  }
0x3dc: {  	_ =	swait.ge [sflag:s21], $0x80  }
0x3dd: {  	[sflag:s21] =	ssyncset.done $0x0  }
0x3de: {  	[sflag:s21] =	ssyncadd.s32 $0xFFFFFF80  }
0x3df: {  	_ =	swait.ge [sflag:s21], $0x80  }
0x3e0: {  	[sflag:s21] =	ssyncset.done $0x0  }
0x3e1: {  	[sflag:s21] =	ssyncadd.s32 $0xFFFFFF80  }
0x3e2: {  	_ =	swait.ge [sflag:s21], $0x80  }
0x3e3: {  	[sflag:s21] =	ssyncset.done $0x0  }
0x3e4: {  	[sflag:s21] =	ssyncadd.s32 $0xFFFFFF80  }
0x3e5: {  	_ =	swait.ge [sflag:s21], $0x80  }
0x3e6: {  	[sflag:s21] =	ssyncset.done $0x0  }
0x3e7: {  	[sflag:s21] =	ssyncadd.s32 $0xFFFFFF80  }
0x3e8: {  	_ =	swait.ge [sflag:s21], $0x80  }
0x3e9: {  	[sflag:s21] =	ssyncset.done $0x0  }
0x3ea: {  	[sflag:s21] =	ssyncadd.s32 $0xFFFFFF80  }
0x3eb: {  	_ =	swait.ge [sflag:s21], $0x80  }
0x3ec: {  	[sflag:s21] =	ssyncset.done $0x0  }
0x3ed: {  	[sflag:s21] =	ssyncadd.s32 $0xFFFFFF80  }
0x3ee: {  	_ =	swait.ge [sflag:s21], $0x80  }
0x3ef: {  	[sflag:s21] =	ssyncset.done $0x0  }
0x3f0: {  	[sflag:s21] =	ssyncadd.s32 $0xFFFFFF80  }
0x3f1: {  	_ =	swait.ge [sflag:s21], $0x80  }
0x3f2: {  	[sflag:s21] =	ssyncset.done $0x0  }
0x3f3: {  	[sflag:s21] =	ssyncadd.s32 $0xFFFFFF80  }
0x3f4: {  	_ =	swait.ge [sflag:s21], $0x80  }
0x3f5: {  	[sflag:s21] =	ssyncset.done $0x0  }
0x3f6: {  	[sflag:s21] =	ssyncadd.s32 $0xFFFFFF80  }
0x3f7: {  	_ =	swait.ge [sflag:s21], $0x80  }
0x3f8: {  	[sflag:s21] =	ssyncset.done $0x0  }
0x3f9: {  	[sflag:s21] =	ssyncadd.s32 $0xFFFFFF80  }
0x3fa: {  	_ =	swait.ge [sflag:s21], $0x80  }
0x3fb: {  	[sflag:s21] =	ssyncset.done $0x0  }
0x3fc: {  	[sflag:s21] =	ssyncadd.s32 $0xFFFFFF80  }
0x3fd: {  	_ =	swait.ge [sflag:s21], $0x80  }
0x3fe: {  	[sflag:s21] =	ssyncset.done $0x0  }
0x3ff: {  	[sflag:s21] =	ssyncadd.s32 $0xFFFFFF80  }
0x400: {  	_ =	swait.ge [sflag:s21], $0x80  }
0x401: {  	[sflag:s21] =	ssyncset.done $0x0  }
0x402: {  	[sflag:s21] =	ssyncadd.s32 $0xFFFFFF80  }
0x403: {  	_ =	swait.ge [sflag:s21], $0x80  }
0x404: {  	[sflag:s21] =	ssyncset.done $0x0  }
0x405: {  	[sflag:s21] =	ssyncadd.s32 $0xFFFFFF80  }
0x406: {  	_ =	swait.ge [sflag:s21], $0x80  }
0x407: {  	[sflag:s21] =	ssyncset.done $0x0  }
0x408: {  	[sflag:s21] =	ssyncadd.s32 $0xFFFFFF80  }
0x409: {  	_ =	swait.ge [sflag:s21], $0x80  }
0x40a: {  	[sflag:s21] =	ssyncset.done $0x0  }
0x40b: {  	[sflag:s21] =	ssyncadd.s32 $0xFFFFFF80  }
0x40c: {  	_ =	swait.ge [sflag:s21], $0x80  }
0x40d: {  	[sflag:s21] =	ssyncset.done $0x0  }
0x40e: {  	[sflag:s21] =	ssyncadd.s32 $0xFFFFFF80  }
0x40f: {  	_ =	swait.ge [sflag:s21], $0x80  }
0x410: {  	[sflag:s21] =	ssyncset.done $0x0  }
0x411: {  	[sflag:s21] =	ssyncadd.s32 $0xFFFFFF80  }
0x412: {  	_ =	swait.ge [sflag:s21], $0x80  }
0x413: {  	[sflag:s21] =	ssyncset.done $0x0  }
0x414: {  	[sflag:s21] =	ssyncadd.s32 $0xFFFFFF80  }
0x415: {  	_ =	swait.ge [sflag:s21], $0x80  }
0x416: {  	[sflag:s21] =	ssyncset.done $0x0  }
0x417: {  	[sflag:s21] =	ssyncadd.s32 $0xFFFFFF80  }
0x418: {  	_ =	swait.ge [sflag:s21], $0x80  }
0x419: {  	[sflag:s21] =	ssyncset.done $0x0  }
0x41a: {  	[sflag:s21] =	ssyncadd.s32 $0xFFFFFF80  }
0x41b: {  	_ =	swait.ge [sflag:s21], $0x80  }
0x41c: {  	[sflag:s21] =	ssyncset.done $0x0  }
0x41d: {  	[sflag:s21] =	ssyncadd.s32 $0xFFFFFF80  }
0x41e: {  	_ =	swait.ge [sflag:s21], $0x80  }
0x41f: {  	[sflag:s21] =	ssyncset.done $0x0  }
0x420: {  	[sflag:s21] =	ssyncadd.s32 $0xFFFFFF80  }
0x421: {  	s7 =	simm.s32 $0x4000;
	_ =	swait.ge [sflag:s21], $0x80  }
0x422: {  	s13 =	smov.u32 s28;
	s28 =	simm.s32 $0x800;
	[sflag:s21] =	ssyncset.done $0x0  }
.LBB2_6:
0x423: {  	s26 =	sadd.s32 $0x4800, s28;
	s14 =	sadd.s32 $0x800, s28;
	[sflag:s21] =	ssyncadd.s32 $0xFFFFFF80  }
0x424: {  	[spmem:s1] =	stream.indirect.scatter.add.f32 [tilespmem:s26], [sflag:$0x2], $0x1, s14, s10, $0xb8;
	[tilespmem:$0x15080] =	vst v63  }
0x425: {  	p0 =	seq.s32 s7, $0xC000;
	s26 =	smov.u32 s7;
	s7 =	sadd.s32 $0x2000, s7  }
0x426: {  	[spmem:s2] =	stream.indirect.scatter.add.f32 [tilespmem:s6], [sflag:$0x2], $0x1, s14, s10, $0xb8;
	[tilespmem:$0x15080] =	vst v63  }
0x427: {  	s12 =	sadd.s32 $0x880, s28;
	s14 =	sadd.s32 $0x4880, s28  }
0x428: {  	[spmem:s1] =	stream.indirect.scatter.add.f32 [tilespmem:s14], [sflag:$0x2], $0x1, s12, s10, $0xb8;
	[tilespmem:$0x15080] =	vst v63  }
0x429: {  	_ = 	snop  }
0x42a: {  	[spmem:s2] =	stream.indirect.scatter.add.f32 [tilespmem:s6], [sflag:$0x2], $0x1, s12, s10, $0xb8;
	[tilespmem:$0x15080] =	vst v63  }
0x42b: {  	s14 =	sadd.s32 $0x900, s28;
	s12 =	sadd.s32 $0x4900, s28  }
0x42c: {  	[spmem:s1] =	stream.indirect.scatter.add.f32 [tilespmem:s12], [sflag:$0x2], $0x1, s14, s10, $0xb8;
	[tilespmem:$0x15080] =	vst v63  }
0x42d: {  	_ = 	snop  }
0x42e: {  	[spmem:s2] =	stream.indirect.scatter.add.f32 [tilespmem:s6], [sflag:$0x2], $0x1, s14, s10, $0xb8;
	[tilespmem:$0x15080] =	vst v63  }
0x42f: {  	s12 =	sadd.s32 $0x4980, s28;
	s14 =	sadd.s32 $0x980, s28  }
0x430: {  	[spmem:s1] =	stream.indirect.scatter.add.f32 [tilespmem:s12], [sflag:$0x2], $0x1, s14, s10, $0xb8;
	[tilespmem:$0x15080] =	vst v63  }
0x431: {  	_ = 	snop  }
0x432: {  	[spmem:s2] =	stream.indirect.scatter.add.f32 [tilespmem:s6], [sflag:$0x2], $0x1, s14, s10, $0xb8;
	[tilespmem:$0x15080] =	vst v63  }
0x433: {  	s12 =	sadd.s32 $0x4A00, s28;
	s14 =	sadd.s32 $0xA00, s28  }
0x434: {  	[spmem:s1] =	stream.indirect.scatter.add.f32 [tilespmem:s12], [sflag:$0x2], $0x1, s14, s10, $0xb8;
	[tilespmem:$0x15080] =	vst v63  }
0x435: {  	_ = 	snop  }
0x436: {  	[spmem:s2] =	stream.indirect.scatter.add.f32 [tilespmem:s6], [sflag:$0x2], $0x1, s14, s10, $0xb8;
	[tilespmem:$0x15080] =	vst v63  }
0x437: {  	s12 =	sadd.s32 $0x4A80, s28;
	s14 =	sadd.s32 $0xA80, s28  }
0x438: {  	[spmem:s1] =	stream.indirect.scatter.add.f32 [tilespmem:s12], [sflag:$0x2], $0x1, s14, s10, $0xb8;
	[tilespmem:$0x15080] =	vst v63  }
0x439: {  	_ = 	snop  }
0x43a: {  	[spmem:s2] =	stream.indirect.scatter.add.f32 [tilespmem:s6], [sflag:$0x2], $0x1, s14, s10, $0xb8;
	[tilespmem:$0x15080] =	vst v63  }
0x43b: {  	s12 =	sadd.s32 $0x4B00, s28;
	s14 =	sadd.s32 $0xB00, s28  }
0x43c: {  	[spmem:s1] =	stream.indirect.scatter.add.f32 [tilespmem:s12], [sflag:$0x2], $0x1, s14, s10, $0xb8;
	[tilespmem:$0x15080] =	vst v63  }
0x43d: {  	_ = 	snop  }
0x43e: {  	[spmem:s2] =	stream.indirect.scatter.add.f32 [tilespmem:s6], [sflag:$0x2], $0x1, s14, s10, $0xb8;
	[tilespmem:$0x15080] =	vst v63  }
0x43f: {  	s12 =	sadd.s32 $0x4B80, s28;
	s14 =	sadd.s32 $0xB80, s28  }
0x440: {  	[spmem:s1] =	stream.indirect.scatter.add.f32 [tilespmem:s12], [sflag:$0x2], $0x1, s14, s10, $0xb8;
	[tilespmem:$0x15080] =	vst v63  }
0x441: {  	_ = 	snop  }
0x442: {  	[spmem:s2] =	stream.indirect.scatter.add.f32 [tilespmem:s6], [sflag:$0x2], $0x1, s14, s10, $0xb8;
	[tilespmem:$0x15080] =	vst v63  }
0x443: {  	s12 =	sadd.s32 $0x4C00, s28;
	s14 =	sadd.s32 $0xC00, s28  }
0x444: {  	[spmem:s1] =	stream.indirect.scatter.add.f32 [tilespmem:s12], [sflag:$0x2], $0x1, s14, s10, $0xb8;
	[tilespmem:$0x15080] =	vst v63  }
0x445: {  	_ = 	snop  }
0x446: {  	[spmem:s2] =	stream.indirect.scatter.add.f32 [tilespmem:s6], [sflag:$0x2], $0x1, s14, s10, $0xb8;
	[tilespmem:$0x15080] =	vst v63  }
0x447: {  	s12 =	sadd.s32 $0x4C80, s28;
	s14 =	sadd.s32 $0xC80, s28  }
0x448: {  	[spmem:s1] =	stream.indirect.scatter.add.f32 [tilespmem:s12], [sflag:$0x2], $0x1, s14, s10, $0xb8;
	[tilespmem:$0x15080] =	vst v63  }
0x449: {  	_ = 	snop  }
0x44a: {  	[spmem:s2] =	stream.indirect.scatter.add.f32 [tilespmem:s6], [sflag:$0x2], $0x1, s14, s10, $0xb8;
	[tilespmem:$0x15080] =	vst v63  }
0x44b: {  	s12 =	sadd.s32 $0x4D00, s28;
	s14 =	sadd.s32 $0xD00, s28  }
0x44c: {  	[spmem:s1] =	stream.indirect.scatter.add.f32 [tilespmem:s12], [sflag:$0x2], $0x1, s14, s10, $0xb8;
	[tilespmem:$0x15080] =	vst v63  }
0x44d: {  	_ = 	snop  }
0x44e: {  	[spmem:s2] =	stream.indirect.scatter.add.f32 [tilespmem:s6], [sflag:$0x2], $0x1, s14, s10, $0xb8;
	[tilespmem:$0x15080] =	vst v63  }
0x44f: {  	s12 =	sadd.s32 $0x4D80, s28;
	s14 =	sadd.s32 $0xD80, s28  }
0x450: {  	[spmem:s1] =	stream.indirect.scatter.add.f32 [tilespmem:s12], [sflag:$0x2], $0x1, s14, s10, $0xb8;
	[tilespmem:$0x15080] =	vst v63  }
0x451: {  	_ = 	snop  }
0x452: {  	[spmem:s2] =	stream.indirect.scatter.add.f32 [tilespmem:s6], [sflag:$0x2], $0x1, s14, s10, $0xb8;
	[tilespmem:$0x15080] =	vst v63  }
0x453: {  	s12 =	sadd.s32 $0x4E00, s28;
	s14 =	sadd.s32 $0xE00, s28  }
0x454: {  	[spmem:s1] =	stream.indirect.scatter.add.f32 [tilespmem:s12], [sflag:$0x2], $0x1, s14, s10, $0xb8;
	[tilespmem:$0x15080] =	vst v63  }
0x455: {  	_ = 	snop  }
0x456: {  	[spmem:s2] =	stream.indirect.scatter.add.f32 [tilespmem:s6], [sflag:$0x2], $0x1, s14, s10, $0xb8;
	[tilespmem:$0x15080] =	vst v63  }
0x457: {  	s12 =	sadd.s32 $0x4E80, s28;
	s14 =	sadd.s32 $0xE80, s28  }
0x458: {  	[spmem:s1] =	stream.indirect.scatter.add.f32 [tilespmem:s12], [sflag:$0x2], $0x1, s14, s10, $0xb8;
	[tilespmem:$0x15080] =	vst v63  }
0x459: {  	_ = 	snop  }
0x45a: {  	[spmem:s2] =	stream.indirect.scatter.add.f32 [tilespmem:s6], [sflag:$0x2], $0x1, s14, s10, $0xb8;
	[tilespmem:$0x15080] =	vst v63  }
0x45b: {  	s12 =	sadd.s32 $0x4F00, s28;
	s14 =	sadd.s32 $0xF00, s28  }
0x45c: {  	[spmem:s1] =	stream.indirect.scatter.add.f32 [tilespmem:s12], [sflag:$0x2], $0x1, s14, s10, $0xb8;
	[tilespmem:$0x15080] =	vst v63  }
0x45d: {  	_ = 	snop  }
0x45e: {  	[spmem:s2] =	stream.indirect.scatter.add.f32 [tilespmem:s6], [sflag:$0x2], $0x1, s14, s10, $0xb8;
	[tilespmem:$0x15080] =	vst v63  }
0x45f: {  	s12 =	sadd.s32 $0x4F80, s28;
	s14 =	sadd.s32 $0xF80, s28  }
0x460: {  	[spmem:s1] =	stream.indirect.scatter.add.f32 [tilespmem:s12], [sflag:$0x2], $0x1, s14, s10, $0xb8;
	[tilespmem:$0x15080] =	vst v63  }
0x461: {  	_ = 	snop  }
0x462: {  	[spmem:s2] =	stream.indirect.scatter.add.f32 [tilespmem:s6], [sflag:$0x2], $0x1, s14, s10, $0xb8;
	[tilespmem:$0x15080] =	vst v63  }
0x463: {  	_ =	swait.ge [sflag:s21], $0x80  }
0x464: {  	[sflag:s21] =	ssyncset.done $0x0  }
0x465: {  	[sflag:s21] =	ssyncadd.s32 $0xFFFFFF80  }
0x466: {  	_ =	swait.ge [sflag:s21], $0x80  }
0x467: {  	[sflag:s21] =	ssyncset.done $0x0  }
0x468: {  	[sflag:s21] =	ssyncadd.s32 $0xFFFFFF80  }
0x469: {  	_ =	swait.ge [sflag:s21], $0x80  }
0x46a: {  	[sflag:s21] =	ssyncset.done $0x0  }
0x46b: {  	[sflag:s21] =	ssyncadd.s32 $0xFFFFFF80  }
0x46c: {  	_ =	swait.ge [sflag:s21], $0x80  }
0x46d: {  	[sflag:s21] =	ssyncset.done $0x0  }
0x46e: {  	[sflag:s21] =	ssyncadd.s32 $0xFFFFFF80  }
0x46f: {  	_ =	swait.ge [sflag:s21], $0x80  }
0x470: {  	[sflag:s21] =	ssyncset.done $0x0  }
0x471: {  	[sflag:s21] =	ssyncadd.s32 $0xFFFFFF80  }
0x472: {  	_ =	swait.ge [sflag:s21], $0x80  }
0x473: {  	[sflag:s21] =	ssyncset.done $0x0  }
0x474: {  	[sflag:s21] =	ssyncadd.s32 $0xFFFFFF80  }
0x475: {  	_ =	swait.ge [sflag:s21], $0x80  }
0x476: {  	[sflag:s21] =	ssyncset.done $0x0  }
0x477: {  	[sflag:s21] =	ssyncadd.s32 $0xFFFFFF80  }
0x478: {  	_ =	swait.ge [sflag:s21], $0x80  }
0x479: {  	[sflag:s21] =	ssyncset.done $0x0  }
0x47a: {  	[sflag:s21] =	ssyncadd.s32 $0xFFFFFF80  }
0x47b: {  	_ =	swait.ge [sflag:s21], $0x80  }
0x47c: {  	[sflag:s21] =	ssyncset.done $0x0  }
0x47d: {  	[sflag:s21] =	ssyncadd.s32 $0xFFFFFF80  }
0x47e: {  	_ =	swait.ge [sflag:s21], $0x80  }
0x47f: {  	[sflag:s21] =	ssyncset.done $0x0  }
0x480: {  	[sflag:s21] =	ssyncadd.s32 $0xFFFFFF80  }
0x481: {  	_ =	swait.ge [sflag:s21], $0x80  }
0x482: {  	[sflag:s21] =	ssyncset.done $0x0  }
0x483: {  	[sflag:s21] =	ssyncadd.s32 $0xFFFFFF80  }
0x484: {  	_ =	swait.ge [sflag:s21], $0x80  }
0x485: {  	[sflag:s21] =	ssyncset.done $0x0  }
0x486: {  	[sflag:s21] =	ssyncadd.s32 $0xFFFFFF80  }
0x487: {  	_ =	swait.ge [sflag:s21], $0x80  }
0x488: {  	[sflag:s21] =	ssyncset.done $0x0  }
0x489: {  	[sflag:s21] =	ssyncadd.s32 $0xFFFFFF80  }
0x48a: {  	_ =	swait.ge [sflag:s21], $0x80  }
0x48b: {  	[sflag:s21] =	ssyncset.done $0x0  }
0x48c: {  	[sflag:s21] =	ssyncadd.s32 $0xFFFFFF80  }
0x48d: {  	_ =	swait.ge [sflag:s21], $0x80  }
0x48e: {  	[sflag:s21] =	ssyncset.done $0x0  }
0x48f: {  	[sflag:s21] =	ssyncadd.s32 $0xFFFFFF80  }
0x490: {  	_ =	swait.ge [sflag:s21], $0x80  }
0x491: {  	[sflag:s21] =	ssyncset.done $0x0  }
0x492: {  	[sflag:s21] =	ssyncadd.s32 $0xFFFFFF80  }
0x493: {  	_ =	swait.ge [sflag:s21], $0x80  }
0x494: {  	[sflag:s21] =	ssyncset.done $0x0  }
0x495: {  	[sflag:s21] =	ssyncadd.s32 $0xFFFFFF80  }
0x496: {  	_ =	swait.ge [sflag:s21], $0x80  }
0x497: {  	[sflag:s21] =	ssyncset.done $0x0  }
0x498: {  	[sflag:s21] =	ssyncadd.s32 $0xFFFFFF80  }
0x499: {  	_ =	swait.ge [sflag:s21], $0x80  }
0x49a: {  	[sflag:s21] =	ssyncset.done $0x0  }
0x49b: {  	[sflag:s21] =	ssyncadd.s32 $0xFFFFFF80  }
0x49c: {  	_ =	swait.ge [sflag:s21], $0x80  }
0x49d: {  	[sflag:s21] =	ssyncset.done $0x0  }
0x49e: {  	[sflag:s21] =	ssyncadd.s32 $0xFFFFFF80  }
0x49f: {  	_ =	swait.ge [sflag:s21], $0x80  }
0x4a0: {  	[sflag:s21] =	ssyncset.done $0x0  }
0x4a1: {  	[sflag:s21] =	ssyncadd.s32 $0xFFFFFF80  }
0x4a2: {  	_ =	swait.ge [sflag:s21], $0x80  }
0x4a3: {  	[sflag:s21] =	ssyncset.done $0x0  }
0x4a4: {  	[sflag:s21] =	ssyncadd.s32 $0xFFFFFF80  }
0x4a5: {  	_ =	swait.ge [sflag:s21], $0x80  }
0x4a6: {  	[sflag:s21] =	ssyncset.done $0x0  }
0x4a7: {  	[sflag:s21] =	ssyncadd.s32 $0xFFFFFF80  }
0x4a8: {  	_ =	swait.ge [sflag:s21], $0x80  }
0x4a9: {  	[sflag:s21] =	ssyncset.done $0x0  }
0x4aa: {  	[sflag:s21] =	ssyncadd.s32 $0xFFFFFF80  }
0x4ab: {  	_ =	swait.ge [sflag:s21], $0x80  }
0x4ac: {  	[sflag:s21] =	ssyncset.done $0x0  }
0x4ad: {  	[sflag:s21] =	ssyncadd.s32 $0xFFFFFF80  }
0x4ae: {  	_ =	swait.ge [sflag:s21], $0x80  }
0x4af: {  	[sflag:s21] =	ssyncset.done $0x0  }
0x4b0: {  	[sflag:s21] =	ssyncadd.s32 $0xFFFFFF80  }
0x4b1: {  	_ =	swait.ge [sflag:s21], $0x80  }
0x4b2: {  	[sflag:s21] =	ssyncset.done $0x0  }
0x4b3: {  	[sflag:s21] =	ssyncadd.s32 $0xFFFFFF80  }
0x4b4: {  	_ =	swait.ge [sflag:s21], $0x80  }
0x4b5: {  	[sflag:s21] =	ssyncset.done $0x0  }
0x4b6: {  	[sflag:s21] =	ssyncadd.s32 $0xFFFFFF80  }
0x4b7: {  	_ =	swait.ge [sflag:s21], $0x80  }
0x4b8: {  	[sflag:s21] =	ssyncset.done $0x0  }
0x4b9: {  	[sflag:s21] =	ssyncadd.s32 $0xFFFFFF80  }
0x4ba: {  	_ =	swait.ge [sflag:s21], $0x80  }
0x4bb: {  	[sflag:s21] =	ssyncset.done $0x0  }
0x4bc: {  	[sflag:s21] =	ssyncadd.s32 $0xFFFFFF80  }
.Ltmp2:
0x4bd: {  	_ =	swait.ge [sflag:s21], $0x80;
	(pc) =	sbr.rel @!p0 .LBB2_6-.Ltmp2, $4  }
0x4be: {  	[sflag:s21] =	ssyncset.done $0x0  }
0x4bf: {  	[sflag:s21] =	ssyncadd.s32 $0xFFFFFF80  }
0x4c0: {  	_ =	swait.ge [sflag:s21], $0x80  }
0x4c1: {  	s28 =	sshra.s32 s26, $0x2;
	[sflag:s21] =	ssyncset.done $0x0  }
0x4c2: {  	s7 =	sadd.s32 $0x4800, s28;
	s12 =	sadd.s32 $0x800, s28;
	[sflag:s21] =	ssyncadd.s32 $0xFFFFFF80  }
0x4c3: {  	[spmem:s1] =	stream.indirect.scatter.add.f32 [tilespmem:s7], [sflag:$0x2], $0x1, s12, s10, $0xb8;
	[tilespmem:$0x15080] =	vst v63  }
0x4c4: {  	_ = 	snop  }
0x4c5: {  	[spmem:s2] =	stream.indirect.scatter.add.f32 [tilespmem:s6], [sflag:$0x2], $0x1, s12, s10, $0xb8;
	[tilespmem:$0x15080] =	vst v63  }
0x4c6: {  	s14 =	sadd.s32 $0x4880, s28;
	s26 =	sadd.s32 $0x880, s28  }
0x4c7: {  	[spmem:s1] =	stream.indirect.scatter.add.f32 [tilespmem:s14], [sflag:$0x2], $0x1, s26, s10, $0xb8;
	[tilespmem:$0x15080] =	vst v63  }
0x4c8: {  	_ = 	snop  }
0x4c9: {  	[spmem:s2] =	stream.indirect.scatter.add.f32 [tilespmem:s6], [sflag:$0x2], $0x1, s26, s10, $0xb8;
	[tilespmem:$0x15080] =	vst v63  }
0x4ca: {  	s14 =	sadd.s32 $0x4900, s28;
	s26 =	sadd.s32 $0x900, s28  }
0x4cb: {  	[spmem:s1] =	stream.indirect.scatter.add.f32 [tilespmem:s14], [sflag:$0x2], $0x1, s26, s10, $0xb8;
	[tilespmem:$0x15080] =	vst v63  }
0x4cc: {  	_ = 	snop  }
0x4cd: {  	[spmem:s2] =	stream.indirect.scatter.add.f32 [tilespmem:s6], [sflag:$0x2], $0x1, s26, s10, $0xb8;
	[tilespmem:$0x15080] =	vst v63  }
0x4ce: {  	s14 =	sadd.s32 $0x4980, s28;
	s26 =	sadd.s32 $0x980, s28  }
0x4cf: {  	[spmem:s1] =	stream.indirect.scatter.add.f32 [tilespmem:s14], [sflag:$0x2], $0x1, s26, s10, $0xb8;
	[tilespmem:$0x15080] =	vst v63  }
0x4d0: {  	_ = 	snop  }
0x4d1: {  	[spmem:s2] =	stream.indirect.scatter.add.f32 [tilespmem:s6], [sflag:$0x2], $0x1, s26, s10, $0xb8;
	[tilespmem:$0x15080] =	vst v63  }
0x4d2: {  	s14 =	sadd.s32 $0x4A00, s28;
	s26 =	sadd.s32 $0xA00, s28  }
0x4d3: {  	[spmem:s1] =	stream.indirect.scatter.add.f32 [tilespmem:s14], [sflag:$0x2], $0x1, s26, s10, $0xb8;
	[tilespmem:$0x15080] =	vst v63  }
0x4d4: {  	_ = 	snop  }
0x4d5: {  	[spmem:s2] =	stream.indirect.scatter.add.f32 [tilespmem:s6], [sflag:$0x2], $0x1, s26, s10, $0xb8;
	[tilespmem:$0x15080] =	vst v63  }
0x4d6: {  	s14 =	sadd.s32 $0x4A80, s28;
	s26 =	sadd.s32 $0xA80, s28  }
0x4d7: {  	[spmem:s1] =	stream.indirect.scatter.add.f32 [tilespmem:s14], [sflag:$0x2], $0x1, s26, s10, $0xb8;
	[tilespmem:$0x15080] =	vst v63  }
0x4d8: {  	_ = 	snop  }
0x4d9: {  	[spmem:s2] =	stream.indirect.scatter.add.f32 [tilespmem:s6], [sflag:$0x2], $0x1, s26, s10, $0xb8;
	[tilespmem:$0x15080] =	vst v63  }
0x4da: {  	s14 =	sadd.s32 $0x4B00, s28;
	s26 =	sadd.s32 $0xB00, s28  }
0x4db: {  	[spmem:s1] =	stream.indirect.scatter.add.f32 [tilespmem:s14], [sflag:$0x2], $0x1, s26, s10, $0xb8;
	[tilespmem:$0x15080] =	vst v63  }
0x4dc: {  	_ = 	snop  }
0x4dd: {  	[spmem:s2] =	stream.indirect.scatter.add.f32 [tilespmem:s6], [sflag:$0x2], $0x1, s26, s10, $0xb8;
	[tilespmem:$0x15080] =	vst v63  }
0x4de: {  	s14 =	sadd.s32 $0x4B80, s28;
	s26 =	sadd.s32 $0xB80, s28  }
0x4df: {  	[spmem:s1] =	stream.indirect.scatter.add.f32 [tilespmem:s14], [sflag:$0x2], $0x1, s26, s10, $0xb8;
	[tilespmem:$0x15080] =	vst v63  }
0x4e0: {  	_ = 	snop  }
0x4e1: {  	[spmem:s2] =	stream.indirect.scatter.add.f32 [tilespmem:s6], [sflag:$0x2], $0x1, s26, s10, $0xb8;
	[tilespmem:$0x15080] =	vst v63  }
0x4e2: {  	s14 =	sadd.s32 $0x4C00, s28;
	s26 =	sadd.s32 $0xC00, s28  }
0x4e3: {  	[spmem:s1] =	stream.indirect.scatter.add.f32 [tilespmem:s14], [sflag:$0x2], $0x1, s26, s10, $0xb8;
	[tilespmem:$0x15080] =	vst v63  }
0x4e4: {  	_ = 	snop  }
0x4e5: {  	[spmem:s2] =	stream.indirect.scatter.add.f32 [tilespmem:s6], [sflag:$0x2], $0x1, s26, s10, $0xb8;
	[tilespmem:$0x15080] =	vst v63  }
0x4e6: {  	s14 =	sadd.s32 $0x4C80, s28;
	s26 =	sadd.s32 $0xC80, s28  }
0x4e7: {  	[spmem:s1] =	stream.indirect.scatter.add.f32 [tilespmem:s14], [sflag:$0x2], $0x1, s26, s10, $0xb8;
	[tilespmem:$0x15080] =	vst v63  }
0x4e8: {  	_ = 	snop  }
0x4e9: {  	[spmem:s2] =	stream.indirect.scatter.add.f32 [tilespmem:s6], [sflag:$0x2], $0x1, s26, s10, $0xb8;
	[tilespmem:$0x15080] =	vst v63  }
0x4ea: {  	s14 =	sadd.s32 $0x4D00, s28;
	s26 =	sadd.s32 $0xD00, s28  }
0x4eb: {  	[spmem:s1] =	stream.indirect.scatter.add.f32 [tilespmem:s14], [sflag:$0x2], $0x1, s26, s10, $0xb8;
	[tilespmem:$0x15080] =	vst v63  }
0x4ec: {  	_ = 	snop  }
0x4ed: {  	[spmem:s2] =	stream.indirect.scatter.add.f32 [tilespmem:s6], [sflag:$0x2], $0x1, s26, s10, $0xb8;
	[tilespmem:$0x15080] =	vst v63  }
0x4ee: {  	s14 =	sadd.s32 $0x4D80, s28;
	s26 =	sadd.s32 $0xD80, s28  }
0x4ef: {  	[spmem:s1] =	stream.indirect.scatter.add.f32 [tilespmem:s14], [sflag:$0x2], $0x1, s26, s10, $0xb8;
	[tilespmem:$0x15080] =	vst v63  }
0x4f0: {  	_ = 	snop  }
0x4f1: {  	[spmem:s2] =	stream.indirect.scatter.add.f32 [tilespmem:s6], [sflag:$0x2], $0x1, s26, s10, $0xb8;
	[tilespmem:$0x15080] =	vst v63  }
0x4f2: {  	s14 =	sadd.s32 $0x4E00, s28;
	s26 =	sadd.s32 $0xE00, s28  }
0x4f3: {  	[spmem:s1] =	stream.indirect.scatter.add.f32 [tilespmem:s14], [sflag:$0x2], $0x1, s26, s10, $0xb8;
	[tilespmem:$0x15080] =	vst v63  }
0x4f4: {  	_ = 	snop  }
0x4f5: {  	[spmem:s2] =	stream.indirect.scatter.add.f32 [tilespmem:s6], [sflag:$0x2], $0x1, s26, s10, $0xb8;
	[tilespmem:$0x15080] =	vst v63  }
0x4f6: {  	s14 =	sadd.s32 $0x4E80, s28;
	s26 =	sadd.s32 $0xE80, s28  }
0x4f7: {  	[spmem:s1] =	stream.indirect.scatter.add.f32 [tilespmem:s14], [sflag:$0x2], $0x1, s26, s10, $0xb8;
	[tilespmem:$0x15080] =	vst v63  }
0x4f8: {  	_ = 	snop  }
0x4f9: {  	[spmem:s2] =	stream.indirect.scatter.add.f32 [tilespmem:s6], [sflag:$0x2], $0x1, s26, s10, $0xb8;
	[tilespmem:$0x15080] =	vst v63  }
0x4fa: {  	s14 =	sadd.s32 $0x4F00, s28;
	s26 =	sadd.s32 $0xF00, s28  }
0x4fb: {  	[spmem:s1] =	stream.indirect.scatter.add.f32 [tilespmem:s14], [sflag:$0x2], $0x1, s26, s10, $0xb8;
	[tilespmem:$0x15080] =	vst v63  }
0x4fc: {  	_ = 	snop  }
0x4fd: {  	[spmem:s2] =	stream.indirect.scatter.add.f32 [tilespmem:s6], [sflag:$0x2], $0x1, s26, s10, $0xb8;
	[tilespmem:$0x15080] =	vst v63  }
0x4fe: {  	s14 =	sadd.s32 $0x4F80, s28;
	s26 =	sadd.s32 $0xF80, s28  }
0x4ff: {  	[spmem:s1] =	stream.indirect.scatter.add.f32 [tilespmem:s14], [sflag:$0x2], $0x1, s26, s10, $0xb8;
	[tilespmem:$0x15080] =	vst v63  }
0x500: {  	_ = 	snop  }
0x501: {  	[spmem:s2] =	stream.indirect.scatter.add.f32 [tilespmem:s6], [sflag:$0x2], $0x1, s26, s10, $0xb8;
	[tilespmem:$0x15080] =	vst v63  }
0x502: {  	_ =	swait.ge [sflag:s21], $0x80  }
0x503: {  	[sflag:s21] =	ssyncset.done $0x0  }
0x504: {  	[sflag:s21] =	ssyncadd.s32 $0xFFFFFF80  }
0x505: {  	_ =	swait.ge [sflag:s21], $0x80  }
0x506: {  	[sflag:s21] =	ssyncset.done $0x0  }
0x507: {  	[sflag:s21] =	ssyncadd.s32 $0xFFFFFF80  }
0x508: {  	_ =	swait.ge [sflag:s21], $0x80  }
0x509: {  	[sflag:s21] =	ssyncset.done $0x0  }
0x50a: {  	[sflag:s21] =	ssyncadd.s32 $0xFFFFFF80  }
0x50b: {  	_ =	swait.ge [sflag:s21], $0x80  }
0x50c: {  	[sflag:s21] =	ssyncset.done $0x0  }
0x50d: {  	[sflag:s21] =	ssyncadd.s32 $0xFFFFFF80  }
0x50e: {  	_ =	swait.ge [sflag:s21], $0x80  }
0x50f: {  	[sflag:s21] =	ssyncset.done $0x0  }
0x510: {  	[sflag:s21] =	ssyncadd.s32 $0xFFFFFF80  }
0x511: {  	_ =	swait.ge [sflag:s21], $0x80  }
0x512: {  	[sflag:s21] =	ssyncset.done $0x0  }
0x513: {  	[sflag:s21] =	ssyncadd.s32 $0xFFFFFF80  }
0x514: {  	_ =	swait.ge [sflag:s21], $0x80  }
0x515: {  	[sflag:s21] =	ssyncset.done $0x0  }
0x516: {  	[sflag:s21] =	ssyncadd.s32 $0xFFFFFF80  }
0x517: {  	_ =	swait.ge [sflag:s21], $0x80  }
0x518: {  	[sflag:s21] =	ssyncset.done $0x0  }
0x519: {  	[sflag:s21] =	ssyncadd.s32 $0xFFFFFF80  }
0x51a: {  	_ =	swait.ge [sflag:s21], $0x80  }
0x51b: {  	[sflag:s21] =	ssyncset.done $0x0  }
0x51c: {  	[sflag:s21] =	ssyncadd.s32 $0xFFFFFF80  }
0x51d: {  	_ =	swait.ge [sflag:s21], $0x80  }
0x51e: {  	[sflag:s21] =	ssyncset.done $0x0  }
0x51f: {  	[sflag:s21] =	ssyncadd.s32 $0xFFFFFF80  }
0x520: {  	_ =	swait.ge [sflag:s21], $0x80  }
0x521: {  	[sflag:s21] =	ssyncset.done $0x0  }
0x522: {  	[sflag:s21] =	ssyncadd.s32 $0xFFFFFF80  }
0x523: {  	_ =	swait.ge [sflag:s21], $0x80  }
0x524: {  	[sflag:s21] =	ssyncset.done $0x0  }
0x525: {  	[sflag:s21] =	ssyncadd.s32 $0xFFFFFF80  }
0x526: {  	_ =	swait.ge [sflag:s21], $0x80  }
0x527: {  	[sflag:s21] =	ssyncset.done $0x0  }
0x528: {  	[sflag:s21] =	ssyncadd.s32 $0xFFFFFF80  }
0x529: {  	_ =	swait.ge [sflag:s21], $0x80  }
0x52a: {  	[sflag:s21] =	ssyncset.done $0x0  }
0x52b: {  	[sflag:s21] =	ssyncadd.s32 $0xFFFFFF80  }
0x52c: {  	_ =	swait.ge [sflag:s21], $0x80  }
0x52d: {  	[sflag:s21] =	ssyncset.done $0x0  }
0x52e: {  	[sflag:s21] =	ssyncadd.s32 $0xFFFFFF80  }
0x52f: {  	_ =	swait.ge [sflag:s21], $0x80  }
0x530: {  	[sflag:s21] =	ssyncset.done $0x0  }
0x531: {  	[sflag:s21] =	ssyncadd.s32 $0xFFFFFF80  }
0x532: {  	_ =	swait.ge [sflag:s21], $0x80  }
0x533: {  	[sflag:s21] =	ssyncset.done $0x0  }
0x534: {  	[sflag:s21] =	ssyncadd.s32 $0xFFFFFF80  }
0x535: {  	_ =	swait.ge [sflag:s21], $0x80  }
0x536: {  	[sflag:s21] =	ssyncset.done $0x0  }
0x537: {  	[sflag:s21] =	ssyncadd.s32 $0xFFFFFF80  }
0x538: {  	_ =	swait.ge [sflag:s21], $0x80  }
0x539: {  	[sflag:s21] =	ssyncset.done $0x0  }
0x53a: {  	[sflag:s21] =	ssyncadd.s32 $0xFFFFFF80  }
0x53b: {  	_ =	swait.ge [sflag:s21], $0x80  }
0x53c: {  	[sflag:s21] =	ssyncset.done $0x0  }
0x53d: {  	[sflag:s21] =	ssyncadd.s32 $0xFFFFFF80  }
0x53e: {  	_ =	swait.ge [sflag:s21], $0x80  }
0x53f: {  	[sflag:s21] =	ssyncset.done $0x0  }
0x540: {  	[sflag:s21] =	ssyncadd.s32 $0xFFFFFF80  }
0x541: {  	_ =	swait.ge [sflag:s21], $0x80  }
0x542: {  	[sflag:s21] =	ssyncset.done $0x0  }
0x543: {  	[sflag:s21] =	ssyncadd.s32 $0xFFFFFF80  }
0x544: {  	_ =	swait.ge [sflag:s21], $0x80  }
0x545: {  	[sflag:s21] =	ssyncset.done $0x0  }
0x546: {  	[sflag:s21] =	ssyncadd.s32 $0xFFFFFF80  }
0x547: {  	_ =	swait.ge [sflag:s21], $0x80  }
0x548: {  	[sflag:s21] =	ssyncset.done $0x0  }
0x549: {  	[sflag:s21] =	ssyncadd.s32 $0xFFFFFF80  }
0x54a: {  	_ =	swait.ge [sflag:s21], $0x80  }
0x54b: {  	[sflag:s21] =	ssyncset.done $0x0  }
0x54c: {  	[sflag:s21] =	ssyncadd.s32 $0xFFFFFF80  }
0x54d: {  	_ =	swait.ge [sflag:s21], $0x80  }
0x54e: {  	[sflag:s21] =	ssyncset.done $0x0  }
0x54f: {  	[sflag:s21] =	ssyncadd.s32 $0xFFFFFF80  }
0x550: {  	_ =	swait.ge [sflag:s21], $0x80  }
0x551: {  	[sflag:s21] =	ssyncset.done $0x0  }
0x552: {  	[sflag:s21] =	ssyncadd.s32 $0xFFFFFF80  }
0x553: {  	_ =	swait.ge [sflag:s21], $0x80  }
0x554: {  	[sflag:s21] =	ssyncset.done $0x0  }
0x555: {  	[sflag:s21] =	ssyncadd.s32 $0xFFFFFF80  }
0x556: {  	_ =	swait.ge [sflag:s21], $0x80  }
0x557: {  	[sflag:s21] =	ssyncset.done $0x0  }
0x558: {  	[sflag:s21] =	ssyncadd.s32 $0xFFFFFF80  }
0x559: {  	_ =	swait.ge [sflag:s21], $0x80  }
0x55a: {  	[sflag:s21] =	ssyncset.done $0x0  }
0x55b: {  	[sflag:s21] =	ssyncadd.s32 $0xFFFFFF80  }
0x55c: {  	_ =	swait.ge [sflag:s21], $0x80  }
0x55d: {  	[sflag:s21] =	ssyncset.done $0x0  }
0x55e: {  	[sflag:s21] =	ssyncadd.s32 $0xFFFFFF80  }
0x55f: {  	_ =	swait.ge [sflag:s21], $0x80  }
0x560: {  	[sflag:s21] =	ssyncset.done $0x0  }
0x561: {  	[sflag:s21] =	ssyncadd.s32 $0xFFFFFF80  }
0x562: {  	_ =	swait.ge [sflag:s21], $0x80  }
0x563: {  	[sflag:s21] =	ssyncset.done $0x0  }
0x564: {  	[sflag:s21] =	ssyncadd.s32 $0xFFFFFF80  }
0x565: {  	_ =	swait.ge [sflag:s21], $0x80  }
0x566: {  	[sflag:s21] =	ssyncset.done $0x0  }
0x567: {  	[sflag:s21] =	ssyncadd.s32 $0xFFFFFF80  }
0x568: {  	_ =	swait.ge [sflag:s21], $0x80  }
0x569: {  	[sflag:s21] =	ssyncset.done $0x0  }
0x56a: {  	[sflag:s21] =	ssyncadd.s32 $0xFFFFFF80  }
0x56b: {  	_ =	swait.ge [sflag:s21], $0x80  }
0x56c: {  	[sflag:s21] =	ssyncset.done $0x0  }
0x56d: {  	[sflag:s21] =	ssyncadd.s32 $0xFFFFFF80  }
0x56e: {  	_ =	swait.ge [sflag:s21], $0x80  }
0x56f: {  	[sflag:s21] =	ssyncset.done $0x0  }
0x570: {  	[sflag:s21] =	ssyncadd.s32 $0xFFFFFF80  }
0x571: {  	_ =	swait.ge [sflag:s21], $0x80  }
0x572: {  	[sflag:s21] =	ssyncset.done $0x0  }
0x573: {  	[sflag:s21] =	ssyncadd.s32 $0xFFFFFF80  }
0x574: {  	_ =	swait.ge [sflag:s21], $0x80  }
0x575: {  	[sflag:s21] =	ssyncset.done $0x0  }
0x576: {  	[sflag:s21] =	ssyncadd.s32 $0xFFFFFF80  }
0x577: {  	_ =	swait.ge [sflag:s21], $0x80  }
0x578: {  	[sflag:s21] =	ssyncset.done $0x0  }
0x579: {  	[sflag:s21] =	ssyncadd.s32 $0xFFFFFF80  }
0x57a: {  	_ =	swait.ge [sflag:s21], $0x80  }
0x57b: {  	[sflag:s21] =	ssyncset.done $0x0  }
0x57c: {  	[sflag:s21] =	ssyncadd.s32 $0xFFFFFF80  }
0x57d: {  	_ =	swait.ge [sflag:s21], $0x80  }
0x57e: {  	[sflag:s21] =	ssyncset.done $0x0  }
0x57f: {  	[sflag:s21] =	ssyncadd.s32 $0xFFFFFF80  }
0x580: {  	_ =	swait.ge [sflag:s21], $0x80  }
0x581: {  	[sflag:s21] =	ssyncset.done $0x0  }
0x582: {  	[sflag:s21] =	ssyncadd.s32 $0xFFFFFF80  }
0x583: {  	_ =	swait.ge [sflag:s21], $0x80  }
0x584: {  	[sflag:s21] =	ssyncset.done $0x0  }
0x585: {  	[sflag:s21] =	ssyncadd.s32 $0xFFFFFF80  }
0x586: {  	_ =	swait.ge [sflag:s21], $0x80  }
0x587: {  	[sflag:s21] =	ssyncset.done $0x0  }
0x588: {  	[sflag:s21] =	ssyncadd.s32 $0xFFFFFF80  }
0x589: {  	_ =	swait.ge [sflag:s21], $0x80  }
0x58a: {  	[sflag:s21] =	ssyncset.done $0x0  }
0x58b: {  	[sflag:s21] =	ssyncadd.s32 $0xFFFFFF80  }
0x58c: {  	_ =	swait.ge [sflag:s21], $0x80  }
0x58d: {  	[sflag:s21] =	ssyncset.done $0x0  }
0x58e: {  	[sflag:s21] =	ssyncadd.s32 $0xFFFFFF80  }
0x58f: {  	_ =	swait.ge [sflag:s21], $0x80  }
0x590: {  	[sflag:s21] =	ssyncset.done $0x0  }
0x591: {  	[sflag:s21] =	ssyncadd.s32 $0xFFFFFF80  }
0x592: {  	_ =	swait.ge [sflag:s21], $0x80  }
0x593: {  	[sflag:s21] =	ssyncset.done $0x0  }
0x594: {  	[sflag:s21] =	ssyncadd.s32 $0xFFFFFF80  }
0x595: {  	_ =	swait.ge [sflag:s21], $0x80  }
0x596: {  	[sflag:s21] =	ssyncset.done $0x0  }
0x597: {  	[sflag:s21] =	ssyncadd.s32 $0xFFFFFF80  }
0x598: {  	_ =	swait.ge [sflag:s21], $0x80  }
0x599: {  	[sflag:s21] =	ssyncset.done $0x0  }
0x59a: {  	[sflag:s21] =	ssyncadd.s32 $0xFFFFFF80  }
0x59b: {  	_ =	swait.ge [sflag:s21], $0x80  }
0x59c: {  	[sflag:s21] =	ssyncset.done $0x0  }
0x59d: {  	[sflag:s21] =	ssyncadd.s32 $0xFFFFFF80  }
0x59e: {  	_ =	swait.ge [sflag:s21], $0x80  }
0x59f: {  	[sflag:s21] =	ssyncset.done $0x0  }
0x5a0: {  	[sflag:s21] =	ssyncadd.s32 $0xFFFFFF80  }
0x5a1: {  	_ =	swait.ge [sflag:s21], $0x80  }
0x5a2: {  	[sflag:s21] =	ssyncset.done $0x0  }
0x5a3: {  	[sflag:s21] =	ssyncadd.s32 $0xFFFFFF80  }
0x5a4: {  	_ =	swait.ge [sflag:s21], $0x80  }
0x5a5: {  	[sflag:s21] =	ssyncset.done $0x0  }
0x5a6: {  	[sflag:s21] =	ssyncadd.s32 $0xFFFFFF80  }
0x5a7: {  	_ =	swait.ge [sflag:s21], $0x80  }
0x5a8: {  	[sflag:s21] =	ssyncset.done $0x0  }
0x5a9: {  	[sflag:s21] =	ssyncadd.s32 $0xFFFFFF80  }
0x5aa: {  	_ =	swait.ge [sflag:s21], $0x80  }
0x5ab: {  	[sflag:s21] =	ssyncset.done $0x0  }
0x5ac: {  	[sflag:s21] =	ssyncadd.s32 $0xFFFFFF80  }
0x5ad: {  	_ =	swait.ge [sflag:s21], $0x80  }
0x5ae: {  	[sflag:s21] =	ssyncset.done $0x0  }
0x5af: {  	[sflag:s21] =	ssyncadd.s32 $0xFFFFFF80  }
0x5b0: {  	_ =	swait.ge [sflag:s21], $0x80  }
0x5b1: {  	[sflag:s21] =	ssyncset.done $0x0  }
0x5b2: {  	[sflag:s21] =	ssyncadd.s32 $0xFFFFFF80  }
0x5b3: {  	_ =	swait.ge [sflag:s21], $0x80  }
0x5b4: {  	[sflag:s21] =	ssyncset.done $0x0  }
0x5b5: {  	[sflag:s21] =	ssyncadd.s32 $0xFFFFFF80  }
0x5b6: {  	_ =	swait.ge [sflag:s21], $0x80  }
0x5b7: {  	[sflag:s21] =	ssyncset.done $0x0  }
0x5b8: {  	[sflag:s21] =	ssyncadd.s32 $0xFFFFFF80  }
0x5b9: {  	_ =	swait.ge [sflag:s21], $0x80  }
0x5ba: {  	[sflag:s21] =	ssyncset.done $0x0  }
0x5bb: {  	[sflag:s21] =	ssyncadd.s32 $0xFFFFFF80  }
0x5bc: {  	_ =	swait.ge [sflag:s21], $0x80  }
0x5bd: {  	[sflag:s21] =	ssyncset.done $0x0  }
0x5be: {  	[sflag:s21] =	ssyncadd.s32 $0xFFFFFF80  }
0x5bf: {  	_ =	swait.ge [sflag:s21], $0x80  }
0x5c0: {  	[sflag:s21] =	ssyncset.done $0x0  }
0x5c1: {  	[sflag:s21] =	ssyncadd.s32 $0xFFFFFF80  }
0x5c2: {  	[bflag:$0x0] =	sbarrier.arrive $0xFFFF  }
0x5c3: {  	s14 =	rddreg [dreg:$0xd]  }
0x5c4: {  	[hbm:s14@s10], [sflag:s23] =	dma.strided [spmem:s24@s22], $0xC00, s8, $0x10   }
0x5c5: {  	_ =	swait.ge [sflag:s0], $0xC00  }
0x5c6: {  	[sflag:s0] =	ssyncset.done $0x0  }
0x5c7: {  	s24 =	rddreg [dreg:$0xe];
	[sflag:s0] =	ssyncadd.s32 $0xFFFFF400  }
0x5c8: {  	[hbm:s24@s10], [sflag:s23] =	dma.strided [spmem:s25@s22], $0xC00, s8, $0x10   }
0x5c9: {  	_ =	swait.ge [sflag:s0], $0xC00  }
0x5ca: {  	s3 =	sadd.s32 $0x1, s3;
	s26 =	rddreg [dreg:$0xf]  }
0x5cb: {  	p0 =	seq.s32 s3, s26  }
.Ltmp3:
0x5cc: {  	_ = 	snop;
	(pc) =	sbr.rel @!p0 .LBB2_1-.Ltmp3, $3  }
0x5cd: {  	_ =	sdelay $0x1  }
0x5ce: {  	[sflag:s0] =	ssyncset.done $0x0  }
0x5cf: {  	s28 =	smov.u32 s13;
	s14 =	smov.u32 s15;
	[sflag:s0] =	ssyncadd.s32 $0xFFFFF400  }
0x5d0: {  	_ =	sfence.sel $0x180000  }
0x5d1: {  	[bflag:$0x0] =	sbarrier.arrive $0xFFFF  }
0x5d2: {  	_ =	strace $0x90000047  }
0x5d3: {  	s0 =	stileid.u32;
	[bflag:$0x2] =	sbarrier.arrive $0xFFFF  }
0x5d4: {  	p0 =	sne.s32 s0, $0x0;
	s0 =	rddreg [dreg:$0x4]  }
0x5d5: {  	s0 =	sadd.s32 @!p0 $0x100000, s0  }
0x5d6: {  	[sflag:s0] =	ssyncadd.tile.s32 @!p0 $0x1;
	_ =	shalt  }
.Lfunc_end2:
_tile_overlayer_lowered:
.L_overlay_start_2:
0x5d7: {  	(tag) =	ssettag $0x2  }
0x5d8: {  	s0 =	rddreg [dreg:$0x0];
	s2 =	stileid.u32  }
0x5d9: {  	s1 =	rddreg [dreg:$0x1];
	p0 =	sne.s32 s2, $0x0  }
0x5da: {  	s3 =	rddreg [dreg:$0x2];
	[bflag:$0x3] =	sbarrier.arrive $0xFFFF;
	s2 =	simm.s32 @!p0 $0x1C03  }
0x5db: {  	[timem:s3], [sflag:s2] =	dma.local @!p0 [hbm:s0], s1  }
0x5dc: {  	s0 =	simm.s32 @!p0 $0x3  }
0x5dd: {  	_ =	swait.ge @!p0 [sflag:s0], s1  }
0x5de: {  	s1 =	ssub.s32 @!p0 $0x0, s1;
	[sflag:s0] =	ssyncset.done @!p0 $0x0  }
0x5df: {  	[sflag:s0] =	ssyncadd.s32 @!p0 s1  }
0x5e0: {  	[bflag:$0x3] =	sbarrier.arrive $0xFFFF  }
0x5e1: {  	_ =	shalt  }

// kernel: kernel.7.cloned.1.call-start
scs
__scs_entry_jumppad:
0x0: {  	(pc) =	sbr.rel $0x88, $3  }
0x1: {  	(tag) =	ssettag $0x0;
	lr =	simm.s32 $0x1  }
0x2: {  	[smem:$0x3F9C] =	sst lr;
	_ =	strace $0xD0000000  }
0x3: {  	_ = 	snop  }
0x4: {  	_ = 	snop  }
0x5: {  	_ = 	snop  }
0x6: {  	_ = 	snop  }
0x7: {  	_ = 	snop  }
__scs_overlays_trampoline_lowered:
0x8: {  	[smem:$0x3FAB] =	sst s0  }
0x9: {  	[smem:$0x3FAC] =	sst s1  }
0xa: {  	[smem:$0x3FAD] =	sst s2  }
0xb: {  	[smem:$0x3FAE] =	sst s3  }
0xc: {  	[smem:$0x3FAF] =	sst s4  }
0xd: {  	[smem:$0x3FB0] =	sst s5  }
0xe: {  	[smem:$0x3FB1] =	sst s6  }
0xf: {  	[smem:$0x3FB2] =	sst s7  }
0x10: {  	[smem:$0x3FB3] =	sst s8  }
0x11: {  	[smem:$0x3FB4] =	sst s9;
	s0 =	simm.s32 @!p0 $0x0  }
0x12: {  	s1 =	sld [smem:$0x3F9A];
	s0 =	simm.s32 @p0 $0x1  }
0x13: {  	[smem:$0x3FB5] =	sst s0;
	s0 =	simm.s32 @!p1 $0x0  }
0x14: {  	s2 =	sld [smem:$0x3F99];
	s0 =	simm.s32 @p1 $0x1  }
0x15: {  	[smem:$0x3FB6] =	sst s0;
	s0 =	simm.s32 @!p2 $0x0  }
0x16: {  	s3 =	sld [smem:$0x3FDB];
	s0 =	simm.s32 @p2 $0x1  }
0x17: {  	s4 =	simm.s32 $0x1BF5;
	[smem:$0x3FB8] =	sst s0  }
0x18: {  	s0 =	sld [smem:$0x3F9B];
	_ =	swait.ge [sflag:s4], $0x0  }
0x19: {  	s7 =	sld [smem:$0x3F9C]  }
0x1a: {  	s8 =	sadd.s32 $0xFFFFE003, lr  }
0x1b: {  	s9 =	sadd.s32 $0xFFFFFEF7, lr;
	s5 =	simm.s32 $0xFFFFFFFF;
	p2 =	slt.u32 s8, $0xFFFFF086  }
0x1c: {  	p1 =	slt.u32 s9, $0xF7A;
	s5 =	simm.s32 @!p2 $0x0  }
0x1d: {  	s5 =	simm.s32 @p1 $0x1;
	p0 =	seq.s32 s7, s2  }
0x1e: {  	s7 =	smul.u32 @!p0 $0xF7A, s2;
	p2 =	seq.s32 @!p0 s5, $0x0  }
0x1f: {  	s9 =	smul.u32 $0xF7A, s1;
	s8 =	simm.s32 @!p0 $0x1BF5;
	p2 =	por !p2, p0  }
0x20: {  	[sflag:s8] =	ssyncset.s32 @!p0 $0xFFFFF086;
	s6 =	sadd.s32 @!p0 s3, s7;
	s7 =	simm.s32 @!p0 $0x108  }
0x21: {  	s3 =	sadd.s32 s3, s9;
	s6 =	sadd.s32 @!p0 $0x88, s6;
	s7 =	simm.s32 @p2 $0x1082  }
0x22: {  	[simem:s7], [sflag:s8] =	dma.local @!p0 [hbm:s6], $0xF7A  }
0x23: {  	s9 =	sor.u32 $0xD0000000, s2;
	s6 =	simm.s32 $0x108;
	_ =	swait.ge @!p0 [sflag:s8], $0x0  }
0x24: {  	s3 =	sadd.s32 $0x88, s3;
	s6 =	simm.s32 @!p1 $0x1082;
	[sflag:s4] =	ssyncset.s32 $0xFFFFF086  }
0x25: {  	[simem:s6], [sflag:s4] =	dma.local [hbm:s3], $0xF7A  }
0x26: {  	[smem:$0x3F9C] =	sst s1;
	(tag) =	ssettag s2;
	_ =	strace s9  }
0x27: {  	s1 =	sld [smem:$0x3FAC]  }
0x28: {  	s2 =	sld [smem:$0x3FAD]  }
0x29: {  	s4 =	sld [smem:$0x3FAF]  }
0x2a: {  	p0 =	seq.s32 s5, $0x0;
	s5 =	sld [smem:$0x3FB0]  }
0x2b: {  	s6 =	sld [smem:$0x3FB1]  }
0x2c: {  	s7 =	sld [smem:$0x3FB2]  }
0x2d: {  	s3 =	simm.s32 $0x108;
	s8 =	sld [smem:$0x3FB3]  }
0x2e: {  	s3 =	simm.s32 @!p0 $0x1082;
	s9 =	sld [smem:$0x3FB4]  }
0x2f: {  	lr =	sadd.s32 s0, s3;
	s0 =	sld [smem:$0x3FAB]  }
0x30: {  	s3 =	sld [smem:$0x3FAE]  }
0x31: {  	[smem:$0x3FB7] =	sst s10  }
0x32: {  	s10 =	sld [smem:$0x3FB5];
	_ =	sdelay $0x3  }
0x33: {  	p0 =	seq.s32 s10, $0x1;
	s10 =	sld [smem:$0x3FB7];
	_ =	sdelay $0x3  }
0x34: {  	[smem:$0x3FB7] =	sst s10  }
0x35: {  	s10 =	sld [smem:$0x3FB6];
	_ =	sdelay $0x3  }
0x36: {  	p1 =	seq.s32 s10, $0x1;
	s10 =	sld [smem:$0x3FB7];
	_ =	sdelay $0x3  }
0x37: {  	[smem:$0x3FB7] =	sst s10  }
0x38: {  	s10 =	sld [smem:$0x3FB8]  }
0x39: {  	_ = 	snop;
	(pc) =	sbr.ind lr, $3  }
0x3a: {  	_ = 	snop  }
0x3b: {  	_ = 	snop  }
0x3c: {  	p2 =	seq.s32 s10, $0x1;
	s10 =	sld [smem:$0x3FB7]  }
0x3d: {  	_ =	shalt  }
0x3e: {  	_ =	shalt  }
0x3f: {  	_ =	shalt  }
0x40: {  	_ =	shalt  }
0x41: {  	_ =	shalt  }
0x42: {  	_ =	shalt  }
0x43: {  	_ =	shalt  }
0x44: {  	_ =	shalt  }
0x45: {  	_ =	shalt  }
0x46: {  	_ =	shalt  }
0x47: {  	_ =	shalt  }
0x48: {  	_ =	shalt  }
0x49: {  	_ =	shalt  }
0x4a: {  	_ =	shalt  }
0x4b: {  	_ =	shalt  }
0x4c: {  	_ =	shalt  }
0x4d: {  	_ =	shalt  }
0x4e: {  	_ =	shalt  }
0x4f: {  	_ =	shalt  }
0x50: {  	_ =	shalt  }
0x51: {  	_ =	shalt  }
0x52: {  	_ =	shalt  }
0x53: {  	_ =	shalt  }
0x54: {  	_ =	shalt  }
0x55: {  	_ =	shalt  }
0x56: {  	_ =	shalt  }
0x57: {  	_ =	shalt  }
0x58: {  	_ =	shalt  }
0x59: {  	_ =	shalt  }
0x5a: {  	_ =	shalt  }
0x5b: {  	_ =	shalt  }
0x5c: {  	_ =	shalt  }
0x5d: {  	_ =	shalt  }
0x5e: {  	_ =	shalt  }
0x5f: {  	_ =	shalt  }
0x60: {  	_ =	shalt  }
0x61: {  	_ =	shalt  }
0x62: {  	_ =	shalt  }
0x63: {  	_ =	shalt  }
0x64: {  	_ =	shalt  }
0x65: {  	_ =	shalt  }
0x66: {  	_ =	shalt  }
0x67: {  	_ =	shalt  }
0x68: {  	_ =	shalt  }
0x69: {  	_ =	shalt  }
0x6a: {  	_ =	shalt  }
0x6b: {  	_ =	shalt  }
0x6c: {  	_ =	shalt  }
0x6d: {  	_ =	shalt  }
0x6e: {  	_ =	shalt  }
0x6f: {  	_ =	shalt  }
0x70: {  	_ =	shalt  }
0x71: {  	_ =	shalt  }
0x72: {  	_ =	shalt  }
0x73: {  	_ =	shalt  }
0x74: {  	_ =	shalt  }
0x75: {  	_ =	shalt  }
0x76: {  	_ =	shalt  }
0x77: {  	_ =	shalt  }
0x78: {  	_ =	shalt  }
0x79: {  	_ =	shalt  }
0x7a: {  	_ =	shalt  }
0x7b: {  	_ =	shalt  }
0x7c: {  	_ =	shalt  }
0x7d: {  	_ =	shalt  }
0x7e: {  	_ =	shalt  }
0x7f: {  	_ =	shalt  }
0x80: {  	_ =	shalt  }
0x81: {  	_ =	shalt  }
0x82: {  	_ =	shalt  }
0x83: {  	_ =	shalt  }
0x84: {  	_ =	shalt  }
0x85: {  	_ =	shalt  }
0x86: {  	_ =	shalt  }
0x87: {  	_ =	shalt  }
.Lfunc_end0:
.L_simem_size_0:
called_computation_lowered:
.L_overlay_start_0:
0x88: {  	s2 =	sld [smem:$0x3FD9]  }
0x89: {  	s3 =	sld [smem:$0x3FFE];
	_ =	sdelay $0x1  }
0x8a: {  	s1 =	srdreg.scid  }
0x8b: {  	s0 =	sand.u32 $0x1, s1  }
0x8c: {  	s15 =	sshll.u32 s0, $0xA;
	s2 =	sadd.s32 s3, s2  }
0x8d: {  	s2 =	sadd.s32 s2, s15  }
0x8e: {  	[smem:$0x3FC3] =	sst s2  }
0x8f: {  	_ = 	snop  }
0x90: {  	s2 =	sld [smem:$0x3FD0];
	_ =	sdelay $0x2  }
0x91: {  	s16 =	simm.s32 $0xB;
	s4 =	simm.s32 $0x10  }
0x92: {  	[smem:s4], [sflag:s16] =	dma.local [hbm:s2], $0x1  }
0x93: {  	_ =	swait.eq [sflag:s16], $0x1  }
0x94: {  	[sflag:s16] =	ssyncset.done $0x0  }
0x95: {  	[sflag:s16] =	ssyncadd.s32 $0xFFFFFFFF  }
0x96: {  	s17 =	sld [smem:$0x12];
	(tm) =	ssettm $0x1  }
0x97: {  	s18 =	sld [smem:$0x3FFB];
	_ =	sdelay $0x3  }
0x98: {  	_ =	strace s18  }
0x99: {  	s2 =	sld [smem:$0x3FFC];
	_ =	sdelay $0x3  }
0x9a: {  	_ =	strace s2  }
0x9b: {  	s2 =	sld [smem:$0x3FFD];
	_ =	sdelay $0x3  }
0x9c: {  	_ =	strace s2  }
0x9d: {  	_ =	strace $0x8FFFFFFF  }
0x9e: {  	s19 =	sld [smem:$0x3FDB];
	_ =	sdelay $0x1  }
0x9f: {  	s20 =	simm.s32 $_scs_section_size  }
0xa0: {  	s5 =	simm.s32 $_size__tile_overlayer_lowered;
	s6 =	simm.s32 $_tile_overlayer_lowered  }
0xa1: {  	s7 =	simm.s32 $0x1BFF;
	s21 =	sshll.u32 s6, $0x1;
	s4 =	sadd.s32 s20, s19  }
0xa2: {  	s22 =	simm.s32 $0x0;
	s5 =	sshll.u32 s5, $0x1;
	s6 =	sadd.s32 s21, s4  }
0xa3: {  	[timem:s22], [sflag:s7] =	dma.local [hbm:s6], s5  }
0xa4: {  	_ =	swait.ge [sflag:s7], s5  }
0xa5: {  	s5 =	ssub.s32 $0x0, s5;
	[sflag:s7] =	ssyncset.done $0x0  }
0xa6: {  	[sflag:s7] =	ssyncadd.s32 s5;
	_ =	sdelay $0x1  }
0xa7: {  	s23 =	simm.s32 $0x1B8B  }
0xa8: {  	_ =	swait.ge [sflag:s23], $0x1  }
0xa9: {  	[sflag:s23] =	ssyncset.done $0x0  }
0xaa: {  	[sflag:s23] =	ssyncadd.s32 $0xFFFFFFFF  }
0xab: {  	s5 =	sld [smem:$0x0]  }
0xac: {  	s6 =	sand.u32 $0xFFFFFFFE, s1  }
0xad: {  	p0 =	sne.s32 s1, s6  }
0xae: {  	s6 =	sshll.u32 @p0 s6, $0xE  }
0xaf: {  	s6 =	sadd.s32 @p0 $0x11B8D, s6;
	s7 =	sshll.u32 @p0 s5, $0x11  }
0xb0: {  	s6 =	sor.u32 @p0 s7, s6  }
0xb1: {  	[sflag:s6] =	ssyncadd.remote.s32 @p0 $0x1;
	_ =	sdelay $0x1  }
0xb2: {  	s6 =	simm.s32 @p0 $0x1B8D  }
0xb3: {  	_ =	swait.eq @p0 [sflag:s6], $0x1  }
0xb4: {  	[sflag:s6] =	ssyncadd.s32 @p0 $0xFFFFFFFF  }
0xb5: {  	s7 =	sshll.u32 @!p0 s1, $0xE  }
0xb6: {  	s7 =	sor.u32 @!p0 $0x4000, s7;
	s6 =	simm.s32 @!p0 $0x1B8D  }
0xb7: {  	s5 =	sshll.u32 @!p0 s5, $0x11;
	s7 =	sadd.s32 @!p0 $0x11B8D, s7;
	_ =	swait.eq @!p0 [sflag:s6], $0x1  }
0xb8: {  	s5 =	sor.u32 @!p0 s5, s7;
	[sflag:s6] =	ssyncadd.s32 @!p0 $0xFFFFFFFF  }
0xb9: {  	s25 =	simm.s32 $0x1B8E;
	s24 =	sld [smem:$0x3FFE];
	[sflag:s5] =	ssyncadd.remote.s32 @!p0 $0x1  }
0xba: {  	s26 =	simm.s32 $execute0_lowered;
	[smem:$0x3FD2] =	sst s25  }
0xbb: {  	s6 =	sshll.u32 s26, $0x1;
	_ =	strace $0x80000049;
	[dreg:$0x1] =	wrdreg $0xFFFFFFFF  }
0xbc: {  	s28 =	simm.s32 $_size_execute0_lowered;
	s4 =	sadd.s32 s4, s6;
	[dreg:$0x0] =	wrdreg $0x0  }
0xbd: {  	s6 =	sshll.u32 s28, $0x1;
	[dreg:$0x2] =	wrdreg s4  }
0xbe: {  	[dreg:$0x3] =	wrdreg s6  }
0xbf: {  	[dreg:$0x4] =	wrdreg $0xC0  }
0xc0: {  	_ =	task [dreg:s22], $0x5FFFF  }
0xc1: {  	[dreg:$0x1] =	wrdreg $0xFFFFFFFF  }
0xc2: {  	[dreg:$0x0] =	wrdreg $0x60  }
0xc3: {  	[dreg:$0x2] =	wrdreg s24  }
0xc4: {  	[dreg:$0x3] =	wrdreg s17  }
0xc5: {  	[dreg:$0x4] =	wrdreg $0x90800  }
0xc6: {  	[dreg:$0x5] =	wrdreg $0xF0800  }
0xc7: {  	[dreg:$0x6] =	wrdreg $0x9  }
0xc8: {  	_ =	task.clear_ibuf [dreg:s22], $0x7FFFF;
	_ =	strace $0x90000049  }
0xc9: {  	s29 =	simm.s32 $0x9;
	_ =	strace $0x8000004B  }
0xca: {  	_ =	swait.ge [sflag:s29], $0x1  }
0xcb: {  	[sflag:s29] =	ssyncadd.s32 $0xFFFFFFFF  }
0xcc: {  	_ =	strace $0x9000004B  }
0xcd: {  	_ =	sfence  }
0xce: {  	s30 =	sld [smem:$0x0];
	_ =	sdelay $0x2  }
0xcf: {  	s31 =	sshll.u32 s1, $0xD;
	s1 =	sshrl.u32 s1, $0x2  }
0xd0: {  	s4 =	sand.u32 $0x4000, s31;
	s1 =	sadd.s32 s1, s30  }
0xd1: {  	s0 =	sor.u32 s4, s0;
	s1 =	sshll.u32 s1, $0x11  }
0xd2: {  	s0 =	sor.u32 s1, s0  }
0xd3: {  	s0 =	sadd.s32 $0x8F2B, s0  }
0xd4: {  	[sflag:s0] =	ssyncadd.remote.s32 $0x1  }
0xd5: {  	_ =	sfence.sel $0xFFFF  }
0xd6: {  	[dreg:$0x0] =	wrdreg $0xFFFFFFFF;
	(pc) =	sbr.abs _section_cstart, $3  }
0xd7: {  	[dreg:$0x1] =	wrdreg $0xFFFFFFFF  }
0xd8: {  	_ =	task.clear_ibuf [dreg:s22], $0x2FFFF;
	_ =	strace $0x9FFFFFFF  }
0xd9: {  	(tm) =	ssettm $0x7FFFFFFF  }
tec
execute0_lowered:
.L_overlay_start_1:
0x0: {  	(tag) =	ssettag $0x1  }
0x1: {  	s0 =	rddreg [dreg:$0x0]  }
0x2: {  	s4 =	rddreg [dreg:$0x1]  }
0x3: {  	s1 =	rddreg [dreg:$0x2]  }
0x4: {  	s2 =	rddreg [dreg:$0x3];
	s3 =	simm.s32 $0x0  }
0x5: {  	s5 =	srdreg.scid;
	s13 =	stileid.u32;
	s31 =	simm.s32 $0x8080  }
0x6: {  	[smem:$0x7FF] =	sst s3;
	s5 =	sand.u32 $0x1, s5;
	s6 =	sadd.s32 $0x81E00, s0  }
0x7: {  	s7 =	sadd.s32 $0xA1E00, s0;
	s0 =	sadd.s32 $0xD1E00, s0;
	s21 =	sshll.u32 s13, $0xD  }
0x8: {  	s11 =	smul.u32 $0x6000, s13;
	s22 =	sshrl.u32 s13, $0x3;
	s13 =	sand.u32 $0x7, s13  }
0x9: {  	_ =	strace $0x8000004A;
	s8 =	ssub.s32 $0x2, s5;
	s10 =	sshll.u32 s5, $0x13  }
0xa: {  	s5 =	sshll.u32 s5, $0x2;
	s13 =	smul.u32 $0x30000, s13;
	s9 =	sshrl.u32 s8, $0x1  }
0xb: {  	s10 =	sor.u32 s21, s10;
	s23 =	sor.u32 s22, s5;
	s5 =	sor.u32 $0x2, s5  }
0xc: {  	s18 =	sor.u32 $0x1000, s11;
	s19 =	sadd.s32 $0x2000, s11;
	s20 =	sadd.s32 $0x3000, s11  }
0xd: {  	s8 =	ssub.s32 s8, s9;
	s12 =	sshrl.u32 s10, $0x3;
	s25 =	sshll.u32 s5, $0x11  }
0xe: {  	s5 =	sor.u32 s22, s5;
	s10 =	sadd.s32 s11, s1;
	s29 =	sadd.s32 s18, s2  }
0xf: {  	s30 =	sadd.s32 s19, s1;
	s22 =	sadd.s32 $0x4000, s11;
	s14 =	sadd.s32 s6, s12  }
0x10: {  	s15 =	sadd.s32 s4, s12;
	s24 =	sor.u32 $0x4000, s12;
	s9 =	sor.u32 s21, s25  }
0x11: {  	s5 =	sshll.u32 s5, $0x7;
	s17 =	smax.u32 s8, $0x1;
	s21 =	sadd.s32 s20, s1  }
0x12: {  	s25 =	sadd.s32 s11, s2;
	s8 =	simm.s32 $0x80;
	[dreg:$0x5] =	wrdreg s14  }
0x13: {  	[dreg:$0x6] =	wrdreg s15;
	s14 =	sshll.u32 s23, $0x7;
	s16 =	sadd.s32 s6, s24  }
0x14: {  	s15 =	sadd.s32 s4, s24;
	s9 =	sshrl.u32 s9, $0x3;
	[dreg:$0x11] =	wrdreg s17  }
0x15: {  	s5 =	sor.u32 s13, s5;
	[dreg:$0x13] =	wrdreg s21;
	s23 =	sadd.s32 $0x5000, s11  }
0x16: {  	s24 =	sadd.s32 s22, s1;
	s21 =	simm.s32 $0x780;
	[dreg:$0x7] =	wrdreg s16  }
0x17: {  	s14 =	sor.u32 s13, s14;
	[dreg:$0x8] =	wrdreg s15;
	s28 =	sadd.s32 s6, s9  }
0x18: {  	s9 =	sadd.s32 s4, s9;
	s15 =	sor.u32 $0xC000, s12;
	[dreg:$0x15] =	wrdreg s24  }
0x19: {  	s5 =	sshrl.u32 s5, $0x3;
	s14 =	sshrl.u32 s14, $0x3;
	[dreg:$0xb] =	wrdreg s28  }
0x1a: {  	[dreg:$0xc] =	wrdreg s9;
	s6 =	sadd.s32 s6, s15;
	s4 =	sadd.s32 s4, s15  }
0x1b: {  	s16 =	sadd.s32 s7, s5;
	s28 =	sadd.s32 s23, s2;
	[dreg:$0xd] =	wrdreg s6  }
0x1c: {  	s9 =	simm.s32 $0x8000;
	s15 =	simm.s32 $0x400;
	[dreg:$0xe] =	wrdreg s4  }
0x1d: {  	s26 =	sadd.s32 s7, s14;
	s14 =	sadd.s32 s0, s14;
	[dreg:$0xf] =	wrdreg s16  }
0x1e: {  	s0 =	sadd.s32 s0, s5;
	[dreg:$0x18] =	wrdreg s28;
	s7 =	simm.s32 $0x1  }
0x1f: {  	s5 =	simm.s32 $0x480;
	s16 =	simm.s32 $0x500;
	[dreg:$0x9] =	wrdreg s26  }
0x20: {  	s6 =	simm.s32 $0x580;
	s4 =	simm.s32 $0x700;
	[dreg:$0xa] =	wrdreg s14  }
0x21: {  	[dreg:$0x10] =	wrdreg s0;
	s14 =	sadd.s32 s18, s1;
	s0 =	sadd.s32 s19, s2  }
0x22: {  	s26 =	sadd.s32 s23, s1;
	s19 =	simm.s32 $0x600;
	[dreg:$0x12] =	wrdreg s0  }
0x23: {  	s23 =	simm.s32 $0x10;
	s0 =	sadd.s32 s20, s2;
	[dreg:$0x17] =	wrdreg s26  }
0x24: {  	s20 =	simm.s32 $0x680;
	[dreg:$0x14] =	wrdreg s0;
	s0 =	sadd.s32 s22, s2  }
0x25: {  	v0 =	vimm.f32 $0.0e+00;
	v1 =	vimm.f32 $1.000000000e+00;
	s22 =	simm.s32 $0x2;
	[dreg:$0x16] =	wrdreg s0;
	s0 =	simm.s32 $0x3  }
.LBB2_1:
0x26: {  	s12 =	simm.s32 $0x40;
	s13 =	simm.s32 $0x0  }
.LBB2_2:
0x27: {  	p0 =	sne.s32 s12, $0x3FC0;
	[tilespmem:s13+$0x8080] =	vst v0;
	s13 =	smov.u32 s12;
	s12 =	sadd.s32 $0x40, s12  }
.Ltmp0:
0x28: {  	(pc) =	sbr.rel @p0 .LBB2_2-.Ltmp0, $2  }
0x29: {  	_ =	sdelay $0x2  }
0x2a: {  	s13 =	sshra.s32 s13, $0x2  }
0x2b: {  	[tilespmem:s13+$0x8080] =	vst v0  }
0x2c: {  	[tilespmem:$0x8000] =	vst v1  }
0x2d: {  	[tilespmem:$0x8010] =	vst v1  }
0x2e: {  	[tilespmem:$0x8020] =	vst v1  }
0x2f: {  	[tilespmem:$0x8030] =	vst v1  }
0x30: {  	[tilespmem:$0x8040] =	vst v1  }
0x31: {  	[tilespmem:$0x8050] =	vst v1  }
0x32: {  	[tilespmem:$0x8060] =	vst v1  }
0x33: {  	[tilespmem:$0x8070] =	vst v1  }
0x34: {  	[spmem:s10] =	stream.linear.scatter [tilespmem:s31], [sflag:$0x3], $0x1000, $0x38;
	[tilespmem:$0x15080] =	vst v63  }
0x35: {  	_ =	swait.ge [sflag:s0], $0x1000  }
0x36: {  	[sflag:s0] =	ssyncset.done $0x0  }
0x37: {  	[sflag:s0] =	ssyncadd.s32 $0xFFFFF000  }
0x38: {  	[spmem:s25] =	stream.linear.scatter [tilespmem:s31], [sflag:$0x3], $0x1000, $0x38;
	[tilespmem:$0x15080] =	vst v63  }
0x39: {  	_ =	swait.ge [sflag:s0], $0x1000  }
0x3a: {  	[sflag:s0] =	ssyncset.done $0x0  }
0x3b: {  	[sflag:s0] =	ssyncadd.s32 $0xFFFFF000  }
0x3c: {  	[spmem:s14] =	stream.linear.scatter [tilespmem:s31], [sflag:$0x3], $0x1000, $0x38;
	[tilespmem:$0x15080] =	vst v63  }
0x3d: {  	_ =	swait.ge [sflag:s0], $0x1000  }
0x3e: {  	[sflag:s0] =	ssyncset.done $0x0  }
0x3f: {  	[sflag:s0] =	ssyncadd.s32 $0xFFFFF000  }
0x40: {  	[spmem:s29] =	stream.linear.scatter [tilespmem:s31], [sflag:$0x3], $0x1000, $0x38;
	[tilespmem:$0x15080] =	vst v63  }
0x41: {  	_ =	swait.ge [sflag:s0], $0x1000  }
0x42: {  	[sflag:s0] =	ssyncset.done $0x0  }
0x43: {  	[sflag:s0] =	ssyncadd.s32 $0xFFFFF000  }
0x44: {  	[spmem:s30] =	stream.linear.scatter [tilespmem:s31], [sflag:$0x3], $0x1000, $0x38;
	[tilespmem:$0x15080] =	vst v63  }
0x45: {  	_ =	swait.ge [sflag:s0], $0x1000  }
0x46: {  	[sflag:s0] =	ssyncset.done $0x0  }
0x47: {  	s11 =	rddreg [dreg:$0x12];
	[sflag:s0] =	ssyncadd.s32 $0xFFFFF000  }
0x48: {  	[spmem:s11] =	stream.linear.scatter [tilespmem:s31], [sflag:$0x3], $0x1000, $0x38;
	[tilespmem:$0x15080] =	vst v63  }
0x49: {  	_ =	swait.ge [sflag:s0], $0x1000  }
0x4a: {  	[sflag:s0] =	ssyncset.done $0x0  }
0x4b: {  	s24 =	rddreg [dreg:$0x13];
	[sflag:s0] =	ssyncadd.s32 $0xFFFFF000  }
0x4c: {  	[spmem:s24] =	stream.linear.scatter [tilespmem:s31], [sflag:$0x3], $0x1000, $0x38;
	[tilespmem:$0x15080] =	vst v63  }
0x4d: {  	_ =	swait.ge [sflag:s0], $0x1000  }
0x4e: {  	[sflag:s0] =	ssyncset.done $0x0  }
0x4f: {  	s26 =	rddreg [dreg:$0x14];
	[sflag:s0] =	ssyncadd.s32 $0xFFFFF000  }
0x50: {  	[spmem:s26] =	stream.linear.scatter [tilespmem:s31], [sflag:$0x3], $0x1000, $0x38;
	[tilespmem:$0x15080] =	vst v63  }
0x51: {  	_ =	swait.ge [sflag:s0], $0x1000  }
0x52: {  	[sflag:s0] =	ssyncset.done $0x0  }
0x53: {  	s28 =	rddreg [dreg:$0x15];
	[sflag:s0] =	ssyncadd.s32 $0xFFFFF000  }
0x54: {  	[spmem:s28] =	stream.linear.scatter [tilespmem:s31], [sflag:$0x3], $0x1000, $0x38;
	[tilespmem:$0x15080] =	vst v63  }
0x55: {  	_ =	swait.ge [sflag:s0], $0x1000  }
0x56: {  	[sflag:s0] =	ssyncset.done $0x0  }
0x57: {  	s12 =	rddreg [dreg:$0x16];
	[sflag:s0] =	ssyncadd.s32 $0xFFFFF000  }
0x58: {  	[spmem:s12] =	stream.linear.scatter [tilespmem:s31], [sflag:$0x3], $0x1000, $0x38;
	[tilespmem:$0x15080] =	vst v63  }
0x59: {  	_ =	swait.ge [sflag:s0], $0x1000  }
0x5a: {  	[sflag:s0] =	ssyncset.done $0x0  }
0x5b: {  	s13 =	rddreg [dreg:$0x17];
	[sflag:s0] =	ssyncadd.s32 $0xFFFFF000  }
0x5c: {  	[spmem:s13] =	stream.linear.scatter [tilespmem:s31], [sflag:$0x3], $0x1000, $0x38;
	[tilespmem:$0x15080] =	vst v63  }
0x5d: {  	_ =	swait.ge [sflag:s0], $0x1000  }
0x5e: {  	[sflag:s0] =	ssyncset.done $0x0  }
0x5f: {  	s17 =	rddreg [dreg:$0x18];
	[sflag:s0] =	ssyncadd.s32 $0xFFFFF000  }
0x60: {  	[spmem:s17] =	stream.linear.scatter [tilespmem:s31], [sflag:$0x3], $0x1000, $0x38;
	[tilespmem:$0x15080] =	vst v63  }
0x61: {  	_ =	swait.ge [sflag:s0], $0x1000  }
0x62: {  	[sflag:s0] =	ssyncset.done $0x0  }
0x63: {  	[sflag:s0] =	ssyncadd.s32 $0xFFFFF000  }
0x64: {  	[bflag:$0x0] =	sbarrier.arrive $0xFFFF  }
0x65: {  	s12 =	simm.s32 $0x0;
	s18 =	rddreg [dreg:$0x5]  }
0x66: {  	[tilespmem:s12], [sflag:$0x1] =	stream.linear.gather [hbm4b:s18+s12], $0x2000, $0x38;
	[tilespmem:$0x15080] =	vst v63  }
0x67: {  	s26 =	simm.s32 $0x4000;
	s24 =	rddreg [dreg:$0x6]  }
0x68: {  	[tilespmem:s26], [sflag:$0x1] =	stream.linear.gather [hbm4b:s24+s12], $0x2000, $0x38;
	[tilespmem:$0x15080] =	vst v63  }
0x69: {  	s17 =	simm.s32 $0x2000;
	s28 =	rddreg [dreg:$0x7]  }
0x6a: {  	[tilespmem:s17], [sflag:$0x1] =	stream.linear.gather [hbm4b:s28+s12], $0x2000, $0x38;
	[tilespmem:$0x15080] =	vst v63  }
0x6b: {  	s18 =	simm.s32 $0x6000;
	s17 =	rddreg [dreg:$0x8]  }
0x6c: {  	[tilespmem:s18], [sflag:$0x1] =	stream.linear.gather [hbm4b:s17+s12], $0x2000, $0x38;
	[tilespmem:$0x15080] =	vst v63  }
0x6d: {  	_ =	swait.ge [sflag:s7], $0x2000  }
0x6e: {  	[sflag:s7] =	ssyncset.done $0x0  }
0x6f: {  	[sflag:s7] =	ssyncadd.s32 $0xFFFFE000  }
0x70: {  	_ =	swait.ge [sflag:s7], $0x2000  }
0x71: {  	[sflag:s7] =	ssyncset.done $0x0  }
0x72: {  	[sflag:s7] =	ssyncadd.s32 $0xFFFFE000  }
0x73: {  	_ =	swait.ge [sflag:s7], $0x2000  }
0x74: {  	[sflag:s7] =	ssyncset.done $0x0  }
0x75: {  	[sflag:s7] =	ssyncadd.s32 $0xFFFFE000  }
0x76: {  	_ =	swait.ge [sflag:s7], $0x2000  }
0x77: {  	[sflag:s7] =	ssyncset.done $0x0  }
0x78: {  	[sflag:s7] =	ssyncadd.s32 $0xFFFFE000  }
0x79: {  	[spmem:s1] =	stream.indirect.scatter.add.f32 [tilespmem:s26], [sflag:$0x2], $0x1, s12, s8, $0xb8;
	[tilespmem:$0x15080] =	vst v63  }
0x7a: {  	_ = 	snop  }
0x7b: {  	[spmem:s2] =	stream.indirect.scatter.add.f32 [tilespmem:s9], [sflag:$0x2], $0x1, s12, s8, $0xb8;
	[tilespmem:$0x15080] =	vst v63  }
0x7c: {  	s24 =	simm.s32 $0x4080  }
0x7d: {  	[spmem:s1] =	stream.indirect.scatter.add.f32 [tilespmem:s24], [sflag:$0x2], $0x1, s8, s8, $0xb8;
	[tilespmem:$0x15080] =	vst v63  }
0x7e: {  	_ = 	snop  }
0x7f: {  	[spmem:s2] =	stream.indirect.scatter.add.f32 [tilespmem:s9], [sflag:$0x2], $0x1, s8, s8, $0xb8;
	[tilespmem:$0x15080] =	vst v63  }
0x80: {  	s28 =	simm.s32 $0x4100;
	s26 =	simm.s32 $0x100  }
0x81: {  	[spmem:s1] =	stream.indirect.scatter.add.f32 [tilespmem:s28], [sflag:$0x2], $0x1, s26, s8, $0xb8;
	[tilespmem:$0x15080] =	vst v63  }
0x82: {  	_ = 	snop  }
0x83: {  	[spmem:s2] =	stream.indirect.scatter.add.f32 [tilespmem:s9], [sflag:$0x2], $0x1, s26, s8, $0xb8;
	[tilespmem:$0x15080] =	vst v63  }
0x84: {  	s13 =	simm.s32 $0x180;
	s17 =	simm.s32 $0x4180  }
0x85: {  	[spmem:s1] =	stream.indirect.scatter.add.f32 [tilespmem:s17], [sflag:$0x2], $0x1, s13, s8, $0xb8;
	[tilespmem:$0x15080] =	vst v63  }
0x86: {  	_ = 	snop  }
0x87: {  	[spmem:s2] =	stream.indirect.scatter.add.f32 [tilespmem:s9], [sflag:$0x2], $0x1, s13, s8, $0xb8;
	[tilespmem:$0x15080] =	vst v63  }
0x88: {  	s18 =	simm.s32 $0x200;
	s24 =	simm.s32 $0x4200  }
0x89: {  	[spmem:s1] =	stream.indirect.scatter.add.f32 [tilespmem:s24], [sflag:$0x2], $0x1, s18, s8, $0xb8;
	[tilespmem:$0x15080] =	vst v63  }
0x8a: {  	_ = 	snop  }
0x8b: {  	[spmem:s2] =	stream.indirect.scatter.add.f32 [tilespmem:s9], [sflag:$0x2], $0x1, s18, s8, $0xb8;
	[tilespmem:$0x15080] =	vst v63  }
0x8c: {  	s28 =	simm.s32 $0x4280;
	s26 =	simm.s32 $0x280  }
0x8d: {  	[spmem:s1] =	stream.indirect.scatter.add.f32 [tilespmem:s28], [sflag:$0x2], $0x1, s26, s8, $0xb8;
	[tilespmem:$0x15080] =	vst v63  }
0x8e: {  	_ = 	snop  }
0x8f: {  	[spmem:s2] =	stream.indirect.scatter.add.f32 [tilespmem:s9], [sflag:$0x2], $0x1, s26, s8, $0xb8;
	[tilespmem:$0x15080] =	vst v63  }
0x90: {  	s17 =	simm.s32 $0x4300;
	s13 =	simm.s32 $0x300  }
0x91: {  	[spmem:s1] =	stream.indirect.scatter.add.f32 [tilespmem:s17], [sflag:$0x2], $0x1, s13, s8, $0xb8;
	[tilespmem:$0x15080] =	vst v63  }
0x92: {  	_ = 	snop  }
0x93: {  	[spmem:s2] =	stream.indirect.scatter.add.f32 [tilespmem:s9], [sflag:$0x2], $0x1, s13, s8, $0xb8;
	[tilespmem:$0x15080] =	vst v63  }
0x94: {  	s24 =	simm.s32 $0x4380;
	s18 =	simm.s32 $0x380  }
0x95: {  	[spmem:s1] =	stream.indirect.scatter.add.f32 [tilespmem:s24], [sflag:$0x2], $0x1, s18, s8, $0xb8;
	[tilespmem:$0x15080] =	vst v63  }
0x96: {  	_ = 	snop  }
0x97: {  	[spmem:s2] =	stream.indirect.scatter.add.f32 [tilespmem:s9], [sflag:$0x2], $0x1, s18, s8, $0xb8;
	[tilespmem:$0x15080] =	vst v63  }
0x98: {  	s26 =	simm.s32 $0x4400  }
0x99: {  	[spmem:s1] =	stream.indirect.scatter.add.f32 [tilespmem:s26], [sflag:$0x2], $0x1, s15, s8, $0xb8;
	[tilespmem:$0x15080] =	vst v63  }
0x9a: {  	_ = 	snop  }
0x9b: {  	[spmem:s2] =	stream.indirect.scatter.add.f32 [tilespmem:s9], [sflag:$0x2], $0x1, s15, s8, $0xb8;
	[tilespmem:$0x15080] =	vst v63  }
0x9c: {  	s28 =	simm.s32 $0x4480  }
0x9d: {  	[spmem:s1] =	stream.indirect.scatter.add.f32 [tilespmem:s28], [sflag:$0x2], $0x1, s5, s8, $0xb8;
	[tilespmem:$0x15080] =	vst v63  }
0x9e: {  	_ = 	snop  }
0x9f: {  	[spmem:s2] =	stream.indirect.scatter.add.f32 [tilespmem:s9], [sflag:$0x2], $0x1, s5, s8, $0xb8;
	[tilespmem:$0x15080] =	vst v63  }
0xa0: {  	s12 =	simm.s32 $0x4500  }
0xa1: {  	[spmem:s1] =	stream.indirect.scatter.add.f32 [tilespmem:s12], [sflag:$0x2], $0x1, s16, s8, $0xb8;
	[tilespmem:$0x15080] =	vst v63  }
0xa2: {  	_ = 	snop  }
0xa3: {  	[spmem:s2] =	stream.indirect.scatter.add.f32 [tilespmem:s9], [sflag:$0x2], $0x1, s16, s8, $0xb8;
	[tilespmem:$0x15080] =	vst v63  }
0xa4: {  	s13 =	simm.s32 $0x4580  }
0xa5: {  	[spmem:s1] =	stream.indirect.scatter.add.f32 [tilespmem:s13], [sflag:$0x2], $0x1, s6, s8, $0xb8;
	[tilespmem:$0x15080] =	vst v63  }
0xa6: {  	_ = 	snop  }
0xa7: {  	[spmem:s2] =	stream.indirect.scatter.add.f32 [tilespmem:s9], [sflag:$0x2], $0x1, s6, s8, $0xb8;
	[tilespmem:$0x15080] =	vst v63  }
0xa8: {  	s17 =	simm.s32 $0x4600  }
0xa9: {  	[spmem:s1] =	stream.indirect.scatter.add.f32 [tilespmem:s17], [sflag:$0x2], $0x1, s19, s8, $0xb8;
	[tilespmem:$0x15080] =	vst v63  }
0xaa: {  	_ = 	snop  }
0xab: {  	[spmem:s2] =	stream.indirect.scatter.add.f32 [tilespmem:s9], [sflag:$0x2], $0x1, s19, s8, $0xb8;
	[tilespmem:$0x15080] =	vst v63  }
0xac: {  	s18 =	simm.s32 $0x4680  }
0xad: {  	[spmem:s1] =	stream.indirect.scatter.add.f32 [tilespmem:s18], [sflag:$0x2], $0x1, s20, s8, $0xb8;
	[tilespmem:$0x15080] =	vst v63  }
0xae: {  	_ = 	snop  }
0xaf: {  	[spmem:s2] =	stream.indirect.scatter.add.f32 [tilespmem:s9], [sflag:$0x2], $0x1, s20, s8, $0xb8;
	[tilespmem:$0x15080] =	vst v63  }
0xb0: {  	s24 =	simm.s32 $0x4700  }
0xb1: {  	[spmem:s1] =	stream.indirect.scatter.add.f32 [tilespmem:s24], [sflag:$0x2], $0x1, s4, s8, $0xb8;
	[tilespmem:$0x15080] =	vst v63  }
0xb2: {  	_ = 	snop  }
0xb3: {  	[spmem:s2] =	stream.indirect.scatter.add.f32 [tilespmem:s9], [sflag:$0x2], $0x1, s4, s8, $0xb8;
	[tilespmem:$0x15080] =	vst v63  }
0xb4: {  	s26 =	simm.s32 $0x4780  }
0xb5: {  	[spmem:s1] =	stream.indirect.scatter.add.f32 [tilespmem:s26], [sflag:$0x2], $0x1, s21, s8, $0xb8;
	[tilespmem:$0x15080] =	vst v63  }
0xb6: {  	_ = 	snop  }
0xb7: {  	[spmem:s2] =	stream.indirect.scatter.add.f32 [tilespmem:s9], [sflag:$0x2], $0x1, s21, s8, $0xb8;
	[tilespmem:$0x15080] =	vst v63  }
0xb8: {  	s11 =	simm.s32 $0x800;
	s28 =	simm.s32 $0x4800  }
0xb9: {  	[spmem:s1] =	stream.indirect.scatter.add.f32 [tilespmem:s28], [sflag:$0x2], $0x1, s11, s8, $0xb8;
	[tilespmem:$0x15080] =	vst v63  }
0xba: {  	_ = 	snop  }
0xbb: {  	[spmem:s2] =	stream.indirect.scatter.add.f32 [tilespmem:s9], [sflag:$0x2], $0x1, s11, s8, $0xb8;
	[tilespmem:$0x15080] =	vst v63  }
0xbc: {  	s17 =	simm.s32 $0x4880;
	s18 =	simm.s32 $0x880  }
0xbd: {  	[spmem:s1] =	stream.indirect.scatter.add.f32 [tilespmem:s17], [sflag:$0x2], $0x1, s18, s8, $0xb8;
	[tilespmem:$0x15080] =	vst v63  }
0xbe: {  	_ = 	snop  }
0xbf: {  	[spmem:s2] =	stream.indirect.scatter.add.f32 [tilespmem:s9], [sflag:$0x2], $0x1, s18, s8, $0xb8;
	[tilespmem:$0x15080] =	vst v63  }
0xc0: {  	s24 =	simm.s32 $0x4900;
	s26 =	simm.s32 $0x900  }
0xc1: {  	[spmem:s1] =	stream.indirect.scatter.add.f32 [tilespmem:s24], [sflag:$0x2], $0x1, s26, s8, $0xb8;
	[tilespmem:$0x15080] =	vst v63  }
0xc2: {  	_ = 	snop  }
0xc3: {  	[spmem:s2] =	stream.indirect.scatter.add.f32 [tilespmem:s9], [sflag:$0x2], $0x1, s26, s8, $0xb8;
	[tilespmem:$0x15080] =	vst v63  }
0xc4: {  	s28 =	simm.s32 $0x4980;
	s11 =	simm.s32 $0x980  }
0xc5: {  	[spmem:s1] =	stream.indirect.scatter.add.f32 [tilespmem:s28], [sflag:$0x2], $0x1, s11, s8, $0xb8;
	[tilespmem:$0x15080] =	vst v63  }
0xc6: {  	_ = 	snop  }
0xc7: {  	[spmem:s2] =	stream.indirect.scatter.add.f32 [tilespmem:s9], [sflag:$0x2], $0x1, s11, s8, $0xb8;
	[tilespmem:$0x15080] =	vst v63  }
0xc8: {  	s17 =	simm.s32 $0x4A00;
	s18 =	simm.s32 $0xA00  }
0xc9: {  	[spmem:s1] =	stream.indirect.scatter.add.f32 [tilespmem:s17], [sflag:$0x2], $0x1, s18, s8, $0xb8;
	[tilespmem:$0x15080] =	vst v63  }
0xca: {  	_ = 	snop  }
0xcb: {  	[spmem:s2] =	stream.indirect.scatter.add.f32 [tilespmem:s9], [sflag:$0x2], $0x1, s18, s8, $0xb8;
	[tilespmem:$0x15080] =	vst v63  }
0xcc: {  	s24 =	simm.s32 $0x4A80;
	s26 =	simm.s32 $0xA80  }
0xcd: {  	[spmem:s1] =	stream.indirect.scatter.add.f32 [tilespmem:s24], [sflag:$0x2], $0x1, s26, s8, $0xb8;
	[tilespmem:$0x15080] =	vst v63  }
0xce: {  	_ = 	snop  }
0xcf: {  	[spmem:s2] =	stream.indirect.scatter.add.f32 [tilespmem:s9], [sflag:$0x2], $0x1, s26, s8, $0xb8;
	[tilespmem:$0x15080] =	vst v63  }
0xd0: {  	s28 =	simm.s32 $0x4B00;
	s11 =	simm.s32 $0xB00  }
0xd1: {  	[spmem:s1] =	stream.indirect.scatter.add.f32 [tilespmem:s28], [sflag:$0x2], $0x1, s11, s8, $0xb8;
	[tilespmem:$0x15080] =	vst v63  }
0xd2: {  	_ = 	snop  }
0xd3: {  	[spmem:s2] =	stream.indirect.scatter.add.f32 [tilespmem:s9], [sflag:$0x2], $0x1, s11, s8, $0xb8;
	[tilespmem:$0x15080] =	vst v63  }
0xd4: {  	s17 =	simm.s32 $0x4B80;
	s18 =	simm.s32 $0xB80  }
0xd5: {  	[spmem:s1] =	stream.indirect.scatter.add.f32 [tilespmem:s17], [sflag:$0x2], $0x1, s18, s8, $0xb8;
	[tilespmem:$0x15080] =	vst v63  }
0xd6: {  	_ = 	snop  }
0xd7: {  	[spmem:s2] =	stream.indirect.scatter.add.f32 [tilespmem:s9], [sflag:$0x2], $0x1, s18, s8, $0xb8;
	[tilespmem:$0x15080] =	vst v63  }
0xd8: {  	s24 =	simm.s32 $0x4C00;
	s26 =	simm.s32 $0xC00  }
0xd9: {  	[spmem:s1] =	stream.indirect.scatter.add.f32 [tilespmem:s24], [sflag:$0x2], $0x1, s26, s8, $0xb8;
	[tilespmem:$0x15080] =	vst v63  }
0xda: {  	_ = 	snop  }
0xdb: {  	[spmem:s2] =	stream.indirect.scatter.add.f32 [tilespmem:s9], [sflag:$0x2], $0x1, s26, s8, $0xb8;
	[tilespmem:$0x15080] =	vst v63  }
0xdc: {  	s28 =	simm.s32 $0x4C80;
	s11 =	simm.s32 $0xC80  }
0xdd: {  	[spmem:s1] =	stream.indirect.scatter.add.f32 [tilespmem:s28], [sflag:$0x2], $0x1, s11, s8, $0xb8;
	[tilespmem:$0x15080] =	vst v63  }
0xde: {  	_ = 	snop  }
0xdf: {  	[spmem:s2] =	stream.indirect.scatter.add.f32 [tilespmem:s9], [sflag:$0x2], $0x1, s11, s8, $0xb8;
	[tilespmem:$0x15080] =	vst v63  }
0xe0: {  	s17 =	simm.s32 $0x4D00;
	s18 =	simm.s32 $0xD00  }
0xe1: {  	[spmem:s1] =	stream.indirect.scatter.add.f32 [tilespmem:s17], [sflag:$0x2], $0x1, s18, s8, $0xb8;
	[tilespmem:$0x15080] =	vst v63  }
0xe2: {  	_ = 	snop  }
0xe3: {  	[spmem:s2] =	stream.indirect.scatter.add.f32 [tilespmem:s9], [sflag:$0x2], $0x1, s18, s8, $0xb8;
	[tilespmem:$0x15080] =	vst v63  }
0xe4: {  	s24 =	simm.s32 $0x4D80;
	s26 =	simm.s32 $0xD80  }
0xe5: {  	[spmem:s1] =	stream.indirect.scatter.add.f32 [tilespmem:s24], [sflag:$0x2], $0x1, s26, s8, $0xb8;
	[tilespmem:$0x15080] =	vst v63  }
0xe6: {  	_ = 	snop  }
0xe7: {  	[spmem:s2] =	stream.indirect.scatter.add.f32 [tilespmem:s9], [sflag:$0x2], $0x1, s26, s8, $0xb8;
	[tilespmem:$0x15080] =	vst v63  }
0xe8: {  	s28 =	simm.s32 $0x4E00;
	s11 =	simm.s32 $0xE00  }
0xe9: {  	[spmem:s1] =	stream.indirect.scatter.add.f32 [tilespmem:s28], [sflag:$0x2], $0x1, s11, s8, $0xb8;
	[tilespmem:$0x15080] =	vst v63  }
0xea: {  	_ = 	snop  }
0xeb: {  	[spmem:s2] =	stream.indirect.scatter.add.f32 [tilespmem:s9], [sflag:$0x2], $0x1, s11, s8, $0xb8;
	[tilespmem:$0x15080] =	vst v63  }
0xec: {  	s13 =	simm.s32 $0x4E80;
	s17 =	simm.s32 $0xE80  }
0xed: {  	[spmem:s1] =	stream.indirect.scatter.add.f32 [tilespmem:s13], [sflag:$0x2], $0x1, s17, s8, $0xb8;
	[tilespmem:$0x15080] =	vst v63  }
0xee: {  	_ = 	snop  }
0xef: {  	[spmem:s2] =	stream.indirect.scatter.add.f32 [tilespmem:s9], [sflag:$0x2], $0x1, s17, s8, $0xb8;
	[tilespmem:$0x15080] =	vst v63  }
0xf0: {  	s18 =	simm.s32 $0x4F00;
	s24 =	simm.s32 $0xF00  }
0xf1: {  	[spmem:s1] =	stream.indirect.scatter.add.f32 [tilespmem:s18], [sflag:$0x2], $0x1, s24, s8, $0xb8;
	[tilespmem:$0x15080] =	vst v63  }
0xf2: {  	_ = 	snop  }
0xf3: {  	[spmem:s2] =	stream.indirect.scatter.add.f32 [tilespmem:s9], [sflag:$0x2], $0x1, s24, s8, $0xb8;
	[tilespmem:$0x15080] =	vst v63  }
0xf4: {  	s26 =	simm.s32 $0x4F80;
	s28 =	simm.s32 $0xF80  }
0xf5: {  	[spmem:s1] =	stream.indirect.scatter.add.f32 [tilespmem:s26], [sflag:$0x2], $0x1, s28, s8, $0xb8;
	[tilespmem:$0x15080] =	vst v63  }
0xf6: {  	_ = 	snop  }
0xf7: {  	[spmem:s2] =	stream.indirect.scatter.add.f32 [tilespmem:s9], [sflag:$0x2], $0x1, s28, s8, $0xb8;
	[tilespmem:$0x15080] =	vst v63  }
0xf8: {  	_ =	swait.ge [sflag:s22], $0x80  }
0xf9: {  	[sflag:s22] =	ssyncset.done $0x0  }
0xfa: {  	[sflag:s22] =	ssyncadd.s32 $0xFFFFFF80  }
0xfb: {  	_ =	swait.ge [sflag:s22], $0x80  }
0xfc: {  	[sflag:s22] =	ssyncset.done $0x0  }
0xfd: {  	[sflag:s22] =	ssyncadd.s32 $0xFFFFFF80  }
0xfe: {  	_ =	swait.ge [sflag:s22], $0x80  }
0xff: {  	[sflag:s22] =	ssyncset.done $0x0  }
0x100: {  	[sflag:s22] =	ssyncadd.s32 $0xFFFFFF80  }
0x101: {  	_ =	swait.ge [sflag:s22], $0x80  }
0x102: {  	[sflag:s22] =	ssyncset.done $0x0  }
0x103: {  	[sflag:s22] =	ssyncadd.s32 $0xFFFFFF80  }
0x104: {  	_ =	swait.ge [sflag:s22], $0x80  }
0x105: {  	[sflag:s22] =	ssyncset.done $0x0  }
0x106: {  	[sflag:s22] =	ssyncadd.s32 $0xFFFFFF80  }
0x107: {  	_ =	swait.ge [sflag:s22], $0x80  }
0x108: {  	[sflag:s22] =	ssyncset.done $0x0  }
0x109: {  	[sflag:s22] =	ssyncadd.s32 $0xFFFFFF80  }
0x10a: {  	_ =	swait.ge [sflag:s22], $0x80  }
0x10b: {  	[sflag:s22] =	ssyncset.done $0x0  }
0x10c: {  	[sflag:s22] =	ssyncadd.s32 $0xFFFFFF80  }
0x10d: {  	_ =	swait.ge [sflag:s22], $0x80  }
0x10e: {  	[sflag:s22] =	ssyncset.done $0x0  }
0x10f: {  	[sflag:s22] =	ssyncadd.s32 $0xFFFFFF80  }
0x110: {  	_ =	swait.ge [sflag:s22], $0x80  }
0x111: {  	[sflag:s22] =	ssyncset.done $0x0  }
0x112: {  	[sflag:s22] =	ssyncadd.s32 $0xFFFFFF80  }
0x113: {  	_ =	swait.ge [sflag:s22], $0x80  }
0x114: {  	[sflag:s22] =	ssyncset.done $0x0  }
0x115: {  	[sflag:s22] =	ssyncadd.s32 $0xFFFFFF80  }
0x116: {  	_ =	swait.ge [sflag:s22], $0x80  }
0x117: {  	[sflag:s22] =	ssyncset.done $0x0  }
0x118: {  	[sflag:s22] =	ssyncadd.s32 $0xFFFFFF80  }
0x119: {  	_ =	swait.ge [sflag:s22], $0x80  }
0x11a: {  	[sflag:s22] =	ssyncset.done $0x0  }
0x11b: {  	[sflag:s22] =	ssyncadd.s32 $0xFFFFFF80  }
0x11c: {  	_ =	swait.ge [sflag:s22], $0x80  }
0x11d: {  	[sflag:s22] =	ssyncset.done $0x0  }
0x11e: {  	[sflag:s22] =	ssyncadd.s32 $0xFFFFFF80  }
0x11f: {  	_ =	swait.ge [sflag:s22], $0x80  }
0x120: {  	[sflag:s22] =	ssyncset.done $0x0  }
0x121: {  	[sflag:s22] =	ssyncadd.s32 $0xFFFFFF80  }
0x122: {  	_ =	swait.ge [sflag:s22], $0x80  }
0x123: {  	[sflag:s22] =	ssyncset.done $0x0  }
0x124: {  	[sflag:s22] =	ssyncadd.s32 $0xFFFFFF80  }
0x125: {  	_ =	swait.ge [sflag:s22], $0x80  }
0x126: {  	[sflag:s22] =	ssyncset.done $0x0  }
0x127: {  	[sflag:s22] =	ssyncadd.s32 $0xFFFFFF80  }
0x128: {  	_ =	swait.ge [sflag:s22], $0x80  }
0x129: {  	[sflag:s22] =	ssyncset.done $0x0  }
0x12a: {  	[sflag:s22] =	ssyncadd.s32 $0xFFFFFF80  }
0x12b: {  	_ =	swait.ge [sflag:s22], $0x80  }
0x12c: {  	[sflag:s22] =	ssyncset.done $0x0  }
0x12d: {  	[sflag:s22] =	ssyncadd.s32 $0xFFFFFF80  }
0x12e: {  	_ =	swait.ge [sflag:s22], $0x80  }
0x12f: {  	[sflag:s22] =	ssyncset.done $0x0  }
0x130: {  	[sflag:s22] =	ssyncadd.s32 $0xFFFFFF80  }
0x131: {  	_ =	swait.ge [sflag:s22], $0x80  }
0x132: {  	[sflag:s22] =	ssyncset.done $0x0  }
0x133: {  	[sflag:s22] =	ssyncadd.s32 $0xFFFFFF80  }
0x134: {  	_ =	swait.ge [sflag:s22], $0x80  }
0x135: {  	[sflag:s22] =	ssyncset.done $0x0  }
0x136: {  	[sflag:s22] =	ssyncadd.s32 $0xFFFFFF80  }
0x137: {  	_ =	swait.ge [sflag:s22], $0x80  }
0x138: {  	[sflag:s22] =	ssyncset.done $0x0  }
0x139: {  	[sflag:s22] =	ssyncadd.s32 $0xFFFFFF80  }
0x13a: {  	_ =	swait.ge [sflag:s22], $0x80  }
0x13b: {  	[sflag:s22] =	ssyncset.done $0x0  }
0x13c: {  	[sflag:s22] =	ssyncadd.s32 $0xFFFFFF80  }
0x13d: {  	_ =	swait.ge [sflag:s22], $0x80  }
0x13e: {  	[sflag:s22] =	ssyncset.done $0x0  }
0x13f: {  	[sflag:s22] =	ssyncadd.s32 $0xFFFFFF80  }
0x140: {  	_ =	swait.ge [sflag:s22], $0x80  }
0x141: {  	[sflag:s22] =	ssyncset.done $0x0  }
0x142: {  	[sflag:s22] =	ssyncadd.s32 $0xFFFFFF80  }
0x143: {  	_ =	swait.ge [sflag:s22], $0x80  }
0x144: {  	[sflag:s22] =	ssyncset.done $0x0  }
0x145: {  	[sflag:s22] =	ssyncadd.s32 $0xFFFFFF80  }
0x146: {  	_ =	swait.ge [sflag:s22], $0x80  }
0x147: {  	[sflag:s22] =	ssyncset.done $0x0  }
0x148: {  	[sflag:s22] =	ssyncadd.s32 $0xFFFFFF80  }
0x149: {  	_ =	swait.ge [sflag:s22], $0x80  }
0x14a: {  	[sflag:s22] =	ssyncset.done $0x0  }
0x14b: {  	[sflag:s22] =	ssyncadd.s32 $0xFFFFFF80  }
0x14c: {  	_ =	swait.ge [sflag:s22], $0x80  }
0x14d: {  	[sflag:s22] =	ssyncset.done $0x0  }
0x14e: {  	[sflag:s22] =	ssyncadd.s32 $0xFFFFFF80  }
0x14f: {  	_ =	swait.ge [sflag:s22], $0x80  }
0x150: {  	[sflag:s22] =	ssyncset.done $0x0  }
0x151: {  	[sflag:s22] =	ssyncadd.s32 $0xFFFFFF80  }
0x152: {  	_ =	swait.ge [sflag:s22], $0x80  }
0x153: {  	[sflag:s22] =	ssyncset.done $0x0  }
0x154: {  	[sflag:s22] =	ssyncadd.s32 $0xFFFFFF80  }
0x155: {  	_ =	swait.ge [sflag:s22], $0x80  }
0x156: {  	s12 =	simm.s32 $0x4000;
	s13 =	simm.s32 $0x800;
	[sflag:s22] =	ssyncset.done $0x0  }
.LBB2_4:
0x157: {  	s24 =	sadd.s32 $0x4800, s13;
	s26 =	sadd.s32 $0x800, s13;
	[sflag:s22] =	ssyncadd.s32 $0xFFFFFF80  }
0x158: {  	[spmem:s1] =	stream.indirect.scatter.add.f32 [tilespmem:s24], [sflag:$0x2], $0x1, s26, s8, $0xb8;
	[tilespmem:$0x15080] =	vst v63  }
0x159: {  	p0 =	seq.s32 s12, $0xC000;
	s24 =	smov.u32 s12;
	s12 =	sadd.s32 $0x2000, s12  }
0x15a: {  	[spmem:s2] =	stream.indirect.scatter.add.f32 [tilespmem:s9], [sflag:$0x2], $0x1, s26, s8, $0xb8;
	[tilespmem:$0x15080] =	vst v63  }
0x15b: {  	s28 =	sadd.s32 $0x880, s13;
	s26 =	sadd.s32 $0x4880, s13  }
0x15c: {  	[spmem:s1] =	stream.indirect.scatter.add.f32 [tilespmem:s26], [sflag:$0x2], $0x1, s28, s8, $0xb8;
	[tilespmem:$0x15080] =	vst v63  }
0x15d: {  	_ = 	snop  }
0x15e: {  	[spmem:s2] =	stream.indirect.scatter.add.f32 [tilespmem:s9], [sflag:$0x2], $0x1, s28, s8, $0xb8;
	[tilespmem:$0x15080] =	vst v63  }
0x15f: {  	s26 =	sadd.s32 $0x4900, s13;
	s28 =	sadd.s32 $0x900, s13  }
0x160: {  	[spmem:s1] =	stream.indirect.scatter.add.f32 [tilespmem:s26], [sflag:$0x2], $0x1, s28, s8, $0xb8;
	[tilespmem:$0x15080] =	vst v63  }
0x161: {  	_ = 	snop  }
0x162: {  	[spmem:s2] =	stream.indirect.scatter.add.f32 [tilespmem:s9], [sflag:$0x2], $0x1, s28, s8, $0xb8;
	[tilespmem:$0x15080] =	vst v63  }
0x163: {  	s26 =	sadd.s32 $0x4980, s13;
	s28 =	sadd.s32 $0x980, s13  }
0x164: {  	[spmem:s1] =	stream.indirect.scatter.add.f32 [tilespmem:s26], [sflag:$0x2], $0x1, s28, s8, $0xb8;
	[tilespmem:$0x15080] =	vst v63  }
0x165: {  	_ = 	snop  }
0x166: {  	[spmem:s2] =	stream.indirect.scatter.add.f32 [tilespmem:s9], [sflag:$0x2], $0x1, s28, s8, $0xb8;
	[tilespmem:$0x15080] =	vst v63  }
0x167: {  	s26 =	sadd.s32 $0x4A00, s13;
	s28 =	sadd.s32 $0xA00, s13  }
0x168: {  	[spmem:s1] =	stream.indirect.scatter.add.f32 [tilespmem:s26], [sflag:$0x2], $0x1, s28, s8, $0xb8;
	[tilespmem:$0x15080] =	vst v63  }
0x169: {  	_ = 	snop  }
0x16a: {  	[spmem:s2] =	stream.indirect.scatter.add.f32 [tilespmem:s9], [sflag:$0x2], $0x1, s28, s8, $0xb8;
	[tilespmem:$0x15080] =	vst v63  }
0x16b: {  	s26 =	sadd.s32 $0x4A80, s13;
	s28 =	sadd.s32 $0xA80, s13  }
0x16c: {  	[spmem:s1] =	stream.indirect.scatter.add.f32 [tilespmem:s26], [sflag:$0x2], $0x1, s28, s8, $0xb8;
	[tilespmem:$0x15080] =	vst v63  }
0x16d: {  	_ = 	snop  }
0x16e: {  	[spmem:s2] =	stream.indirect.scatter.add.f32 [tilespmem:s9], [sflag:$0x2], $0x1, s28, s8, $0xb8;
	[tilespmem:$0x15080] =	vst v63  }
0x16f: {  	s26 =	sadd.s32 $0x4B00, s13;
	s28 =	sadd.s32 $0xB00, s13  }
0x170: {  	[spmem:s1] =	stream.indirect.scatter.add.f32 [tilespmem:s26], [sflag:$0x2], $0x1, s28, s8, $0xb8;
	[tilespmem:$0x15080] =	vst v63  }
0x171: {  	_ = 	snop  }
0x172: {  	[spmem:s2] =	stream.indirect.scatter.add.f32 [tilespmem:s9], [sflag:$0x2], $0x1, s28, s8, $0xb8;
	[tilespmem:$0x15080] =	vst v63  }
0x173: {  	s26 =	sadd.s32 $0x4B80, s13;
	s28 =	sadd.s32 $0xB80, s13  }
0x174: {  	[spmem:s1] =	stream.indirect.scatter.add.f32 [tilespmem:s26], [sflag:$0x2], $0x1, s28, s8, $0xb8;
	[tilespmem:$0x15080] =	vst v63  }
0x175: {  	_ = 	snop  }
0x176: {  	[spmem:s2] =	stream.indirect.scatter.add.f32 [tilespmem:s9], [sflag:$0x2], $0x1, s28, s8, $0xb8;
	[tilespmem:$0x15080] =	vst v63  }
0x177: {  	s26 =	sadd.s32 $0x4C00, s13;
	s28 =	sadd.s32 $0xC00, s13  }
0x178: {  	[spmem:s1] =	stream.indirect.scatter.add.f32 [tilespmem:s26], [sflag:$0x2], $0x1, s28, s8, $0xb8;
	[tilespmem:$0x15080] =	vst v63  }
0x179: {  	_ = 	snop  }
0x17a: {  	[spmem:s2] =	stream.indirect.scatter.add.f32 [tilespmem:s9], [sflag:$0x2], $0x1, s28, s8, $0xb8;
	[tilespmem:$0x15080] =	vst v63  }
0x17b: {  	s26 =	sadd.s32 $0x4C80, s13;
	s28 =	sadd.s32 $0xC80, s13  }
0x17c: {  	[spmem:s1] =	stream.indirect.scatter.add.f32 [tilespmem:s26], [sflag:$0x2], $0x1, s28, s8, $0xb8;
	[tilespmem:$0x15080] =	vst v63  }
0x17d: {  	_ = 	snop  }
0x17e: {  	[spmem:s2] =	stream.indirect.scatter.add.f32 [tilespmem:s9], [sflag:$0x2], $0x1, s28, s8, $0xb8;
	[tilespmem:$0x15080] =	vst v63  }
0x17f: {  	s26 =	sadd.s32 $0x4D00, s13;
	s28 =	sadd.s32 $0xD00, s13  }
0x180: {  	[spmem:s1] =	stream.indirect.scatter.add.f32 [tilespmem:s26], [sflag:$0x2], $0x1, s28, s8, $0xb8;
	[tilespmem:$0x15080] =	vst v63  }
0x181: {  	_ = 	snop  }
0x182: {  	[spmem:s2] =	stream.indirect.scatter.add.f32 [tilespmem:s9], [sflag:$0x2], $0x1, s28, s8, $0xb8;
	[tilespmem:$0x15080] =	vst v63  }
0x183: {  	s26 =	sadd.s32 $0x4D80, s13;
	s28 =	sadd.s32 $0xD80, s13  }
0x184: {  	[spmem:s1] =	stream.indirect.scatter.add.f32 [tilespmem:s26], [sflag:$0x2], $0x1, s28, s8, $0xb8;
	[tilespmem:$0x15080] =	vst v63  }
0x185: {  	_ = 	snop  }
0x186: {  	[spmem:s2] =	stream.indirect.scatter.add.f32 [tilespmem:s9], [sflag:$0x2], $0x1, s28, s8, $0xb8;
	[tilespmem:$0x15080] =	vst v63  }
0x187: {  	s26 =	sadd.s32 $0x4E00, s13;
	s28 =	sadd.s32 $0xE00, s13  }
0x188: {  	[spmem:s1] =	stream.indirect.scatter.add.f32 [tilespmem:s26], [sflag:$0x2], $0x1, s28, s8, $0xb8;
	[tilespmem:$0x15080] =	vst v63  }
0x189: {  	_ = 	snop  }
0x18a: {  	[spmem:s2] =	stream.indirect.scatter.add.f32 [tilespmem:s9], [sflag:$0x2], $0x1, s28, s8, $0xb8;
	[tilespmem:$0x15080] =	vst v63  }
0x18b: {  	s26 =	sadd.s32 $0x4E80, s13;
	s28 =	sadd.s32 $0xE80, s13  }
0x18c: {  	[spmem:s1] =	stream.indirect.scatter.add.f32 [tilespmem:s26], [sflag:$0x2], $0x1, s28, s8, $0xb8;
	[tilespmem:$0x15080] =	vst v63  }
0x18d: {  	_ = 	snop  }
0x18e: {  	[spmem:s2] =	stream.indirect.scatter.add.f32 [tilespmem:s9], [sflag:$0x2], $0x1, s28, s8, $0xb8;
	[tilespmem:$0x15080] =	vst v63  }
0x18f: {  	s26 =	sadd.s32 $0x4F00, s13;
	s28 =	sadd.s32 $0xF00, s13  }
0x190: {  	[spmem:s1] =	stream.indirect.scatter.add.f32 [tilespmem:s26], [sflag:$0x2], $0x1, s28, s8, $0xb8;
	[tilespmem:$0x15080] =	vst v63  }
0x191: {  	_ = 	snop  }
0x192: {  	[spmem:s2] =	stream.indirect.scatter.add.f32 [tilespmem:s9], [sflag:$0x2], $0x1, s28, s8, $0xb8;
	[tilespmem:$0x15080] =	vst v63  }
0x193: {  	s26 =	sadd.s32 $0x4F80, s13;
	s13 =	sadd.s32 $0xF80, s13  }
0x194: {  	[spmem:s1] =	stream.indirect.scatter.add.f32 [tilespmem:s26], [sflag:$0x2], $0x1, s13, s8, $0xb8;
	[tilespmem:$0x15080] =	vst v63  }
0x195: {  	_ = 	snop  }
0x196: {  	[spmem:s2] =	stream.indirect.scatter.add.f32 [tilespmem:s9], [sflag:$0x2], $0x1, s13, s8, $0xb8;
	[tilespmem:$0x15080] =	vst v63  }
0x197: {  	_ =	swait.ge [sflag:s22], $0x80  }
0x198: {  	[sflag:s22] =	ssyncset.done $0x0  }
0x199: {  	[sflag:s22] =	ssyncadd.s32 $0xFFFFFF80  }
0x19a: {  	_ =	swait.ge [sflag:s22], $0x80  }
0x19b: {  	[sflag:s22] =	ssyncset.done $0x0  }
0x19c: {  	[sflag:s22] =	ssyncadd.s32 $0xFFFFFF80  }
0x19d: {  	_ =	swait.ge [sflag:s22], $0x80  }
0x19e: {  	[sflag:s22] =	ssyncset.done $0x0  }
0x19f: {  	[sflag:s22] =	ssyncadd.s32 $0xFFFFFF80  }
0x1a0: {  	_ =	swait.ge [sflag:s22], $0x80  }
0x1a1: {  	[sflag:s22] =	ssyncset.done $0x0  }
0x1a2: {  	[sflag:s22] =	ssyncadd.s32 $0xFFFFFF80  }
0x1a3: {  	_ =	swait.ge [sflag:s22], $0x80  }
0x1a4: {  	[sflag:s22] =	ssyncset.done $0x0  }
0x1a5: {  	[sflag:s22] =	ssyncadd.s32 $0xFFFFFF80  }
0x1a6: {  	_ =	swait.ge [sflag:s22], $0x80  }
0x1a7: {  	[sflag:s22] =	ssyncset.done $0x0  }
0x1a8: {  	[sflag:s22] =	ssyncadd.s32 $0xFFFFFF80  }
0x1a9: {  	_ =	swait.ge [sflag:s22], $0x80  }
0x1aa: {  	[sflag:s22] =	ssyncset.done $0x0  }
0x1ab: {  	[sflag:s22] =	ssyncadd.s32 $0xFFFFFF80  }
0x1ac: {  	_ =	swait.ge [sflag:s22], $0x80  }
0x1ad: {  	[sflag:s22] =	ssyncset.done $0x0  }
0x1ae: {  	[sflag:s22] =	ssyncadd.s32 $0xFFFFFF80  }
0x1af: {  	_ =	swait.ge [sflag:s22], $0x80  }
0x1b0: {  	[sflag:s22] =	ssyncset.done $0x0  }
0x1b1: {  	[sflag:s22] =	ssyncadd.s32 $0xFFFFFF80  }
0x1b2: {  	_ =	swait.ge [sflag:s22], $0x80  }
0x1b3: {  	[sflag:s22] =	ssyncset.done $0x0  }
0x1b4: {  	[sflag:s22] =	ssyncadd.s32 $0xFFFFFF80  }
0x1b5: {  	_ =	swait.ge [sflag:s22], $0x80  }
0x1b6: {  	[sflag:s22] =	ssyncset.done $0x0  }
0x1b7: {  	[sflag:s22] =	ssyncadd.s32 $0xFFFFFF80  }
0x1b8: {  	_ =	swait.ge [sflag:s22], $0x80  }
0x1b9: {  	[sflag:s22] =	ssyncset.done $0x0  }
0x1ba: {  	[sflag:s22] =	ssyncadd.s32 $0xFFFFFF80  }
0x1bb: {  	_ =	swait.ge [sflag:s22], $0x80  }
0x1bc: {  	[sflag:s22] =	ssyncset.done $0x0  }
0x1bd: {  	[sflag:s22] =	ssyncadd.s32 $0xFFFFFF80  }
0x1be: {  	_ =	swait.ge [sflag:s22], $0x80  }
0x1bf: {  	[sflag:s22] =	ssyncset.done $0x0  }
0x1c0: {  	[sflag:s22] =	ssyncadd.s32 $0xFFFFFF80  }
0x1c1: {  	_ =	swait.ge [sflag:s22], $0x80  }
0x1c2: {  	[sflag:s22] =	ssyncset.done $0x0  }
0x1c3: {  	[sflag:s22] =	ssyncadd.s32 $0xFFFFFF80  }
0x1c4: {  	_ =	swait.ge [sflag:s22], $0x80  }
0x1c5: {  	[sflag:s22] =	ssyncset.done $0x0  }
0x1c6: {  	[sflag:s22] =	ssyncadd.s32 $0xFFFFFF80  }
0x1c7: {  	_ =	swait.ge [sflag:s22], $0x80  }
0x1c8: {  	[sflag:s22] =	ssyncset.done $0x0  }
0x1c9: {  	[sflag:s22] =	ssyncadd.s32 $0xFFFFFF80  }
0x1ca: {  	_ =	swait.ge [sflag:s22], $0x80  }
0x1cb: {  	[sflag:s22] =	ssyncset.done $0x0  }
0x1cc: {  	[sflag:s22] =	ssyncadd.s32 $0xFFFFFF80  }
0x1cd: {  	_ =	swait.ge [sflag:s22], $0x80  }
0x1ce: {  	[sflag:s22] =	ssyncset.done $0x0  }
0x1cf: {  	[sflag:s22] =	ssyncadd.s32 $0xFFFFFF80  }
0x1d0: {  	_ =	swait.ge [sflag:s22], $0x80  }
0x1d1: {  	[sflag:s22] =	ssyncset.done $0x0  }
0x1d2: {  	[sflag:s22] =	ssyncadd.s32 $0xFFFFFF80  }
0x1d3: {  	_ =	swait.ge [sflag:s22], $0x80  }
0x1d4: {  	[sflag:s22] =	ssyncset.done $0x0  }
0x1d5: {  	[sflag:s22] =	ssyncadd.s32 $0xFFFFFF80  }
0x1d6: {  	_ =	swait.ge [sflag:s22], $0x80  }
0x1d7: {  	[sflag:s22] =	ssyncset.done $0x0  }
0x1d8: {  	[sflag:s22] =	ssyncadd.s32 $0xFFFFFF80  }
0x1d9: {  	_ =	swait.ge [sflag:s22], $0x80  }
0x1da: {  	[sflag:s22] =	ssyncset.done $0x0  }
0x1db: {  	[sflag:s22] =	ssyncadd.s32 $0xFFFFFF80  }
0x1dc: {  	_ =	swait.ge [sflag:s22], $0x80  }
0x1dd: {  	[sflag:s22] =	ssyncset.done $0x0  }
0x1de: {  	[sflag:s22] =	ssyncadd.s32 $0xFFFFFF80  }
0x1df: {  	_ =	swait.ge [sflag:s22], $0x80  }
0x1e0: {  	[sflag:s22] =	ssyncset.done $0x0  }
0x1e1: {  	[sflag:s22] =	ssyncadd.s32 $0xFFFFFF80  }
0x1e2: {  	_ =	swait.ge [sflag:s22], $0x80  }
0x1e3: {  	[sflag:s22] =	ssyncset.done $0x0  }
0x1e4: {  	[sflag:s22] =	ssyncadd.s32 $0xFFFFFF80  }
0x1e5: {  	_ =	swait.ge [sflag:s22], $0x80  }
0x1e6: {  	[sflag:s22] =	ssyncset.done $0x0  }
0x1e7: {  	[sflag:s22] =	ssyncadd.s32 $0xFFFFFF80  }
0x1e8: {  	_ =	swait.ge [sflag:s22], $0x80  }
0x1e9: {  	[sflag:s22] =	ssyncset.done $0x0  }
0x1ea: {  	[sflag:s22] =	ssyncadd.s32 $0xFFFFFF80  }
0x1eb: {  	_ =	swait.ge [sflag:s22], $0x80  }
0x1ec: {  	[sflag:s22] =	ssyncset.done $0x0  }
0x1ed: {  	[sflag:s22] =	ssyncadd.s32 $0xFFFFFF80  }
0x1ee: {  	_ =	swait.ge [sflag:s22], $0x80  }
0x1ef: {  	[sflag:s22] =	ssyncset.done $0x0  }
0x1f0: {  	[sflag:s22] =	ssyncadd.s32 $0xFFFFFF80  }
.Ltmp1:
0x1f1: {  	_ =	swait.ge [sflag:s22], $0x80;
	(pc) =	sbr.rel @!p0 .LBB2_4-.Ltmp1, $4  }
0x1f2: {  	[sflag:s22] =	ssyncset.done $0x0  }
0x1f3: {  	[sflag:s22] =	ssyncadd.s32 $0xFFFFFF80  }
0x1f4: {  	_ =	swait.ge [sflag:s22], $0x80  }
0x1f5: {  	s13 =	sshra.s32 s24, $0x2;
	[sflag:s22] =	ssyncset.done $0x0  }
0x1f6: {  	s12 =	sadd.s32 $0x4800, s13;
	s24 =	sadd.s32 $0x800, s13;
	[sflag:s22] =	ssyncadd.s32 $0xFFFFFF80  }
0x1f7: {  	[spmem:s1] =	stream.indirect.scatter.add.f32 [tilespmem:s12], [sflag:$0x2], $0x1, s24, s8, $0xb8;
	[tilespmem:$0x15080] =	vst v63  }
0x1f8: {  	_ = 	snop  }
0x1f9: {  	[spmem:s2] =	stream.indirect.scatter.add.f32 [tilespmem:s9], [sflag:$0x2], $0x1, s24, s8, $0xb8;
	[tilespmem:$0x15080] =	vst v63  }
0x1fa: {  	s17 =	sadd.s32 $0x4880, s13;
	s18 =	sadd.s32 $0x880, s13  }
0x1fb: {  	[spmem:s1] =	stream.indirect.scatter.add.f32 [tilespmem:s17], [sflag:$0x2], $0x1, s18, s8, $0xb8;
	[tilespmem:$0x15080] =	vst v63  }
0x1fc: {  	_ = 	snop  }
0x1fd: {  	[spmem:s2] =	stream.indirect.scatter.add.f32 [tilespmem:s9], [sflag:$0x2], $0x1, s18, s8, $0xb8;
	[tilespmem:$0x15080] =	vst v63  }
0x1fe: {  	s26 =	sadd.s32 $0x4900, s13;
	s11 =	sadd.s32 $0x900, s13  }
0x1ff: {  	[spmem:s1] =	stream.indirect.scatter.add.f32 [tilespmem:s26], [sflag:$0x2], $0x1, s11, s8, $0xb8;
	[tilespmem:$0x15080] =	vst v63  }
0x200: {  	_ = 	snop  }
0x201: {  	[spmem:s2] =	stream.indirect.scatter.add.f32 [tilespmem:s9], [sflag:$0x2], $0x1, s11, s8, $0xb8;
	[tilespmem:$0x15080] =	vst v63  }
0x202: {  	s17 =	sadd.s32 $0x4980, s13;
	s18 =	sadd.s32 $0x980, s13  }
0x203: {  	[spmem:s1] =	stream.indirect.scatter.add.f32 [tilespmem:s17], [sflag:$0x2], $0x1, s18, s8, $0xb8;
	[tilespmem:$0x15080] =	vst v63  }
0x204: {  	_ = 	snop  }
0x205: {  	[spmem:s2] =	stream.indirect.scatter.add.f32 [tilespmem:s9], [sflag:$0x2], $0x1, s18, s8, $0xb8;
	[tilespmem:$0x15080] =	vst v63  }
0x206: {  	s26 =	sadd.s32 $0x4A00, s13;
	s11 =	sadd.s32 $0xA00, s13  }
0x207: {  	[spmem:s1] =	stream.indirect.scatter.add.f32 [tilespmem:s26], [sflag:$0x2], $0x1, s11, s8, $0xb8;
	[tilespmem:$0x15080] =	vst v63  }
0x208: {  	_ = 	snop  }
0x209: {  	[spmem:s2] =	stream.indirect.scatter.add.f32 [tilespmem:s9], [sflag:$0x2], $0x1, s11, s8, $0xb8;
	[tilespmem:$0x15080] =	vst v63  }
0x20a: {  	s17 =	sadd.s32 $0x4A80, s13;
	s18 =	sadd.s32 $0xA80, s13  }
0x20b: {  	[spmem:s1] =	stream.indirect.scatter.add.f32 [tilespmem:s17], [sflag:$0x2], $0x1, s18, s8, $0xb8;
	[tilespmem:$0x15080] =	vst v63  }
0x20c: {  	_ = 	snop  }
0x20d: {  	[spmem:s2] =	stream.indirect.scatter.add.f32 [tilespmem:s9], [sflag:$0x2], $0x1, s18, s8, $0xb8;
	[tilespmem:$0x15080] =	vst v63  }
0x20e: {  	s26 =	sadd.s32 $0x4B00, s13;
	s11 =	sadd.s32 $0xB00, s13  }
0x20f: {  	[spmem:s1] =	stream.indirect.scatter.add.f32 [tilespmem:s26], [sflag:$0x2], $0x1, s11, s8, $0xb8;
	[tilespmem:$0x15080] =	vst v63  }
0x210: {  	_ = 	snop  }
0x211: {  	[spmem:s2] =	stream.indirect.scatter.add.f32 [tilespmem:s9], [sflag:$0x2], $0x1, s11, s8, $0xb8;
	[tilespmem:$0x15080] =	vst v63  }
0x212: {  	s17 =	sadd.s32 $0x4B80, s13;
	s18 =	sadd.s32 $0xB80, s13  }
0x213: {  	[spmem:s1] =	stream.indirect.scatter.add.f32 [tilespmem:s17], [sflag:$0x2], $0x1, s18, s8, $0xb8;
	[tilespmem:$0x15080] =	vst v63  }
0x214: {  	_ = 	snop  }
0x215: {  	[spmem:s2] =	stream.indirect.scatter.add.f32 [tilespmem:s9], [sflag:$0x2], $0x1, s18, s8, $0xb8;
	[tilespmem:$0x15080] =	vst v63  }
0x216: {  	s26 =	sadd.s32 $0x4C00, s13;
	s11 =	sadd.s32 $0xC00, s13  }
0x217: {  	[spmem:s1] =	stream.indirect.scatter.add.f32 [tilespmem:s26], [sflag:$0x2], $0x1, s11, s8, $0xb8;
	[tilespmem:$0x15080] =	vst v63  }
0x218: {  	_ = 	snop  }
0x219: {  	[spmem:s2] =	stream.indirect.scatter.add.f32 [tilespmem:s9], [sflag:$0x2], $0x1, s11, s8, $0xb8;
	[tilespmem:$0x15080] =	vst v63  }
0x21a: {  	s17 =	sadd.s32 $0x4C80, s13;
	s18 =	sadd.s32 $0xC80, s13  }
0x21b: {  	[spmem:s1] =	stream.indirect.scatter.add.f32 [tilespmem:s17], [sflag:$0x2], $0x1, s18, s8, $0xb8;
	[tilespmem:$0x15080] =	vst v63  }
0x21c: {  	_ = 	snop  }
0x21d: {  	[spmem:s2] =	stream.indirect.scatter.add.f32 [tilespmem:s9], [sflag:$0x2], $0x1, s18, s8, $0xb8;
	[tilespmem:$0x15080] =	vst v63  }
0x21e: {  	s26 =	sadd.s32 $0x4D00, s13;
	s11 =	sadd.s32 $0xD00, s13  }
0x21f: {  	[spmem:s1] =	stream.indirect.scatter.add.f32 [tilespmem:s26], [sflag:$0x2], $0x1, s11, s8, $0xb8;
	[tilespmem:$0x15080] =	vst v63  }
0x220: {  	_ = 	snop  }
0x221: {  	[spmem:s2] =	stream.indirect.scatter.add.f32 [tilespmem:s9], [sflag:$0x2], $0x1, s11, s8, $0xb8;
	[tilespmem:$0x15080] =	vst v63  }
0x222: {  	s17 =	sadd.s32 $0x4D80, s13;
	s18 =	sadd.s32 $0xD80, s13  }
0x223: {  	[spmem:s1] =	stream.indirect.scatter.add.f32 [tilespmem:s17], [sflag:$0x2], $0x1, s18, s8, $0xb8;
	[tilespmem:$0x15080] =	vst v63  }
0x224: {  	_ = 	snop  }
0x225: {  	[spmem:s2] =	stream.indirect.scatter.add.f32 [tilespmem:s9], [sflag:$0x2], $0x1, s18, s8, $0xb8;
	[tilespmem:$0x15080] =	vst v63  }
0x226: {  	s26 =	sadd.s32 $0x4E00, s13;
	s11 =	sadd.s32 $0xE00, s13  }
0x227: {  	[spmem:s1] =	stream.indirect.scatter.add.f32 [tilespmem:s26], [sflag:$0x2], $0x1, s11, s8, $0xb8;
	[tilespmem:$0x15080] =	vst v63  }
0x228: {  	_ = 	snop  }
0x229: {  	[spmem:s2] =	stream.indirect.scatter.add.f32 [tilespmem:s9], [sflag:$0x2], $0x1, s11, s8, $0xb8;
	[tilespmem:$0x15080] =	vst v63  }
0x22a: {  	s17 =	sadd.s32 $0x4E80, s13;
	s18 =	sadd.s32 $0xE80, s13  }
0x22b: {  	[spmem:s1] =	stream.indirect.scatter.add.f32 [tilespmem:s17], [sflag:$0x2], $0x1, s18, s8, $0xb8;
	[tilespmem:$0x15080] =	vst v63  }
0x22c: {  	_ = 	snop  }
0x22d: {  	[spmem:s2] =	stream.indirect.scatter.add.f32 [tilespmem:s9], [sflag:$0x2], $0x1, s18, s8, $0xb8;
	[tilespmem:$0x15080] =	vst v63  }
0x22e: {  	s26 =	sadd.s32 $0x4F00, s13;
	s11 =	sadd.s32 $0xF00, s13  }
0x22f: {  	[spmem:s1] =	stream.indirect.scatter.add.f32 [tilespmem:s26], [sflag:$0x2], $0x1, s11, s8, $0xb8;
	[tilespmem:$0x15080] =	vst v63  }
0x230: {  	_ = 	snop  }
0x231: {  	[spmem:s2] =	stream.indirect.scatter.add.f32 [tilespmem:s9], [sflag:$0x2], $0x1, s11, s8, $0xb8;
	[tilespmem:$0x15080] =	vst v63  }
0x232: {  	s17 =	sadd.s32 $0x4F80, s13;
	s18 =	sadd.s32 $0xF80, s13  }
0x233: {  	[spmem:s1] =	stream.indirect.scatter.add.f32 [tilespmem:s17], [sflag:$0x2], $0x1, s18, s8, $0xb8;
	[tilespmem:$0x15080] =	vst v63  }
0x234: {  	_ = 	snop  }
0x235: {  	[spmem:s2] =	stream.indirect.scatter.add.f32 [tilespmem:s9], [sflag:$0x2], $0x1, s18, s8, $0xb8;
	[tilespmem:$0x15080] =	vst v63  }
0x236: {  	_ =	swait.ge [sflag:s22], $0x80  }
0x237: {  	[sflag:s22] =	ssyncset.done $0x0  }
0x238: {  	[sflag:s22] =	ssyncadd.s32 $0xFFFFFF80  }
0x239: {  	_ =	swait.ge [sflag:s22], $0x80  }
0x23a: {  	[sflag:s22] =	ssyncset.done $0x0  }
0x23b: {  	[sflag:s22] =	ssyncadd.s32 $0xFFFFFF80  }
0x23c: {  	_ =	swait.ge [sflag:s22], $0x80  }
0x23d: {  	[sflag:s22] =	ssyncset.done $0x0  }
0x23e: {  	[sflag:s22] =	ssyncadd.s32 $0xFFFFFF80  }
0x23f: {  	_ =	swait.ge [sflag:s22], $0x80  }
0x240: {  	[sflag:s22] =	ssyncset.done $0x0  }
0x241: {  	[sflag:s22] =	ssyncadd.s32 $0xFFFFFF80  }
0x242: {  	_ =	swait.ge [sflag:s22], $0x80  }
0x243: {  	[sflag:s22] =	ssyncset.done $0x0  }
0x244: {  	[sflag:s22] =	ssyncadd.s32 $0xFFFFFF80  }
0x245: {  	_ =	swait.ge [sflag:s22], $0x80  }
0x246: {  	[sflag:s22] =	ssyncset.done $0x0  }
0x247: {  	[sflag:s22] =	ssyncadd.s32 $0xFFFFFF80  }
0x248: {  	_ =	swait.ge [sflag:s22], $0x80  }
0x249: {  	[sflag:s22] =	ssyncset.done $0x0  }
0x24a: {  	[sflag:s22] =	ssyncadd.s32 $0xFFFFFF80  }
0x24b: {  	_ =	swait.ge [sflag:s22], $0x80  }
0x24c: {  	[sflag:s22] =	ssyncset.done $0x0  }
0x24d: {  	[sflag:s22] =	ssyncadd.s32 $0xFFFFFF80  }
0x24e: {  	_ =	swait.ge [sflag:s22], $0x80  }
0x24f: {  	[sflag:s22] =	ssyncset.done $0x0  }
0x250: {  	[sflag:s22] =	ssyncadd.s32 $0xFFFFFF80  }
0x251: {  	_ =	swait.ge [sflag:s22], $0x80  }
0x252: {  	[sflag:s22] =	ssyncset.done $0x0  }
0x253: {  	[sflag:s22] =	ssyncadd.s32 $0xFFFFFF80  }
0x254: {  	_ =	swait.ge [sflag:s22], $0x80  }
0x255: {  	[sflag:s22] =	ssyncset.done $0x0  }
0x256: {  	[sflag:s22] =	ssyncadd.s32 $0xFFFFFF80  }
0x257: {  	_ =	swait.ge [sflag:s22], $0x80  }
0x258: {  	[sflag:s22] =	ssyncset.done $0x0  }
0x259: {  	[sflag:s22] =	ssyncadd.s32 $0xFFFFFF80  }
0x25a: {  	_ =	swait.ge [sflag:s22], $0x80  }
0x25b: {  	[sflag:s22] =	ssyncset.done $0x0  }
0x25c: {  	[sflag:s22] =	ssyncadd.s32 $0xFFFFFF80  }
0x25d: {  	_ =	swait.ge [sflag:s22], $0x80  }
0x25e: {  	[sflag:s22] =	ssyncset.done $0x0  }
0x25f: {  	[sflag:s22] =	ssyncadd.s32 $0xFFFFFF80  }
0x260: {  	_ =	swait.ge [sflag:s22], $0x80  }
0x261: {  	[sflag:s22] =	ssyncset.done $0x0  }
0x262: {  	[sflag:s22] =	ssyncadd.s32 $0xFFFFFF80  }
0x263: {  	_ =	swait.ge [sflag:s22], $0x80  }
0x264: {  	[sflag:s22] =	ssyncset.done $0x0  }
0x265: {  	[sflag:s22] =	ssyncadd.s32 $0xFFFFFF80  }
0x266: {  	_ =	swait.ge [sflag:s22], $0x80  }
0x267: {  	[sflag:s22] =	ssyncset.done $0x0  }
0x268: {  	[sflag:s22] =	ssyncadd.s32 $0xFFFFFF80  }
0x269: {  	_ =	swait.ge [sflag:s22], $0x80  }
0x26a: {  	[sflag:s22] =	ssyncset.done $0x0  }
0x26b: {  	[sflag:s22] =	ssyncadd.s32 $0xFFFFFF80  }
0x26c: {  	_ =	swait.ge [sflag:s22], $0x80  }
0x26d: {  	[sflag:s22] =	ssyncset.done $0x0  }
0x26e: {  	[sflag:s22] =	ssyncadd.s32 $0xFFFFFF80  }
0x26f: {  	_ =	swait.ge [sflag:s22], $0x80  }
0x270: {  	[sflag:s22] =	ssyncset.done $0x0  }
0x271: {  	[sflag:s22] =	ssyncadd.s32 $0xFFFFFF80  }
0x272: {  	_ =	swait.ge [sflag:s22], $0x80  }
0x273: {  	[sflag:s22] =	ssyncset.done $0x0  }
0x274: {  	[sflag:s22] =	ssyncadd.s32 $0xFFFFFF80  }
0x275: {  	_ =	swait.ge [sflag:s22], $0x80  }
0x276: {  	[sflag:s22] =	ssyncset.done $0x0  }
0x277: {  	[sflag:s22] =	ssyncadd.s32 $0xFFFFFF80  }
0x278: {  	_ =	swait.ge [sflag:s22], $0x80  }
0x279: {  	[sflag:s22] =	ssyncset.done $0x0  }
0x27a: {  	[sflag:s22] =	ssyncadd.s32 $0xFFFFFF80  }
0x27b: {  	_ =	swait.ge [sflag:s22], $0x80  }
0x27c: {  	[sflag:s22] =	ssyncset.done $0x0  }
0x27d: {  	[sflag:s22] =	ssyncadd.s32 $0xFFFFFF80  }
0x27e: {  	_ =	swait.ge [sflag:s22], $0x80  }
0x27f: {  	[sflag:s22] =	ssyncset.done $0x0  }
0x280: {  	[sflag:s22] =	ssyncadd.s32 $0xFFFFFF80  }
0x281: {  	_ =	swait.ge [sflag:s22], $0x80  }
0x282: {  	[sflag:s22] =	ssyncset.done $0x0  }
0x283: {  	[sflag:s22] =	ssyncadd.s32 $0xFFFFFF80  }
0x284: {  	_ =	swait.ge [sflag:s22], $0x80  }
0x285: {  	[sflag:s22] =	ssyncset.done $0x0  }
0x286: {  	[sflag:s22] =	ssyncadd.s32 $0xFFFFFF80  }
0x287: {  	_ =	swait.ge [sflag:s22], $0x80  }
0x288: {  	[sflag:s22] =	ssyncset.done $0x0  }
0x289: {  	[sflag:s22] =	ssyncadd.s32 $0xFFFFFF80  }
0x28a: {  	_ =	swait.ge [sflag:s22], $0x80  }
0x28b: {  	[sflag:s22] =	ssyncset.done $0x0  }
0x28c: {  	[sflag:s22] =	ssyncadd.s32 $0xFFFFFF80  }
0x28d: {  	_ =	swait.ge [sflag:s22], $0x80  }
0x28e: {  	[sflag:s22] =	ssyncset.done $0x0  }
0x28f: {  	[sflag:s22] =	ssyncadd.s32 $0xFFFFFF80  }
0x290: {  	_ =	swait.ge [sflag:s22], $0x80  }
0x291: {  	[sflag:s22] =	ssyncset.done $0x0  }
0x292: {  	[sflag:s22] =	ssyncadd.s32 $0xFFFFFF80  }
0x293: {  	_ =	swait.ge [sflag:s22], $0x80  }
0x294: {  	[sflag:s22] =	ssyncset.done $0x0  }
0x295: {  	[sflag:s22] =	ssyncadd.s32 $0xFFFFFF80  }
0x296: {  	_ =	swait.ge [sflag:s22], $0x80  }
0x297: {  	[sflag:s22] =	ssyncset.done $0x0  }
0x298: {  	[sflag:s22] =	ssyncadd.s32 $0xFFFFFF80  }
0x299: {  	_ =	swait.ge [sflag:s22], $0x80  }
0x29a: {  	[sflag:s22] =	ssyncset.done $0x0  }
0x29b: {  	[sflag:s22] =	ssyncadd.s32 $0xFFFFFF80  }
0x29c: {  	_ =	swait.ge [sflag:s22], $0x80  }
0x29d: {  	[sflag:s22] =	ssyncset.done $0x0  }
0x29e: {  	[sflag:s22] =	ssyncadd.s32 $0xFFFFFF80  }
0x29f: {  	_ =	swait.ge [sflag:s22], $0x80  }
0x2a0: {  	[sflag:s22] =	ssyncset.done $0x0  }
0x2a1: {  	[sflag:s22] =	ssyncadd.s32 $0xFFFFFF80  }
0x2a2: {  	_ =	swait.ge [sflag:s22], $0x80  }
0x2a3: {  	[sflag:s22] =	ssyncset.done $0x0  }
0x2a4: {  	[sflag:s22] =	ssyncadd.s32 $0xFFFFFF80  }
0x2a5: {  	_ =	swait.ge [sflag:s22], $0x80  }
0x2a6: {  	[sflag:s22] =	ssyncset.done $0x0  }
0x2a7: {  	[sflag:s22] =	ssyncadd.s32 $0xFFFFFF80  }
0x2a8: {  	_ =	swait.ge [sflag:s22], $0x80  }
0x2a9: {  	[sflag:s22] =	ssyncset.done $0x0  }
0x2aa: {  	[sflag:s22] =	ssyncadd.s32 $0xFFFFFF80  }
0x2ab: {  	_ =	swait.ge [sflag:s22], $0x80  }
0x2ac: {  	[sflag:s22] =	ssyncset.done $0x0  }
0x2ad: {  	[sflag:s22] =	ssyncadd.s32 $0xFFFFFF80  }
0x2ae: {  	_ =	swait.ge [sflag:s22], $0x80  }
0x2af: {  	[sflag:s22] =	ssyncset.done $0x0  }
0x2b0: {  	[sflag:s22] =	ssyncadd.s32 $0xFFFFFF80  }
0x2b1: {  	_ =	swait.ge [sflag:s22], $0x80  }
0x2b2: {  	[sflag:s22] =	ssyncset.done $0x0  }
0x2b3: {  	[sflag:s22] =	ssyncadd.s32 $0xFFFFFF80  }
0x2b4: {  	_ =	swait.ge [sflag:s22], $0x80  }
0x2b5: {  	[sflag:s22] =	ssyncset.done $0x0  }
0x2b6: {  	[sflag:s22] =	ssyncadd.s32 $0xFFFFFF80  }
0x2b7: {  	_ =	swait.ge [sflag:s22], $0x80  }
0x2b8: {  	[sflag:s22] =	ssyncset.done $0x0  }
0x2b9: {  	[sflag:s22] =	ssyncadd.s32 $0xFFFFFF80  }
0x2ba: {  	_ =	swait.ge [sflag:s22], $0x80  }
0x2bb: {  	[sflag:s22] =	ssyncset.done $0x0  }
0x2bc: {  	[sflag:s22] =	ssyncadd.s32 $0xFFFFFF80  }
0x2bd: {  	_ =	swait.ge [sflag:s22], $0x80  }
0x2be: {  	[sflag:s22] =	ssyncset.done $0x0  }
0x2bf: {  	[sflag:s22] =	ssyncadd.s32 $0xFFFFFF80  }
0x2c0: {  	_ =	swait.ge [sflag:s22], $0x80  }
0x2c1: {  	[sflag:s22] =	ssyncset.done $0x0  }
0x2c2: {  	[sflag:s22] =	ssyncadd.s32 $0xFFFFFF80  }
0x2c3: {  	_ =	swait.ge [sflag:s22], $0x80  }
0x2c4: {  	[sflag:s22] =	ssyncset.done $0x0  }
0x2c5: {  	[sflag:s22] =	ssyncadd.s32 $0xFFFFFF80  }
0x2c6: {  	_ =	swait.ge [sflag:s22], $0x80  }
0x2c7: {  	[sflag:s22] =	ssyncset.done $0x0  }
0x2c8: {  	[sflag:s22] =	ssyncadd.s32 $0xFFFFFF80  }
0x2c9: {  	_ =	swait.ge [sflag:s22], $0x80  }
0x2ca: {  	[sflag:s22] =	ssyncset.done $0x0  }
0x2cb: {  	[sflag:s22] =	ssyncadd.s32 $0xFFFFFF80  }
0x2cc: {  	_ =	swait.ge [sflag:s22], $0x80  }
0x2cd: {  	[sflag:s22] =	ssyncset.done $0x0  }
0x2ce: {  	[sflag:s22] =	ssyncadd.s32 $0xFFFFFF80  }
0x2cf: {  	_ =	swait.ge [sflag:s22], $0x80  }
0x2d0: {  	[sflag:s22] =	ssyncset.done $0x0  }
0x2d1: {  	[sflag:s22] =	ssyncadd.s32 $0xFFFFFF80  }
0x2d2: {  	_ =	swait.ge [sflag:s22], $0x80  }
0x2d3: {  	[sflag:s22] =	ssyncset.done $0x0  }
0x2d4: {  	[sflag:s22] =	ssyncadd.s32 $0xFFFFFF80  }
0x2d5: {  	_ =	swait.ge [sflag:s22], $0x80  }
0x2d6: {  	[sflag:s22] =	ssyncset.done $0x0  }
0x2d7: {  	[sflag:s22] =	ssyncadd.s32 $0xFFFFFF80  }
0x2d8: {  	_ =	swait.ge [sflag:s22], $0x80  }
0x2d9: {  	[sflag:s22] =	ssyncset.done $0x0  }
0x2da: {  	[sflag:s22] =	ssyncadd.s32 $0xFFFFFF80  }
0x2db: {  	_ =	swait.ge [sflag:s22], $0x80  }
0x2dc: {  	[sflag:s22] =	ssyncset.done $0x0  }
0x2dd: {  	[sflag:s22] =	ssyncadd.s32 $0xFFFFFF80  }
0x2de: {  	_ =	swait.ge [sflag:s22], $0x80  }
0x2df: {  	[sflag:s22] =	ssyncset.done $0x0  }
0x2e0: {  	[sflag:s22] =	ssyncadd.s32 $0xFFFFFF80  }
0x2e1: {  	_ =	swait.ge [sflag:s22], $0x80  }
0x2e2: {  	[sflag:s22] =	ssyncset.done $0x0  }
0x2e3: {  	[sflag:s22] =	ssyncadd.s32 $0xFFFFFF80  }
0x2e4: {  	_ =	swait.ge [sflag:s22], $0x80  }
0x2e5: {  	[sflag:s22] =	ssyncset.done $0x0  }
0x2e6: {  	[sflag:s22] =	ssyncadd.s32 $0xFFFFFF80  }
0x2e7: {  	_ =	swait.ge [sflag:s22], $0x80  }
0x2e8: {  	[sflag:s22] =	ssyncset.done $0x0  }
0x2e9: {  	[sflag:s22] =	ssyncadd.s32 $0xFFFFFF80  }
0x2ea: {  	_ =	swait.ge [sflag:s22], $0x80  }
0x2eb: {  	[sflag:s22] =	ssyncset.done $0x0  }
0x2ec: {  	[sflag:s22] =	ssyncadd.s32 $0xFFFFFF80  }
0x2ed: {  	_ =	swait.ge [sflag:s22], $0x80  }
0x2ee: {  	[sflag:s22] =	ssyncset.done $0x0  }
0x2ef: {  	[sflag:s22] =	ssyncadd.s32 $0xFFFFFF80  }
0x2f0: {  	_ =	swait.ge [sflag:s22], $0x80  }
0x2f1: {  	[sflag:s22] =	ssyncset.done $0x0  }
0x2f2: {  	[sflag:s22] =	ssyncadd.s32 $0xFFFFFF80  }
0x2f3: {  	_ =	swait.ge [sflag:s22], $0x80  }
0x2f4: {  	[sflag:s22] =	ssyncset.done $0x0  }
0x2f5: {  	s24 =	stileid.u32;
	[sflag:s22] =	ssyncadd.s32 $0xFFFFFF80  }
0x2f6: {  	s12 =	sshll.u32 s24, $0x6;
	[bflag:$0x0] =	sbarrier.arrive $0xFFFF  }
0x2f7: {  	s24 =	sor.u32 $0x1C03, s12;
	s12 =	sshrl.u32 s10, $0x3;
	s26 =	rddreg [dreg:$0x9]  }
0x2f8: {  	[hbm:s26@s8], [sflag:s24] =	dma.strided [spmem:s12@s23], $0xC00, s7, $0x10   }
0x2f9: {  	_ =	swait.ge [sflag:s0], $0xC00  }
0x2fa: {  	[sflag:s0] =	ssyncset.done $0x0  }
0x2fb: {  	s26 =	sshrl.u32 s25, $0x3;
	s11 =	rddreg [dreg:$0xa];
	[sflag:s0] =	ssyncadd.s32 $0xFFFFF400  }
0x2fc: {  	[hbm:s11@s8], [sflag:s24] =	dma.strided [spmem:s26@s23], $0xC00, s7, $0x10   }
0x2fd: {  	_ =	swait.ge [sflag:s0], $0xC00  }
0x2fe: {  	[sflag:s0] =	ssyncset.done $0x0  }
0x2ff: {  	[sflag:s0] =	ssyncadd.s32 $0xFFFFF400  }
0x300: {  	[spmem:s10] =	stream.linear.scatter [tilespmem:s31], [sflag:$0x3], $0x1000, $0x38;
	[tilespmem:$0x15080] =	vst v63  }
0x301: {  	_ =	swait.ge [sflag:s0], $0x1000  }
0x302: {  	[sflag:s0] =	ssyncset.done $0x0  }
0x303: {  	[sflag:s0] =	ssyncadd.s32 $0xFFFFF000  }
0x304: {  	[spmem:s25] =	stream.linear.scatter [tilespmem:s31], [sflag:$0x3], $0x1000, $0x38;
	[tilespmem:$0x15080] =	vst v63  }
0x305: {  	_ =	swait.ge [sflag:s0], $0x1000  }
0x306: {  	[sflag:s0] =	ssyncset.done $0x0  }
0x307: {  	[sflag:s0] =	ssyncadd.s32 $0xFFFFF000  }
0x308: {  	[spmem:s14] =	stream.linear.scatter [tilespmem:s31], [sflag:$0x3], $0x1000, $0x38;
	[tilespmem:$0x15080] =	vst v63  }
0x309: {  	_ =	swait.ge [sflag:s0], $0x1000  }
0x30a: {  	[sflag:s0] =	ssyncset.done $0x0  }
0x30b: {  	[sflag:s0] =	ssyncadd.s32 $0xFFFFF000  }
0x30c: {  	[spmem:s29] =	stream.linear.scatter [tilespmem:s31], [sflag:$0x3], $0x1000, $0x38;
	[tilespmem:$0x15080] =	vst v63  }
0x30d: {  	_ =	swait.ge [sflag:s0], $0x1000  }
0x30e: {  	[sflag:s0] =	ssyncset.done $0x0  }
0x30f: {  	[sflag:s0] =	ssyncadd.s32 $0xFFFFF000  }
0x310: {  	[spmem:s30] =	stream.linear.scatter [tilespmem:s31], [sflag:$0x3], $0x1000, $0x38;
	[tilespmem:$0x15080] =	vst v63  }
0x311: {  	_ =	swait.ge [sflag:s0], $0x1000  }
0x312: {  	[sflag:s0] =	ssyncset.done $0x0  }
0x313: {  	s11 =	smov.u32 s14;
	s14 =	rddreg [dreg:$0x12];
	[sflag:s0] =	ssyncadd.s32 $0xFFFFF000  }
0x314: {  	[spmem:s14] =	stream.linear.scatter [tilespmem:s31], [sflag:$0x3], $0x1000, $0x38;
	[tilespmem:$0x15080] =	vst v63  }
0x315: {  	_ =	swait.ge [sflag:s0], $0x1000  }
0x316: {  	[sflag:s0] =	ssyncset.done $0x0  }
0x317: {  	s18 =	rddreg [dreg:$0x13];
	[sflag:s0] =	ssyncadd.s32 $0xFFFFF000  }
0x318: {  	[spmem:s18] =	stream.linear.scatter [tilespmem:s31], [sflag:$0x3], $0x1000, $0x38;
	[tilespmem:$0x15080] =	vst v63  }
0x319: {  	_ =	swait.ge [sflag:s0], $0x1000  }
0x31a: {  	[sflag:s0] =	ssyncset.done $0x0  }
0x31b: {  	s14 =	rddreg [dreg:$0x14];
	[sflag:s0] =	ssyncadd.s32 $0xFFFFF000  }
0x31c: {  	[spmem:s14] =	stream.linear.scatter [tilespmem:s31], [sflag:$0x3], $0x1000, $0x38;
	[tilespmem:$0x15080] =	vst v63  }
0x31d: {  	_ =	swait.ge [sflag:s0], $0x1000  }
0x31e: {  	[sflag:s0] =	ssyncset.done $0x0  }
0x31f: {  	s18 =	rddreg [dreg:$0x15];
	[sflag:s0] =	ssyncadd.s32 $0xFFFFF000  }
0x320: {  	[spmem:s18] =	stream.linear.scatter [tilespmem:s31], [sflag:$0x3], $0x1000, $0x38;
	[tilespmem:$0x15080] =	vst v63  }
0x321: {  	_ =	swait.ge [sflag:s0], $0x1000  }
0x322: {  	[sflag:s0] =	ssyncset.done $0x0  }
0x323: {  	s14 =	rddreg [dreg:$0x16];
	[sflag:s0] =	ssyncadd.s32 $0xFFFFF000  }
0x324: {  	[spmem:s14] =	stream.linear.scatter [tilespmem:s31], [sflag:$0x3], $0x1000, $0x38;
	[tilespmem:$0x15080] =	vst v63  }
0x325: {  	_ =	swait.ge [sflag:s0], $0x1000  }
0x326: {  	[sflag:s0] =	ssyncset.done $0x0  }
0x327: {  	s18 =	rddreg [dreg:$0x17];
	[sflag:s0] =	ssyncadd.s32 $0xFFFFF000  }
0x328: {  	[spmem:s18] =	stream.linear.scatter [tilespmem:s31], [sflag:$0x3], $0x1000, $0x38;
	[tilespmem:$0x15080] =	vst v63  }
0x329: {  	_ =	swait.ge [sflag:s0], $0x1000  }
0x32a: {  	[sflag:s0] =	ssyncset.done $0x0  }
0x32b: {  	s14 =	rddreg [dreg:$0x18];
	[sflag:s0] =	ssyncadd.s32 $0xFFFFF000  }
0x32c: {  	[spmem:s14] =	stream.linear.scatter [tilespmem:s31], [sflag:$0x3], $0x1000, $0x38;
	[tilespmem:$0x15080] =	vst v63  }
0x32d: {  	_ =	swait.ge [sflag:s0], $0x1000  }
0x32e: {  	[sflag:s0] =	ssyncset.done $0x0  }
0x32f: {  	[sflag:s0] =	ssyncadd.s32 $0xFFFFF000  }
0x330: {  	[bflag:$0x0] =	sbarrier.arrive $0xFFFF  }
0x331: {  	s13 =	simm.s32 $0x0;
	s18 =	rddreg [dreg:$0xb]  }
0x332: {  	[tilespmem:s13], [sflag:$0x1] =	stream.linear.gather [hbm4b:s18+s13], $0x2000, $0x38;
	[tilespmem:$0x15080] =	vst v63  }
0x333: {  	s28 =	simm.s32 $0x4000;
	s18 =	rddreg [dreg:$0xc]  }
0x334: {  	[tilespmem:s28], [sflag:$0x1] =	stream.linear.gather [hbm4b:s18+s13], $0x2000, $0x38;
	[tilespmem:$0x15080] =	vst v63  }
0x335: {  	s17 =	smov.u32 s29;
	s29 =	simm.s32 $0x2000;
	s18 =	rddreg [dreg:$0xd]  }
0x336: {  	[tilespmem:s29], [sflag:$0x1] =	stream.linear.gather [hbm4b:s18+s13], $0x2000, $0x38;
	[tilespmem:$0x15080] =	vst v63  }
0x337: {  	s18 =	rddreg [dreg:$0xe];
	s29 =	simm.s32 $0x6000  }
0x338: {  	[tilespmem:s29], [sflag:$0x1] =	stream.linear.gather [hbm4b:s18+s13], $0x2000, $0x38;
	[tilespmem:$0x15080] =	vst v63  }
0x339: {  	_ =	swait.ge [sflag:s7], $0x2000  }
0x33a: {  	[sflag:s7] =	ssyncset.done $0x0  }
0x33b: {  	[sflag:s7] =	ssyncadd.s32 $0xFFFFE000  }
0x33c: {  	_ =	swait.ge [sflag:s7], $0x2000  }
0x33d: {  	[sflag:s7] =	ssyncset.done $0x0  }
0x33e: {  	[sflag:s7] =	ssyncadd.s32 $0xFFFFE000  }
0x33f: {  	_ =	swait.ge [sflag:s7], $0x2000  }
0x340: {  	[sflag:s7] =	ssyncset.done $0x0  }
0x341: {  	[sflag:s7] =	ssyncadd.s32 $0xFFFFE000  }
0x342: {  	_ =	swait.ge [sflag:s7], $0x2000  }
0x343: {  	[sflag:s7] =	ssyncset.done $0x0  }
0x344: {  	[sflag:s7] =	ssyncadd.s32 $0xFFFFE000  }
0x345: {  	[spmem:s1] =	stream.indirect.scatter.add.f32 [tilespmem:s28], [sflag:$0x2], $0x1, s13, s8, $0xb8;
	[tilespmem:$0x15080] =	vst v63  }
0x346: {  	_ = 	snop  }
0x347: {  	[spmem:s2] =	stream.indirect.scatter.add.f32 [tilespmem:s9], [sflag:$0x2], $0x1, s13, s8, $0xb8;
	[tilespmem:$0x15080] =	vst v63  }
0x348: {  	s14 =	simm.s32 $0x4080  }
0x349: {  	[spmem:s1] =	stream.indirect.scatter.add.f32 [tilespmem:s14], [sflag:$0x2], $0x1, s8, s8, $0xb8;
	[tilespmem:$0x15080] =	vst v63  }
0x34a: {  	_ = 	snop  }
0x34b: {  	[spmem:s2] =	stream.indirect.scatter.add.f32 [tilespmem:s9], [sflag:$0x2], $0x1, s8, s8, $0xb8;
	[tilespmem:$0x15080] =	vst v63  }
0x34c: {  	s18 =	simm.s32 $0x4100;
	s13 =	simm.s32 $0x100  }
0x34d: {  	[spmem:s1] =	stream.indirect.scatter.add.f32 [tilespmem:s18], [sflag:$0x2], $0x1, s13, s8, $0xb8;
	[tilespmem:$0x15080] =	vst v63  }
0x34e: {  	_ = 	snop  }
0x34f: {  	[spmem:s2] =	stream.indirect.scatter.add.f32 [tilespmem:s9], [sflag:$0x2], $0x1, s13, s8, $0xb8;
	[tilespmem:$0x15080] =	vst v63  }
0x350: {  	s18 =	simm.s32 $0x4180;
	s13 =	simm.s32 $0x180  }
0x351: {  	[spmem:s1] =	stream.indirect.scatter.add.f32 [tilespmem:s18], [sflag:$0x2], $0x1, s13, s8, $0xb8;
	[tilespmem:$0x15080] =	vst v63  }
0x352: {  	_ = 	snop  }
0x353: {  	[spmem:s2] =	stream.indirect.scatter.add.f32 [tilespmem:s9], [sflag:$0x2], $0x1, s13, s8, $0xb8;
	[tilespmem:$0x15080] =	vst v63  }
0x354: {  	s18 =	simm.s32 $0x4200;
	s13 =	simm.s32 $0x200  }
0x355: {  	[spmem:s1] =	stream.indirect.scatter.add.f32 [tilespmem:s18], [sflag:$0x2], $0x1, s13, s8, $0xb8;
	[tilespmem:$0x15080] =	vst v63  }
0x356: {  	_ = 	snop  }
0x357: {  	[spmem:s2] =	stream.indirect.scatter.add.f32 [tilespmem:s9], [sflag:$0x2], $0x1, s13, s8, $0xb8;
	[tilespmem:$0x15080] =	vst v63  }
0x358: {  	s18 =	simm.s32 $0x4280;
	s13 =	simm.s32 $0x280  }
0x359: {  	[spmem:s1] =	stream.indirect.scatter.add.f32 [tilespmem:s18], [sflag:$0x2], $0x1, s13, s8, $0xb8;
	[tilespmem:$0x15080] =	vst v63  }
0x35a: {  	_ = 	snop  }
0x35b: {  	[spmem:s2] =	stream.indirect.scatter.add.f32 [tilespmem:s9], [sflag:$0x2], $0x1, s13, s8, $0xb8;
	[tilespmem:$0x15080] =	vst v63  }
0x35c: {  	s18 =	simm.s32 $0x4300;
	s13 =	simm.s32 $0x300  }
0x35d: {  	[spmem:s1] =	stream.indirect.scatter.add.f32 [tilespmem:s18], [sflag:$0x2], $0x1, s13, s8, $0xb8;
	[tilespmem:$0x15080] =	vst v63  }
0x35e: {  	_ = 	snop  }
0x35f: {  	[spmem:s2] =	stream.indirect.scatter.add.f32 [tilespmem:s9], [sflag:$0x2], $0x1, s13, s8, $0xb8;
	[tilespmem:$0x15080] =	vst v63  }
0x360: {  	s18 =	simm.s32 $0x4380;
	s13 =	simm.s32 $0x380  }
0x361: {  	[spmem:s1] =	stream.indirect.scatter.add.f32 [tilespmem:s18], [sflag:$0x2], $0x1, s13, s8, $0xb8;
	[tilespmem:$0x15080] =	vst v63  }
0x362: {  	_ = 	snop  }
0x363: {  	[spmem:s2] =	stream.indirect.scatter.add.f32 [tilespmem:s9], [sflag:$0x2], $0x1, s13, s8, $0xb8;
	[tilespmem:$0x15080] =	vst v63  }
0x364: {  	s14 =	simm.s32 $0x4400  }
0x365: {  	[spmem:s1] =	stream.indirect.scatter.add.f32 [tilespmem:s14], [sflag:$0x2], $0x1, s15, s8, $0xb8;
	[tilespmem:$0x15080] =	vst v63  }
0x366: {  	_ = 	snop  }
0x367: {  	[spmem:s2] =	stream.indirect.scatter.add.f32 [tilespmem:s9], [sflag:$0x2], $0x1, s15, s8, $0xb8;
	[tilespmem:$0x15080] =	vst v63  }
0x368: {  	s18 =	simm.s32 $0x4480  }
0x369: {  	[spmem:s1] =	stream.indirect.scatter.add.f32 [tilespmem:s18], [sflag:$0x2], $0x1, s5, s8, $0xb8;
	[tilespmem:$0x15080] =	vst v63  }
0x36a: {  	_ = 	snop  }
0x36b: {  	[spmem:s2] =	stream.indirect.scatter.add.f32 [tilespmem:s9], [sflag:$0x2], $0x1, s5, s8, $0xb8;
	[tilespmem:$0x15080] =	vst v63  }
0x36c: {  	s14 =	simm.s32 $0x4500  }
0x36d: {  	[spmem:s1] =	stream.indirect.scatter.add.f32 [tilespmem:s14], [sflag:$0x2], $0x1, s16, s8, $0xb8;
	[tilespmem:$0x15080] =	vst v63  }
0x36e: {  	_ = 	snop  }
0x36f: {  	[spmem:s2] =	stream.indirect.scatter.add.f32 [tilespmem:s9], [sflag:$0x2], $0x1, s16, s8, $0xb8;
	[tilespmem:$0x15080] =	vst v63  }
0x370: {  	s18 =	simm.s32 $0x4580  }
0x371: {  	[spmem:s1] =	stream.indirect.scatter.add.f32 [tilespmem:s18], [sflag:$0x2], $0x1, s6, s8, $0xb8;
	[tilespmem:$0x15080] =	vst v63  }
0x372: {  	_ = 	snop  }
0x373: {  	[spmem:s2] =	stream.indirect.scatter.add.f32 [tilespmem:s9], [sflag:$0x2], $0x1, s6, s8, $0xb8;
	[tilespmem:$0x15080] =	vst v63  }
0x374: {  	s14 =	simm.s32 $0x4600  }
0x375: {  	[spmem:s1] =	stream.indirect.scatter.add.f32 [tilespmem:s14], [sflag:$0x2], $0x1, s19, s8, $0xb8;
	[tilespmem:$0x15080] =	vst v63  }
0x376: {  	_ = 	snop  }
0x377: {  	[spmem:s2] =	stream.indirect.scatter.add.f32 [tilespmem:s9], [sflag:$0x2], $0x1, s19, s8, $0xb8;
	[tilespmem:$0x15080] =	vst v63  }
0x378: {  	s18 =	simm.s32 $0x4680  }
0x379: {  	[spmem:s1] =	stream.indirect.scatter.add.f32 [tilespmem:s18], [sflag:$0x2], $0x1, s20, s8, $0xb8;
	[tilespmem:$0x15080] =	vst v63  }
0x37a: {  	_ = 	snop  }
0x37b: {  	[spmem:s2] =	stream.indirect.scatter.add.f32 [tilespmem:s9], [sflag:$0x2], $0x1, s20, s8, $0xb8;
	[tilespmem:$0x15080] =	vst v63  }
0x37c: {  	s14 =	simm.s32 $0x4700  }
0x37d: {  	[spmem:s1] =	stream.indirect.scatter.add.f32 [tilespmem:s14], [sflag:$0x2], $0x1, s4, s8, $0xb8;
	[tilespmem:$0x15080] =	vst v63  }
0x37e: {  	_ = 	snop  }
0x37f: {  	[spmem:s2] =	stream.indirect.scatter.add.f32 [tilespmem:s9], [sflag:$0x2], $0x1, s4, s8, $0xb8;
	[tilespmem:$0x15080] =	vst v63  }
0x380: {  	s18 =	simm.s32 $0x4780  }
0x381: {  	[spmem:s1] =	stream.indirect.scatter.add.f32 [tilespmem:s18], [sflag:$0x2], $0x1, s21, s8, $0xb8;
	[tilespmem:$0x15080] =	vst v63  }
0x382: {  	_ = 	snop  }
0x383: {  	[spmem:s2] =	stream.indirect.scatter.add.f32 [tilespmem:s9], [sflag:$0x2], $0x1, s21, s8, $0xb8;
	[tilespmem:$0x15080] =	vst v63  }
0x384: {  	s28 =	simm.s32 $0x800;
	s14 =	simm.s32 $0x4800  }
0x385: {  	[spmem:s1] =	stream.indirect.scatter.add.f32 [tilespmem:s14], [sflag:$0x2], $0x1, s28, s8, $0xb8;
	[tilespmem:$0x15080] =	vst v63  }
0x386: {  	_ = 	snop  }
0x387: {  	[spmem:s2] =	stream.indirect.scatter.add.f32 [tilespmem:s9], [sflag:$0x2], $0x1, s28, s8, $0xb8;
	[tilespmem:$0x15080] =	vst v63  }
0x388: {  	s18 =	smov.u32 s30;
	s30 =	simm.s32 $0x4880;
	s28 =	simm.s32 $0x880  }
0x389: {  	[spmem:s1] =	stream.indirect.scatter.add.f32 [tilespmem:s30], [sflag:$0x2], $0x1, s28, s8, $0xb8;
	[tilespmem:$0x15080] =	vst v63  }
0x38a: {  	_ = 	snop  }
0x38b: {  	[spmem:s2] =	stream.indirect.scatter.add.f32 [tilespmem:s9], [sflag:$0x2], $0x1, s28, s8, $0xb8;
	[tilespmem:$0x15080] =	vst v63  }
0x38c: {  	s14 =	simm.s32 $0x4900;
	s28 =	simm.s32 $0x900  }
0x38d: {  	[spmem:s1] =	stream.indirect.scatter.add.f32 [tilespmem:s14], [sflag:$0x2], $0x1, s28, s8, $0xb8;
	[tilespmem:$0x15080] =	vst v63  }
0x38e: {  	_ = 	snop  }
0x38f: {  	[spmem:s2] =	stream.indirect.scatter.add.f32 [tilespmem:s9], [sflag:$0x2], $0x1, s28, s8, $0xb8;
	[tilespmem:$0x15080] =	vst v63  }
0x390: {  	s30 =	simm.s32 $0x4980;
	s28 =	simm.s32 $0x980  }
0x391: {  	[spmem:s1] =	stream.indirect.scatter.add.f32 [tilespmem:s30], [sflag:$0x2], $0x1, s28, s8, $0xb8;
	[tilespmem:$0x15080] =	vst v63  }
0x392: {  	_ = 	snop  }
0x393: {  	[spmem:s2] =	stream.indirect.scatter.add.f32 [tilespmem:s9], [sflag:$0x2], $0x1, s28, s8, $0xb8;
	[tilespmem:$0x15080] =	vst v63  }
0x394: {  	s14 =	simm.s32 $0x4A00;
	s28 =	simm.s32 $0xA00  }
0x395: {  	[spmem:s1] =	stream.indirect.scatter.add.f32 [tilespmem:s14], [sflag:$0x2], $0x1, s28, s8, $0xb8;
	[tilespmem:$0x15080] =	vst v63  }
0x396: {  	_ = 	snop  }
0x397: {  	[spmem:s2] =	stream.indirect.scatter.add.f32 [tilespmem:s9], [sflag:$0x2], $0x1, s28, s8, $0xb8;
	[tilespmem:$0x15080] =	vst v63  }
0x398: {  	s30 =	simm.s32 $0x4A80;
	s28 =	simm.s32 $0xA80  }
0x399: {  	[spmem:s1] =	stream.indirect.scatter.add.f32 [tilespmem:s30], [sflag:$0x2], $0x1, s28, s8, $0xb8;
	[tilespmem:$0x15080] =	vst v63  }
0x39a: {  	_ = 	snop  }
0x39b: {  	[spmem:s2] =	stream.indirect.scatter.add.f32 [tilespmem:s9], [sflag:$0x2], $0x1, s28, s8, $0xb8;
	[tilespmem:$0x15080] =	vst v63  }
0x39c: {  	s14 =	simm.s32 $0x4B00;
	s28 =	simm.s32 $0xB00  }
0x39d: {  	[spmem:s1] =	stream.indirect.scatter.add.f32 [tilespmem:s14], [sflag:$0x2], $0x1, s28, s8, $0xb8;
	[tilespmem:$0x15080] =	vst v63  }
0x39e: {  	_ = 	snop  }
0x39f: {  	[spmem:s2] =	stream.indirect.scatter.add.f32 [tilespmem:s9], [sflag:$0x2], $0x1, s28, s8, $0xb8;
	[tilespmem:$0x15080] =	vst v63  }
0x3a0: {  	s30 =	simm.s32 $0x4B80;
	s28 =	simm.s32 $0xB80  }
0x3a1: {  	[spmem:s1] =	stream.indirect.scatter.add.f32 [tilespmem:s30], [sflag:$0x2], $0x1, s28, s8, $0xb8;
	[tilespmem:$0x15080] =	vst v63  }
0x3a2: {  	_ = 	snop  }
0x3a3: {  	[spmem:s2] =	stream.indirect.scatter.add.f32 [tilespmem:s9], [sflag:$0x2], $0x1, s28, s8, $0xb8;
	[tilespmem:$0x15080] =	vst v63  }
0x3a4: {  	s14 =	simm.s32 $0x4C00;
	s28 =	simm.s32 $0xC00  }
0x3a5: {  	[spmem:s1] =	stream.indirect.scatter.add.f32 [tilespmem:s14], [sflag:$0x2], $0x1, s28, s8, $0xb8;
	[tilespmem:$0x15080] =	vst v63  }
0x3a6: {  	_ = 	snop  }
0x3a7: {  	[spmem:s2] =	stream.indirect.scatter.add.f32 [tilespmem:s9], [sflag:$0x2], $0x1, s28, s8, $0xb8;
	[tilespmem:$0x15080] =	vst v63  }
0x3a8: {  	s30 =	simm.s32 $0x4C80;
	s28 =	simm.s32 $0xC80  }
0x3a9: {  	[spmem:s1] =	stream.indirect.scatter.add.f32 [tilespmem:s30], [sflag:$0x2], $0x1, s28, s8, $0xb8;
	[tilespmem:$0x15080] =	vst v63  }
0x3aa: {  	_ = 	snop  }
0x3ab: {  	[spmem:s2] =	stream.indirect.scatter.add.f32 [tilespmem:s9], [sflag:$0x2], $0x1, s28, s8, $0xb8;
	[tilespmem:$0x15080] =	vst v63  }
0x3ac: {  	s14 =	simm.s32 $0x4D00;
	s28 =	simm.s32 $0xD00  }
0x3ad: {  	[spmem:s1] =	stream.indirect.scatter.add.f32 [tilespmem:s14], [sflag:$0x2], $0x1, s28, s8, $0xb8;
	[tilespmem:$0x15080] =	vst v63  }
0x3ae: {  	_ = 	snop  }
0x3af: {  	[spmem:s2] =	stream.indirect.scatter.add.f32 [tilespmem:s9], [sflag:$0x2], $0x1, s28, s8, $0xb8;
	[tilespmem:$0x15080] =	vst v63  }
0x3b0: {  	s30 =	simm.s32 $0x4D80;
	s28 =	simm.s32 $0xD80  }
0x3b1: {  	[spmem:s1] =	stream.indirect.scatter.add.f32 [tilespmem:s30], [sflag:$0x2], $0x1, s28, s8, $0xb8;
	[tilespmem:$0x15080] =	vst v63  }
0x3b2: {  	_ = 	snop  }
0x3b3: {  	[spmem:s2] =	stream.indirect.scatter.add.f32 [tilespmem:s9], [sflag:$0x2], $0x1, s28, s8, $0xb8;
	[tilespmem:$0x15080] =	vst v63  }
0x3b4: {  	s14 =	simm.s32 $0x4E00;
	s28 =	simm.s32 $0xE00  }
0x3b5: {  	[spmem:s1] =	stream.indirect.scatter.add.f32 [tilespmem:s14], [sflag:$0x2], $0x1, s28, s8, $0xb8;
	[tilespmem:$0x15080] =	vst v63  }
0x3b6: {  	_ = 	snop  }
0x3b7: {  	[spmem:s2] =	stream.indirect.scatter.add.f32 [tilespmem:s9], [sflag:$0x2], $0x1, s28, s8, $0xb8;
	[tilespmem:$0x15080] =	vst v63  }
0x3b8: {  	s30 =	simm.s32 $0x4E80;
	s28 =	simm.s32 $0xE80  }
0x3b9: {  	[spmem:s1] =	stream.indirect.scatter.add.f32 [tilespmem:s30], [sflag:$0x2], $0x1, s28, s8, $0xb8;
	[tilespmem:$0x15080] =	vst v63  }
0x3ba: {  	_ = 	snop  }
0x3bb: {  	[spmem:s2] =	stream.indirect.scatter.add.f32 [tilespmem:s9], [sflag:$0x2], $0x1, s28, s8, $0xb8;
	[tilespmem:$0x15080] =	vst v63  }
0x3bc: {  	s14 =	simm.s32 $0x4F00;
	s28 =	simm.s32 $0xF00  }
0x3bd: {  	[spmem:s1] =	stream.indirect.scatter.add.f32 [tilespmem:s14], [sflag:$0x2], $0x1, s28, s8, $0xb8;
	[tilespmem:$0x15080] =	vst v63  }
0x3be: {  	_ = 	snop  }
0x3bf: {  	[spmem:s2] =	stream.indirect.scatter.add.f32 [tilespmem:s9], [sflag:$0x2], $0x1, s28, s8, $0xb8;
	[tilespmem:$0x15080] =	vst v63  }
0x3c0: {  	s30 =	simm.s32 $0x4F80;
	s28 =	simm.s32 $0xF80  }
0x3c1: {  	[spmem:s1] =	stream.indirect.scatter.add.f32 [tilespmem:s30], [sflag:$0x2], $0x1, s28, s8, $0xb8;
	[tilespmem:$0x15080] =	vst v63  }
0x3c2: {  	_ = 	snop  }
0x3c3: {  	[spmem:s2] =	stream.indirect.scatter.add.f32 [tilespmem:s9], [sflag:$0x2], $0x1, s28, s8, $0xb8;
	[tilespmem:$0x15080] =	vst v63  }
0x3c4: {  	_ =	swait.ge [sflag:s22], $0x80  }
0x3c5: {  	[sflag:s22] =	ssyncset.done $0x0  }
0x3c6: {  	[sflag:s22] =	ssyncadd.s32 $0xFFFFFF80  }
0x3c7: {  	_ =	swait.ge [sflag:s22], $0x80  }
0x3c8: {  	[sflag:s22] =	ssyncset.done $0x0  }
0x3c9: {  	[sflag:s22] =	ssyncadd.s32 $0xFFFFFF80  }
0x3ca: {  	_ =	swait.ge [sflag:s22], $0x80  }
0x3cb: {  	[sflag:s22] =	ssyncset.done $0x0  }
0x3cc: {  	[sflag:s22] =	ssyncadd.s32 $0xFFFFFF80  }
0x3cd: {  	_ =	swait.ge [sflag:s22], $0x80  }
0x3ce: {  	[sflag:s22] =	ssyncset.done $0x0  }
0x3cf: {  	[sflag:s22] =	ssyncadd.s32 $0xFFFFFF80  }
0x3d0: {  	_ =	swait.ge [sflag:s22], $0x80  }
0x3d1: {  	[sflag:s22] =	ssyncset.done $0x0  }
0x3d2: {  	[sflag:s22] =	ssyncadd.s32 $0xFFFFFF80  }
0x3d3: {  	_ =	swait.ge [sflag:s22], $0x80  }
0x3d4: {  	[sflag:s22] =	ssyncset.done $0x0  }
0x3d5: {  	[sflag:s22] =	ssyncadd.s32 $0xFFFFFF80  }
0x3d6: {  	_ =	swait.ge [sflag:s22], $0x80  }
0x3d7: {  	[sflag:s22] =	ssyncset.done $0x0  }
0x3d8: {  	[sflag:s22] =	ssyncadd.s32 $0xFFFFFF80  }
0x3d9: {  	_ =	swait.ge [sflag:s22], $0x80  }
0x3da: {  	[sflag:s22] =	ssyncset.done $0x0  }
0x3db: {  	[sflag:s22] =	ssyncadd.s32 $0xFFFFFF80  }
0x3dc: {  	_ =	swait.ge [sflag:s22], $0x80  }
0x3dd: {  	[sflag:s22] =	ssyncset.done $0x0  }
0x3de: {  	[sflag:s22] =	ssyncadd.s32 $0xFFFFFF80  }
0x3df: {  	_ =	swait.ge [sflag:s22], $0x80  }
0x3e0: {  	[sflag:s22] =	ssyncset.done $0x0  }
0x3e1: {  	[sflag:s22] =	ssyncadd.s32 $0xFFFFFF80  }
0x3e2: {  	_ =	swait.ge [sflag:s22], $0x80  }
0x3e3: {  	[sflag:s22] =	ssyncset.done $0x0  }
0x3e4: {  	[sflag:s22] =	ssyncadd.s32 $0xFFFFFF80  }
0x3e5: {  	_ =	swait.ge [sflag:s22], $0x80  }
0x3e6: {  	[sflag:s22] =	ssyncset.done $0x0  }
0x3e7: {  	[sflag:s22] =	ssyncadd.s32 $0xFFFFFF80  }
0x3e8: {  	_ =	swait.ge [sflag:s22], $0x80  }
0x3e9: {  	[sflag:s22] =	ssyncset.done $0x0  }
0x3ea: {  	[sflag:s22] =	ssyncadd.s32 $0xFFFFFF80  }
0x3eb: {  	_ =	swait.ge [sflag:s22], $0x80  }
0x3ec: {  	[sflag:s22] =	ssyncset.done $0x0  }
0x3ed: {  	[sflag:s22] =	ssyncadd.s32 $0xFFFFFF80  }
0x3ee: {  	_ =	swait.ge [sflag:s22], $0x80  }
0x3ef: {  	[sflag:s22] =	ssyncset.done $0x0  }
0x3f0: {  	[sflag:s22] =	ssyncadd.s32 $0xFFFFFF80  }
0x3f1: {  	_ =	swait.ge [sflag:s22], $0x80  }
0x3f2: {  	[sflag:s22] =	ssyncset.done $0x0  }
0x3f3: {  	[sflag:s22] =	ssyncadd.s32 $0xFFFFFF80  }
0x3f4: {  	_ =	swait.ge [sflag:s22], $0x80  }
0x3f5: {  	[sflag:s22] =	ssyncset.done $0x0  }
0x3f6: {  	[sflag:s22] =	ssyncadd.s32 $0xFFFFFF80  }
0x3f7: {  	_ =	swait.ge [sflag:s22], $0x80  }
0x3f8: {  	[sflag:s22] =	ssyncset.done $0x0  }
0x3f9: {  	[sflag:s22] =	ssyncadd.s32 $0xFFFFFF80  }
0x3fa: {  	_ =	swait.ge [sflag:s22], $0x80  }
0x3fb: {  	[sflag:s22] =	ssyncset.done $0x0  }
0x3fc: {  	[sflag:s22] =	ssyncadd.s32 $0xFFFFFF80  }
0x3fd: {  	_ =	swait.ge [sflag:s22], $0x80  }
0x3fe: {  	[sflag:s22] =	ssyncset.done $0x0  }
0x3ff: {  	[sflag:s22] =	ssyncadd.s32 $0xFFFFFF80  }
0x400: {  	_ =	swait.ge [sflag:s22], $0x80  }
0x401: {  	[sflag:s22] =	ssyncset.done $0x0  }
0x402: {  	[sflag:s22] =	ssyncadd.s32 $0xFFFFFF80  }
0x403: {  	_ =	swait.ge [sflag:s22], $0x80  }
0x404: {  	[sflag:s22] =	ssyncset.done $0x0  }
0x405: {  	[sflag:s22] =	ssyncadd.s32 $0xFFFFFF80  }
0x406: {  	_ =	swait.ge [sflag:s22], $0x80  }
0x407: {  	[sflag:s22] =	ssyncset.done $0x0  }
0x408: {  	[sflag:s22] =	ssyncadd.s32 $0xFFFFFF80  }
0x409: {  	_ =	swait.ge [sflag:s22], $0x80  }
0x40a: {  	[sflag:s22] =	ssyncset.done $0x0  }
0x40b: {  	[sflag:s22] =	ssyncadd.s32 $0xFFFFFF80  }
0x40c: {  	_ =	swait.ge [sflag:s22], $0x80  }
0x40d: {  	[sflag:s22] =	ssyncset.done $0x0  }
0x40e: {  	[sflag:s22] =	ssyncadd.s32 $0xFFFFFF80  }
0x40f: {  	_ =	swait.ge [sflag:s22], $0x80  }
0x410: {  	[sflag:s22] =	ssyncset.done $0x0  }
0x411: {  	[sflag:s22] =	ssyncadd.s32 $0xFFFFFF80  }
0x412: {  	_ =	swait.ge [sflag:s22], $0x80  }
0x413: {  	[sflag:s22] =	ssyncset.done $0x0  }
0x414: {  	[sflag:s22] =	ssyncadd.s32 $0xFFFFFF80  }
0x415: {  	_ =	swait.ge [sflag:s22], $0x80  }
0x416: {  	[sflag:s22] =	ssyncset.done $0x0  }
0x417: {  	[sflag:s22] =	ssyncadd.s32 $0xFFFFFF80  }
0x418: {  	_ =	swait.ge [sflag:s22], $0x80  }
0x419: {  	[sflag:s22] =	ssyncset.done $0x0  }
0x41a: {  	[sflag:s22] =	ssyncadd.s32 $0xFFFFFF80  }
0x41b: {  	_ =	swait.ge [sflag:s22], $0x80  }
0x41c: {  	[sflag:s22] =	ssyncset.done $0x0  }
0x41d: {  	[sflag:s22] =	ssyncadd.s32 $0xFFFFFF80  }
0x41e: {  	_ =	swait.ge [sflag:s22], $0x80  }
0x41f: {  	[sflag:s22] =	ssyncset.done $0x0  }
0x420: {  	[sflag:s22] =	ssyncadd.s32 $0xFFFFFF80  }
0x421: {  	_ =	swait.ge [sflag:s22], $0x80  }
0x422: {  	s29 =	simm.s32 $0x800;
	s28 =	simm.s32 $0x4000;
	[sflag:s22] =	ssyncset.done $0x0  }
.LBB2_6:
0x423: {  	s13 =	sadd.s32 $0x4800, s29;
	s30 =	sadd.s32 $0x800, s29;
	[sflag:s22] =	ssyncadd.s32 $0xFFFFFF80  }
0x424: {  	[spmem:s1] =	stream.indirect.scatter.add.f32 [tilespmem:s13], [sflag:$0x2], $0x1, s30, s8, $0xb8;
	[tilespmem:$0x15080] =	vst v63  }
0x425: {  	p0 =	seq.s32 s28, $0xC000;
	s13 =	smov.u32 s28;
	s28 =	sadd.s32 $0x2000, s28  }
0x426: {  	[spmem:s2] =	stream.indirect.scatter.add.f32 [tilespmem:s9], [sflag:$0x2], $0x1, s30, s8, $0xb8;
	[tilespmem:$0x15080] =	vst v63  }
0x427: {  	s14 =	sadd.s32 $0x880, s29;
	s30 =	sadd.s32 $0x4880, s29  }
0x428: {  	[spmem:s1] =	stream.indirect.scatter.add.f32 [tilespmem:s30], [sflag:$0x2], $0x1, s14, s8, $0xb8;
	[tilespmem:$0x15080] =	vst v63  }
0x429: {  	_ = 	snop  }
0x42a: {  	[spmem:s2] =	stream.indirect.scatter.add.f32 [tilespmem:s9], [sflag:$0x2], $0x1, s14, s8, $0xb8;
	[tilespmem:$0x15080] =	vst v63  }
0x42b: {  	s30 =	sadd.s32 $0x900, s29;
	s14 =	sadd.s32 $0x4900, s29  }
0x42c: {  	[spmem:s1] =	stream.indirect.scatter.add.f32 [tilespmem:s14], [sflag:$0x2], $0x1, s30, s8, $0xb8;
	[tilespmem:$0x15080] =	vst v63  }
0x42d: {  	_ = 	snop  }
0x42e: {  	[spmem:s2] =	stream.indirect.scatter.add.f32 [tilespmem:s9], [sflag:$0x2], $0x1, s30, s8, $0xb8;
	[tilespmem:$0x15080] =	vst v63  }
0x42f: {  	s14 =	sadd.s32 $0x4980, s29;
	s30 =	sadd.s32 $0x980, s29  }
0x430: {  	[spmem:s1] =	stream.indirect.scatter.add.f32 [tilespmem:s14], [sflag:$0x2], $0x1, s30, s8, $0xb8;
	[tilespmem:$0x15080] =	vst v63  }
0x431: {  	_ = 	snop  }
0x432: {  	[spmem:s2] =	stream.indirect.scatter.add.f32 [tilespmem:s9], [sflag:$0x2], $0x1, s30, s8, $0xb8;
	[tilespmem:$0x15080] =	vst v63  }
0x433: {  	s14 =	sadd.s32 $0x4A00, s29;
	s30 =	sadd.s32 $0xA00, s29  }
0x434: {  	[spmem:s1] =	stream.indirect.scatter.add.f32 [tilespmem:s14], [sflag:$0x2], $0x1, s30, s8, $0xb8;
	[tilespmem:$0x15080] =	vst v63  }
0x435: {  	_ = 	snop  }
0x436: {  	[spmem:s2] =	stream.indirect.scatter.add.f32 [tilespmem:s9], [sflag:$0x2], $0x1, s30, s8, $0xb8;
	[tilespmem:$0x15080] =	vst v63  }
0x437: {  	s14 =	sadd.s32 $0x4A80, s29;
	s30 =	sadd.s32 $0xA80, s29  }
0x438: {  	[spmem:s1] =	stream.indirect.scatter.add.f32 [tilespmem:s14], [sflag:$0x2], $0x1, s30, s8, $0xb8;
	[tilespmem:$0x15080] =	vst v63  }
0x439: {  	_ = 	snop  }
0x43a: {  	[spmem:s2] =	stream.indirect.scatter.add.f32 [tilespmem:s9], [sflag:$0x2], $0x1, s30, s8, $0xb8;
	[tilespmem:$0x15080] =	vst v63  }
0x43b: {  	s14 =	sadd.s32 $0x4B00, s29;
	s30 =	sadd.s32 $0xB00, s29  }
0x43c: {  	[spmem:s1] =	stream.indirect.scatter.add.f32 [tilespmem:s14], [sflag:$0x2], $0x1, s30, s8, $0xb8;
	[tilespmem:$0x15080] =	vst v63  }
0x43d: {  	_ = 	snop  }
0x43e: {  	[spmem:s2] =	stream.indirect.scatter.add.f32 [tilespmem:s9], [sflag:$0x2], $0x1, s30, s8, $0xb8;
	[tilespmem:$0x15080] =	vst v63  }
0x43f: {  	s14 =	sadd.s32 $0x4B80, s29;
	s30 =	sadd.s32 $0xB80, s29  }
0x440: {  	[spmem:s1] =	stream.indirect.scatter.add.f32 [tilespmem:s14], [sflag:$0x2], $0x1, s30, s8, $0xb8;
	[tilespmem:$0x15080] =	vst v63  }
0x441: {  	_ = 	snop  }
0x442: {  	[spmem:s2] =	stream.indirect.scatter.add.f32 [tilespmem:s9], [sflag:$0x2], $0x1, s30, s8, $0xb8;
	[tilespmem:$0x15080] =	vst v63  }
0x443: {  	s14 =	sadd.s32 $0x4C00, s29;
	s30 =	sadd.s32 $0xC00, s29  }
0x444: {  	[spmem:s1] =	stream.indirect.scatter.add.f32 [tilespmem:s14], [sflag:$0x2], $0x1, s30, s8, $0xb8;
	[tilespmem:$0x15080] =	vst v63  }
0x445: {  	_ = 	snop  }
0x446: {  	[spmem:s2] =	stream.indirect.scatter.add.f32 [tilespmem:s9], [sflag:$0x2], $0x1, s30, s8, $0xb8;
	[tilespmem:$0x15080] =	vst v63  }
0x447: {  	s14 =	sadd.s32 $0x4C80, s29;
	s30 =	sadd.s32 $0xC80, s29  }
0x448: {  	[spmem:s1] =	stream.indirect.scatter.add.f32 [tilespmem:s14], [sflag:$0x2], $0x1, s30, s8, $0xb8;
	[tilespmem:$0x15080] =	vst v63  }
0x449: {  	_ = 	snop  }
0x44a: {  	[spmem:s2] =	stream.indirect.scatter.add.f32 [tilespmem:s9], [sflag:$0x2], $0x1, s30, s8, $0xb8;
	[tilespmem:$0x15080] =	vst v63  }
0x44b: {  	s14 =	sadd.s32 $0x4D00, s29;
	s30 =	sadd.s32 $0xD00, s29  }
0x44c: {  	[spmem:s1] =	stream.indirect.scatter.add.f32 [tilespmem:s14], [sflag:$0x2], $0x1, s30, s8, $0xb8;
	[tilespmem:$0x15080] =	vst v63  }
0x44d: {  	_ = 	snop  }
0x44e: {  	[spmem:s2] =	stream.indirect.scatter.add.f32 [tilespmem:s9], [sflag:$0x2], $0x1, s30, s8, $0xb8;
	[tilespmem:$0x15080] =	vst v63  }
0x44f: {  	s14 =	sadd.s32 $0x4D80, s29;
	s30 =	sadd.s32 $0xD80, s29  }
0x450: {  	[spmem:s1] =	stream.indirect.scatter.add.f32 [tilespmem:s14], [sflag:$0x2], $0x1, s30, s8, $0xb8;
	[tilespmem:$0x15080] =	vst v63  }
0x451: {  	_ = 	snop  }
0x452: {  	[spmem:s2] =	stream.indirect.scatter.add.f32 [tilespmem:s9], [sflag:$0x2], $0x1, s30, s8, $0xb8;
	[tilespmem:$0x15080] =	vst v63  }
0x453: {  	s14 =	sadd.s32 $0x4E00, s29;
	s30 =	sadd.s32 $0xE00, s29  }
0x454: {  	[spmem:s1] =	stream.indirect.scatter.add.f32 [tilespmem:s14], [sflag:$0x2], $0x1, s30, s8, $0xb8;
	[tilespmem:$0x15080] =	vst v63  }
0x455: {  	_ = 	snop  }
0x456: {  	[spmem:s2] =	stream.indirect.scatter.add.f32 [tilespmem:s9], [sflag:$0x2], $0x1, s30, s8, $0xb8;
	[tilespmem:$0x15080] =	vst v63  }
0x457: {  	s14 =	sadd.s32 $0x4E80, s29;
	s30 =	sadd.s32 $0xE80, s29  }
0x458: {  	[spmem:s1] =	stream.indirect.scatter.add.f32 [tilespmem:s14], [sflag:$0x2], $0x1, s30, s8, $0xb8;
	[tilespmem:$0x15080] =	vst v63  }
0x459: {  	_ = 	snop  }
0x45a: {  	[spmem:s2] =	stream.indirect.scatter.add.f32 [tilespmem:s9], [sflag:$0x2], $0x1, s30, s8, $0xb8;
	[tilespmem:$0x15080] =	vst v63  }
0x45b: {  	s14 =	sadd.s32 $0x4F00, s29;
	s30 =	sadd.s32 $0xF00, s29  }
0x45c: {  	[spmem:s1] =	stream.indirect.scatter.add.f32 [tilespmem:s14], [sflag:$0x2], $0x1, s30, s8, $0xb8;
	[tilespmem:$0x15080] =	vst v63  }
0x45d: {  	_ = 	snop  }
0x45e: {  	[spmem:s2] =	stream.indirect.scatter.add.f32 [tilespmem:s9], [sflag:$0x2], $0x1, s30, s8, $0xb8;
	[tilespmem:$0x15080] =	vst v63  }
0x45f: {  	s14 =	sadd.s32 $0x4F80, s29;
	s29 =	sadd.s32 $0xF80, s29  }
0x460: {  	[spmem:s1] =	stream.indirect.scatter.add.f32 [tilespmem:s14], [sflag:$0x2], $0x1, s29, s8, $0xb8;
	[tilespmem:$0x15080] =	vst v63  }
0x461: {  	_ = 	snop  }
0x462: {  	[spmem:s2] =	stream.indirect.scatter.add.f32 [tilespmem:s9], [sflag:$0x2], $0x1, s29, s8, $0xb8;
	[tilespmem:$0x15080] =	vst v63  }
0x463: {  	_ =	swait.ge [sflag:s22], $0x80  }
0x464: {  	[sflag:s22] =	ssyncset.done $0x0  }
0x465: {  	[sflag:s22] =	ssyncadd.s32 $0xFFFFFF80  }
0x466: {  	_ =	swait.ge [sflag:s22], $0x80  }
0x467: {  	[sflag:s22] =	ssyncset.done $0x0  }
0x468: {  	[sflag:s22] =	ssyncadd.s32 $0xFFFFFF80  }
0x469: {  	_ =	swait.ge [sflag:s22], $0x80  }
0x46a: {  	[sflag:s22] =	ssyncset.done $0x0  }
0x46b: {  	[sflag:s22] =	ssyncadd.s32 $0xFFFFFF80  }
0x46c: {  	_ =	swait.ge [sflag:s22], $0x80  }
0x46d: {  	[sflag:s22] =	ssyncset.done $0x0  }
0x46e: {  	[sflag:s22] =	ssyncadd.s32 $0xFFFFFF80  }
0x46f: {  	_ =	swait.ge [sflag:s22], $0x80  }
0x470: {  	[sflag:s22] =	ssyncset.done $0x0  }
0x471: {  	[sflag:s22] =	ssyncadd.s32 $0xFFFFFF80  }
0x472: {  	_ =	swait.ge [sflag:s22], $0x80  }
0x473: {  	[sflag:s22] =	ssyncset.done $0x0  }
0x474: {  	[sflag:s22] =	ssyncadd.s32 $0xFFFFFF80  }
0x475: {  	_ =	swait.ge [sflag:s22], $0x80  }
0x476: {  	[sflag:s22] =	ssyncset.done $0x0  }
0x477: {  	[sflag:s22] =	ssyncadd.s32 $0xFFFFFF80  }
0x478: {  	_ =	swait.ge [sflag:s22], $0x80  }
0x479: {  	[sflag:s22] =	ssyncset.done $0x0  }
0x47a: {  	[sflag:s22] =	ssyncadd.s32 $0xFFFFFF80  }
0x47b: {  	_ =	swait.ge [sflag:s22], $0x80  }
0x47c: {  	[sflag:s22] =	ssyncset.done $0x0  }
0x47d: {  	[sflag:s22] =	ssyncadd.s32 $0xFFFFFF80  }
0x47e: {  	_ =	swait.ge [sflag:s22], $0x80  }
0x47f: {  	[sflag:s22] =	ssyncset.done $0x0  }
0x480: {  	[sflag:s22] =	ssyncadd.s32 $0xFFFFFF80  }
0x481: {  	_ =	swait.ge [sflag:s22], $0x80  }
0x482: {  	[sflag:s22] =	ssyncset.done $0x0  }
0x483: {  	[sflag:s22] =	ssyncadd.s32 $0xFFFFFF80  }
0x484: {  	_ =	swait.ge [sflag:s22], $0x80  }
0x485: {  	[sflag:s22] =	ssyncset.done $0x0  }
0x486: {  	[sflag:s22] =	ssyncadd.s32 $0xFFFFFF80  }
0x487: {  	_ =	swait.ge [sflag:s22], $0x80  }
0x488: {  	[sflag:s22] =	ssyncset.done $0x0  }
0x489: {  	[sflag:s22] =	ssyncadd.s32 $0xFFFFFF80  }
0x48a: {  	_ =	swait.ge [sflag:s22], $0x80  }
0x48b: {  	[sflag:s22] =	ssyncset.done $0x0  }
0x48c: {  	[sflag:s22] =	ssyncadd.s32 $0xFFFFFF80  }
0x48d: {  	_ =	swait.ge [sflag:s22], $0x80  }
0x48e: {  	[sflag:s22] =	ssyncset.done $0x0  }
0x48f: {  	[sflag:s22] =	ssyncadd.s32 $0xFFFFFF80  }
0x490: {  	_ =	swait.ge [sflag:s22], $0x80  }
0x491: {  	[sflag:s22] =	ssyncset.done $0x0  }
0x492: {  	[sflag:s22] =	ssyncadd.s32 $0xFFFFFF80  }
0x493: {  	_ =	swait.ge [sflag:s22], $0x80  }
0x494: {  	[sflag:s22] =	ssyncset.done $0x0  }
0x495: {  	[sflag:s22] =	ssyncadd.s32 $0xFFFFFF80  }
0x496: {  	_ =	swait.ge [sflag:s22], $0x80  }
0x497: {  	[sflag:s22] =	ssyncset.done $0x0  }
0x498: {  	[sflag:s22] =	ssyncadd.s32 $0xFFFFFF80  }
0x499: {  	_ =	swait.ge [sflag:s22], $0x80  }
0x49a: {  	[sflag:s22] =	ssyncset.done $0x0  }
0x49b: {  	[sflag:s22] =	ssyncadd.s32 $0xFFFFFF80  }
0x49c: {  	_ =	swait.ge [sflag:s22], $0x80  }
0x49d: {  	[sflag:s22] =	ssyncset.done $0x0  }
0x49e: {  	[sflag:s22] =	ssyncadd.s32 $0xFFFFFF80  }
0x49f: {  	_ =	swait.ge [sflag:s22], $0x80  }
0x4a0: {  	[sflag:s22] =	ssyncset.done $0x0  }
0x4a1: {  	[sflag:s22] =	ssyncadd.s32 $0xFFFFFF80  }
0x4a2: {  	_ =	swait.ge [sflag:s22], $0x80  }
0x4a3: {  	[sflag:s22] =	ssyncset.done $0x0  }
0x4a4: {  	[sflag:s22] =	ssyncadd.s32 $0xFFFFFF80  }
0x4a5: {  	_ =	swait.ge [sflag:s22], $0x80  }
0x4a6: {  	[sflag:s22] =	ssyncset.done $0x0  }
0x4a7: {  	[sflag:s22] =	ssyncadd.s32 $0xFFFFFF80  }
0x4a8: {  	_ =	swait.ge [sflag:s22], $0x80  }
0x4a9: {  	[sflag:s22] =	ssyncset.done $0x0  }
0x4aa: {  	[sflag:s22] =	ssyncadd.s32 $0xFFFFFF80  }
0x4ab: {  	_ =	swait.ge [sflag:s22], $0x80  }
0x4ac: {  	[sflag:s22] =	ssyncset.done $0x0  }
0x4ad: {  	[sflag:s22] =	ssyncadd.s32 $0xFFFFFF80  }
0x4ae: {  	_ =	swait.ge [sflag:s22], $0x80  }
0x4af: {  	[sflag:s22] =	ssyncset.done $0x0  }
0x4b0: {  	[sflag:s22] =	ssyncadd.s32 $0xFFFFFF80  }
0x4b1: {  	_ =	swait.ge [sflag:s22], $0x80  }
0x4b2: {  	[sflag:s22] =	ssyncset.done $0x0  }
0x4b3: {  	[sflag:s22] =	ssyncadd.s32 $0xFFFFFF80  }
0x4b4: {  	_ =	swait.ge [sflag:s22], $0x80  }
0x4b5: {  	[sflag:s22] =	ssyncset.done $0x0  }
0x4b6: {  	[sflag:s22] =	ssyncadd.s32 $0xFFFFFF80  }
0x4b7: {  	_ =	swait.ge [sflag:s22], $0x80  }
0x4b8: {  	[sflag:s22] =	ssyncset.done $0x0  }
0x4b9: {  	[sflag:s22] =	ssyncadd.s32 $0xFFFFFF80  }
0x4ba: {  	_ =	swait.ge [sflag:s22], $0x80  }
0x4bb: {  	[sflag:s22] =	ssyncset.done $0x0  }
0x4bc: {  	[sflag:s22] =	ssyncadd.s32 $0xFFFFFF80  }
.Ltmp2:
0x4bd: {  	_ =	swait.ge [sflag:s22], $0x80;
	(pc) =	sbr.rel @!p0 .LBB2_6-.Ltmp2, $4  }
0x4be: {  	[sflag:s22] =	ssyncset.done $0x0  }
0x4bf: {  	[sflag:s22] =	ssyncadd.s32 $0xFFFFFF80  }
0x4c0: {  	_ =	swait.ge [sflag:s22], $0x80  }
0x4c1: {  	s29 =	sshra.s32 s13, $0x2;
	[sflag:s22] =	ssyncset.done $0x0  }
0x4c2: {  	s13 =	sadd.s32 $0x4800, s29;
	s14 =	sadd.s32 $0x800, s29;
	[sflag:s22] =	ssyncadd.s32 $0xFFFFFF80  }
0x4c3: {  	[spmem:s1] =	stream.indirect.scatter.add.f32 [tilespmem:s13], [sflag:$0x2], $0x1, s14, s8, $0xb8;
	[tilespmem:$0x15080] =	vst v63  }
0x4c4: {  	_ = 	snop  }
0x4c5: {  	[spmem:s2] =	stream.indirect.scatter.add.f32 [tilespmem:s9], [sflag:$0x2], $0x1, s14, s8, $0xb8;
	[tilespmem:$0x15080] =	vst v63  }
0x4c6: {  	s28 =	sadd.s32 $0x880, s29;
	s14 =	sadd.s32 $0x4880, s29  }
0x4c7: {  	[spmem:s1] =	stream.indirect.scatter.add.f32 [tilespmem:s14], [sflag:$0x2], $0x1, s28, s8, $0xb8;
	[tilespmem:$0x15080] =	vst v63  }
0x4c8: {  	_ = 	snop  }
0x4c9: {  	[spmem:s2] =	stream.indirect.scatter.add.f32 [tilespmem:s9], [sflag:$0x2], $0x1, s28, s8, $0xb8;
	[tilespmem:$0x15080] =	vst v63  }
0x4ca: {  	s14 =	sadd.s32 $0x4900, s29;
	s28 =	sadd.s32 $0x900, s29  }
0x4cb: {  	[spmem:s1] =	stream.indirect.scatter.add.f32 [tilespmem:s14], [sflag:$0x2], $0x1, s28, s8, $0xb8;
	[tilespmem:$0x15080] =	vst v63  }
0x4cc: {  	_ = 	snop  }
0x4cd: {  	[spmem:s2] =	stream.indirect.scatter.add.f32 [tilespmem:s9], [sflag:$0x2], $0x1, s28, s8, $0xb8;
	[tilespmem:$0x15080] =	vst v63  }
0x4ce: {  	s14 =	sadd.s32 $0x4980, s29;
	s28 =	sadd.s32 $0x980, s29  }
0x4cf: {  	[spmem:s1] =	stream.indirect.scatter.add.f32 [tilespmem:s14], [sflag:$0x2], $0x1, s28, s8, $0xb8;
	[tilespmem:$0x15080] =	vst v63  }
0x4d0: {  	_ = 	snop  }
0x4d1: {  	[spmem:s2] =	stream.indirect.scatter.add.f32 [tilespmem:s9], [sflag:$0x2], $0x1, s28, s8, $0xb8;
	[tilespmem:$0x15080] =	vst v63  }
0x4d2: {  	s14 =	sadd.s32 $0x4A00, s29;
	s28 =	sadd.s32 $0xA00, s29  }
0x4d3: {  	[spmem:s1] =	stream.indirect.scatter.add.f32 [tilespmem:s14], [sflag:$0x2], $0x1, s28, s8, $0xb8;
	[tilespmem:$0x15080] =	vst v63  }
0x4d4: {  	_ = 	snop  }
0x4d5: {  	[spmem:s2] =	stream.indirect.scatter.add.f32 [tilespmem:s9], [sflag:$0x2], $0x1, s28, s8, $0xb8;
	[tilespmem:$0x15080] =	vst v63  }
0x4d6: {  	s14 =	sadd.s32 $0x4A80, s29;
	s28 =	sadd.s32 $0xA80, s29  }
0x4d7: {  	[spmem:s1] =	stream.indirect.scatter.add.f32 [tilespmem:s14], [sflag:$0x2], $0x1, s28, s8, $0xb8;
	[tilespmem:$0x15080] =	vst v63  }
0x4d8: {  	_ = 	snop  }
0x4d9: {  	[spmem:s2] =	stream.indirect.scatter.add.f32 [tilespmem:s9], [sflag:$0x2], $0x1, s28, s8, $0xb8;
	[tilespmem:$0x15080] =	vst v63  }
0x4da: {  	s14 =	sadd.s32 $0x4B00, s29;
	s28 =	sadd.s32 $0xB00, s29  }
0x4db: {  	[spmem:s1] =	stream.indirect.scatter.add.f32 [tilespmem:s14], [sflag:$0x2], $0x1, s28, s8, $0xb8;
	[tilespmem:$0x15080] =	vst v63  }
0x4dc: {  	_ = 	snop  }
0x4dd: {  	[spmem:s2] =	stream.indirect.scatter.add.f32 [tilespmem:s9], [sflag:$0x2], $0x1, s28, s8, $0xb8;
	[tilespmem:$0x15080] =	vst v63  }
0x4de: {  	s14 =	sadd.s32 $0x4B80, s29;
	s28 =	sadd.s32 $0xB80, s29  }
0x4df: {  	[spmem:s1] =	stream.indirect.scatter.add.f32 [tilespmem:s14], [sflag:$0x2], $0x1, s28, s8, $0xb8;
	[tilespmem:$0x15080] =	vst v63  }
0x4e0: {  	_ = 	snop  }
0x4e1: {  	[spmem:s2] =	stream.indirect.scatter.add.f32 [tilespmem:s9], [sflag:$0x2], $0x1, s28, s8, $0xb8;
	[tilespmem:$0x15080] =	vst v63  }
0x4e2: {  	s14 =	sadd.s32 $0x4C00, s29;
	s28 =	sadd.s32 $0xC00, s29  }
0x4e3: {  	[spmem:s1] =	stream.indirect.scatter.add.f32 [tilespmem:s14], [sflag:$0x2], $0x1, s28, s8, $0xb8;
	[tilespmem:$0x15080] =	vst v63  }
0x4e4: {  	_ = 	snop  }
0x4e5: {  	[spmem:s2] =	stream.indirect.scatter.add.f32 [tilespmem:s9], [sflag:$0x2], $0x1, s28, s8, $0xb8;
	[tilespmem:$0x15080] =	vst v63  }
0x4e6: {  	s14 =	sadd.s32 $0x4C80, s29;
	s28 =	sadd.s32 $0xC80, s29  }
0x4e7: {  	[spmem:s1] =	stream.indirect.scatter.add.f32 [tilespmem:s14], [sflag:$0x2], $0x1, s28, s8, $0xb8;
	[tilespmem:$0x15080] =	vst v63  }
0x4e8: {  	_ = 	snop  }
0x4e9: {  	[spmem:s2] =	stream.indirect.scatter.add.f32 [tilespmem:s9], [sflag:$0x2], $0x1, s28, s8, $0xb8;
	[tilespmem:$0x15080] =	vst v63  }
0x4ea: {  	s14 =	sadd.s32 $0x4D00, s29;
	s28 =	sadd.s32 $0xD00, s29  }
0x4eb: {  	[spmem:s1] =	stream.indirect.scatter.add.f32 [tilespmem:s14], [sflag:$0x2], $0x1, s28, s8, $0xb8;
	[tilespmem:$0x15080] =	vst v63  }
0x4ec: {  	_ = 	snop  }
0x4ed: {  	[spmem:s2] =	stream.indirect.scatter.add.f32 [tilespmem:s9], [sflag:$0x2], $0x1, s28, s8, $0xb8;
	[tilespmem:$0x15080] =	vst v63  }
0x4ee: {  	s14 =	sadd.s32 $0x4D80, s29;
	s28 =	sadd.s32 $0xD80, s29  }
0x4ef: {  	[spmem:s1] =	stream.indirect.scatter.add.f32 [tilespmem:s14], [sflag:$0x2], $0x1, s28, s8, $0xb8;
	[tilespmem:$0x15080] =	vst v63  }
0x4f0: {  	_ = 	snop  }
0x4f1: {  	[spmem:s2] =	stream.indirect.scatter.add.f32 [tilespmem:s9], [sflag:$0x2], $0x1, s28, s8, $0xb8;
	[tilespmem:$0x15080] =	vst v63  }
0x4f2: {  	s14 =	sadd.s32 $0x4E00, s29;
	s28 =	sadd.s32 $0xE00, s29  }
0x4f3: {  	[spmem:s1] =	stream.indirect.scatter.add.f32 [tilespmem:s14], [sflag:$0x2], $0x1, s28, s8, $0xb8;
	[tilespmem:$0x15080] =	vst v63  }
0x4f4: {  	_ = 	snop  }
0x4f5: {  	[spmem:s2] =	stream.indirect.scatter.add.f32 [tilespmem:s9], [sflag:$0x2], $0x1, s28, s8, $0xb8;
	[tilespmem:$0x15080] =	vst v63  }
0x4f6: {  	s14 =	sadd.s32 $0x4E80, s29;
	s28 =	sadd.s32 $0xE80, s29  }
0x4f7: {  	[spmem:s1] =	stream.indirect.scatter.add.f32 [tilespmem:s14], [sflag:$0x2], $0x1, s28, s8, $0xb8;
	[tilespmem:$0x15080] =	vst v63  }
0x4f8: {  	_ = 	snop  }
0x4f9: {  	[spmem:s2] =	stream.indirect.scatter.add.f32 [tilespmem:s9], [sflag:$0x2], $0x1, s28, s8, $0xb8;
	[tilespmem:$0x15080] =	vst v63  }
0x4fa: {  	s14 =	sadd.s32 $0x4F00, s29;
	s28 =	sadd.s32 $0xF00, s29  }
0x4fb: {  	[spmem:s1] =	stream.indirect.scatter.add.f32 [tilespmem:s14], [sflag:$0x2], $0x1, s28, s8, $0xb8;
	[tilespmem:$0x15080] =	vst v63  }
0x4fc: {  	_ = 	snop  }
0x4fd: {  	[spmem:s2] =	stream.indirect.scatter.add.f32 [tilespmem:s9], [sflag:$0x2], $0x1, s28, s8, $0xb8;
	[tilespmem:$0x15080] =	vst v63  }
0x4fe: {  	s14 =	sadd.s32 $0x4F80, s29;
	s28 =	sadd.s32 $0xF80, s29  }
0x4ff: {  	[spmem:s1] =	stream.indirect.scatter.add.f32 [tilespmem:s14], [sflag:$0x2], $0x1, s28, s8, $0xb8;
	[tilespmem:$0x15080] =	vst v63  }
0x500: {  	_ = 	snop  }
0x501: {  	[spmem:s2] =	stream.indirect.scatter.add.f32 [tilespmem:s9], [sflag:$0x2], $0x1, s28, s8, $0xb8;
	[tilespmem:$0x15080] =	vst v63  }
0x502: {  	_ =	swait.ge [sflag:s22], $0x80  }
0x503: {  	[sflag:s22] =	ssyncset.done $0x0  }
0x504: {  	[sflag:s22] =	ssyncadd.s32 $0xFFFFFF80  }
0x505: {  	_ =	swait.ge [sflag:s22], $0x80  }
0x506: {  	[sflag:s22] =	ssyncset.done $0x0  }
0x507: {  	[sflag:s22] =	ssyncadd.s32 $0xFFFFFF80  }
0x508: {  	_ =	swait.ge [sflag:s22], $0x80  }
0x509: {  	[sflag:s22] =	ssyncset.done $0x0  }
0x50a: {  	[sflag:s22] =	ssyncadd.s32 $0xFFFFFF80  }
0x50b: {  	_ =	swait.ge [sflag:s22], $0x80  }
0x50c: {  	[sflag:s22] =	ssyncset.done $0x0  }
0x50d: {  	[sflag:s22] =	ssyncadd.s32 $0xFFFFFF80  }
0x50e: {  	_ =	swait.ge [sflag:s22], $0x80  }
0x50f: {  	[sflag:s22] =	ssyncset.done $0x0  }
0x510: {  	[sflag:s22] =	ssyncadd.s32 $0xFFFFFF80  }
0x511: {  	_ =	swait.ge [sflag:s22], $0x80  }
0x512: {  	[sflag:s22] =	ssyncset.done $0x0  }
0x513: {  	[sflag:s22] =	ssyncadd.s32 $0xFFFFFF80  }
0x514: {  	_ =	swait.ge [sflag:s22], $0x80  }
0x515: {  	[sflag:s22] =	ssyncset.done $0x0  }
0x516: {  	[sflag:s22] =	ssyncadd.s32 $0xFFFFFF80  }
0x517: {  	_ =	swait.ge [sflag:s22], $0x80  }
0x518: {  	[sflag:s22] =	ssyncset.done $0x0  }
0x519: {  	[sflag:s22] =	ssyncadd.s32 $0xFFFFFF80  }
0x51a: {  	_ =	swait.ge [sflag:s22], $0x80  }
0x51b: {  	[sflag:s22] =	ssyncset.done $0x0  }
0x51c: {  	[sflag:s22] =	ssyncadd.s32 $0xFFFFFF80  }
0x51d: {  	_ =	swait.ge [sflag:s22], $0x80  }
0x51e: {  	[sflag:s22] =	ssyncset.done $0x0  }
0x51f: {  	[sflag:s22] =	ssyncadd.s32 $0xFFFFFF80  }
0x520: {  	_ =	swait.ge [sflag:s22], $0x80  }
0x521: {  	[sflag:s22] =	ssyncset.done $0x0  }
0x522: {  	[sflag:s22] =	ssyncadd.s32 $0xFFFFFF80  }
0x523: {  	_ =	swait.ge [sflag:s22], $0x80  }
0x524: {  	[sflag:s22] =	ssyncset.done $0x0  }
0x525: {  	[sflag:s22] =	ssyncadd.s32 $0xFFFFFF80  }
0x526: {  	_ =	swait.ge [sflag:s22], $0x80  }
0x527: {  	[sflag:s22] =	ssyncset.done $0x0  }
0x528: {  	[sflag:s22] =	ssyncadd.s32 $0xFFFFFF80  }
0x529: {  	_ =	swait.ge [sflag:s22], $0x80  }
0x52a: {  	[sflag:s22] =	ssyncset.done $0x0  }
0x52b: {  	[sflag:s22] =	ssyncadd.s32 $0xFFFFFF80  }
0x52c: {  	_ =	swait.ge [sflag:s22], $0x80  }
0x52d: {  	[sflag:s22] =	ssyncset.done $0x0  }
0x52e: {  	[sflag:s22] =	ssyncadd.s32 $0xFFFFFF80  }
0x52f: {  	_ =	swait.ge [sflag:s22], $0x80  }
0x530: {  	[sflag:s22] =	ssyncset.done $0x0  }
0x531: {  	[sflag:s22] =	ssyncadd.s32 $0xFFFFFF80  }
0x532: {  	_ =	swait.ge [sflag:s22], $0x80  }
0x533: {  	[sflag:s22] =	ssyncset.done $0x0  }
0x534: {  	[sflag:s22] =	ssyncadd.s32 $0xFFFFFF80  }
0x535: {  	_ =	swait.ge [sflag:s22], $0x80  }
0x536: {  	[sflag:s22] =	ssyncset.done $0x0  }
0x537: {  	[sflag:s22] =	ssyncadd.s32 $0xFFFFFF80  }
0x538: {  	_ =	swait.ge [sflag:s22], $0x80  }
0x539: {  	[sflag:s22] =	ssyncset.done $0x0  }
0x53a: {  	[sflag:s22] =	ssyncadd.s32 $0xFFFFFF80  }
0x53b: {  	_ =	swait.ge [sflag:s22], $0x80  }
0x53c: {  	[sflag:s22] =	ssyncset.done $0x0  }
0x53d: {  	[sflag:s22] =	ssyncadd.s32 $0xFFFFFF80  }
0x53e: {  	_ =	swait.ge [sflag:s22], $0x80  }
0x53f: {  	[sflag:s22] =	ssyncset.done $0x0  }
0x540: {  	[sflag:s22] =	ssyncadd.s32 $0xFFFFFF80  }
0x541: {  	_ =	swait.ge [sflag:s22], $0x80  }
0x542: {  	[sflag:s22] =	ssyncset.done $0x0  }
0x543: {  	[sflag:s22] =	ssyncadd.s32 $0xFFFFFF80  }
0x544: {  	_ =	swait.ge [sflag:s22], $0x80  }
0x545: {  	[sflag:s22] =	ssyncset.done $0x0  }
0x546: {  	[sflag:s22] =	ssyncadd.s32 $0xFFFFFF80  }
0x547: {  	_ =	swait.ge [sflag:s22], $0x80  }
0x548: {  	[sflag:s22] =	ssyncset.done $0x0  }
0x549: {  	[sflag:s22] =	ssyncadd.s32 $0xFFFFFF80  }
0x54a: {  	_ =	swait.ge [sflag:s22], $0x80  }
0x54b: {  	[sflag:s22] =	ssyncset.done $0x0  }
0x54c: {  	[sflag:s22] =	ssyncadd.s32 $0xFFFFFF80  }
0x54d: {  	_ =	swait.ge [sflag:s22], $0x80  }
0x54e: {  	[sflag:s22] =	ssyncset.done $0x0  }
0x54f: {  	[sflag:s22] =	ssyncadd.s32 $0xFFFFFF80  }
0x550: {  	_ =	swait.ge [sflag:s22], $0x80  }
0x551: {  	[sflag:s22] =	ssyncset.done $0x0  }
0x552: {  	[sflag:s22] =	ssyncadd.s32 $0xFFFFFF80  }
0x553: {  	_ =	swait.ge [sflag:s22], $0x80  }
0x554: {  	[sflag:s22] =	ssyncset.done $0x0  }
0x555: {  	[sflag:s22] =	ssyncadd.s32 $0xFFFFFF80  }
0x556: {  	_ =	swait.ge [sflag:s22], $0x80  }
0x557: {  	[sflag:s22] =	ssyncset.done $0x0  }
0x558: {  	[sflag:s22] =	ssyncadd.s32 $0xFFFFFF80  }
0x559: {  	_ =	swait.ge [sflag:s22], $0x80  }
0x55a: {  	[sflag:s22] =	ssyncset.done $0x0  }
0x55b: {  	[sflag:s22] =	ssyncadd.s32 $0xFFFFFF80  }
0x55c: {  	_ =	swait.ge [sflag:s22], $0x80  }
0x55d: {  	[sflag:s22] =	ssyncset.done $0x0  }
0x55e: {  	[sflag:s22] =	ssyncadd.s32 $0xFFFFFF80  }
0x55f: {  	_ =	swait.ge [sflag:s22], $0x80  }
0x560: {  	[sflag:s22] =	ssyncset.done $0x0  }
0x561: {  	[sflag:s22] =	ssyncadd.s32 $0xFFFFFF80  }
0x562: {  	_ =	swait.ge [sflag:s22], $0x80  }
0x563: {  	[sflag:s22] =	ssyncset.done $0x0  }
0x564: {  	[sflag:s22] =	ssyncadd.s32 $0xFFFFFF80  }
0x565: {  	_ =	swait.ge [sflag:s22], $0x80  }
0x566: {  	[sflag:s22] =	ssyncset.done $0x0  }
0x567: {  	[sflag:s22] =	ssyncadd.s32 $0xFFFFFF80  }
0x568: {  	_ =	swait.ge [sflag:s22], $0x80  }
0x569: {  	[sflag:s22] =	ssyncset.done $0x0  }
0x56a: {  	[sflag:s22] =	ssyncadd.s32 $0xFFFFFF80  }
0x56b: {  	_ =	swait.ge [sflag:s22], $0x80  }
0x56c: {  	[sflag:s22] =	ssyncset.done $0x0  }
0x56d: {  	[sflag:s22] =	ssyncadd.s32 $0xFFFFFF80  }
0x56e: {  	_ =	swait.ge [sflag:s22], $0x80  }
0x56f: {  	[sflag:s22] =	ssyncset.done $0x0  }
0x570: {  	[sflag:s22] =	ssyncadd.s32 $0xFFFFFF80  }
0x571: {  	_ =	swait.ge [sflag:s22], $0x80  }
0x572: {  	[sflag:s22] =	ssyncset.done $0x0  }
0x573: {  	[sflag:s22] =	ssyncadd.s32 $0xFFFFFF80  }
0x574: {  	_ =	swait.ge [sflag:s22], $0x80  }
0x575: {  	[sflag:s22] =	ssyncset.done $0x0  }
0x576: {  	[sflag:s22] =	ssyncadd.s32 $0xFFFFFF80  }
0x577: {  	_ =	swait.ge [sflag:s22], $0x80  }
0x578: {  	[sflag:s22] =	ssyncset.done $0x0  }
0x579: {  	[sflag:s22] =	ssyncadd.s32 $0xFFFFFF80  }
0x57a: {  	_ =	swait.ge [sflag:s22], $0x80  }
0x57b: {  	[sflag:s22] =	ssyncset.done $0x0  }
0x57c: {  	[sflag:s22] =	ssyncadd.s32 $0xFFFFFF80  }
0x57d: {  	_ =	swait.ge [sflag:s22], $0x80  }
0x57e: {  	[sflag:s22] =	ssyncset.done $0x0  }
0x57f: {  	[sflag:s22] =	ssyncadd.s32 $0xFFFFFF80  }
0x580: {  	_ =	swait.ge [sflag:s22], $0x80  }
0x581: {  	[sflag:s22] =	ssyncset.done $0x0  }
0x582: {  	[sflag:s22] =	ssyncadd.s32 $0xFFFFFF80  }
0x583: {  	_ =	swait.ge [sflag:s22], $0x80  }
0x584: {  	[sflag:s22] =	ssyncset.done $0x0  }
0x585: {  	[sflag:s22] =	ssyncadd.s32 $0xFFFFFF80  }
0x586: {  	_ =	swait.ge [sflag:s22], $0x80  }
0x587: {  	[sflag:s22] =	ssyncset.done $0x0  }
0x588: {  	[sflag:s22] =	ssyncadd.s32 $0xFFFFFF80  }
0x589: {  	_ =	swait.ge [sflag:s22], $0x80  }
0x58a: {  	[sflag:s22] =	ssyncset.done $0x0  }
0x58b: {  	[sflag:s22] =	ssyncadd.s32 $0xFFFFFF80  }
0x58c: {  	_ =	swait.ge [sflag:s22], $0x80  }
0x58d: {  	[sflag:s22] =	ssyncset.done $0x0  }
0x58e: {  	[sflag:s22] =	ssyncadd.s32 $0xFFFFFF80  }
0x58f: {  	_ =	swait.ge [sflag:s22], $0x80  }
0x590: {  	[sflag:s22] =	ssyncset.done $0x0  }
0x591: {  	[sflag:s22] =	ssyncadd.s32 $0xFFFFFF80  }
0x592: {  	_ =	swait.ge [sflag:s22], $0x80  }
0x593: {  	[sflag:s22] =	ssyncset.done $0x0  }
0x594: {  	[sflag:s22] =	ssyncadd.s32 $0xFFFFFF80  }
0x595: {  	_ =	swait.ge [sflag:s22], $0x80  }
0x596: {  	[sflag:s22] =	ssyncset.done $0x0  }
0x597: {  	[sflag:s22] =	ssyncadd.s32 $0xFFFFFF80  }
0x598: {  	_ =	swait.ge [sflag:s22], $0x80  }
0x599: {  	[sflag:s22] =	ssyncset.done $0x0  }
0x59a: {  	[sflag:s22] =	ssyncadd.s32 $0xFFFFFF80  }
0x59b: {  	_ =	swait.ge [sflag:s22], $0x80  }
0x59c: {  	[sflag:s22] =	ssyncset.done $0x0  }
0x59d: {  	[sflag:s22] =	ssyncadd.s32 $0xFFFFFF80  }
0x59e: {  	_ =	swait.ge [sflag:s22], $0x80  }
0x59f: {  	[sflag:s22] =	ssyncset.done $0x0  }
0x5a0: {  	[sflag:s22] =	ssyncadd.s32 $0xFFFFFF80  }
0x5a1: {  	_ =	swait.ge [sflag:s22], $0x80  }
0x5a2: {  	[sflag:s22] =	ssyncset.done $0x0  }
0x5a3: {  	[sflag:s22] =	ssyncadd.s32 $0xFFFFFF80  }
0x5a4: {  	_ =	swait.ge [sflag:s22], $0x80  }
0x5a5: {  	[sflag:s22] =	ssyncset.done $0x0  }
0x5a6: {  	[sflag:s22] =	ssyncadd.s32 $0xFFFFFF80  }
0x5a7: {  	_ =	swait.ge [sflag:s22], $0x80  }
0x5a8: {  	[sflag:s22] =	ssyncset.done $0x0  }
0x5a9: {  	[sflag:s22] =	ssyncadd.s32 $0xFFFFFF80  }
0x5aa: {  	_ =	swait.ge [sflag:s22], $0x80  }
0x5ab: {  	[sflag:s22] =	ssyncset.done $0x0  }
0x5ac: {  	[sflag:s22] =	ssyncadd.s32 $0xFFFFFF80  }
0x5ad: {  	_ =	swait.ge [sflag:s22], $0x80  }
0x5ae: {  	[sflag:s22] =	ssyncset.done $0x0  }
0x5af: {  	[sflag:s22] =	ssyncadd.s32 $0xFFFFFF80  }
0x5b0: {  	_ =	swait.ge [sflag:s22], $0x80  }
0x5b1: {  	[sflag:s22] =	ssyncset.done $0x0  }
0x5b2: {  	[sflag:s22] =	ssyncadd.s32 $0xFFFFFF80  }
0x5b3: {  	_ =	swait.ge [sflag:s22], $0x80  }
0x5b4: {  	[sflag:s22] =	ssyncset.done $0x0  }
0x5b5: {  	[sflag:s22] =	ssyncadd.s32 $0xFFFFFF80  }
0x5b6: {  	_ =	swait.ge [sflag:s22], $0x80  }
0x5b7: {  	[sflag:s22] =	ssyncset.done $0x0  }
0x5b8: {  	[sflag:s22] =	ssyncadd.s32 $0xFFFFFF80  }
0x5b9: {  	_ =	swait.ge [sflag:s22], $0x80  }
0x5ba: {  	[sflag:s22] =	ssyncset.done $0x0  }
0x5bb: {  	[sflag:s22] =	ssyncadd.s32 $0xFFFFFF80  }
0x5bc: {  	_ =	swait.ge [sflag:s22], $0x80  }
0x5bd: {  	[sflag:s22] =	ssyncset.done $0x0  }
0x5be: {  	[sflag:s22] =	ssyncadd.s32 $0xFFFFFF80  }
0x5bf: {  	_ =	swait.ge [sflag:s22], $0x80  }
0x5c0: {  	[sflag:s22] =	ssyncset.done $0x0  }
0x5c1: {  	[sflag:s22] =	ssyncadd.s32 $0xFFFFFF80  }
0x5c2: {  	[bflag:$0x0] =	sbarrier.arrive $0xFFFF  }
0x5c3: {  	s28 =	rddreg [dreg:$0xf]  }
0x5c4: {  	[hbm:s28@s8], [sflag:s24] =	dma.strided [spmem:s12@s23], $0xC00, s7, $0x10   }
0x5c5: {  	_ =	swait.ge [sflag:s0], $0xC00  }
0x5c6: {  	[sflag:s0] =	ssyncset.done $0x0  }
0x5c7: {  	s14 =	rddreg [dreg:$0x10];
	[sflag:s0] =	ssyncadd.s32 $0xFFFFF400  }
0x5c8: {  	[hbm:s14@s8], [sflag:s24] =	dma.strided [spmem:s26@s23], $0xC00, s7, $0x10   }
0x5c9: {  	_ =	swait.ge [sflag:s0], $0xC00  }
0x5ca: {  	s3 =	sadd.s32 $0x1, s3;
	s28 =	rddreg [dreg:$0x11]  }
0x5cb: {  	p0 =	seq.s32 s3, s28  }
.Ltmp3:
0x5cc: {  	_ = 	snop;
	(pc) =	sbr.rel @!p0 .LBB2_1-.Ltmp3, $3  }
0x5cd: {  	_ =	sdelay $0x1  }
0x5ce: {  	s30 =	smov.u32 s18;
	[sflag:s0] =	ssyncset.done $0x0  }
0x5cf: {  	s29 =	smov.u32 s17;
	s14 =	smov.u32 s11;
	[sflag:s0] =	ssyncadd.s32 $0xFFFFF400  }
0x5d0: {  	_ =	sfence.sel $0x180000  }
0x5d1: {  	[bflag:$0x0] =	sbarrier.arrive $0xFFFF  }
0x5d2: {  	_ =	strace $0x9000004A  }
0x5d3: {  	s0 =	stileid.u32;
	[bflag:$0x2] =	sbarrier.arrive $0xFFFF  }
0x5d4: {  	p0 =	sne.s32 s0, $0x0;
	s0 =	rddreg [dreg:$0x4]  }
0x5d5: {  	s0 =	sadd.s32 @!p0 $0x100000, s0  }
0x5d6: {  	[sflag:s0] =	ssyncadd.tile.s32 @!p0 $0x1;
	_ =	shalt  }
.Lfunc_end2:
_tile_overlayer_lowered:
.L_overlay_start_2:
0x5d7: {  	(tag) =	ssettag $0x2  }
0x5d8: {  	s0 =	rddreg [dreg:$0x0];
	s2 =	stileid.u32  }
0x5d9: {  	s1 =	rddreg [dreg:$0x1];
	p0 =	sne.s32 s2, $0x0  }
0x5da: {  	s3 =	rddreg [dreg:$0x2];
	[bflag:$0x3] =	sbarrier.arrive $0xFFFF;
	s2 =	simm.s32 @!p0 $0x1C03  }
0x5db: {  	[timem:s3], [sflag:s2] =	dma.local @!p0 [hbm:s0], s1  }
0x5dc: {  	s0 =	simm.s32 @!p0 $0x3  }
0x5dd: {  	_ =	swait.ge @!p0 [sflag:s0], s1  }
0x5de: {  	s1 =	ssub.s32 @!p0 $0x0, s1;
	[sflag:s0] =	ssyncset.done @!p0 $0x0  }
0x5df: {  	[sflag:s0] =	ssyncadd.s32 @!p0 s1  }
0x5e0: {  	[bflag:$0x3] =	sbarrier.arrive $0xFFFF  }
0x5e1: {  	_ =	shalt  }

</sc_bundles>
